<compile_context>
chip_gen: v7x
topology: tpu7x:2x2x1
jax: 0.10.2.dev20260603
libtpu: 0.0.44.dev20260713+nightly
codegen_flags: <defaults>
</compile_context>

<pallas_src>
import functools

import jax
import jax.numpy as jnp
from jax import lax
from jax.experimental import pallas as pl
from jax.experimental.pallas import tpu as pltpu
from jax.experimental.pallas import tpu_sc as plsc

B = 16384
D = 64
MARGIN = 1.0
C_REG = 0.25
EPS = 0.0001

NC = 2
NS = 16
L = 16
NW = NC * NS
ROWS_PER_TILE = B // NW
CHUNK = 128
NCHUNK = ROWS_PER_TILE // CHUNK
GROUPS = CHUNK // L


def _lanesum(x):
    return plsc.cumsum(x)[15]


def _sqrt16(x):
    x = jnp.maximum(x, 0.0)
    i = lax.bitcast_convert_type(x, jnp.int32)
    i = jnp.int32(0x5F3759DF) - lax.shift_right_arithmetic(i, 1)
    y = lax.bitcast_convert_type(i, jnp.float32)
    for _ in range(3):
        y = y * (1.5 - 0.5 * x * y * y)
    return jnp.where(x > 0.0, x * y, 0.0)


def _body(ih_hbm, it_hbm, ich_hbm, ict_hbm, il_hbm,
          obj_hbm, rel_hbm, prj_hbm,
          loss_hbm, e_hbm, ce_hbm,
          idx_h, idx_t, idx_ch, idx_ct, idx_l,
          bh, bt, bch, bct, bw, bl,
          out_loss, out_e, out_ce,
          sem_idx, sem_a, sem_b):
    wid = lax.axis_index("s") * NC + lax.axis_index("c")
    base = wid * ROWS_PER_TILE

    idx_handles = []
    for c in range(NCHUNK):
        off = base + c * CHUNK
        for hbm_ref, vref in ((ih_hbm, idx_h), (it_hbm, idx_t),
                              (ich_hbm, idx_ch), (ict_hbm, idx_ct),
                              (il_hbm, idx_l)):
            idx_handles.append(
                pltpu.async_copy(hbm_ref.at[pl.ds(off, CHUNK)], vref.at[c],
                                 sem_idx))
    for h in idx_handles:
        h.wait()

    sems = (sem_a, sem_b)

    def issue(c):
        p = c % 2
        sem = sems[p]
        return [
            pltpu.async_copy(obj_hbm.at[idx_h.at[c]], bh.at[p], sem),
            pltpu.async_copy(obj_hbm.at[idx_t.at[c]], bt.at[p], sem),
            pltpu.async_copy(obj_hbm.at[idx_ch.at[c]], bch.at[p], sem),
            pltpu.async_copy(obj_hbm.at[idx_ct.at[c]], bct.at[p], sem),
            pltpu.async_copy(prj_hbm.at[idx_l.at[c]], bw.at[p], sem),
            pltpu.async_copy(rel_hbm.at[idx_l.at[c]], bl.at[p], sem),
        ]

    def compute_chunk(c):
        p = c % 2
        rbh, rbt, rbch, rbct, rbw, rbl = (
            bh.at[p], bt.at[p], bch.at[p], bct.at[p], bw.at[p], bl.at[p])
        lane = lax.iota(jnp.int32, 16)

        def group(g, _):
            zero = jnp.zeros((L,), jnp.float32)

            def row(rr, acc):
                aP, aS, aU, aW, aH, aT, aL2, aCP, aCU = acc
                r = g * L + rr
                pP = pS = pU = pW = pH = pT = pL2 = pCP = pCU = zero
                for k in range(D // L):
                    sl = pl.ds(k * L, L)
                    h = rbh[r, sl]
                    t = rbt[r, sl]
                    ch = rbch[r, sl]
                    ct = rbct[r, sl]
                    w = rbw[r, sl]
                    li = rbl[r, sl]
                    d = h - t
                    u = d + li
                    cd = ch - ct
                    cu = cd + li
                    pP = pP + d * w
                    pS = pS + w * li
                    pU = pU + u * u
                    pW = pW + w * w
                    pH = pH + h * h
                    pT = pT + t * t
                    pL2 = pL2 + li * li
                    pCP = pCP + cd * w
                    pCU = pCU + cu * cu
                m = lane == rr
                aP = jnp.where(m, _lanesum(pP), aP)
                aS = jnp.where(m, _lanesum(pS), aS)
                aU = jnp.where(m, _lanesum(pU), aU)
                aW = jnp.where(m, _lanesum(pW), aW)
                aH = jnp.where(m, _lanesum(pH), aH)
                aT = jnp.where(m, _lanesum(pT), aT)
                aL2 = jnp.where(m, _lanesum(pL2), aL2)
                aCP = jnp.where(m, _lanesum(pCP), aCP)
                aCU = jnp.where(m, _lanesum(pCU), aCU)
                return (aP, aS, aU, aW, aH, aT, aL2, aCP, aCU)

            P, S, U, W, H, T, L2, CP, CU = lax.fori_loop(
                0, L, row, (zero,) * 9)

            E2 = U + P * (P * W - 2.0 * (P + S))
            CE2 = CU + CP * (CP * W - 2.0 * (CP + S))
            E = _sqrt16(E2)
            CE = _sqrt16(CE2)
            loss = (jnp.maximum(E - CE + MARGIN, 0.0)
                    + C_REG * jnp.maximum(H - 1.0, 0.0)
                    + C_REG * jnp.maximum(T - 1.0, 0.0)
                    + C_REG * jnp.maximum(S * S / L2 - EPS, 0.0))
            off = c * CHUNK + g * L
            out_loss[pl.ds(off, L)] = loss
            out_e[pl.ds(off, L)] = E
            out_ce[pl.ds(off, L)] = CE
            return 0

        lax.fori_loop(0, GROUPS, group, 0)

    handles = issue(0)
    for c in range(NCHUNK):
        nxt = issue(c + 1) if c + 1 < NCHUNK else None
        for h in handles:
            h.wait()
        compute_chunk(c)
        handles = nxt

    pltpu.sync_copy(out_loss, loss_hbm.at[pl.ds(base, ROWS_PER_TILE)])
    pltpu.sync_copy(out_e, e_hbm.at[pl.ds(base, ROWS_PER_TILE)])
    pltpu.sync_copy(out_ce, ce_hbm.at[pl.ds(base, ROWS_PER_TILE)])


_sc_call = functools.partial(
    pl.kernel,
    out_type=(
        jax.ShapeDtypeStruct((B,), jnp.float32),
        jax.ShapeDtypeStruct((B,), jnp.float32),
        jax.ShapeDtypeStruct((B,), jnp.float32),
    ),
    mesh=plsc.VectorSubcoreMesh(core_axis_name="c", subcore_axis_name="s"),
    compiler_params=pltpu.CompilerParams(
        needs_layout_passes=False, use_tc_tiling_on_sc=False),
    scratch_types=[
        pltpu.VMEM((NCHUNK, CHUNK), jnp.int32),
        pltpu.VMEM((NCHUNK, CHUNK), jnp.int32),
        pltpu.VMEM((NCHUNK, CHUNK), jnp.int32),
        pltpu.VMEM((NCHUNK, CHUNK), jnp.int32),
        pltpu.VMEM((NCHUNK, CHUNK), jnp.int32),
        pltpu.VMEM((2, CHUNK, D), jnp.float32),
        pltpu.VMEM((2, CHUNK, D), jnp.float32),
        pltpu.VMEM((2, CHUNK, D), jnp.float32),
        pltpu.VMEM((2, CHUNK, D), jnp.float32),
        pltpu.VMEM((2, CHUNK, D), jnp.float32),
        pltpu.VMEM((2, CHUNK, D), jnp.float32),
        pltpu.VMEM((ROWS_PER_TILE,), jnp.float32),
        pltpu.VMEM((ROWS_PER_TILE,), jnp.float32),
        pltpu.VMEM((ROWS_PER_TILE,), jnp.float32),
        pltpu.SemaphoreType.DMA,
        pltpu.SemaphoreType.DMA,
        pltpu.SemaphoreType.DMA,
    ],
)(_body)


@jax.jit
def kernel(correct, corrupted, obj_emb, rel_emb, rel_proj):
    h_idx = correct[:, 0].astype(jnp.int32)
    l_idx = correct[:, 1].astype(jnp.int32)
    t_idx = correct[:, 2].astype(jnp.int32)
    ch_idx = corrupted[:, 0].astype(jnp.int32)
    ct_idx = corrupted[:, 2].astype(jnp.int32)
    return _sc_call(h_idx, t_idx, ch_idx, ct_idx, l_idx,
                    obj_emb, rel_emb, rel_proj)

# --- scband reference (transcript-rebuilt; emitter-appended) ---
"""Pipeline reference for scband-model-48971217109083 (READ-ONLY COPY).

The authoritative reference and input builder live on the scoring server;
editing this copy changes nothing except your own understanding.
"""

import jax, jax.numpy as jnp
import numpy as np
import math

N_OBJECTS = 1000000
N_RELATIONSHIPS = 1000
EMB_DIM = 64
BATCH = 16384
MARGIN = 1.0
C = 0.25
EPS = 0.0001
NORM = 2


def _l2_normalize(x, axis):
    n = jnp.linalg.norm(x, ord=NORM, axis=axis, keepdims=True)
    return x / n


def setup_inputs(seed: int = 0) -> dict:
    key = jax.random.key(seed)
    k1, k2, k3, k4, k5, k6, k7 = jax.random.split(key, 7)
    bound = 6.0 / math.sqrt(EMB_DIM)
    obj_emb = jax.random.uniform(k1, (N_OBJECTS, EMB_DIM), dtype=jnp.float32, minval=-bound, maxval=bound)
    rel_emb = jax.random.uniform(k2, (N_RELATIONSHIPS, EMB_DIM), dtype=jnp.float32, minval=-bound, maxval=bound)
    rel_emb = _l2_normalize(rel_emb, axis=1)
    rel_proj = jax.random.uniform(k3, (N_RELATIONSHIPS, EMB_DIM), dtype=jnp.float32, minval=-bound, maxval=bound)
    h = jax.random.randint(k4, (BATCH, 1), 0, N_OBJECTS, dtype=jnp.int64 if jax.config.jax_enable_x64 else jnp.int32)
    t = jax.random.randint(k5, (BATCH, 1), 0, N_OBJECTS, dtype=h.dtype)
    l = jax.random.randint(k6, (BATCH, 1), 0, N_RELATIONSHIPS, dtype=h.dtype)
    correct = jnp.concatenate([h, l, t], axis=1)
    ch = jax.random.randint(k7, (BATCH, 1), 0, N_OBJECTS, dtype=h.dtype)
    ct = jax.random.randint(jax.random.fold_in(key, 99), (BATCH, 1), 0, N_OBJECTS, dtype=h.dtype)
    corrupted = jnp.concatenate([ch, l, ct], axis=1)
    return {"correct": correct, "corrupted": corrupted, "obj_emb": obj_emb, "rel_emb": rel_emb, "rel_proj": rel_proj}


def _energy(h, l, t, w):
    proj = jnp.sum((h - t) * w, axis=-1, keepdims=True)
    return jnp.linalg.norm(h + l - t - w * proj, ord=NORM, axis=-1)


def reference(correct, corrupted, obj_emb, rel_emb, rel_proj):
    h_idx, l_idx, t_idx = correct[:, 0], correct[:, 1], correct[:, 2]
    ch_idx, ct_idx = corrupted[:, 0], corrupted[:, 2]
    h = jnp.take(obj_emb, h_idx, axis=0)
    t = jnp.take(obj_emb, t_idx, axis=0)
    ch = jnp.take(obj_emb, ch_idx, axis=0)
    ct = jnp.take(obj_emb, ct_idx, axis=0)
    w = jnp.take(rel_proj, l_idx, axis=0)
    l = jnp.take(rel_emb, l_idx, axis=0)
    E = _energy(h, l, t, w)
    cE = _energy(ch, l, ct, w)
    # MarginRankingLoss with target=-1, reduction='none': max(0, -y*(x1-x2)+margin) = max(0, E - cE + margin)
    loss = jnp.maximum(0.0, E - cE + MARGIN)
    reg_h = C * jax.nn.relu(jnp.linalg.norm(h, ord=NORM, axis=1) ** 2 - 1.0)
    reg_t = C * jax.nn.relu(jnp.linalg.norm(t, ord=NORM, axis=1) ** 2 - 1.0)
    reg_wl = C * jax.nn.relu(jnp.sum(w * l, axis=1) ** 2 / jnp.linalg.norm(l, ord=NORM, axis=1) ** 2 - EPS)
    loss = loss + reg_h + reg_t + reg_wl
    return (loss, E, cE)

if __name__ == "__main__":
    import jax
    _d = setup_inputs()
    print(jax.jit(kernel)(*tuple(_d.values())))

</pallas_src>

<mosaic_0001>
#map = affine_map<(d0, d1) -> (0)>
#map1 = affine_map<(d0, d1) -> (0, 0)>
module attributes {stable_mosaic.version = 14 : i64} {
  func.func @_body(%arg0: i32, %arg1: i32, %arg2: memref<16384xi32, #tpu.memory_space<hbm>>, %arg3: memref<16384xi32, #tpu.memory_space<hbm>>, %arg4: memref<16384xi32, #tpu.memory_space<hbm>>, %arg5: memref<16384xi32, #tpu.memory_space<hbm>>, %arg6: memref<16384xi32, #tpu.memory_space<hbm>>, %arg7: memref<1000000x64xf32, #tpu.memory_space<hbm>>, %arg8: memref<1000x64xf32, #tpu.memory_space<hbm>>, %arg9: memref<1000x64xf32, #tpu.memory_space<hbm>>, %arg10: memref<16384xf32, #tpu.memory_space<hbm>>, %arg11: memref<16384xf32, #tpu.memory_space<hbm>>, %arg12: memref<16384xf32, #tpu.memory_space<hbm>>, %arg13: memref<4x128xi32, #tpu.memory_space<vmem>>, %arg14: memref<4x128xi32, #tpu.memory_space<vmem>>, %arg15: memref<4x128xi32, #tpu.memory_space<vmem>>, %arg16: memref<4x128xi32, #tpu.memory_space<vmem>>, %arg17: memref<4x128xi32, #tpu.memory_space<vmem>>, %arg18: memref<2x128x64xf32, #tpu.memory_space<vmem>>, %arg19: memref<2x128x64xf32, #tpu.memory_space<vmem>>, %arg20: memref<2x128x64xf32, #tpu.memory_space<vmem>>, %arg21: memref<2x128x64xf32, #tpu.memory_space<vmem>>, %arg22: memref<2x128x64xf32, #tpu.memory_space<vmem>>, %arg23: memref<2x128x64xf32, #tpu.memory_space<vmem>>, %arg24: memref<512xf32, #tpu.memory_space<vmem>>, %arg25: memref<512xf32, #tpu.memory_space<vmem>>, %arg26: memref<512xf32, #tpu.memory_space<vmem>>, %arg27: memref<!tpu.dma_semaphore, #tpu.memory_space<semaphore_mem>>, %arg28: memref<!tpu.dma_semaphore, #tpu.memory_space<semaphore_mem>>, %arg29: memref<!tpu.dma_semaphore, #tpu.memory_space<semaphore_mem>>) attributes {dimension_semantics = [#tpu.dimension_semantics<core_parallel>, #tpu.dimension_semantics<subcore_parallel>], iteration_bounds = array<i64: 2, 16>, scalar_prefetch = 0 : i64, scratch_operands = 17 : i64, tpu.core_type = #tpu.core_type<sc_vector_subcore>, window_params = [{transform_indices = #map}, {transform_indices = #map}, {transform_indices = #map}, {transform_indices = #map}, {transform_indices = #map}, {transform_indices = #map1}, {transform_indices = #map1}, {transform_indices = #map1}, {transform_indices = #map}, {transform_indices = #map}, {transform_indices = #map}]} {
    %mul3A = arith.constant 2 : i32
    %mul3A_0 = arith.muli %arg1, %mul3A : i32
    %add3A = arith.addi %mul3A_0, %arg0 : i32
    %mul3A_1 = arith.constant 512 : i32
    %mul3A_2 = arith.muli %add3A, %mul3A_1 : i32
    %add3A_3 = arith.constant 0 : i32
    %add3A_4 = arith.addi %mul3A_2, %add3A_3 : i32
    %dma_start3A = arith.constant 0 : i32
    %dma_start3A_5 = arith.constant 0 : i32
    %dma_start3A_6 = tpu.memref_slice %arg13[%dma_start3A, %dma_start3A_5] : memref<4x128xi32, #tpu.memory_space<vmem>> -> memref<1x128xi32, #tpu.memory_space<vmem>>
    %dma_start3A_7 = tpu.memref_squeeze %dma_start3A_6 : memref<1x128xi32, #tpu.memory_space<vmem>> -> memref<128xi32, #tpu.memory_space<vmem>>
    %dma_start3A_8 = tpu.memref_slice %arg2[%add3A_4] : memref<16384xi32, #tpu.memory_space<hbm>> -> memref<128xi32, #tpu.memory_space<hbm>>
    %dma_start3A_9 = arith.constant 0 : i32
    %dma_start3A_10 = tpu.memref_slice %arg13[%dma_start3A, %dma_start3A_9] : memref<4x128xi32, #tpu.memory_space<vmem>> -> memref<1x128xi32, #tpu.memory_space<vmem>>
    %dma_start3A_11 = tpu.memref_squeeze %dma_start3A_10 : memref<1x128xi32, #tpu.memory_space<vmem>> -> memref<128xi32, #tpu.memory_space<vmem>>
    %dma_start3A_12 = tpu.memref_slice %arg2[%add3A_4] : memref<16384xi32, #tpu.memory_space<hbm>> -> memref<128xi32, #tpu.memory_space<hbm>>
    tpu.enqueue_dma source(%dma_start3A_12 : memref<128xi32, #tpu.memory_space<hbm>>) target(%dma_start3A_11 : memref<128xi32, #tpu.memory_space<vmem>>) target_semaphore(%arg27 : memref<!tpu.dma_semaphore, #tpu.memory_space<semaphore_mem>>)
    %dma_start3A_13 = arith.constant 0 : i32
    %dma_start3A_14 = arith.constant 0 : i32
    %dma_start3A_15 = tpu.memref_slice %arg14[%dma_start3A_13, %dma_start3A_14] : memref<4x128xi32, #tpu.memory_space<vmem>> -> memref<1x128xi32, #tpu.memory_space<vmem>>
    %dma_start3A_16 = tpu.memref_squeeze %dma_start3A_15 : memref<1x128xi32, #tpu.memory_space<vmem>> -> memref<128xi32, #tpu.memory_space<vmem>>
    %dma_start3A_17 = tpu.memref_slice %arg3[%add3A_4] : memref<16384xi32, #tpu.memory_space<hbm>> -> memref<128xi32, #tpu.memory_space<hbm>>
    %dma_start3A_18 = arith.constant 0 : i32
    %dma_start3A_19 = tpu.memref_slice %arg14[%dma_start3A_13, %dma_start3A_18] : memref<4x128xi32, #tpu.memory_space<vmem>> -> memref<1x128xi32, #tpu.memory_space<vmem>>
    %dma_start3A_20 = tpu.memref_squeeze %dma_start3A_19 : memref<1x128xi32, #tpu.memory_space<vmem>> -> memref<128xi32, #tpu.memory_space<vmem>>
    %dma_start3A_21 = tpu.memref_slice %arg3[%add3A_4] : memref<16384xi32, #tpu.memory_space<hbm>> -> memref<128xi32, #tpu.memory_space<hbm>>
    tpu.enqueue_dma source(%dma_start3A_21 : memref<128xi32, #tpu.memory_space<hbm>>) target(%dma_start3A_20 : memref<128xi32, #tpu.memory_space<vmem>>) target_semaphore(%arg27 : memref<!tpu.dma_semaphore, #tpu.memory_space<semaphore_mem>>)
    %dma_start3A_22 = arith.constant 0 : i32
    %dma_start3A_23 = arith.constant 0 : i32
    %dma_start3A_24 = tpu.memref_slice %arg15[%dma_start3A_22, %dma_start3A_23] : memref<4x128xi32, #tpu.memory_space<vmem>> -> memref<1x128xi32, #tpu.memory_space<vmem>>
    %dma_start3A_25 = tpu.memref_squeeze %dma_start3A_24 : memref<1x128xi32, #tpu.memory_space<vmem>> -> memref<128xi32, #tpu.memory_space<vmem>>
    %dma_start3A_26 = tpu.memref_slice %arg4[%add3A_4] : memref<16384xi32, #tpu.memory_space<hbm>> -> memref<128xi32, #tpu.memory_space<hbm>>
    %dma_start3A_27 = arith.constant 0 : i32
    %dma_start3A_28 = tpu.memref_slice %arg15[%dma_start3A_22, %dma_start3A_27] : memref<4x128xi32, #tpu.memory_space<vmem>> -> memref<1x128xi32, #tpu.memory_space<vmem>>
    %dma_start3A_29 = tpu.memref_squeeze %dma_start3A_28 : memref<1x128xi32, #tpu.memory_space<vmem>> -> memref<128xi32, #tpu.memory_space<vmem>>
    %dma_start3A_30 = tpu.memref_slice %arg4[%add3A_4] : memref<16384xi32, #tpu.memory_space<hbm>> -> memref<128xi32, #tpu.memory_space<hbm>>
    tpu.enqueue_dma source(%dma_start3A_30 : memref<128xi32, #tpu.memory_space<hbm>>) target(%dma_start3A_29 : memref<128xi32, #tpu.memory_space<vmem>>) target_semaphore(%arg27 : memref<!tpu.dma_semaphore, #tpu.memory_space<semaphore_mem>>)
    %dma_start3A_31 = arith.constant 0 : i32
    %dma_start3A_32 = arith.constant 0 : i32
    %dma_start3A_33 = tpu.memref_slice %arg16[%dma_start3A_31, %dma_start3A_32] : memref<4x128xi32, #tpu.memory_space<vmem>> -> memref<1x128xi32, #tpu.memory_space<vmem>>
    %dma_start3A_34 = tpu.memref_squeeze %dma_start3A_33 : memref<1x128xi32, #tpu.memory_space<vmem>> -> memref<128xi32, #tpu.memory_space<vmem>>
    %dma_start3A_35 = tpu.memref_slice %arg5[%add3A_4] : memref<16384xi32, #tpu.memory_space<hbm>> -> memref<128xi32, #tpu.memory_space<hbm>>
    %dma_start3A_36 = arith.constant 0 : i32
    %dma_start3A_37 = tpu.memref_slice %arg16[%dma_start3A_31, %dma_start3A_36] : memref<4x128xi32, #tpu.memory_space<vmem>> -> memref<1x128xi32, #tpu.memory_space<vmem>>
    %dma_start3A_38 = tpu.memref_squeeze %dma_start3A_37 : memref<1x128xi32, #tpu.memory_space<vmem>> -> memref<128xi32, #tpu.memory_space<vmem>>
    %dma_start3A_39 = tpu.memref_slice %arg5[%add3A_4] : memref<16384xi32, #tpu.memory_space<hbm>> -> memref<128xi32, #tpu.memory_space<hbm>>
    tpu.enqueue_dma source(%dma_start3A_39 : memref<128xi32, #tpu.memory_space<hbm>>) target(%dma_start3A_38 : memref<128xi32, #tpu.memory_space<vmem>>) target_semaphore(%arg27 : memref<!tpu.dma_semaphore, #tpu.memory_space<semaphore_mem>>)
    %dma_start3A_40 = arith.constant 0 : i32
    %dma_start3A_41 = arith.constant 0 : i32
    %dma_start3A_42 = tpu.memref_slice %arg17[%dma_start3A_40, %dma_start3A_41] : memref<4x128xi32, #tpu.memory_space<vmem>> -> memref<1x128xi32, #tpu.memory_space<vmem>>
    %dma_start3A_43 = tpu.memref_squeeze %dma_start3A_42 : memref<1x128xi32, #tpu.memory_space<vmem>> -> memref<128xi32, #tpu.memory_space<vmem>>
    %dma_start3A_44 = tpu.memref_slice %arg6[%add3A_4] : memref<16384xi32, #tpu.memory_space<hbm>> -> memref<128xi32, #tpu.memory_space<hbm>>
    %dma_start3A_45 = arith.constant 0 : i32
    %dma_start3A_46 = tpu.memref_slice %arg17[%dma_start3A_40, %dma_start3A_45] : memref<4x128xi32, #tpu.memory_space<vmem>> -> memref<1x128xi32, #tpu.memory_space<vmem>>
    %dma_start3A_47 = tpu.memref_squeeze %dma_start3A_46 : memref<1x128xi32, #tpu.memory_space<vmem>> -> memref<128xi32, #tpu.memory_space<vmem>>
    %dma_start3A_48 = tpu.memref_slice %arg6[%add3A_4] : memref<16384xi32, #tpu.memory_space<hbm>> -> memref<128xi32, #tpu.memory_space<hbm>>
    tpu.enqueue_dma source(%dma_start3A_48 : memref<128xi32, #tpu.memory_space<hbm>>) target(%dma_start3A_47 : memref<128xi32, #tpu.memory_space<vmem>>) target_semaphore(%arg27 : memref<!tpu.dma_semaphore, #tpu.memory_space<semaphore_mem>>)
    %add3A_49 = arith.constant 128 : i32
    %add3A_50 = arith.addi %mul3A_2, %add3A_49 : i32
    %dma_start3A_51 = arith.constant 1 : i32
    %dma_start3A_52 = arith.constant 0 : i32
    %dma_start3A_53 = tpu.memref_slice %arg13[%dma_start3A_51, %dma_start3A_52] : memref<4x128xi32, #tpu.memory_space<vmem>> -> memref<1x128xi32, #tpu.memory_space<vmem>>
    %dma_start3A_54 = tpu.memref_squeeze %dma_start3A_53 : memref<1x128xi32, #tpu.memory_space<vmem>> -> memref<128xi32, #tpu.memory_space<vmem>>
    %dma_start3A_55 = tpu.memref_slice %arg2[%add3A_50] : memref<16384xi32, #tpu.memory_space<hbm>> -> memref<128xi32, #tpu.memory_space<hbm>>
    %dma_start3A_56 = arith.constant 0 : i32
    %dma_start3A_57 = tpu.memref_slice %arg13[%dma_start3A_51, %dma_start3A_56] : memref<4x128xi32, #tpu.memory_space<vmem>> -> memref<1x128xi32, #tpu.memory_space<vmem>>
    %dma_start3A_58 = tpu.memref_squeeze %dma_start3A_57 : memref<1x128xi32, #tpu.memory_space<vmem>> -> memref<128xi32, #tpu.memory_space<vmem>>
    %dma_start3A_59 = tpu.memref_slice %arg2[%add3A_50] : memref<16384xi32, #tpu.memory_space<hbm>> -> memref<128xi32, #tpu.memory_space<hbm>>
    tpu.enqueue_dma source(%dma_start3A_59 : memref<128xi32, #tpu.memory_space<hbm>>) target(%dma_start3A_58 : memref<128xi32, #tpu.memory_space<vmem>>) target_semaphore(%arg27 : memref<!tpu.dma_semaphore, #tpu.memory_space<semaphore_mem>>)
    %dma_start3A_60 = arith.constant 1 : i32
    %dma_start3A_61 = arith.constant 0 : i32
    %dma_start3A_62 = tpu.memref_slice %arg14[%dma_start3A_60, %dma_start3A_61] : memref<4x128xi32, #tpu.memory_space<vmem>> -> memref<1x128xi32, #tpu.memory_space<vmem>>
    %dma_start3A_63 = tpu.memref_squeeze %dma_start3A_62 : memref<1x128xi32, #tpu.memory_space<vmem>> -> memref<128xi32, #tpu.memory_space<vmem>>
    %dma_start3A_64 = tpu.memref_slice %arg3[%add3A_50] : memref<16384xi32, #tpu.memory_space<hbm>> -> memref<128xi32, #tpu.memory_space<hbm>>
    %dma_start3A_65 = arith.constant 0 : i32
    %dma_start3A_66 = tpu.memref_slice %arg14[%dma_start3A_60, %dma_start3A_65] : memref<4x128xi32, #tpu.memory_space<vmem>> -> memref<1x128xi32, #tpu.memory_space<vmem>>
    %dma_start3A_67 = tpu.memref_squeeze %dma_start3A_66 : memref<1x128xi32, #tpu.memory_space<vmem>> -> memref<128xi32, #tpu.memory_space<vmem>>
    %dma_start3A_68 = tpu.memref_slice %arg3[%add3A_50] : memref<16384xi32, #tpu.memory_space<hbm>> -> memref<128xi32, #tpu.memory_space<hbm>>
    tpu.enqueue_dma source(%dma_start3A_68 : memref<128xi32, #tpu.memory_space<hbm>>) target(%dma_start3A_67 : memref<128xi32, #tpu.memory_space<vmem>>) target_semaphore(%arg27 : memref<!tpu.dma_semaphore, #tpu.memory_space<semaphore_mem>>)
    %dma_start3A_69 = arith.constant 1 : i32
    %dma_start3A_70 = arith.constant 0 : i32
    %dma_start3A_71 = tpu.memref_slice %arg15[%dma_start3A_69, %dma_start3A_70] : memref<4x128xi32, #tpu.memory_space<vmem>> -> memref<1x128xi32, #tpu.memory_space<vmem>>
    %dma_start3A_72 = tpu.memref_squeeze %dma_start3A_71 : memref<1x128xi32, #tpu.memory_space<vmem>> -> memref<128xi32, #tpu.memory_space<vmem>>
    %dma_start3A_73 = tpu.memref_slice %arg4[%add3A_50] : memref<16384xi32, #tpu.memory_space<hbm>> -> memref<128xi32, #tpu.memory_space<hbm>>
    %dma_start3A_74 = arith.constant 0 : i32
    %dma_start3A_75 = tpu.memref_slice %arg15[%dma_start3A_69, %dma_start3A_74] : memref<4x128xi32, #tpu.memory_space<vmem>> -> memref<1x128xi32, #tpu.memory_space<vmem>>
    %dma_start3A_76 = tpu.memref_squeeze %dma_start3A_75 : memref<1x128xi32, #tpu.memory_space<vmem>> -> memref<128xi32, #tpu.memory_space<vmem>>
    %dma_start3A_77 = tpu.memref_slice %arg4[%add3A_50] : memref<16384xi32, #tpu.memory_space<hbm>> -> memref<128xi32, #tpu.memory_space<hbm>>
    tpu.enqueue_dma source(%dma_start3A_77 : memref<128xi32, #tpu.memory_space<hbm>>) target(%dma_start3A_76 : memref<128xi32, #tpu.memory_space<vmem>>) target_semaphore(%arg27 : memref<!tpu.dma_semaphore, #tpu.memory_space<semaphore_mem>>)
    %dma_start3A_78 = arith.constant 1 : i32
    %dma_start3A_79 = arith.constant 0 : i32
    %dma_start3A_80 = tpu.memref_slice %arg16[%dma_start3A_78, %dma_start3A_79] : memref<4x128xi32, #tpu.memory_space<vmem>> -> memref<1x128xi32, #tpu.memory_space<vmem>>
    %dma_start3A_81 = tpu.memref_squeeze %dma_start3A_80 : memref<1x128xi32, #tpu.memory_space<vmem>> -> memref<128xi32, #tpu.memory_space<vmem>>
    %dma_start3A_82 = tpu.memref_slice %arg5[%add3A_50] : memref<16384xi32, #tpu.memory_space<hbm>> -> memref<128xi32, #tpu.memory_space<hbm>>
    %dma_start3A_83 = arith.constant 0 : i32
    %dma_start3A_84 = tpu.memref_slice %arg16[%dma_start3A_78, %dma_start3A_83] : memref<4x128xi32, #tpu.memory_space<vmem>> -> memref<1x128xi32, #tpu.memory_space<vmem>>
    %dma_start3A_85 = tpu.memref_squeeze %dma_start3A_84 : memref<1x128xi32, #tpu.memory_space<vmem>> -> memref<128xi32, #tpu.memory_space<vmem>>
    %dma_start3A_86 = tpu.memref_slice %arg5[%add3A_50] : memref<16384xi32, #tpu.memory_space<hbm>> -> memref<128xi32, #tpu.memory_space<hbm>>
    tpu.enqueue_dma source(%dma_start3A_86 : memref<128xi32, #tpu.memory_space<hbm>>) target(%dma_start3A_85 : memref<128xi32, #tpu.memory_space<vmem>>) target_semaphore(%arg27 : memref<!tpu.dma_semaphore, #tpu.memory_space<semaphore_mem>>)
    %dma_start3A_87 = arith.constant 1 : i32
    %dma_start3A_88 = arith.constant 0 : i32
    %dma_start3A_89 = tpu.memref_slice %arg17[%dma_start3A_87, %dma_start3A_88] : memref<4x128xi32, #tpu.memory_space<vmem>> -> memref<1x128xi32, #tpu.memory_space<vmem>>
    %dma_start3A_90 = tpu.memref_squeeze %dma_start3A_89 : memref<1x128xi32, #tpu.memory_space<vmem>> -> memref<128xi32, #tpu.memory_space<vmem>>
    %dma_start3A_91 = tpu.memref_slice %arg6[%add3A_50] : memref<16384xi32, #tpu.memory_space<hbm>> -> memref<128xi32, #tpu.memory_space<hbm>>
    %dma_start3A_92 = arith.constant 0 : i32
    %dma_start3A_93 = tpu.memref_slice %arg17[%dma_start3A_87, %dma_start3A_92] : memref<4x128xi32, #tpu.memory_space<vmem>> -> memref<1x128xi32, #tpu.memory_space<vmem>>
    %dma_start3A_94 = tpu.memref_squeeze %dma_start3A_93 : memref<1x128xi32, #tpu.memory_space<vmem>> -> memref<128xi32, #tpu.memory_space<vmem>>
    %dma_start3A_95 = tpu.memref_slice %arg6[%add3A_50] : memref<16384xi32, #tpu.memory_space<hbm>> -> memref<128xi32, #tpu.memory_space<hbm>>
    tpu.enqueue_dma source(%dma_start3A_95 : memref<128xi32, #tpu.memory_space<hbm>>) target(%dma_start3A_94 : memref<128xi32, #tpu.memory_space<vmem>>) target_semaphore(%arg27 : memref<!tpu.dma_semaphore, #tpu.memory_space<semaphore_mem>>)
    %add3A_96 = arith.constant 256 : i32
    %add3A_97 = arith.addi %mul3A_2, %add3A_96 : i32
    %dma_start3A_98 = arith.constant 2 : i32
    %dma_start3A_99 = arith.constant 0 : i32
    %dma_start3A_100 = tpu.memref_slice %arg13[%dma_start3A_98, %dma_start3A_99] : memref<4x128xi32, #tpu.memory_space<vmem>> -> memref<1x128xi32, #tpu.memory_space<vmem>>
    %dma_start3A_101 = tpu.memref_squeeze %dma_start3A_100 : memref<1x128xi32, #tpu.memory_space<vmem>> -> memref<128xi32, #tpu.memory_space<vmem>>
    %dma_start3A_102 = tpu.memref_slice %arg2[%add3A_97] : memref<16384xi32, #tpu.memory_space<hbm>> -> memref<128xi32, #tpu.memory_space<hbm>>
    %dma_start3A_103 = arith.constant 0 : i32
    %dma_start3A_104 = tpu.memref_slice %arg13[%dma_start3A_98, %dma_start3A_103] : memref<4x128xi32, #tpu.memory_space<vmem>> -> memref<1x128xi32, #tpu.memory_space<vmem>>
    %dma_start3A_105 = tpu.memref_squeeze %dma_start3A_104 : memref<1x128xi32, #tpu.memory_space<vmem>> -> memref<128xi32, #tpu.memory_space<vmem>>
    %dma_start3A_106 = tpu.memref_slice %arg2[%add3A_97] : memref<16384xi32, #tpu.memory_space<hbm>> -> memref<128xi32, #tpu.memory_space<hbm>>
    tpu.enqueue_dma source(%dma_start3A_106 : memref<128xi32, #tpu.memory_space<hbm>>) target(%dma_start3A_105 : memref<128xi32, #tpu.memory_space<vmem>>) target_semaphore(%arg27 : memref<!tpu.dma_semaphore, #tpu.memory_space<semaphore_mem>>)
    %dma_start3A_107 = arith.constant 2 : i32
    %dma_start3A_108 = arith.constant 0 : i32
    %dma_start3A_109 = tpu.memref_slice %arg14[%dma_start3A_107, %dma_start3A_108] : memref<4x128xi32, #tpu.memory_space<vmem>> -> memref<1x128xi32, #tpu.memory_space<vmem>>
    %dma_start3A_110 = tpu.memref_squeeze %dma_start3A_109 : memref<1x128xi32, #tpu.memory_space<vmem>> -> memref<128xi32, #tpu.memory_space<vmem>>
    %dma_start3A_111 = tpu.memref_slice %arg3[%add3A_97] : memref<16384xi32, #tpu.memory_space<hbm>> -> memref<128xi32, #tpu.memory_space<hbm>>
    %dma_start3A_112 = arith.constant 0 : i32
    %dma_start3A_113 = tpu.memref_slice %arg14[%dma_start3A_107, %dma_start3A_112] : memref<4x128xi32, #tpu.memory_space<vmem>> -> memref<1x128xi32, #tpu.memory_space<vmem>>
    %dma_start3A_114 = tpu.memref_squeeze %dma_start3A_113 : memref<1x128xi32, #tpu.memory_space<vmem>> -> memref<128xi32, #tpu.memory_space<vmem>>
    %dma_start3A_115 = tpu.memref_slice %arg3[%add3A_97] : memref<16384xi32, #tpu.memory_space<hbm>> -> memref<128xi32, #tpu.memory_space<hbm>>
    tpu.enqueue_dma source(%dma_start3A_115 : memref<128xi32, #tpu.memory_space<hbm>>) target(%dma_start3A_114 : memref<128xi32, #tpu.memory_space<vmem>>) target_semaphore(%arg27 : memref<!tpu.dma_semaphore, #tpu.memory_space<semaphore_mem>>)
    %dma_start3A_116 = arith.constant 2 : i32
    %dma_start3A_117 = arith.constant 0 : i32
    %dma_start3A_118 = tpu.memref_slice %arg15[%dma_start3A_116, %dma_start3A_117] : memref<4x128xi32, #tpu.memory_space<vmem>> -> memref<1x128xi32, #tpu.memory_space<vmem>>
    %dma_start3A_119 = tpu.memref_squeeze %dma_start3A_118 : memref<1x128xi32, #tpu.memory_space<vmem>> -> memref<128xi32, #tpu.memory_space<vmem>>
    %dma_start3A_120 = tpu.memref_slice %arg4[%add3A_97] : memref<16384xi32, #tpu.memory_space<hbm>> -> memref<128xi32, #tpu.memory_space<hbm>>
    %dma_start3A_121 = arith.constant 0 : i32
    %dma_start3A_122 = tpu.memref_slice %arg15[%dma_start3A_116, %dma_start3A_121] : memref<4x128xi32, #tpu.memory_space<vmem>> -> memref<1x128xi32, #tpu.memory_space<vmem>>
    %dma_start3A_123 = tpu.memref_squeeze %dma_start3A_122 : memref<1x128xi32, #tpu.memory_space<vmem>> -> memref<128xi32, #tpu.memory_space<vmem>>
    %dma_start3A_124 = tpu.memref_slice %arg4[%add3A_97] : memref<16384xi32, #tpu.memory_space<hbm>> -> memref<128xi32, #tpu.memory_space<hbm>>
    tpu.enqueue_dma source(%dma_start3A_124 : memref<128xi32, #tpu.memory_space<hbm>>) target(%dma_start3A_123 : memref<128xi32, #tpu.memory_space<vmem>>) target_semaphore(%arg27 : memref<!tpu.dma_semaphore, #tpu.memory_space<semaphore_mem>>)
    %dma_start3A_125 = arith.constant 2 : i32
    %dma_start3A_126 = arith.constant 0 : i32
    %dma_start3A_127 = tpu.memref_slice %arg16[%dma_start3A_125, %dma_start3A_126] : memref<4x128xi32, #tpu.memory_space<vmem>> -> memref<1x128xi32, #tpu.memory_space<vmem>>
    %dma_start3A_128 = tpu.memref_squeeze %dma_start3A_127 : memref<1x128xi32, #tpu.memory_space<vmem>> -> memref<128xi32, #tpu.memory_space<vmem>>
    %dma_start3A_129 = tpu.memref_slice %arg5[%add3A_97] : memref<16384xi32, #tpu.memory_space<hbm>> -> memref<128xi32, #tpu.memory_space<hbm>>
    %dma_start3A_130 = arith.constant 0 : i32
    %dma_start3A_131 = tpu.memref_slice %arg16[%dma_start3A_125, %dma_start3A_130] : memref<4x128xi32, #tpu.memory_space<vmem>> -> memref<1x128xi32, #tpu.memory_space<vmem>>
    %dma_start3A_132 = tpu.memref_squeeze %dma_start3A_131 : memref<1x128xi32, #tpu.memory_space<vmem>> -> memref<128xi32, #tpu.memory_space<vmem>>
    %dma_start3A_133 = tpu.memref_slice %arg5[%add3A_97] : memref<16384xi32, #tpu.memory_space<hbm>> -> memref<128xi32, #tpu.memory_space<hbm>>
    tpu.enqueue_dma source(%dma_start3A_133 : memref<128xi32, #tpu.memory_space<hbm>>) target(%dma_start3A_132 : memref<128xi32, #tpu.memory_space<vmem>>) target_semaphore(%arg27 : memref<!tpu.dma_semaphore, #tpu.memory_space<semaphore_mem>>)
    %dma_start3A_134 = arith.constant 2 : i32
    %dma_start3A_135 = arith.constant 0 : i32
    %dma_start3A_136 = tpu.memref_slice %arg17[%dma_start3A_134, %dma_start3A_135] : memref<4x128xi32, #tpu.memory_space<vmem>> -> memref<1x128xi32, #tpu.memory_space<vmem>>
    %dma_start3A_137 = tpu.memref_squeeze %dma_start3A_136 : memref<1x128xi32, #tpu.memory_space<vmem>> -> memref<128xi32, #tpu.memory_space<vmem>>
    %dma_start3A_138 = tpu.memref_slice %arg6[%add3A_97] : memref<16384xi32, #tpu.memory_space<hbm>> -> memref<128xi32, #tpu.memory_space<hbm>>
    %dma_start3A_139 = arith.constant 0 : i32
    %dma_start3A_140 = tpu.memref_slice %arg17[%dma_start3A_134, %dma_start3A_139] : memref<4x128xi32, #tpu.memory_space<vmem>> -> memref<1x128xi32, #tpu.memory_space<vmem>>
    %dma_start3A_141 = tpu.memref_squeeze %dma_start3A_140 : memref<1x128xi32, #tpu.memory_space<vmem>> -> memref<128xi32, #tpu.memory_space<vmem>>
    %dma_start3A_142 = tpu.memref_slice %arg6[%add3A_97] : memref<16384xi32, #tpu.memory_space<hbm>> -> memref<128xi32, #tpu.memory_space<hbm>>
    tpu.enqueue_dma source(%dma_start3A_142 : memref<128xi32, #tpu.memory_space<hbm>>) target(%dma_start3A_141 : memref<128xi32, #tpu.memory_space<vmem>>) target_semaphore(%arg27 : memref<!tpu.dma_semaphore, #tpu.memory_space<semaphore_mem>>)
    %add3A_143 = arith.constant 384 : i32
    %add3A_144 = arith.addi %mul3A_2, %add3A_143 : i32
    %dma_start3A_145 = arith.constant 3 : i32
    %dma_start3A_146 = arith.constant 0 : i32
    %dma_start3A_147 = tpu.memref_slice %arg13[%dma_start3A_145, %dma_start3A_146] : memref<4x128xi32, #tpu.memory_space<vmem>> -> memref<1x128xi32, #tpu.memory_space<vmem>>
    %dma_start3A_148 = tpu.memref_squeeze %dma_start3A_147 : memref<1x128xi32, #tpu.memory_space<vmem>> -> memref<128xi32, #tpu.memory_space<vmem>>
    %dma_start3A_149 = tpu.memref_slice %arg2[%add3A_144] : memref<16384xi32, #tpu.memory_space<hbm>> -> memref<128xi32, #tpu.memory_space<hbm>>
    %dma_start3A_150 = arith.constant 0 : i32
    %dma_start3A_151 = tpu.memref_slice %arg13[%dma_start3A_145, %dma_start3A_150] : memref<4x128xi32, #tpu.memory_space<vmem>> -> memref<1x128xi32, #tpu.memory_space<vmem>>
    %dma_start3A_152 = tpu.memref_squeeze %dma_start3A_151 : memref<1x128xi32, #tpu.memory_space<vmem>> -> memref<128xi32, #tpu.memory_space<vmem>>
    %dma_start3A_153 = tpu.memref_slice %arg2[%add3A_144] : memref<16384xi32, #tpu.memory_space<hbm>> -> memref<128xi32, #tpu.memory_space<hbm>>
    tpu.enqueue_dma source(%dma_start3A_153 : memref<128xi32, #tpu.memory_space<hbm>>) target(%dma_start3A_152 : memref<128xi32, #tpu.memory_space<vmem>>) target_semaphore(%arg27 : memref<!tpu.dma_semaphore, #tpu.memory_space<semaphore_mem>>)
    %dma_start3A_154 = arith.constant 3 : i32
    %dma_start3A_155 = arith.constant 0 : i32
    %dma_start3A_156 = tpu.memref_slice %arg14[%dma_start3A_154, %dma_start3A_155] : memref<4x128xi32, #tpu.memory_space<vmem>> -> memref<1x128xi32, #tpu.memory_space<vmem>>
    %dma_start3A_157 = tpu.memref_squeeze %dma_start3A_156 : memref<1x128xi32, #tpu.memory_space<vmem>> -> memref<128xi32, #tpu.memory_space<vmem>>
    %dma_start3A_158 = tpu.memref_slice %arg3[%add3A_144] : memref<16384xi32, #tpu.memory_space<hbm>> -> memref<128xi32, #tpu.memory_space<hbm>>
    %dma_start3A_159 = arith.constant 0 : i32
    %dma_start3A_160 = tpu.memref_slice %arg14[%dma_start3A_154, %dma_start3A_159] : memref<4x128xi32, #tpu.memory_space<vmem>> -> memref<1x128xi32, #tpu.memory_space<vmem>>
    %dma_start3A_161 = tpu.memref_squeeze %dma_start3A_160 : memref<1x128xi32, #tpu.memory_space<vmem>> -> memref<128xi32, #tpu.memory_space<vmem>>
    %dma_start3A_162 = tpu.memref_slice %arg3[%add3A_144] : memref<16384xi32, #tpu.memory_space<hbm>> -> memref<128xi32, #tpu.memory_space<hbm>>
    tpu.enqueue_dma source(%dma_start3A_162 : memref<128xi32, #tpu.memory_space<hbm>>) target(%dma_start3A_161 : memref<128xi32, #tpu.memory_space<vmem>>) target_semaphore(%arg27 : memref<!tpu.dma_semaphore, #tpu.memory_space<semaphore_mem>>)
    %dma_start3A_163 = arith.constant 3 : i32
    %dma_start3A_164 = arith.constant 0 : i32
    %dma_start3A_165 = tpu.memref_slice %arg15[%dma_start3A_163, %dma_start3A_164] : memref<4x128xi32, #tpu.memory_space<vmem>> -> memref<1x128xi32, #tpu.memory_space<vmem>>
    %dma_start3A_166 = tpu.memref_squeeze %dma_start3A_165 : memref<1x128xi32, #tpu.memory_space<vmem>> -> memref<128xi32, #tpu.memory_space<vmem>>
    %dma_start3A_167 = tpu.memref_slice %arg4[%add3A_144] : memref<16384xi32, #tpu.memory_space<hbm>> -> memref<128xi32, #tpu.memory_space<hbm>>
    %dma_start3A_168 = arith.constant 0 : i32
    %dma_start3A_169 = tpu.memref_slice %arg15[%dma_start3A_163, %dma_start3A_168] : memref<4x128xi32, #tpu.memory_space<vmem>> -> memref<1x128xi32, #tpu.memory_space<vmem>>
    %dma_start3A_170 = tpu.memref_squeeze %dma_start3A_169 : memref<1x128xi32, #tpu.memory_space<vmem>> -> memref<128xi32, #tpu.memory_space<vmem>>
    %dma_start3A_171 = tpu.memref_slice %arg4[%add3A_144] : memref<16384xi32, #tpu.memory_space<hbm>> -> memref<128xi32, #tpu.memory_space<hbm>>
    tpu.enqueue_dma source(%dma_start3A_171 : memref<128xi32, #tpu.memory_space<hbm>>) target(%dma_start3A_170 : memref<128xi32, #tpu.memory_space<vmem>>) target_semaphore(%arg27 : memref<!tpu.dma_semaphore, #tpu.memory_space<semaphore_mem>>)
    %dma_start3A_172 = arith.constant 3 : i32
    %dma_start3A_173 = arith.constant 0 : i32
    %dma_start3A_174 = tpu.memref_slice %arg16[%dma_start3A_172, %dma_start3A_173] : memref<4x128xi32, #tpu.memory_space<vmem>> -> memref<1x128xi32, #tpu.memory_space<vmem>>
    %dma_start3A_175 = tpu.memref_squeeze %dma_start3A_174 : memref<1x128xi32, #tpu.memory_space<vmem>> -> memref<128xi32, #tpu.memory_space<vmem>>
    %dma_start3A_176 = tpu.memref_slice %arg5[%add3A_144] : memref<16384xi32, #tpu.memory_space<hbm>> -> memref<128xi32, #tpu.memory_space<hbm>>
    %dma_start3A_177 = arith.constant 0 : i32
    %dma_start3A_178 = tpu.memref_slice %arg16[%dma_start3A_172, %dma_start3A_177] : memref<4x128xi32, #tpu.memory_space<vmem>> -> memref<1x128xi32, #tpu.memory_space<vmem>>
    %dma_start3A_179 = tpu.memref_squeeze %dma_start3A_178 : memref<1x128xi32, #tpu.memory_space<vmem>> -> memref<128xi32, #tpu.memory_space<vmem>>
    %dma_start3A_180 = tpu.memref_slice %arg5[%add3A_144] : memref<16384xi32, #tpu.memory_space<hbm>> -> memref<128xi32, #tpu.memory_space<hbm>>
    tpu.enqueue_dma source(%dma_start3A_180 : memref<128xi32, #tpu.memory_space<hbm>>) target(%dma_start3A_179 : memref<128xi32, #tpu.memory_space<vmem>>) target_semaphore(%arg27 : memref<!tpu.dma_semaphore, #tpu.memory_space<semaphore_mem>>)
    %dma_start3A_181 = arith.constant 3 : i32
    %dma_start3A_182 = arith.constant 0 : i32
    %dma_start3A_183 = tpu.memref_slice %arg17[%dma_start3A_181, %dma_start3A_182] : memref<4x128xi32, #tpu.memory_space<vmem>> -> memref<1x128xi32, #tpu.memory_space<vmem>>
    %dma_start3A_184 = tpu.memref_squeeze %dma_start3A_183 : memref<1x128xi32, #tpu.memory_space<vmem>> -> memref<128xi32, #tpu.memory_space<vmem>>
    %dma_start3A_185 = tpu.memref_slice %arg6[%add3A_144] : memref<16384xi32, #tpu.memory_space<hbm>> -> memref<128xi32, #tpu.memory_space<hbm>>
    %dma_start3A_186 = arith.constant 0 : i32
    %dma_start3A_187 = tpu.memref_slice %arg17[%dma_start3A_181, %dma_start3A_186] : memref<4x128xi32, #tpu.memory_space<vmem>> -> memref<1x128xi32, #tpu.memory_space<vmem>>
    %dma_start3A_188 = tpu.memref_squeeze %dma_start3A_187 : memref<1x128xi32, #tpu.memory_space<vmem>> -> memref<128xi32, #tpu.memory_space<vmem>>
    %dma_start3A_189 = tpu.memref_slice %arg6[%add3A_144] : memref<16384xi32, #tpu.memory_space<hbm>> -> memref<128xi32, #tpu.memory_space<hbm>>
    tpu.enqueue_dma source(%dma_start3A_189 : memref<128xi32, #tpu.memory_space<hbm>>) target(%dma_start3A_188 : memref<128xi32, #tpu.memory_space<vmem>>) target_semaphore(%arg27 : memref<!tpu.dma_semaphore, #tpu.memory_space<semaphore_mem>>)
    %dma_wait3A = arith.constant 0 : i32
    %dma_wait3A_190 = arith.constant 0 : i32
    %dma_wait3A_191 = tpu.memref_slice %arg13[%dma_wait3A, %dma_wait3A_190] : memref<4x128xi32, #tpu.memory_space<vmem>> -> memref<1x128xi32, #tpu.memory_space<vmem>>
    %dma_wait3A_192 = tpu.memref_squeeze %dma_wait3A_191 : memref<1x128xi32, #tpu.memory_space<vmem>> -> memref<128xi32, #tpu.memory_space<vmem>>
    %dma_wait3A_193 = tpu.memref_slice %arg2[%add3A_4] : memref<16384xi32, #tpu.memory_space<hbm>> -> memref<128xi32, #tpu.memory_space<hbm>>
    %dma_wait3A_194 = arith.constant 0 : i32
    %dma_wait3A_195 = tpu.memref_slice %arg13[%dma_wait3A, %dma_wait3A_194] : memref<4x128xi32, #tpu.memory_space<vmem>> -> memref<1x128xi32, #tpu.memory_space<vmem>>
    %dma_wait3A_196 = tpu.memref_squeeze %dma_wait3A_195 : memref<1x128xi32, #tpu.memory_space<vmem>> -> memref<128xi32, #tpu.memory_space<vmem>>
    %dma_wait3A_197 = tpu.memref_slice %arg2[%add3A_4] : memref<16384xi32, #tpu.memory_space<hbm>> -> memref<128xi32, #tpu.memory_space<hbm>>
    tpu.wait_dma2 semaphore(%arg27 : memref<!tpu.dma_semaphore, #tpu.memory_space<semaphore_mem>>) src(%dma_wait3A_197 : memref<128xi32, #tpu.memory_space<hbm>>) dst(%dma_wait3A_196 : memref<128xi32, #tpu.memory_space<vmem>>)
    %dma_wait3A_198 = arith.constant 0 : i32
    %dma_wait3A_199 = arith.constant 0 : i32
    %dma_wait3A_200 = tpu.memref_slice %arg14[%dma_wait3A_198, %dma_wait3A_199] : memref<4x128xi32, #tpu.memory_space<vmem>> -> memref<1x128xi32, #tpu.memory_space<vmem>>
    %dma_wait3A_201 = tpu.memref_squeeze %dma_wait3A_200 : memref<1x128xi32, #tpu.memory_space<vmem>> -> memref<128xi32, #tpu.memory_space<vmem>>
    %dma_wait3A_202 = tpu.memref_slice %arg3[%add3A_4] : memref<16384xi32, #tpu.memory_space<hbm>> -> memref<128xi32, #tpu.memory_space<hbm>>
    %dma_wait3A_203 = arith.constant 0 : i32
    %dma_wait3A_204 = tpu.memref_slice %arg14[%dma_wait3A_198, %dma_wait3A_203] : memref<4x128xi32, #tpu.memory_space<vmem>> -> memref<1x128xi32, #tpu.memory_space<vmem>>
    %dma_wait3A_205 = tpu.memref_squeeze %dma_wait3A_204 : memref<1x128xi32, #tpu.memory_space<vmem>> -> memref<128xi32, #tpu.memory_space<vmem>>
    %dma_wait3A_206 = tpu.memref_slice %arg3[%add3A_4] : memref<16384xi32, #tpu.memory_space<hbm>> -> memref<128xi32, #tpu.memory_space<hbm>>
    tpu.wait_dma2 semaphore(%arg27 : memref<!tpu.dma_semaphore, #tpu.memory_space<semaphore_mem>>) src(%dma_wait3A_206 : memref<128xi32, #tpu.memory_space<hbm>>) dst(%dma_wait3A_205 : memref<128xi32, #tpu.memory_space<vmem>>)
    %dma_wait3A_207 = arith.constant 0 : i32
    %dma_wait3A_208 = arith.constant 0 : i32
    %dma_wait3A_209 = tpu.memref_slice %arg15[%dma_wait3A_207, %dma_wait3A_208] : memref<4x128xi32, #tpu.memory_space<vmem>> -> memref<1x128xi32, #tpu.memory_space<vmem>>
    %dma_wait3A_210 = tpu.memref_squeeze %dma_wait3A_209 : memref<1x128xi32, #tpu.memory_space<vmem>> -> memref<128xi32, #tpu.memory_space<vmem>>
    %dma_wait3A_211 = tpu.memref_slice %arg4[%add3A_4] : memref<16384xi32, #tpu.memory_space<hbm>> -> memref<128xi32, #tpu.memory_space<hbm>>
    %dma_wait3A_212 = arith.constant 0 : i32
    %dma_wait3A_213 = tpu.memref_slice %arg15[%dma_wait3A_207, %dma_wait3A_212] : memref<4x128xi32, #tpu.memory_space<vmem>> -> memref<1x128xi32, #tpu.memory_space<vmem>>
    %dma_wait3A_214 = tpu.memref_squeeze %dma_wait3A_213 : memref<1x128xi32, #tpu.memory_space<vmem>> -> memref<128xi32, #tpu.memory_space<vmem>>
    %dma_wait3A_215 = tpu.memref_slice %arg4[%add3A_4] : memref<16384xi32, #tpu.memory_space<hbm>> -> memref<128xi32, #tpu.memory_space<hbm>>
    tpu.wait_dma2 semaphore(%arg27 : memref<!tpu.dma_semaphore, #tpu.memory_space<semaphore_mem>>) src(%dma_wait3A_215 : memref<128xi32, #tpu.memory_space<hbm>>) dst(%dma_wait3A_214 : memref<128xi32, #tpu.memory_space<vmem>>)
    %dma_wait3A_216 = arith.constant 0 : i32
    %dma_wait3A_217 = arith.constant 0 : i32
    %dma_wait3A_218 = tpu.memref_slice %arg16[%dma_wait3A_216, %dma_wait3A_217] : memref<4x128xi32, #tpu.memory_space<vmem>> -> memref<1x128xi32, #tpu.memory_space<vmem>>
    %dma_wait3A_219 = tpu.memref_squeeze %dma_wait3A_218 : memref<1x128xi32, #tpu.memory_space<vmem>> -> memref<128xi32, #tpu.memory_space<vmem>>
    %dma_wait3A_220 = tpu.memref_slice %arg5[%add3A_4] : memref<16384xi32, #tpu.memory_space<hbm>> -> memref<128xi32, #tpu.memory_space<hbm>>
    %dma_wait3A_221 = arith.constant 0 : i32
    %dma_wait3A_222 = tpu.memref_slice %arg16[%dma_wait3A_216, %dma_wait3A_221] : memref<4x128xi32, #tpu.memory_space<vmem>> -> memref<1x128xi32, #tpu.memory_space<vmem>>
    %dma_wait3A_223 = tpu.memref_squeeze %dma_wait3A_222 : memref<1x128xi32, #tpu.memory_space<vmem>> -> memref<128xi32, #tpu.memory_space<vmem>>
    %dma_wait3A_224 = tpu.memref_slice %arg5[%add3A_4] : memref<16384xi32, #tpu.memory_space<hbm>> -> memref<128xi32, #tpu.memory_space<hbm>>
    tpu.wait_dma2 semaphore(%arg27 : memref<!tpu.dma_semaphore, #tpu.memory_space<semaphore_mem>>) src(%dma_wait3A_224 : memref<128xi32, #tpu.memory_space<hbm>>) dst(%dma_wait3A_223 : memref<128xi32, #tpu.memory_space<vmem>>)
    %dma_wait3A_225 = arith.constant 0 : i32
    %dma_wait3A_226 = arith.constant 0 : i32
    %dma_wait3A_227 = tpu.memref_slice %arg17[%dma_wait3A_225, %dma_wait3A_226] : memref<4x128xi32, #tpu.memory_space<vmem>> -> memref<1x128xi32, #tpu.memory_space<vmem>>
    %dma_wait3A_228 = tpu.memref_squeeze %dma_wait3A_227 : memref<1x128xi32, #tpu.memory_space<vmem>> -> memref<128xi32, #tpu.memory_space<vmem>>
    %dma_wait3A_229 = tpu.memref_slice %arg6[%add3A_4] : memref<16384xi32, #tpu.memory_space<hbm>> -> memref<128xi32, #tpu.memory_space<hbm>>
    %dma_wait3A_230 = arith.constant 0 : i32
    %dma_wait3A_231 = tpu.memref_slice %arg17[%dma_wait3A_225, %dma_wait3A_230] : memref<4x128xi32, #tpu.memory_space<vmem>> -> memref<1x128xi32, #tpu.memory_space<vmem>>
    %dma_wait3A_232 = tpu.memref_squeeze %dma_wait3A_231 : memref<1x128xi32, #tpu.memory_space<vmem>> -> memref<128xi32, #tpu.memory_space<vmem>>
    %dma_wait3A_233 = tpu.memref_slice %arg6[%add3A_4] : memref<16384xi32, #tpu.memory_space<hbm>> -> memref<128xi32, #tpu.memory_space<hbm>>
    tpu.wait_dma2 semaphore(%arg27 : memref<!tpu.dma_semaphore, #tpu.memory_space<semaphore_mem>>) src(%dma_wait3A_233 : memref<128xi32, #tpu.memory_space<hbm>>) dst(%dma_wait3A_232 : memref<128xi32, #tpu.memory_space<vmem>>)
    %dma_wait3A_234 = arith.constant 1 : i32
    %dma_wait3A_235 = arith.constant 0 : i32
    %dma_wait3A_236 = tpu.memref_slice %arg13[%dma_wait3A_234, %dma_wait3A_235] : memref<4x128xi32, #tpu.memory_space<vmem>> -> memref<1x128xi32, #tpu.memory_space<vmem>>
    %dma_wait3A_237 = tpu.memref_squeeze %dma_wait3A_236 : memref<1x128xi32, #tpu.memory_space<vmem>> -> memref<128xi32, #tpu.memory_space<vmem>>
    %dma_wait3A_238 = tpu.memref_slice %arg2[%add3A_50] : memref<16384xi32, #tpu.memory_space<hbm>> -> memref<128xi32, #tpu.memory_space<hbm>>
    %dma_wait3A_239 = arith.constant 0 : i32
    %dma_wait3A_240 = tpu.memref_slice %arg13[%dma_wait3A_234, %dma_wait3A_239] : memref<4x128xi32, #tpu.memory_space<vmem>> -> memref<1x128xi32, #tpu.memory_space<vmem>>
    %dma_wait3A_241 = tpu.memref_squeeze %dma_wait3A_240 : memref<1x128xi32, #tpu.memory_space<vmem>> -> memref<128xi32, #tpu.memory_space<vmem>>
    %dma_wait3A_242 = tpu.memref_slice %arg2[%add3A_50] : memref<16384xi32, #tpu.memory_space<hbm>> -> memref<128xi32, #tpu.memory_space<hbm>>
    tpu.wait_dma2 semaphore(%arg27 : memref<!tpu.dma_semaphore, #tpu.memory_space<semaphore_mem>>) src(%dma_wait3A_242 : memref<128xi32, #tpu.memory_space<hbm>>) dst(%dma_wait3A_241 : memref<128xi32, #tpu.memory_space<vmem>>)
    %dma_wait3A_243 = arith.constant 1 : i32
    %dma_wait3A_244 = arith.constant 0 : i32
    %dma_wait3A_245 = tpu.memref_slice %arg14[%dma_wait3A_243, %dma_wait3A_244] : memref<4x128xi32, #tpu.memory_space<vmem>> -> memref<1x128xi32, #tpu.memory_space<vmem>>
    %dma_wait3A_246 = tpu.memref_squeeze %dma_wait3A_245 : memref<1x128xi32, #tpu.memory_space<vmem>> -> memref<128xi32, #tpu.memory_space<vmem>>
    %dma_wait3A_247 = tpu.memref_slice %arg3[%add3A_50] : memref<16384xi32, #tpu.memory_space<hbm>> -> memref<128xi32, #tpu.memory_space<hbm>>
    %dma_wait3A_248 = arith.constant 0 : i32
    %dma_wait3A_249 = tpu.memref_slice %arg14[%dma_wait3A_243, %dma_wait3A_248] : memref<4x128xi32, #tpu.memory_space<vmem>> -> memref<1x128xi32, #tpu.memory_space<vmem>>
    %dma_wait3A_250 = tpu.memref_squeeze %dma_wait3A_249 : memref<1x128xi32, #tpu.memory_space<vmem>> -> memref<128xi32, #tpu.memory_space<vmem>>
    %dma_wait3A_251 = tpu.memref_slice %arg3[%add3A_50] : memref<16384xi32, #tpu.memory_space<hbm>> -> memref<128xi32, #tpu.memory_space<hbm>>
    tpu.wait_dma2 semaphore(%arg27 : memref<!tpu.dma_semaphore, #tpu.memory_space<semaphore_mem>>) src(%dma_wait3A_251 : memref<128xi32, #tpu.memory_space<hbm>>) dst(%dma_wait3A_250 : memref<128xi32, #tpu.memory_space<vmem>>)
    %dma_wait3A_252 = arith.constant 1 : i32
    %dma_wait3A_253 = arith.constant 0 : i32
    %dma_wait3A_254 = tpu.memref_slice %arg15[%dma_wait3A_252, %dma_wait3A_253] : memref<4x128xi32, #tpu.memory_space<vmem>> -> memref<1x128xi32, #tpu.memory_space<vmem>>
    %dma_wait3A_255 = tpu.memref_squeeze %dma_wait3A_254 : memref<1x128xi32, #tpu.memory_space<vmem>> -> memref<128xi32, #tpu.memory_space<vmem>>
    %dma_wait3A_256 = tpu.memref_slice %arg4[%add3A_50] : memref<16384xi32, #tpu.memory_space<hbm>> -> memref<128xi32, #tpu.memory_space<hbm>>
    %dma_wait3A_257 = arith.constant 0 : i32
    %dma_wait3A_258 = tpu.memref_slice %arg15[%dma_wait3A_252, %dma_wait3A_257] : memref<4x128xi32, #tpu.memory_space<vmem>> -> memref<1x128xi32, #tpu.memory_space<vmem>>
    %dma_wait3A_259 = tpu.memref_squeeze %dma_wait3A_258 : memref<1x128xi32, #tpu.memory_space<vmem>> -> memref<128xi32, #tpu.memory_space<vmem>>
    %dma_wait3A_260 = tpu.memref_slice %arg4[%add3A_50] : memref<16384xi32, #tpu.memory_space<hbm>> -> memref<128xi32, #tpu.memory_space<hbm>>
    tpu.wait_dma2 semaphore(%arg27 : memref<!tpu.dma_semaphore, #tpu.memory_space<semaphore_mem>>) src(%dma_wait3A_260 : memref<128xi32, #tpu.memory_space<hbm>>) dst(%dma_wait3A_259 : memref<128xi32, #tpu.memory_space<vmem>>)
    %dma_wait3A_261 = arith.constant 1 : i32
    %dma_wait3A_262 = arith.constant 0 : i32
    %dma_wait3A_263 = tpu.memref_slice %arg16[%dma_wait3A_261, %dma_wait3A_262] : memref<4x128xi32, #tpu.memory_space<vmem>> -> memref<1x128xi32, #tpu.memory_space<vmem>>
    %dma_wait3A_264 = tpu.memref_squeeze %dma_wait3A_263 : memref<1x128xi32, #tpu.memory_space<vmem>> -> memref<128xi32, #tpu.memory_space<vmem>>
    %dma_wait3A_265 = tpu.memref_slice %arg5[%add3A_50] : memref<16384xi32, #tpu.memory_space<hbm>> -> memref<128xi32, #tpu.memory_space<hbm>>
    %dma_wait3A_266 = arith.constant 0 : i32
    %dma_wait3A_267 = tpu.memref_slice %arg16[%dma_wait3A_261, %dma_wait3A_266] : memref<4x128xi32, #tpu.memory_space<vmem>> -> memref<1x128xi32, #tpu.memory_space<vmem>>
    %dma_wait3A_268 = tpu.memref_squeeze %dma_wait3A_267 : memref<1x128xi32, #tpu.memory_space<vmem>> -> memref<128xi32, #tpu.memory_space<vmem>>
    %dma_wait3A_269 = tpu.memref_slice %arg5[%add3A_50] : memref<16384xi32, #tpu.memory_space<hbm>> -> memref<128xi32, #tpu.memory_space<hbm>>
    tpu.wait_dma2 semaphore(%arg27 : memref<!tpu.dma_semaphore, #tpu.memory_space<semaphore_mem>>) src(%dma_wait3A_269 : memref<128xi32, #tpu.memory_space<hbm>>) dst(%dma_wait3A_268 : memref<128xi32, #tpu.memory_space<vmem>>)
    %dma_wait3A_270 = arith.constant 1 : i32
    %dma_wait3A_271 = arith.constant 0 : i32
    %dma_wait3A_272 = tpu.memref_slice %arg17[%dma_wait3A_270, %dma_wait3A_271] : memref<4x128xi32, #tpu.memory_space<vmem>> -> memref<1x128xi32, #tpu.memory_space<vmem>>
    %dma_wait3A_273 = tpu.memref_squeeze %dma_wait3A_272 : memref<1x128xi32, #tpu.memory_space<vmem>> -> memref<128xi32, #tpu.memory_space<vmem>>
    %dma_wait3A_274 = tpu.memref_slice %arg6[%add3A_50] : memref<16384xi32, #tpu.memory_space<hbm>> -> memref<128xi32, #tpu.memory_space<hbm>>
    %dma_wait3A_275 = arith.constant 0 : i32
    %dma_wait3A_276 = tpu.memref_slice %arg17[%dma_wait3A_270, %dma_wait3A_275] : memref<4x128xi32, #tpu.memory_space<vmem>> -> memref<1x128xi32, #tpu.memory_space<vmem>>
    %dma_wait3A_277 = tpu.memref_squeeze %dma_wait3A_276 : memref<1x128xi32, #tpu.memory_space<vmem>> -> memref<128xi32, #tpu.memory_space<vmem>>
    %dma_wait3A_278 = tpu.memref_slice %arg6[%add3A_50] : memref<16384xi32, #tpu.memory_space<hbm>> -> memref<128xi32, #tpu.memory_space<hbm>>
    tpu.wait_dma2 semaphore(%arg27 : memref<!tpu.dma_semaphore, #tpu.memory_space<semaphore_mem>>) src(%dma_wait3A_278 : memref<128xi32, #tpu.memory_space<hbm>>) dst(%dma_wait3A_277 : memref<128xi32, #tpu.memory_space<vmem>>)
    %dma_wait3A_279 = arith.constant 2 : i32
    %dma_wait3A_280 = arith.constant 0 : i32
    %dma_wait3A_281 = tpu.memref_slice %arg13[%dma_wait3A_279, %dma_wait3A_280] : memref<4x128xi32, #tpu.memory_space<vmem>> -> memref<1x128xi32, #tpu.memory_space<vmem>>
    %dma_wait3A_282 = tpu.memref_squeeze %dma_wait3A_281 : memref<1x128xi32, #tpu.memory_space<vmem>> -> memref<128xi32, #tpu.memory_space<vmem>>
    %dma_wait3A_283 = tpu.memref_slice %arg2[%add3A_97] : memref<16384xi32, #tpu.memory_space<hbm>> -> memref<128xi32, #tpu.memory_space<hbm>>
    %dma_wait3A_284 = arith.constant 0 : i32
    %dma_wait3A_285 = tpu.memref_slice %arg13[%dma_wait3A_279, %dma_wait3A_284] : memref<4x128xi32, #tpu.memory_space<vmem>> -> memref<1x128xi32, #tpu.memory_space<vmem>>
    %dma_wait3A_286 = tpu.memref_squeeze %dma_wait3A_285 : memref<1x128xi32, #tpu.memory_space<vmem>> -> memref<128xi32, #tpu.memory_space<vmem>>
    %dma_wait3A_287 = tpu.memref_slice %arg2[%add3A_97] : memref<16384xi32, #tpu.memory_space<hbm>> -> memref<128xi32, #tpu.memory_space<hbm>>
    tpu.wait_dma2 semaphore(%arg27 : memref<!tpu.dma_semaphore, #tpu.memory_space<semaphore_mem>>) src(%dma_wait3A_287 : memref<128xi32, #tpu.memory_space<hbm>>) dst(%dma_wait3A_286 : memref<128xi32, #tpu.memory_space<vmem>>)
    %dma_wait3A_288 = arith.constant 2 : i32
    %dma_wait3A_289 = arith.constant 0 : i32
    %dma_wait3A_290 = tpu.memref_slice %arg14[%dma_wait3A_288, %dma_wait3A_289] : memref<4x128xi32, #tpu.memory_space<vmem>> -> memref<1x128xi32, #tpu.memory_space<vmem>>
    %dma_wait3A_291 = tpu.memref_squeeze %dma_wait3A_290 : memref<1x128xi32, #tpu.memory_space<vmem>> -> memref<128xi32, #tpu.memory_space<vmem>>
    %dma_wait3A_292 = tpu.memref_slice %arg3[%add3A_97] : memref<16384xi32, #tpu.memory_space<hbm>> -> memref<128xi32, #tpu.memory_space<hbm>>
    %dma_wait3A_293 = arith.constant 0 : i32
    %dma_wait3A_294 = tpu.memref_slice %arg14[%dma_wait3A_288, %dma_wait3A_293] : memref<4x128xi32, #tpu.memory_space<vmem>> -> memref<1x128xi32, #tpu.memory_space<vmem>>
    %dma_wait3A_295 = tpu.memref_squeeze %dma_wait3A_294 : memref<1x128xi32, #tpu.memory_space<vmem>> -> memref<128xi32, #tpu.memory_space<vmem>>
    %dma_wait3A_296 = tpu.memref_slice %arg3[%add3A_97] : memref<16384xi32, #tpu.memory_space<hbm>> -> memref<128xi32, #tpu.memory_space<hbm>>
    tpu.wait_dma2 semaphore(%arg27 : memref<!tpu.dma_semaphore, #tpu.memory_space<semaphore_mem>>) src(%dma_wait3A_296 : memref<128xi32, #tpu.memory_space<hbm>>) dst(%dma_wait3A_295 : memref<128xi32, #tpu.memory_space<vmem>>)
    %dma_wait3A_297 = arith.constant 2 : i32
    %dma_wait3A_298 = arith.constant 0 : i32
    %dma_wait3A_299 = tpu.memref_slice %arg15[%dma_wait3A_297, %dma_wait3A_298] : memref<4x128xi32, #tpu.memory_space<vmem>> -> memref<1x128xi32, #tpu.memory_space<vmem>>
    %dma_wait3A_300 = tpu.memref_squeeze %dma_wait3A_299 : memref<1x128xi32, #tpu.memory_space<vmem>> -> memref<128xi32, #tpu.memory_space<vmem>>
    %dma_wait3A_301 = tpu.memref_slice %arg4[%add3A_97] : memref<16384xi32, #tpu.memory_space<hbm>> -> memref<128xi32, #tpu.memory_space<hbm>>
    %dma_wait3A_302 = arith.constant 0 : i32
    %dma_wait3A_303 = tpu.memref_slice %arg15[%dma_wait3A_297, %dma_wait3A_302] : memref<4x128xi32, #tpu.memory_space<vmem>> -> memref<1x128xi32, #tpu.memory_space<vmem>>
    %dma_wait3A_304 = tpu.memref_squeeze %dma_wait3A_303 : memref<1x128xi32, #tpu.memory_space<vmem>> -> memref<128xi32, #tpu.memory_space<vmem>>
    %dma_wait3A_305 = tpu.memref_slice %arg4[%add3A_97] : memref<16384xi32, #tpu.memory_space<hbm>> -> memref<128xi32, #tpu.memory_space<hbm>>
    tpu.wait_dma2 semaphore(%arg27 : memref<!tpu.dma_semaphore, #tpu.memory_space<semaphore_mem>>) src(%dma_wait3A_305 : memref<128xi32, #tpu.memory_space<hbm>>) dst(%dma_wait3A_304 : memref<128xi32, #tpu.memory_space<vmem>>)
    %dma_wait3A_306 = arith.constant 2 : i32
    %dma_wait3A_307 = arith.constant 0 : i32
    %dma_wait3A_308 = tpu.memref_slice %arg16[%dma_wait3A_306, %dma_wait3A_307] : memref<4x128xi32, #tpu.memory_space<vmem>> -> memref<1x128xi32, #tpu.memory_space<vmem>>
    %dma_wait3A_309 = tpu.memref_squeeze %dma_wait3A_308 : memref<1x128xi32, #tpu.memory_space<vmem>> -> memref<128xi32, #tpu.memory_space<vmem>>
    %dma_wait3A_310 = tpu.memref_slice %arg5[%add3A_97] : memref<16384xi32, #tpu.memory_space<hbm>> -> memref<128xi32, #tpu.memory_space<hbm>>
    %dma_wait3A_311 = arith.constant 0 : i32
    %dma_wait3A_312 = tpu.memref_slice %arg16[%dma_wait3A_306, %dma_wait3A_311] : memref<4x128xi32, #tpu.memory_space<vmem>> -> memref<1x128xi32, #tpu.memory_space<vmem>>
    %dma_wait3A_313 = tpu.memref_squeeze %dma_wait3A_312 : memref<1x128xi32, #tpu.memory_space<vmem>> -> memref<128xi32, #tpu.memory_space<vmem>>
    %dma_wait3A_314 = tpu.memref_slice %arg5[%add3A_97] : memref<16384xi32, #tpu.memory_space<hbm>> -> memref<128xi32, #tpu.memory_space<hbm>>
    tpu.wait_dma2 semaphore(%arg27 : memref<!tpu.dma_semaphore, #tpu.memory_space<semaphore_mem>>) src(%dma_wait3A_314 : memref<128xi32, #tpu.memory_space<hbm>>) dst(%dma_wait3A_313 : memref<128xi32, #tpu.memory_space<vmem>>)
    %dma_wait3A_315 = arith.constant 2 : i32
    %dma_wait3A_316 = arith.constant 0 : i32
    %dma_wait3A_317 = tpu.memref_slice %arg17[%dma_wait3A_315, %dma_wait3A_316] : memref<4x128xi32, #tpu.memory_space<vmem>> -> memref<1x128xi32, #tpu.memory_space<vmem>>
    %dma_wait3A_318 = tpu.memref_squeeze %dma_wait3A_317 : memref<1x128xi32, #tpu.memory_space<vmem>> -> memref<128xi32, #tpu.memory_space<vmem>>
    %dma_wait3A_319 = tpu.memref_slice %arg6[%add3A_97] : memref<16384xi32, #tpu.memory_space<hbm>> -> memref<128xi32, #tpu.memory_space<hbm>>
    %dma_wait3A_320 = arith.constant 0 : i32
    %dma_wait3A_321 = tpu.memref_slice %arg17[%dma_wait3A_315, %dma_wait3A_320] : memref<4x128xi32, #tpu.memory_space<vmem>> -> memref<1x128xi32, #tpu.memory_space<vmem>>
    %dma_wait3A_322 = tpu.memref_squeeze %dma_wait3A_321 : memref<1x128xi32, #tpu.memory_space<vmem>> -> memref<128xi32, #tpu.memory_space<vmem>>
    %dma_wait3A_323 = tpu.memref_slice %arg6[%add3A_97] : memref<16384xi32, #tpu.memory_space<hbm>> -> memref<128xi32, #tpu.memory_space<hbm>>
    tpu.wait_dma2 semaphore(%arg27 : memref<!tpu.dma_semaphore, #tpu.memory_space<semaphore_mem>>) src(%dma_wait3A_323 : memref<128xi32, #tpu.memory_space<hbm>>) dst(%dma_wait3A_322 : memref<128xi32, #tpu.memory_space<vmem>>)
    %dma_wait3A_324 = arith.constant 3 : i32
    %dma_wait3A_325 = arith.constant 0 : i32
    %dma_wait3A_326 = tpu.memref_slice %arg13[%dma_wait3A_324, %dma_wait3A_325] : memref<4x128xi32, #tpu.memory_space<vmem>> -> memref<1x128xi32, #tpu.memory_space<vmem>>
    %dma_wait3A_327 = tpu.memref_squeeze %dma_wait3A_326 : memref<1x128xi32, #tpu.memory_space<vmem>> -> memref<128xi32, #tpu.memory_space<vmem>>
    %dma_wait3A_328 = tpu.memref_slice %arg2[%add3A_144] : memref<16384xi32, #tpu.memory_space<hbm>> -> memref<128xi32, #tpu.memory_space<hbm>>
    %dma_wait3A_329 = arith.constant 0 : i32
    %dma_wait3A_330 = tpu.memref_slice %arg13[%dma_wait3A_324, %dma_wait3A_329] : memref<4x128xi32, #tpu.memory_space<vmem>> -> memref<1x128xi32, #tpu.memory_space<vmem>>
    %dma_wait3A_331 = tpu.memref_squeeze %dma_wait3A_330 : memref<1x128xi32, #tpu.memory_space<vmem>> -> memref<128xi32, #tpu.memory_space<vmem>>
    %dma_wait3A_332 = tpu.memref_slice %arg2[%add3A_144] : memref<16384xi32, #tpu.memory_space<hbm>> -> memref<128xi32, #tpu.memory_space<hbm>>
    tpu.wait_dma2 semaphore(%arg27 : memref<!tpu.dma_semaphore, #tpu.memory_space<semaphore_mem>>) src(%dma_wait3A_332 : memref<128xi32, #tpu.memory_space<hbm>>) dst(%dma_wait3A_331 : memref<128xi32, #tpu.memory_space<vmem>>)
    %dma_wait3A_333 = arith.constant 3 : i32
    %dma_wait3A_334 = arith.constant 0 : i32
    %dma_wait3A_335 = tpu.memref_slice %arg14[%dma_wait3A_333, %dma_wait3A_334] : memref<4x128xi32, #tpu.memory_space<vmem>> -> memref<1x128xi32, #tpu.memory_space<vmem>>
    %dma_wait3A_336 = tpu.memref_squeeze %dma_wait3A_335 : memref<1x128xi32, #tpu.memory_space<vmem>> -> memref<128xi32, #tpu.memory_space<vmem>>
    %dma_wait3A_337 = tpu.memref_slice %arg3[%add3A_144] : memref<16384xi32, #tpu.memory_space<hbm>> -> memref<128xi32, #tpu.memory_space<hbm>>
    %dma_wait3A_338 = arith.constant 0 : i32
    %dma_wait3A_339 = tpu.memref_slice %arg14[%dma_wait3A_333, %dma_wait3A_338] : memref<4x128xi32, #tpu.memory_space<vmem>> -> memref<1x128xi32, #tpu.memory_space<vmem>>
    %dma_wait3A_340 = tpu.memref_squeeze %dma_wait3A_339 : memref<1x128xi32, #tpu.memory_space<vmem>> -> memref<128xi32, #tpu.memory_space<vmem>>
    %dma_wait3A_341 = tpu.memref_slice %arg3[%add3A_144] : memref<16384xi32, #tpu.memory_space<hbm>> -> memref<128xi32, #tpu.memory_space<hbm>>
    tpu.wait_dma2 semaphore(%arg27 : memref<!tpu.dma_semaphore, #tpu.memory_space<semaphore_mem>>) src(%dma_wait3A_341 : memref<128xi32, #tpu.memory_space<hbm>>) dst(%dma_wait3A_340 : memref<128xi32, #tpu.memory_space<vmem>>)
    %dma_wait3A_342 = arith.constant 3 : i32
    %dma_wait3A_343 = arith.constant 0 : i32
    %dma_wait3A_344 = tpu.memref_slice %arg15[%dma_wait3A_342, %dma_wait3A_343] : memref<4x128xi32, #tpu.memory_space<vmem>> -> memref<1x128xi32, #tpu.memory_space<vmem>>
    %dma_wait3A_345 = tpu.memref_squeeze %dma_wait3A_344 : memref<1x128xi32, #tpu.memory_space<vmem>> -> memref<128xi32, #tpu.memory_space<vmem>>
    %dma_wait3A_346 = tpu.memref_slice %arg4[%add3A_144] : memref<16384xi32, #tpu.memory_space<hbm>> -> memref<128xi32, #tpu.memory_space<hbm>>
    %dma_wait3A_347 = arith.constant 0 : i32
    %dma_wait3A_348 = tpu.memref_slice %arg15[%dma_wait3A_342, %dma_wait3A_347] : memref<4x128xi32, #tpu.memory_space<vmem>> -> memref<1x128xi32, #tpu.memory_space<vmem>>
    %dma_wait3A_349 = tpu.memref_squeeze %dma_wait3A_348 : memref<1x128xi32, #tpu.memory_space<vmem>> -> memref<128xi32, #tpu.memory_space<vmem>>
    %dma_wait3A_350 = tpu.memref_slice %arg4[%add3A_144] : memref<16384xi32, #tpu.memory_space<hbm>> -> memref<128xi32, #tpu.memory_space<hbm>>
    tpu.wait_dma2 semaphore(%arg27 : memref<!tpu.dma_semaphore, #tpu.memory_space<semaphore_mem>>) src(%dma_wait3A_350 : memref<128xi32, #tpu.memory_space<hbm>>) dst(%dma_wait3A_349 : memref<128xi32, #tpu.memory_space<vmem>>)
    %dma_wait3A_351 = arith.constant 3 : i32
    %dma_wait3A_352 = arith.constant 0 : i32
    %dma_wait3A_353 = tpu.memref_slice %arg16[%dma_wait3A_351, %dma_wait3A_352] : memref<4x128xi32, #tpu.memory_space<vmem>> -> memref<1x128xi32, #tpu.memory_space<vmem>>
    %dma_wait3A_354 = tpu.memref_squeeze %dma_wait3A_353 : memref<1x128xi32, #tpu.memory_space<vmem>> -> memref<128xi32, #tpu.memory_space<vmem>>
    %dma_wait3A_355 = tpu.memref_slice %arg5[%add3A_144] : memref<16384xi32, #tpu.memory_space<hbm>> -> memref<128xi32, #tpu.memory_space<hbm>>
    %dma_wait3A_356 = arith.constant 0 : i32
    %dma_wait3A_357 = tpu.memref_slice %arg16[%dma_wait3A_351, %dma_wait3A_356] : memref<4x128xi32, #tpu.memory_space<vmem>> -> memref<1x128xi32, #tpu.memory_space<vmem>>
    %dma_wait3A_358 = tpu.memref_squeeze %dma_wait3A_357 : memref<1x128xi32, #tpu.memory_space<vmem>> -> memref<128xi32, #tpu.memory_space<vmem>>
    %dma_wait3A_359 = tpu.memref_slice %arg5[%add3A_144] : memref<16384xi32, #tpu.memory_space<hbm>> -> memref<128xi32, #tpu.memory_space<hbm>>
    tpu.wait_dma2 semaphore(%arg27 : memref<!tpu.dma_semaphore, #tpu.memory_space<semaphore_mem>>) src(%dma_wait3A_359 : memref<128xi32, #tpu.memory_space<hbm>>) dst(%dma_wait3A_358 : memref<128xi32, #tpu.memory_space<vmem>>)
    %dma_wait3A_360 = arith.constant 3 : i32
    %dma_wait3A_361 = arith.constant 0 : i32
    %dma_wait3A_362 = tpu.memref_slice %arg17[%dma_wait3A_360, %dma_wait3A_361] : memref<4x128xi32, #tpu.memory_space<vmem>> -> memref<1x128xi32, #tpu.memory_space<vmem>>
    %dma_wait3A_363 = tpu.memref_squeeze %dma_wait3A_362 : memref<1x128xi32, #tpu.memory_space<vmem>> -> memref<128xi32, #tpu.memory_space<vmem>>
    %dma_wait3A_364 = tpu.memref_slice %arg6[%add3A_144] : memref<16384xi32, #tpu.memory_space<hbm>> -> memref<128xi32, #tpu.memory_space<hbm>>
    %dma_wait3A_365 = arith.constant 0 : i32
    %dma_wait3A_366 = tpu.memref_slice %arg17[%dma_wait3A_360, %dma_wait3A_365] : memref<4x128xi32, #tpu.memory_space<vmem>> -> memref<1x128xi32, #tpu.memory_space<vmem>>
    %dma_wait3A_367 = tpu.memref_squeeze %dma_wait3A_366 : memref<1x128xi32, #tpu.memory_space<vmem>> -> memref<128xi32, #tpu.memory_space<vmem>>
    %dma_wait3A_368 = tpu.memref_slice %arg6[%add3A_144] : memref<16384xi32, #tpu.memory_space<hbm>> -> memref<128xi32, #tpu.memory_space<hbm>>
    tpu.wait_dma2 semaphore(%arg27 : memref<!tpu.dma_semaphore, #tpu.memory_space<semaphore_mem>>) src(%dma_wait3A_368 : memref<128xi32, #tpu.memory_space<hbm>>) dst(%dma_wait3A_367 : memref<128xi32, #tpu.memory_space<vmem>>)
    %dma_start3A_369 = arith.constant 0 : i32
    %dma_start3A_370 = arith.constant 0 : i32
    %dma_start3A_371 = arith.constant 0 : i32
    %dma_start3A_372 = arith.constant 0 : i32
    %dma_start3A_373 = tpu.memref_slice %arg18[%dma_start3A_370, %dma_start3A_371, %dma_start3A_372] : memref<2x128x64xf32, #tpu.memory_space<vmem>> -> memref<1x128x64xf32, #tpu.memory_space<vmem>>
    %dma_start3A_374 = tpu.memref_squeeze %dma_start3A_373 : memref<1x128x64xf32, #tpu.memory_space<vmem>> -> memref<128x64xf32, #tpu.memory_space<vmem>>
    %dma_start3A_375 = arith.constant 0 : i32
    %dma_start3A_376 = tpu.memref_slice %arg13[%dma_start3A_369, %dma_start3A_375] : memref<4x128xi32, #tpu.memory_space<vmem>> -> memref<1x128xi32, #tpu.memory_space<vmem>>
    %dma_start3A_377 = tpu.memref_squeeze %dma_start3A_376 : memref<1x128xi32, #tpu.memory_space<vmem>> -> memref<128xi32, #tpu.memory_space<vmem>>
    %dma_start3A_378 = arith.constant 0 : i32
    %dma_start3A_379 = arith.constant 0 : i32
    %dma_start3A_380 = tpu.memref_slice %arg7[%dma_start3A_378, %dma_start3A_379] : memref<1000000x64xf32, #tpu.memory_space<hbm>> -> memref<1000000x64xf32, #tpu.memory_space<hbm>>
    tpu.enqueue_indirect_dma source(%dma_start3A_380 : memref<1000000x64xf32, #tpu.memory_space<hbm>>) target(%dma_start3A_374 : memref<128x64xf32, #tpu.memory_space<vmem>>) offsets(%dma_start3A_377 : memref<128xi32, #tpu.memory_space<vmem>>) semaphore(%arg28 : memref<!tpu.dma_semaphore, #tpu.memory_space<semaphore_mem>>)
    %dma_start3A_381 = arith.constant 0 : i32
    %dma_start3A_382 = arith.constant 0 : i32
    %dma_start3A_383 = arith.constant 0 : i32
    %dma_start3A_384 = arith.constant 0 : i32
    %dma_start3A_385 = tpu.memref_slice %arg19[%dma_start3A_382, %dma_start3A_383, %dma_start3A_384] : memref<2x128x64xf32, #tpu.memory_space<vmem>> -> memref<1x128x64xf32, #tpu.memory_space<vmem>>
    %dma_start3A_386 = tpu.memref_squeeze %dma_start3A_385 : memref<1x128x64xf32, #tpu.memory_space<vmem>> -> memref<128x64xf32, #tpu.memory_space<vmem>>
    %dma_start3A_387 = arith.constant 0 : i32
    %dma_start3A_388 = tpu.memref_slice %arg14[%dma_start3A_381, %dma_start3A_387] : memref<4x128xi32, #tpu.memory_space<vmem>> -> memref<1x128xi32, #tpu.memory_space<vmem>>
    %dma_start3A_389 = tpu.memref_squeeze %dma_start3A_388 : memref<1x128xi32, #tpu.memory_space<vmem>> -> memref<128xi32, #tpu.memory_space<vmem>>
    %dma_start3A_390 = arith.constant 0 : i32
    %dma_start3A_391 = arith.constant 0 : i32
    %dma_start3A_392 = tpu.memref_slice %arg7[%dma_start3A_390, %dma_start3A_391] : memref<1000000x64xf32, #tpu.memory_space<hbm>> -> memref<1000000x64xf32, #tpu.memory_space<hbm>>
    tpu.enqueue_indirect_dma source(%dma_start3A_392 : memref<1000000x64xf32, #tpu.memory_space<hbm>>) target(%dma_start3A_386 : memref<128x64xf32, #tpu.memory_space<vmem>>) offsets(%dma_start3A_389 : memref<128xi32, #tpu.memory_space<vmem>>) semaphore(%arg28 : memref<!tpu.dma_semaphore, #tpu.memory_space<semaphore_mem>>)
    %dma_start3A_393 = arith.constant 0 : i32
    %dma_start3A_394 = arith.constant 0 : i32
    %dma_start3A_395 = arith.constant 0 : i32
    %dma_start3A_396 = arith.constant 0 : i32
    %dma_start3A_397 = tpu.memref_slice %arg20[%dma_start3A_394, %dma_start3A_395, %dma_start3A_396] : memref<2x128x64xf32, #tpu.memory_space<vmem>> -> memref<1x128x64xf32, #tpu.memory_space<vmem>>
    %dma_start3A_398 = tpu.memref_squeeze %dma_start3A_397 : memref<1x128x64xf32, #tpu.memory_space<vmem>> -> memref<128x64xf32, #tpu.memory_space<vmem>>
    %dma_start3A_399 = arith.constant 0 : i32
    %dma_start3A_400 = tpu.memref_slice %arg15[%dma_start3A_393, %dma_start3A_399] : memref<4x128xi32, #tpu.memory_space<vmem>> -> memref<1x128xi32, #tpu.memory_space<vmem>>
    %dma_start3A_401 = tpu.memref_squeeze %dma_start3A_400 : memref<1x128xi32, #tpu.memory_space<vmem>> -> memref<128xi32, #tpu.memory_space<vmem>>
    %dma_start3A_402 = arith.constant 0 : i32
    %dma_start3A_403 = arith.constant 0 : i32
    %dma_start3A_404 = tpu.memref_slice %arg7[%dma_start3A_402, %dma_start3A_403] : memref<1000000x64xf32, #tpu.memory_space<hbm>> -> memref<1000000x64xf32, #tpu.memory_space<hbm>>
    tpu.enqueue_indirect_dma source(%dma_start3A_404 : memref<1000000x64xf32, #tpu.memory_space<hbm>>) target(%dma_start3A_398 : memref<128x64xf32, #tpu.memory_space<vmem>>) offsets(%dma_start3A_401 : memref<128xi32, #tpu.memory_space<vmem>>) semaphore(%arg28 : memref<!tpu.dma_semaphore, #tpu.memory_space<semaphore_mem>>)
    %dma_start3A_405 = arith.constant 0 : i32
    %dma_start3A_406 = arith.constant 0 : i32
    %dma_start3A_407 = arith.constant 0 : i32
    %dma_start3A_408 = arith.constant 0 : i32
    %dma_start3A_409 = tpu.memref_slice %arg21[%dma_start3A_406, %dma_start3A_407, %dma_start3A_408] : memref<2x128x64xf32, #tpu.memory_space<vmem>> -> memref<1x128x64xf32, #tpu.memory_space<vmem>>
    %dma_start3A_410 = tpu.memref_squeeze %dma_start3A_409 : memref<1x128x64xf32, #tpu.memory_space<vmem>> -> memref<128x64xf32, #tpu.memory_space<vmem>>
    %dma_start3A_411 = arith.constant 0 : i32
    %dma_start3A_412 = tpu.memref_slice %arg16[%dma_start3A_405, %dma_start3A_411] : memref<4x128xi32, #tpu.memory_space<vmem>> -> memref<1x128xi32, #tpu.memory_space<vmem>>
    %dma_start3A_413 = tpu.memref_squeeze %dma_start3A_412 : memref<1x128xi32, #tpu.memory_space<vmem>> -> memref<128xi32, #tpu.memory_space<vmem>>
    %dma_start3A_414 = arith.constant 0 : i32
    %dma_start3A_415 = arith.constant 0 : i32
    %dma_start3A_416 = tpu.memref_slice %arg7[%dma_start3A_414, %dma_start3A_415] : memref<1000000x64xf32, #tpu.memory_space<hbm>> -> memref<1000000x64xf32, #tpu.memory_space<hbm>>
    tpu.enqueue_indirect_dma source(%dma_start3A_416 : memref<1000000x64xf32, #tpu.memory_space<hbm>>) target(%dma_start3A_410 : memref<128x64xf32, #tpu.memory_space<vmem>>) offsets(%dma_start3A_413 : memref<128xi32, #tpu.memory_space<vmem>>) semaphore(%arg28 : memref<!tpu.dma_semaphore, #tpu.memory_space<semaphore_mem>>)
    %dma_start3A_417 = arith.constant 0 : i32
    %dma_start3A_418 = arith.constant 0 : i32
    %dma_start3A_419 = arith.constant 0 : i32
    %dma_start3A_420 = arith.constant 0 : i32
    %dma_start3A_421 = tpu.memref_slice %arg22[%dma_start3A_418, %dma_start3A_419, %dma_start3A_420] : memref<2x128x64xf32, #tpu.memory_space<vmem>> -> memref<1x128x64xf32, #tpu.memory_space<vmem>>
    %dma_start3A_422 = tpu.memref_squeeze %dma_start3A_421 : memref<1x128x64xf32, #tpu.memory_space<vmem>> -> memref<128x64xf32, #tpu.memory_space<vmem>>
    %dma_start3A_423 = arith.constant 0 : i32
    %dma_start3A_424 = tpu.memref_slice %arg17[%dma_start3A_417, %dma_start3A_423] : memref<4x128xi32, #tpu.memory_space<vmem>> -> memref<1x128xi32, #tpu.memory_space<vmem>>
    %dma_start3A_425 = tpu.memref_squeeze %dma_start3A_424 : memref<1x128xi32, #tpu.memory_space<vmem>> -> memref<128xi32, #tpu.memory_space<vmem>>
    %dma_start3A_426 = arith.constant 0 : i32
    %dma_start3A_427 = arith.constant 0 : i32
    %dma_start3A_428 = tpu.memref_slice %arg9[%dma_start3A_426, %dma_start3A_427] : memref<1000x64xf32, #tpu.memory_space<hbm>> -> memref<1000x64xf32, #tpu.memory_space<hbm>>
    tpu.enqueue_indirect_dma source(%dma_start3A_428 : memref<1000x64xf32, #tpu.memory_space<hbm>>) target(%dma_start3A_422 : memref<128x64xf32, #tpu.memory_space<vmem>>) offsets(%dma_start3A_425 : memref<128xi32, #tpu.memory_space<vmem>>) semaphore(%arg28 : memref<!tpu.dma_semaphore, #tpu.memory_space<semaphore_mem>>)
    %dma_start3A_429 = arith.constant 0 : i32
    %dma_start3A_430 = arith.constant 0 : i32
    %dma_start3A_431 = arith.constant 0 : i32
    %dma_start3A_432 = arith.constant 0 : i32
    %dma_start3A_433 = tpu.memref_slice %arg23[%dma_start3A_430, %dma_start3A_431, %dma_start3A_432] : memref<2x128x64xf32, #tpu.memory_space<vmem>> -> memref<1x128x64xf32, #tpu.memory_space<vmem>>
    %dma_start3A_434 = tpu.memref_squeeze %dma_start3A_433 : memref<1x128x64xf32, #tpu.memory_space<vmem>> -> memref<128x64xf32, #tpu.memory_space<vmem>>
    %dma_start3A_435 = arith.constant 0 : i32
    %dma_start3A_436 = tpu.memref_slice %arg17[%dma_start3A_429, %dma_start3A_435] : memref<4x128xi32, #tpu.memory_space<vmem>> -> memref<1x128xi32, #tpu.memory_space<vmem>>
    %dma_start3A_437 = tpu.memref_squeeze %dma_start3A_436 : memref<1x128xi32, #tpu.memory_space<vmem>> -> memref<128xi32, #tpu.memory_space<vmem>>
    %dma_start3A_438 = arith.constant 0 : i32
    %dma_start3A_439 = arith.constant 0 : i32
    %dma_start3A_440 = tpu.memref_slice %arg8[%dma_start3A_438, %dma_start3A_439] : memref<1000x64xf32, #tpu.memory_space<hbm>> -> memref<1000x64xf32, #tpu.memory_space<hbm>>
    tpu.enqueue_indirect_dma source(%dma_start3A_440 : memref<1000x64xf32, #tpu.memory_space<hbm>>) target(%dma_start3A_434 : memref<128x64xf32, #tpu.memory_space<vmem>>) offsets(%dma_start3A_437 : memref<128xi32, #tpu.memory_space<vmem>>) semaphore(%arg28 : memref<!tpu.dma_semaphore, #tpu.memory_space<semaphore_mem>>)
    %dma_start3A_441 = arith.constant 1 : i32
    %dma_start3A_442 = arith.constant 1 : i32
    %dma_start3A_443 = arith.constant 0 : i32
    %dma_start3A_444 = arith.constant 0 : i32
    %dma_start3A_445 = tpu.memref_slice %arg18[%dma_start3A_442, %dma_start3A_443, %dma_start3A_444] : memref<2x128x64xf32, #tpu.memory_space<vmem>> -> memref<1x128x64xf32, #tpu.memory_space<vmem>>
    %dma_start3A_446 = tpu.memref_squeeze %dma_start3A_445 : memref<1x128x64xf32, #tpu.memory_space<vmem>> -> memref<128x64xf32, #tpu.memory_space<vmem>>
    %dma_start3A_447 = arith.constant 0 : i32
    %dma_start3A_448 = tpu.memref_slice %arg13[%dma_start3A_441, %dma_start3A_447] : memref<4x128xi32, #tpu.memory_space<vmem>> -> memref<1x128xi32, #tpu.memory_space<vmem>>
    %dma_start3A_449 = tpu.memref_squeeze %dma_start3A_448 : memref<1x128xi32, #tpu.memory_space<vmem>> -> memref<128xi32, #tpu.memory_space<vmem>>
    %dma_start3A_450 = arith.constant 0 : i32
    %dma_start3A_451 = arith.constant 0 : i32
    %dma_start3A_452 = tpu.memref_slice %arg7[%dma_start3A_450, %dma_start3A_451] : memref<1000000x64xf32, #tpu.memory_space<hbm>> -> memref<1000000x64xf32, #tpu.memory_space<hbm>>
    tpu.enqueue_indirect_dma source(%dma_start3A_452 : memref<1000000x64xf32, #tpu.memory_space<hbm>>) target(%dma_start3A_446 : memref<128x64xf32, #tpu.memory_space<vmem>>) offsets(%dma_start3A_449 : memref<128xi32, #tpu.memory_space<vmem>>) semaphore(%arg29 : memref<!tpu.dma_semaphore, #tpu.memory_space<semaphore_mem>>)
    %dma_start3A_453 = arith.constant 1 : i32
    %dma_start3A_454 = arith.constant 1 : i32
    %dma_start3A_455 = arith.constant 0 : i32
    %dma_start3A_456 = arith.constant 0 : i32
    %dma_start3A_457 = tpu.memref_slice %arg19[%dma_start3A_454, %dma_start3A_455, %dma_start3A_456] : memref<2x128x64xf32, #tpu.memory_space<vmem>> -> memref<1x128x64xf32, #tpu.memory_space<vmem>>
    %dma_start3A_458 = tpu.memref_squeeze %dma_start3A_457 : memref<1x128x64xf32, #tpu.memory_space<vmem>> -> memref<128x64xf32, #tpu.memory_space<vmem>>
    %dma_start3A_459 = arith.constant 0 : i32
    %dma_start3A_460 = tpu.memref_slice %arg14[%dma_start3A_453, %dma_start3A_459] : memref<4x128xi32, #tpu.memory_space<vmem>> -> memref<1x128xi32, #tpu.memory_space<vmem>>
    %dma_start3A_461 = tpu.memref_squeeze %dma_start3A_460 : memref<1x128xi32, #tpu.memory_space<vmem>> -> memref<128xi32, #tpu.memory_space<vmem>>
    %dma_start3A_462 = arith.constant 0 : i32
    %dma_start3A_463 = arith.constant 0 : i32
    %dma_start3A_464 = tpu.memref_slice %arg7[%dma_start3A_462, %dma_start3A_463] : memref<1000000x64xf32, #tpu.memory_space<hbm>> -> memref<1000000x64xf32, #tpu.memory_space<hbm>>
    tpu.enqueue_indirect_dma source(%dma_start3A_464 : memref<1000000x64xf32, #tpu.memory_space<hbm>>) target(%dma_start3A_458 : memref<128x64xf32, #tpu.memory_space<vmem>>) offsets(%dma_start3A_461 : memref<128xi32, #tpu.memory_space<vmem>>) semaphore(%arg29 : memref<!tpu.dma_semaphore, #tpu.memory_space<semaphore_mem>>)
    %dma_start3A_465 = arith.constant 1 : i32
    %dma_start3A_466 = arith.constant 1 : i32
    %dma_start3A_467 = arith.constant 0 : i32
    %dma_start3A_468 = arith.constant 0 : i32
    %dma_start3A_469 = tpu.memref_slice %arg20[%dma_start3A_466, %dma_start3A_467, %dma_start3A_468] : memref<2x128x64xf32, #tpu.memory_space<vmem>> -> memref<1x128x64xf32, #tpu.memory_space<vmem>>
    %dma_start3A_470 = tpu.memref_squeeze %dma_start3A_469 : memref<1x128x64xf32, #tpu.memory_space<vmem>> -> memref<128x64xf32, #tpu.memory_space<vmem>>
    %dma_start3A_471 = arith.constant 0 : i32
    %dma_start3A_472 = tpu.memref_slice %arg15[%dma_start3A_465, %dma_start3A_471] : memref<4x128xi32, #tpu.memory_space<vmem>> -> memref<1x128xi32, #tpu.memory_space<vmem>>
    %dma_start3A_473 = tpu.memref_squeeze %dma_start3A_472 : memref<1x128xi32, #tpu.memory_space<vmem>> -> memref<128xi32, #tpu.memory_space<vmem>>
    %dma_start3A_474 = arith.constant 0 : i32
    %dma_start3A_475 = arith.constant 0 : i32
    %dma_start3A_476 = tpu.memref_slice %arg7[%dma_start3A_474, %dma_start3A_475] : memref<1000000x64xf32, #tpu.memory_space<hbm>> -> memref<1000000x64xf32, #tpu.memory_space<hbm>>
    tpu.enqueue_indirect_dma source(%dma_start3A_476 : memref<1000000x64xf32, #tpu.memory_space<hbm>>) target(%dma_start3A_470 : memref<128x64xf32, #tpu.memory_space<vmem>>) offsets(%dma_start3A_473 : memref<128xi32, #tpu.memory_space<vmem>>) semaphore(%arg29 : memref<!tpu.dma_semaphore, #tpu.memory_space<semaphore_mem>>)
    %dma_start3A_477 = arith.constant 1 : i32
    %dma_start3A_478 = arith.constant 1 : i32
    %dma_start3A_479 = arith.constant 0 : i32
    %dma_start3A_480 = arith.constant 0 : i32
    %dma_start3A_481 = tpu.memref_slice %arg21[%dma_start3A_478, %dma_start3A_479, %dma_start3A_480] : memref<2x128x64xf32, #tpu.memory_space<vmem>> -> memref<1x128x64xf32, #tpu.memory_space<vmem>>
    %dma_start3A_482 = tpu.memref_squeeze %dma_start3A_481 : memref<1x128x64xf32, #tpu.memory_space<vmem>> -> memref<128x64xf32, #tpu.memory_space<vmem>>
    %dma_start3A_483 = arith.constant 0 : i32
    %dma_start3A_484 = tpu.memref_slice %arg16[%dma_start3A_477, %dma_start3A_483] : memref<4x128xi32, #tpu.memory_space<vmem>> -> memref<1x128xi32, #tpu.memory_space<vmem>>
    %dma_start3A_485 = tpu.memref_squeeze %dma_start3A_484 : memref<1x128xi32, #tpu.memory_space<vmem>> -> memref<128xi32, #tpu.memory_space<vmem>>
    %dma_start3A_486 = arith.constant 0 : i32
    %dma_start3A_487 = arith.constant 0 : i32
    %dma_start3A_488 = tpu.memref_slice %arg7[%dma_start3A_486, %dma_start3A_487] : memref<1000000x64xf32, #tpu.memory_space<hbm>> -> memref<1000000x64xf32, #tpu.memory_space<hbm>>
    tpu.enqueue_indirect_dma source(%dma_start3A_488 : memref<1000000x64xf32, #tpu.memory_space<hbm>>) target(%dma_start3A_482 : memref<128x64xf32, #tpu.memory_space<vmem>>) offsets(%dma_start3A_485 : memref<128xi32, #tpu.memory_space<vmem>>) semaphore(%arg29 : memref<!tpu.dma_semaphore, #tpu.memory_space<semaphore_mem>>)
    %dma_start3A_489 = arith.constant 1 : i32
    %dma_start3A_490 = arith.constant 1 : i32
    %dma_start3A_491 = arith.constant 0 : i32
    %dma_start3A_492 = arith.constant 0 : i32
    %dma_start3A_493 = tpu.memref_slice %arg22[%dma_start3A_490, %dma_start3A_491, %dma_start3A_492] : memref<2x128x64xf32, #tpu.memory_space<vmem>> -> memref<1x128x64xf32, #tpu.memory_space<vmem>>
    %dma_start3A_494 = tpu.memref_squeeze %dma_start3A_493 : memref<1x128x64xf32, #tpu.memory_space<vmem>> -> memref<128x64xf32, #tpu.memory_space<vmem>>
    %dma_start3A_495 = arith.constant 0 : i32
    %dma_start3A_496 = tpu.memref_slice %arg17[%dma_start3A_489, %dma_start3A_495] : memref<4x128xi32, #tpu.memory_space<vmem>> -> memref<1x128xi32, #tpu.memory_space<vmem>>
    %dma_start3A_497 = tpu.memref_squeeze %dma_start3A_496 : memref<1x128xi32, #tpu.memory_space<vmem>> -> memref<128xi32, #tpu.memory_space<vmem>>
    %dma_start3A_498 = arith.constant 0 : i32
    %dma_start3A_499 = arith.constant 0 : i32
    %dma_start3A_500 = tpu.memref_slice %arg9[%dma_start3A_498, %dma_start3A_499] : memref<1000x64xf32, #tpu.memory_space<hbm>> -> memref<1000x64xf32, #tpu.memory_space<hbm>>
    tpu.enqueue_indirect_dma source(%dma_start3A_500 : memref<1000x64xf32, #tpu.memory_space<hbm>>) target(%dma_start3A_494 : memref<128x64xf32, #tpu.memory_space<vmem>>) offsets(%dma_start3A_497 : memref<128xi32, #tpu.memory_space<vmem>>) semaphore(%arg29 : memref<!tpu.dma_semaphore, #tpu.memory_space<semaphore_mem>>)
    %dma_start3A_501 = arith.constant 1 : i32
    %dma_start3A_502 = arith.constant 1 : i32
    %dma_start3A_503 = arith.constant 0 : i32
    %dma_start3A_504 = arith.constant 0 : i32
    %dma_start3A_505 = tpu.memref_slice %arg23[%dma_start3A_502, %dma_start3A_503, %dma_start3A_504] : memref<2x128x64xf32, #tpu.memory_space<vmem>> -> memref<1x128x64xf32, #tpu.memory_space<vmem>>
    %dma_start3A_506 = tpu.memref_squeeze %dma_start3A_505 : memref<1x128x64xf32, #tpu.memory_space<vmem>> -> memref<128x64xf32, #tpu.memory_space<vmem>>
    %dma_start3A_507 = arith.constant 0 : i32
    %dma_start3A_508 = tpu.memref_slice %arg17[%dma_start3A_501, %dma_start3A_507] : memref<4x128xi32, #tpu.memory_space<vmem>> -> memref<1x128xi32, #tpu.memory_space<vmem>>
    %dma_start3A_509 = tpu.memref_squeeze %dma_start3A_508 : memref<1x128xi32, #tpu.memory_space<vmem>> -> memref<128xi32, #tpu.memory_space<vmem>>
    %dma_start3A_510 = arith.constant 0 : i32
    %dma_start3A_511 = arith.constant 0 : i32
    %dma_start3A_512 = tpu.memref_slice %arg8[%dma_start3A_510, %dma_start3A_511] : memref<1000x64xf32, #tpu.memory_space<hbm>> -> memref<1000x64xf32, #tpu.memory_space<hbm>>
    tpu.enqueue_indirect_dma source(%dma_start3A_512 : memref<1000x64xf32, #tpu.memory_space<hbm>>) target(%dma_start3A_506 : memref<128x64xf32, #tpu.memory_space<vmem>>) offsets(%dma_start3A_509 : memref<128xi32, #tpu.memory_space<vmem>>) semaphore(%arg29 : memref<!tpu.dma_semaphore, #tpu.memory_space<semaphore_mem>>)
    %dma_wait3A_513 = arith.constant 0 : i32
    %dma_wait3A_514 = arith.constant 0 : i32
    %dma_wait3A_515 = arith.constant 0 : i32
    %dma_wait3A_516 = arith.constant 0 : i32
    %dma_wait3A_517 = tpu.memref_slice %arg18[%dma_wait3A_514, %dma_wait3A_515, %dma_wait3A_516] : memref<2x128x64xf32, #tpu.memory_space<vmem>> -> memref<1x128x64xf32, #tpu.memory_space<vmem>>
    %dma_wait3A_518 = tpu.memref_squeeze %dma_wait3A_517 : memref<1x128x64xf32, #tpu.memory_space<vmem>> -> memref<128x64xf32, #tpu.memory_space<vmem>>
    %dma_wait3A_519 = arith.constant 0 : i32
    %dma_wait3A_520 = tpu.memref_slice %arg13[%dma_wait3A_513, %dma_wait3A_519] : memref<4x128xi32, #tpu.memory_space<vmem>> -> memref<1x128xi32, #tpu.memory_space<vmem>>
    %dma_wait3A_521 = tpu.memref_squeeze %dma_wait3A_520 : memref<1x128xi32, #tpu.memory_space<vmem>> -> memref<128xi32, #tpu.memory_space<vmem>>
    %dma_wait3A_522 = arith.constant 0 : i32
    %dma_wait3A_523 = arith.constant 0 : i32
    %dma_wait3A_524 = tpu.memref_slice %arg7[%dma_wait3A_522, %dma_wait3A_523] : memref<1000000x64xf32, #tpu.memory_space<hbm>> -> memref<1000000x64xf32, #tpu.memory_space<hbm>>
    tpu.wait_indirect_dma semaphore(%arg28 : memref<!tpu.dma_semaphore, #tpu.memory_space<semaphore_mem>>) src(%dma_wait3A_524 : memref<1000000x64xf32, #tpu.memory_space<hbm>>) dst(%dma_wait3A_518 : memref<128x64xf32, #tpu.memory_space<vmem>>)
    %dma_wait3A_525 = arith.constant 0 : i32
    %dma_wait3A_526 = arith.constant 0 : i32
    %dma_wait3A_527 = arith.constant 0 : i32
    %dma_wait3A_528 = arith.constant 0 : i32
    %dma_wait3A_529 = tpu.memref_slice %arg19[%dma_wait3A_526, %dma_wait3A_527, %dma_wait3A_528] : memref<2x128x64xf32, #tpu.memory_space<vmem>> -> memref<1x128x64xf32, #tpu.memory_space<vmem>>
    %dma_wait3A_530 = tpu.memref_squeeze %dma_wait3A_529 : memref<1x128x64xf32, #tpu.memory_space<vmem>> -> memref<128x64xf32, #tpu.memory_space<vmem>>
    %dma_wait3A_531 = arith.constant 0 : i32
    %dma_wait3A_532 = tpu.memref_slice %arg14[%dma_wait3A_525, %dma_wait3A_531] : memref<4x128xi32, #tpu.memory_space<vmem>> -> memref<1x128xi32, #tpu.memory_space<vmem>>
    %dma_wait3A_533 = tpu.memref_squeeze %dma_wait3A_532 : memref<1x128xi32, #tpu.memory_space<vmem>> -> memref<128xi32, #tpu.memory_space<vmem>>
    %dma_wait3A_534 = arith.constant 0 : i32
    %dma_wait3A_535 = arith.constant 0 : i32
    %dma_wait3A_536 = tpu.memref_slice %arg7[%dma_wait3A_534, %dma_wait3A_535] : memref<1000000x64xf32, #tpu.memory_space<hbm>> -> memref<1000000x64xf32, #tpu.memory_space<hbm>>
    tpu.wait_indirect_dma semaphore(%arg28 : memref<!tpu.dma_semaphore, #tpu.memory_space<semaphore_mem>>) src(%dma_wait3A_536 : memref<1000000x64xf32, #tpu.memory_space<hbm>>) dst(%dma_wait3A_530 : memref<128x64xf32, #tpu.memory_space<vmem>>)
    %dma_wait3A_537 = arith.constant 0 : i32
    %dma_wait3A_538 = arith.constant 0 : i32
    %dma_wait3A_539 = arith.constant 0 : i32
    %dma_wait3A_540 = arith.constant 0 : i32
    %dma_wait3A_541 = tpu.memref_slice %arg20[%dma_wait3A_538, %dma_wait3A_539, %dma_wait3A_540] : memref<2x128x64xf32, #tpu.memory_space<vmem>> -> memref<1x128x64xf32, #tpu.memory_space<vmem>>
    %dma_wait3A_542 = tpu.memref_squeeze %dma_wait3A_541 : memref<1x128x64xf32, #tpu.memory_space<vmem>> -> memref<128x64xf32, #tpu.memory_space<vmem>>
    %dma_wait3A_543 = arith.constant 0 : i32
    %dma_wait3A_544 = tpu.memref_slice %arg15[%dma_wait3A_537, %dma_wait3A_543] : memref<4x128xi32, #tpu.memory_space<vmem>> -> memref<1x128xi32, #tpu.memory_space<vmem>>
    %dma_wait3A_545 = tpu.memref_squeeze %dma_wait3A_544 : memref<1x128xi32, #tpu.memory_space<vmem>> -> memref<128xi32, #tpu.memory_space<vmem>>
    %dma_wait3A_546 = arith.constant 0 : i32
    %dma_wait3A_547 = arith.constant 0 : i32
    %dma_wait3A_548 = tpu.memref_slice %arg7[%dma_wait3A_546, %dma_wait3A_547] : memref<1000000x64xf32, #tpu.memory_space<hbm>> -> memref<1000000x64xf32, #tpu.memory_space<hbm>>
    tpu.wait_indirect_dma semaphore(%arg28 : memref<!tpu.dma_semaphore, #tpu.memory_space<semaphore_mem>>) src(%dma_wait3A_548 : memref<1000000x64xf32, #tpu.memory_space<hbm>>) dst(%dma_wait3A_542 : memref<128x64xf32, #tpu.memory_space<vmem>>)
    %dma_wait3A_549 = arith.constant 0 : i32
    %dma_wait3A_550 = arith.constant 0 : i32
    %dma_wait3A_551 = arith.constant 0 : i32
    %dma_wait3A_552 = arith.constant 0 : i32
    %dma_wait3A_553 = tpu.memref_slice %arg21[%dma_wait3A_550, %dma_wait3A_551, %dma_wait3A_552] : memref<2x128x64xf32, #tpu.memory_space<vmem>> -> memref<1x128x64xf32, #tpu.memory_space<vmem>>
    %dma_wait3A_554 = tpu.memref_squeeze %dma_wait3A_553 : memref<1x128x64xf32, #tpu.memory_space<vmem>> -> memref<128x64xf32, #tpu.memory_space<vmem>>
    %dma_wait3A_555 = arith.constant 0 : i32
    %dma_wait3A_556 = tpu.memref_slice %arg16[%dma_wait3A_549, %dma_wait3A_555] : memref<4x128xi32, #tpu.memory_space<vmem>> -> memref<1x128xi32, #tpu.memory_space<vmem>>
    %dma_wait3A_557 = tpu.memref_squeeze %dma_wait3A_556 : memref<1x128xi32, #tpu.memory_space<vmem>> -> memref<128xi32, #tpu.memory_space<vmem>>
    %dma_wait3A_558 = arith.constant 0 : i32
    %dma_wait3A_559 = arith.constant 0 : i32
    %dma_wait3A_560 = tpu.memref_slice %arg7[%dma_wait3A_558, %dma_wait3A_559] : memref<1000000x64xf32, #tpu.memory_space<hbm>> -> memref<1000000x64xf32, #tpu.memory_space<hbm>>
    tpu.wait_indirect_dma semaphore(%arg28 : memref<!tpu.dma_semaphore, #tpu.memory_space<semaphore_mem>>) src(%dma_wait3A_560 : memref<1000000x64xf32, #tpu.memory_space<hbm>>) dst(%dma_wait3A_554 : memref<128x64xf32, #tpu.memory_space<vmem>>)
    %dma_wait3A_561 = arith.constant 0 : i32
    %dma_wait3A_562 = arith.constant 0 : i32
    %dma_wait3A_563 = arith.constant 0 : i32
    %dma_wait3A_564 = arith.constant 0 : i32
    %dma_wait3A_565 = tpu.memref_slice %arg22[%dma_wait3A_562, %dma_wait3A_563, %dma_wait3A_564] : memref<2x128x64xf32, #tpu.memory_space<vmem>> -> memref<1x128x64xf32, #tpu.memory_space<vmem>>
    %dma_wait3A_566 = tpu.memref_squeeze %dma_wait3A_565 : memref<1x128x64xf32, #tpu.memory_space<vmem>> -> memref<128x64xf32, #tpu.memory_space<vmem>>
    %dma_wait3A_567 = arith.constant 0 : i32
    %dma_wait3A_568 = tpu.memref_slice %arg17[%dma_wait3A_561, %dma_wait3A_567] : memref<4x128xi32, #tpu.memory_space<vmem>> -> memref<1x128xi32, #tpu.memory_space<vmem>>
    %dma_wait3A_569 = tpu.memref_squeeze %dma_wait3A_568 : memref<1x128xi32, #tpu.memory_space<vmem>> -> memref<128xi32, #tpu.memory_space<vmem>>
    %dma_wait3A_570 = arith.constant 0 : i32
    %dma_wait3A_571 = arith.constant 0 : i32
    %dma_wait3A_572 = tpu.memref_slice %arg9[%dma_wait3A_570, %dma_wait3A_571] : memref<1000x64xf32, #tpu.memory_space<hbm>> -> memref<1000x64xf32, #tpu.memory_space<hbm>>
    tpu.wait_indirect_dma semaphore(%arg28 : memref<!tpu.dma_semaphore, #tpu.memory_space<semaphore_mem>>) src(%dma_wait3A_572 : memref<1000x64xf32, #tpu.memory_space<hbm>>) dst(%dma_wait3A_566 : memref<128x64xf32, #tpu.memory_space<vmem>>)
    %dma_wait3A_573 = arith.constant 0 : i32
    %dma_wait3A_574 = arith.constant 0 : i32
    %dma_wait3A_575 = arith.constant 0 : i32
    %dma_wait3A_576 = arith.constant 0 : i32
    %dma_wait3A_577 = tpu.memref_slice %arg23[%dma_wait3A_574, %dma_wait3A_575, %dma_wait3A_576] : memref<2x128x64xf32, #tpu.memory_space<vmem>> -> memref<1x128x64xf32, #tpu.memory_space<vmem>>
    %dma_wait3A_578 = tpu.memref_squeeze %dma_wait3A_577 : memref<1x128x64xf32, #tpu.memory_space<vmem>> -> memref<128x64xf32, #tpu.memory_space<vmem>>
    %dma_wait3A_579 = arith.constant 0 : i32
    %dma_wait3A_580 = tpu.memref_slice %arg17[%dma_wait3A_573, %dma_wait3A_579] : memref<4x128xi32, #tpu.memory_space<vmem>> -> memref<1x128xi32, #tpu.memory_space<vmem>>
    %dma_wait3A_581 = tpu.memref_squeeze %dma_wait3A_580 : memref<1x128xi32, #tpu.memory_space<vmem>> -> memref<128xi32, #tpu.memory_space<vmem>>
    %dma_wait3A_582 = arith.constant 0 : i32
    %dma_wait3A_583 = arith.constant 0 : i32
    %dma_wait3A_584 = tpu.memref_slice %arg8[%dma_wait3A_582, %dma_wait3A_583] : memref<1000x64xf32, #tpu.memory_space<hbm>> -> memref<1000x64xf32, #tpu.memory_space<hbm>>
    tpu.wait_indirect_dma semaphore(%arg28 : memref<!tpu.dma_semaphore, #tpu.memory_space<semaphore_mem>>) src(%dma_wait3A_584 : memref<1000x64xf32, #tpu.memory_space<hbm>>) dst(%dma_wait3A_578 : memref<128x64xf32, #tpu.memory_space<vmem>>)
    %iota3A = tpu.iota {dimensions = array<i32: 0>} : vector<16xi32>
    %scan3A = arith.constant 0 : i32
    %scan3A_585 = arith.constant 0 : i32
    %scan3A_586 = arith.constant 0 : i32
    %scan3A_587 = arith.constant 0 : i32
    %scan3A_588 = arith.constant 0 : i32
    %scan3A_589 = arith.constant 0 : i32
    %scan3A_590 = arith.constant 0 : i32
    %scan3A_591 = arith.constant 0 : i32
    %scan3A_592 = arith.constant 8 : i32
    %scan3A_593 = arith.addi %scan3A_591, %scan3A_592 : i32
    %scan3A_594 = arith.constant 1 : i32
    %scan3A_595 = scf.for %scan3A_999 = %scan3A_591 to %scan3A_593 step %scan3A_594 iter_args(%scan3A_1000 = %scan3A_590) -> (i32)  : i32 {
      %broadcast_in_dim3A = arith.constant 0.000000e+00 : f32
      %broadcast_in_dim3A_1001 = vector.broadcast %broadcast_in_dim3A : f32 to vector<16xf32>
      %scan3A_1002 = arith.constant 0 : i32
      %scan3A_1003 = arith.constant 16 : i32
      %scan3A_1004 = arith.addi %scan3A_1002, %scan3A_1003 : i32
      %scan3A_1005 = arith.constant 1 : i32
      %scan3A_1006:9 = scf.for %scan3A_1155 = %scan3A_1002 to %scan3A_1004 step %scan3A_1005 iter_args(%scan3A_1156 = %broadcast_in_dim3A_1001, %scan3A_1157 = %broadcast_in_dim3A_1001, %scan3A_1158 = %broadcast_in_dim3A_1001, %scan3A_1159 = %broadcast_in_dim3A_1001, %scan3A_1160 = %broadcast_in_dim3A_1001, %scan3A_1161 = %broadcast_in_dim3A_1001, %scan3A_1162 = %broadcast_in_dim3A_1001, %scan3A_1163 = %broadcast_in_dim3A_1001, %scan3A_1164 = %broadcast_in_dim3A_1001) -> (vector<16xf32>, vector<16xf32>, vector<16xf32>, vector<16xf32>, vector<16xf32>, vector<16xf32>, vector<16xf32>, vector<16xf32>, vector<16xf32>)  : i32 {
        %mul3A_1165 = arith.constant 16 : i32
        %mul3A_1166 = arith.muli %scan3A_999, %mul3A_1165 : i32
        %add3A_1167 = arith.addi %mul3A_1166, %scan3A_1155 : i32
        %get3A = arith.constant 0 : i32
        %get3A_1168 = arith.constant 0 : i32
        %get3A_1169 = tpu.memref_slice %arg18[%scan3A, %get3A, %get3A_1168] : memref<2x128x64xf32, #tpu.memory_space<vmem>> -> memref<1x128x64xf32, #tpu.memory_space<vmem>>
        %get3A_1170 = tpu.memref_squeeze %get3A_1169 : memref<1x128x64xf32, #tpu.memory_space<vmem>> -> memref<128x64xf32, #tpu.memory_space<vmem>>
        %get3A_1171 = arith.index_cast %add3A_1167 : i32 to index
        %get3A_1172 = arith.constant 0 : index
        %get3A_1173 = tpu.vector_load %get3A_1170[%get3A_1171, %get3A_1172] {strides = array<i32>} : memref<128x64xf32, #tpu.memory_space<vmem>>, vector<16xf32>,
        %get3A_1174 = arith.constant 0 : i32
        %get3A_1175 = arith.constant 0 : i32
        %get3A_1176 = tpu.memref_slice %arg19[%scan3A_585, %get3A_1174, %get3A_1175] : memref<2x128x64xf32, #tpu.memory_space<vmem>> -> memref<1x128x64xf32, #tpu.memory_space<vmem>>
        %get3A_1177 = tpu.memref_squeeze %get3A_1176 : memref<1x128x64xf32, #tpu.memory_space<vmem>> -> memref<128x64xf32, #tpu.memory_space<vmem>>
        %get3A_1178 = arith.index_cast %add3A_1167 : i32 to index
        %get3A_1179 = arith.constant 0 : index
        %get3A_1180 = tpu.vector_load %get3A_1177[%get3A_1178, %get3A_1179] {strides = array<i32>} : memref<128x64xf32, #tpu.memory_space<vmem>>, vector<16xf32>,
        %get3A_1181 = arith.constant 0 : i32
        %get3A_1182 = arith.constant 0 : i32
        %get3A_1183 = tpu.memref_slice %arg20[%scan3A_586, %get3A_1181, %get3A_1182] : memref<2x128x64xf32, #tpu.memory_space<vmem>> -> memref<1x128x64xf32, #tpu.memory_space<vmem>>
        %get3A_1184 = tpu.memref_squeeze %get3A_1183 : memref<1x128x64xf32, #tpu.memory_space<vmem>> -> memref<128x64xf32, #tpu.memory_space<vmem>>
        %get3A_1185 = arith.index_cast %add3A_1167 : i32 to index
        %get3A_1186 = arith.constant 0 : index
        %get3A_1187 = tpu.vector_load %get3A_1184[%get3A_1185, %get3A_1186] {strides = array<i32>} : memref<128x64xf32, #tpu.memory_space<vmem>>, vector<16xf32>,
        %get3A_1188 = arith.constant 0 : i32
        %get3A_1189 = arith.constant 0 : i32
        %get3A_1190 = tpu.memref_slice %arg21[%scan3A_587, %get3A_1188, %get3A_1189] : memref<2x128x64xf32, #tpu.memory_space<vmem>> -> memref<1x128x64xf32, #tpu.memory_space<vmem>>
        %get3A_1191 = tpu.memref_squeeze %get3A_1190 : memref<1x128x64xf32, #tpu.memory_space<vmem>> -> memref<128x64xf32, #tpu.memory_space<vmem>>
        %get3A_1192 = arith.index_cast %add3A_1167 : i32 to index
        %get3A_1193 = arith.constant 0 : index
        %get3A_1194 = tpu.vector_load %get3A_1191[%get3A_1192, %get3A_1193] {strides = array<i32>} : memref<128x64xf32, #tpu.memory_space<vmem>>, vector<16xf32>,
        %get3A_1195 = arith.constant 0 : i32
        %get3A_1196 = arith.constant 0 : i32
        %get3A_1197 = tpu.memref_slice %arg22[%scan3A_588, %get3A_1195, %get3A_1196] : memref<2x128x64xf32, #tpu.memory_space<vmem>> -> memref<1x128x64xf32, #tpu.memory_space<vmem>>
        %get3A_1198 = tpu.memref_squeeze %get3A_1197 : memref<1x128x64xf32, #tpu.memory_space<vmem>> -> memref<128x64xf32, #tpu.memory_space<vmem>>
        %get3A_1199 = arith.index_cast %add3A_1167 : i32 to index
        %get3A_1200 = arith.constant 0 : index
        %get3A_1201 = tpu.vector_load %get3A_1198[%get3A_1199, %get3A_1200] {strides = array<i32>} : memref<128x64xf32, #tpu.memory_space<vmem>>, vector<16xf32>,
        %get3A_1202 = arith.constant 0 : i32
        %get3A_1203 = arith.constant 0 : i32
        %get3A_1204 = tpu.memref_slice %arg23[%scan3A_589, %get3A_1202, %get3A_1203] : memref<2x128x64xf32, #tpu.memory_space<vmem>> -> memref<1x128x64xf32, #tpu.memory_space<vmem>>
        %get3A_1205 = tpu.memref_squeeze %get3A_1204 : memref<1x128x64xf32, #tpu.memory_space<vmem>> -> memref<128x64xf32, #tpu.memory_space<vmem>>
        %get3A_1206 = arith.index_cast %add3A_1167 : i32 to index
        %get3A_1207 = arith.constant 0 : index
        %get3A_1208 = tpu.vector_load %get3A_1205[%get3A_1206, %get3A_1207] {strides = array<i32>} : memref<128x64xf32, #tpu.memory_space<vmem>>, vector<16xf32>,
        %sub3A_1209 = arith.subf %get3A_1173, %get3A_1180 : vector<16xf32>
        %add3A_1210 = arith.addf %sub3A_1209, %get3A_1208 : vector<16xf32>
        %sub3A_1211 = arith.subf %get3A_1187, %get3A_1194 : vector<16xf32>
        %add3A_1212 = arith.addf %sub3A_1211, %get3A_1208 : vector<16xf32>
        %mul3A_1213 = arith.mulf %sub3A_1209, %get3A_1201 : vector<16xf32>
        %add3A_1214 = arith.addf %broadcast_in_dim3A_1001, %mul3A_1213 : vector<16xf32>
        %mul3A_1215 = arith.mulf %get3A_1201, %get3A_1208 : vector<16xf32>
        %add3A_1216 = arith.addf %broadcast_in_dim3A_1001, %mul3A_1215 : vector<16xf32>
        %mul3A_1217 = arith.mulf %add3A_1210, %add3A_1210 : vector<16xf32>
        %add3A_1218 = arith.addf %broadcast_in_dim3A_1001, %mul3A_1217 : vector<16xf32>
        %mul3A_1219 = arith.mulf %get3A_1201, %get3A_1201 : vector<16xf32>
        %add3A_1220 = arith.addf %broadcast_in_dim3A_1001, %mul3A_1219 : vector<16xf32>
        %mul3A_1221 = arith.mulf %get3A_1173, %get3A_1173 : vector<16xf32>
        %add3A_1222 = arith.addf %broadcast_in_dim3A_1001, %mul3A_1221 : vector<16xf32>
        %mul3A_1223 = arith.mulf %get3A_1180, %get3A_1180 : vector<16xf32>
        %add3A_1224 = arith.addf %broadcast_in_dim3A_1001, %mul3A_1223 : vector<16xf32>
        %mul3A_1225 = arith.mulf %get3A_1208, %get3A_1208 : vector<16xf32>
        %add3A_1226 = arith.addf %broadcast_in_dim3A_1001, %mul3A_1225 : vector<16xf32>
        %mul3A_1227 = arith.mulf %sub3A_1211, %get3A_1201 : vector<16xf32>
        %add3A_1228 = arith.addf %broadcast_in_dim3A_1001, %mul3A_1227 : vector<16xf32>
        %mul3A_1229 = arith.mulf %add3A_1212, %add3A_1212 : vector<16xf32>
        %add3A_1230 = arith.addf %broadcast_in_dim3A_1001, %mul3A_1229 : vector<16xf32>
        %get3A_1231 = arith.constant 0 : i32
        %get3A_1232 = arith.constant 0 : i32
        %get3A_1233 = tpu.memref_slice %arg18[%scan3A, %get3A_1231, %get3A_1232] : memref<2x128x64xf32, #tpu.memory_space<vmem>> -> memref<1x128x64xf32, #tpu.memory_space<vmem>>
        %get3A_1234 = tpu.memref_squeeze %get3A_1233 : memref<1x128x64xf32, #tpu.memory_space<vmem>> -> memref<128x64xf32, #tpu.memory_space<vmem>>
        %get3A_1235 = arith.index_cast %add3A_1167 : i32 to index
        %get3A_1236 = arith.constant 16 : index
        %get3A_1237 = tpu.vector_load %get3A_1234[%get3A_1235, %get3A_1236] {strides = array<i32>} : memref<128x64xf32, #tpu.memory_space<vmem>>, vector<16xf32>,
        %get3A_1238 = arith.constant 0 : i32
        %get3A_1239 = arith.constant 0 : i32
        %get3A_1240 = tpu.memref_slice %arg19[%scan3A_585, %get3A_1238, %get3A_1239] : memref<2x128x64xf32, #tpu.memory_space<vmem>> -> memref<1x128x64xf32, #tpu.memory_space<vmem>>
        %get3A_1241 = tpu.memref_squeeze %get3A_1240 : memref<1x128x64xf32, #tpu.memory_space<vmem>> -> memref<128x64xf32, #tpu.memory_space<vmem>>
        %get3A_1242 = arith.index_cast %add3A_1167 : i32 to index
        %get3A_1243 = arith.constant 16 : index
        %get3A_1244 = tpu.vector_load %get3A_1241[%get3A_1242, %get3A_1243] {strides = array<i32>} : memref<128x64xf32, #tpu.memory_space<vmem>>, vector<16xf32>,
        %get3A_1245 = arith.constant 0 : i32
        %get3A_1246 = arith.constant 0 : i32
        %get3A_1247 = tpu.memref_slice %arg20[%scan3A_586, %get3A_1245, %get3A_1246] : memref<2x128x64xf32, #tpu.memory_space<vmem>> -> memref<1x128x64xf32, #tpu.memory_space<vmem>>
        %get3A_1248 = tpu.memref_squeeze %get3A_1247 : memref<1x128x64xf32, #tpu.memory_space<vmem>> -> memref<128x64xf32, #tpu.memory_space<vmem>>
        %get3A_1249 = arith.index_cast %add3A_1167 : i32 to index
        %get3A_1250 = arith.constant 16 : index
        %get3A_1251 = tpu.vector_load %get3A_1248[%get3A_1249, %get3A_1250] {strides = array<i32>} : memref<128x64xf32, #tpu.memory_space<vmem>>, vector<16xf32>,
        %get3A_1252 = arith.constant 0 : i32
        %get3A_1253 = arith.constant 0 : i32
        %get3A_1254 = tpu.memref_slice %arg21[%scan3A_587, %get3A_1252, %get3A_1253] : memref<2x128x64xf32, #tpu.memory_space<vmem>> -> memref<1x128x64xf32, #tpu.memory_space<vmem>>
        %get3A_1255 = tpu.memref_squeeze %get3A_1254 : memref<1x128x64xf32, #tpu.memory_space<vmem>> -> memref<128x64xf32, #tpu.memory_space<vmem>>
        %get3A_1256 = arith.index_cast %add3A_1167 : i32 to index
        %get3A_1257 = arith.constant 16 : index
        %get3A_1258 = tpu.vector_load %get3A_1255[%get3A_1256, %get3A_1257] {strides = array<i32>} : memref<128x64xf32, #tpu.memory_space<vmem>>, vector<16xf32>,
        %get3A_1259 = arith.constant 0 : i32
        %get3A_1260 = arith.constant 0 : i32
        %get3A_1261 = tpu.memref_slice %arg22[%scan3A_588, %get3A_1259, %get3A_1260] : memref<2x128x64xf32, #tpu.memory_space<vmem>> -> memref<1x128x64xf32, #tpu.memory_space<vmem>>
        %get3A_1262 = tpu.memref_squeeze %get3A_1261 : memref<1x128x64xf32, #tpu.memory_space<vmem>> -> memref<128x64xf32, #tpu.memory_space<vmem>>
        %get3A_1263 = arith.index_cast %add3A_1167 : i32 to index
        %get3A_1264 = arith.constant 16 : index
        %get3A_1265 = tpu.vector_load %get3A_1262[%get3A_1263, %get3A_1264] {strides = array<i32>} : memref<128x64xf32, #tpu.memory_space<vmem>>, vector<16xf32>,
        %get3A_1266 = arith.constant 0 : i32
        %get3A_1267 = arith.constant 0 : i32
        %get3A_1268 = tpu.memref_slice %arg23[%scan3A_589, %get3A_1266, %get3A_1267] : memref<2x128x64xf32, #tpu.memory_space<vmem>> -> memref<1x128x64xf32, #tpu.memory_space<vmem>>
        %get3A_1269 = tpu.memref_squeeze %get3A_1268 : memref<1x128x64xf32, #tpu.memory_space<vmem>> -> memref<128x64xf32, #tpu.memory_space<vmem>>
        %get3A_1270 = arith.index_cast %add3A_1167 : i32 to index
        %get3A_1271 = arith.constant 16 : index
        %get3A_1272 = tpu.vector_load %get3A_1269[%get3A_1270, %get3A_1271] {strides = array<i32>} : memref<128x64xf32, #tpu.memory_space<vmem>>, vector<16xf32>,
        %sub3A_1273 = arith.subf %get3A_1237, %get3A_1244 : vector<16xf32>
        %add3A_1274 = arith.addf %sub3A_1273, %get3A_1272 : vector<16xf32>
        %sub3A_1275 = arith.subf %get3A_1251, %get3A_1258 : vector<16xf32>
        %add3A_1276 = arith.addf %sub3A_1275, %get3A_1272 : vector<16xf32>
        %mul3A_1277 = arith.mulf %sub3A_1273, %get3A_1265 : vector<16xf32>
        %add3A_1278 = arith.addf %add3A_1214, %mul3A_1277 : vector<16xf32>
        %mul3A_1279 = arith.mulf %get3A_1265, %get3A_1272 : vector<16xf32>
        %add3A_1280 = arith.addf %add3A_1216, %mul3A_1279 : vector<16xf32>
        %mul3A_1281 = arith.mulf %add3A_1274, %add3A_1274 : vector<16xf32>
        %add3A_1282 = arith.addf %add3A_1218, %mul3A_1281 : vector<16xf32>
        %mul3A_1283 = arith.mulf %get3A_1265, %get3A_1265 : vector<16xf32>
        %add3A_1284 = arith.addf %add3A_1220, %mul3A_1283 : vector<16xf32>
        %mul3A_1285 = arith.mulf %get3A_1237, %get3A_1237 : vector<16xf32>
        %add3A_1286 = arith.addf %add3A_1222, %mul3A_1285 : vector<16xf32>
        %mul3A_1287 = arith.mulf %get3A_1244, %get3A_1244 : vector<16xf32>
        %add3A_1288 = arith.addf %add3A_1224, %mul3A_1287 : vector<16xf32>
        %mul3A_1289 = arith.mulf %get3A_1272, %get3A_1272 : vector<16xf32>
        %add3A_1290 = arith.addf %add3A_1226, %mul3A_1289 : vector<16xf32>
        %mul3A_1291 = arith.mulf %sub3A_1275, %get3A_1265 : vector<16xf32>
        %add3A_1292 = arith.addf %add3A_1228, %mul3A_1291 : vector<16xf32>
        %mul3A_1293 = arith.mulf %add3A_1276, %add3A_1276 : vector<16xf32>
        %add3A_1294 = arith.addf %add3A_1230, %mul3A_1293 : vector<16xf32>
        %get3A_1295 = arith.constant 0 : i32
        %get3A_1296 = arith.constant 0 : i32
        %get3A_1297 = tpu.memref_slice %arg18[%scan3A, %get3A_1295, %get3A_1296] : memref<2x128x64xf32, #tpu.memory_space<vmem>> -> memref<1x128x64xf32, #tpu.memory_space<vmem>>
        %get3A_1298 = tpu.memref_squeeze %get3A_1297 : memref<1x128x64xf32, #tpu.memory_space<vmem>> -> memref<128x64xf32, #tpu.memory_space<vmem>>
        %get3A_1299 = arith.index_cast %add3A_1167 : i32 to index
        %get3A_1300 = arith.constant 32 : index
        %get3A_1301 = tpu.vector_load %get3A_1298[%get3A_1299, %get3A_1300] {strides = array<i32>} : memref<128x64xf32, #tpu.memory_space<vmem>>, vector<16xf32>,
        %get3A_1302 = arith.constant 0 : i32
        %get3A_1303 = arith.constant 0 : i32
        %get3A_1304 = tpu.memref_slice %arg19[%scan3A_585, %get3A_1302, %get3A_1303] : memref<2x128x64xf32, #tpu.memory_space<vmem>> -> memref<1x128x64xf32, #tpu.memory_space<vmem>>
        %get3A_1305 = tpu.memref_squeeze %get3A_1304 : memref<1x128x64xf32, #tpu.memory_space<vmem>> -> memref<128x64xf32, #tpu.memory_space<vmem>>
        %get3A_1306 = arith.index_cast %add3A_1167 : i32 to index
        %get3A_1307 = arith.constant 32 : index
        %get3A_1308 = tpu.vector_load %get3A_1305[%get3A_1306, %get3A_1307] {strides = array<i32>} : memref<128x64xf32, #tpu.memory_space<vmem>>, vector<16xf32>,
        %get3A_1309 = arith.constant 0 : i32
        %get3A_1310 = arith.constant 0 : i32
        %get3A_1311 = tpu.memref_slice %arg20[%scan3A_586, %get3A_1309, %get3A_1310] : memref<2x128x64xf32, #tpu.memory_space<vmem>> -> memref<1x128x64xf32, #tpu.memory_space<vmem>>
        %get3A_1312 = tpu.memref_squeeze %get3A_1311 : memref<1x128x64xf32, #tpu.memory_space<vmem>> -> memref<128x64xf32, #tpu.memory_space<vmem>>
        %get3A_1313 = arith.index_cast %add3A_1167 : i32 to index
        %get3A_1314 = arith.constant 32 : index
        %get3A_1315 = tpu.vector_load %get3A_1312[%get3A_1313, %get3A_1314] {strides = array<i32>} : memref<128x64xf32, #tpu.memory_space<vmem>>, vector<16xf32>,
        %get3A_1316 = arith.constant 0 : i32
        %get3A_1317 = arith.constant 0 : i32
        %get3A_1318 = tpu.memref_slice %arg21[%scan3A_587, %get3A_1316, %get3A_1317] : memref<2x128x64xf32, #tpu.memory_space<vmem>> -> memref<1x128x64xf32, #tpu.memory_space<vmem>>
        %get3A_1319 = tpu.memref_squeeze %get3A_1318 : memref<1x128x64xf32, #tpu.memory_space<vmem>> -> memref<128x64xf32, #tpu.memory_space<vmem>>
        %get3A_1320 = arith.index_cast %add3A_1167 : i32 to index
        %get3A_1321 = arith.constant 32 : index
        %get3A_1322 = tpu.vector_load %get3A_1319[%get3A_1320, %get3A_1321] {strides = array<i32>} : memref<128x64xf32, #tpu.memory_space<vmem>>, vector<16xf32>,
        %get3A_1323 = arith.constant 0 : i32
        %get3A_1324 = arith.constant 0 : i32
        %get3A_1325 = tpu.memref_slice %arg22[%scan3A_588, %get3A_1323, %get3A_1324] : memref<2x128x64xf32, #tpu.memory_space<vmem>> -> memref<1x128x64xf32, #tpu.memory_space<vmem>>
        %get3A_1326 = tpu.memref_squeeze %get3A_1325 : memref<1x128x64xf32, #tpu.memory_space<vmem>> -> memref<128x64xf32, #tpu.memory_space<vmem>>
        %get3A_1327 = arith.index_cast %add3A_1167 : i32 to index
        %get3A_1328 = arith.constant 32 : index
        %get3A_1329 = tpu.vector_load %get3A_1326[%get3A_1327, %get3A_1328] {strides = array<i32>} : memref<128x64xf32, #tpu.memory_space<vmem>>, vector<16xf32>,
        %get3A_1330 = arith.constant 0 : i32
        %get3A_1331 = arith.constant 0 : i32
        %get3A_1332 = tpu.memref_slice %arg23[%scan3A_589, %get3A_1330, %get3A_1331] : memref<2x128x64xf32, #tpu.memory_space<vmem>> -> memref<1x128x64xf32, #tpu.memory_space<vmem>>
        %get3A_1333 = tpu.memref_squeeze %get3A_1332 : memref<1x128x64xf32, #tpu.memory_space<vmem>> -> memref<128x64xf32, #tpu.memory_space<vmem>>
        %get3A_1334 = arith.index_cast %add3A_1167 : i32 to index
        %get3A_1335 = arith.constant 32 : index
        %get3A_1336 = tpu.vector_load %get3A_1333[%get3A_1334, %get3A_1335] {strides = array<i32>} : memref<128x64xf32, #tpu.memory_space<vmem>>, vector<16xf32>,
        %sub3A_1337 = arith.subf %get3A_1301, %get3A_1308 : vector<16xf32>
        %add3A_1338 = arith.addf %sub3A_1337, %get3A_1336 : vector<16xf32>
        %sub3A_1339 = arith.subf %get3A_1315, %get3A_1322 : vector<16xf32>
        %add3A_1340 = arith.addf %sub3A_1339, %get3A_1336 : vector<16xf32>
        %mul3A_1341 = arith.mulf %sub3A_1337, %get3A_1329 : vector<16xf32>
        %add3A_1342 = arith.addf %add3A_1278, %mul3A_1341 : vector<16xf32>
        %mul3A_1343 = arith.mulf %get3A_1329, %get3A_1336 : vector<16xf32>
        %add3A_1344 = arith.addf %add3A_1280, %mul3A_1343 : vector<16xf32>
        %mul3A_1345 = arith.mulf %add3A_1338, %add3A_1338 : vector<16xf32>
        %add3A_1346 = arith.addf %add3A_1282, %mul3A_1345 : vector<16xf32>
        %mul3A_1347 = arith.mulf %get3A_1329, %get3A_1329 : vector<16xf32>
        %add3A_1348 = arith.addf %add3A_1284, %mul3A_1347 : vector<16xf32>
        %mul3A_1349 = arith.mulf %get3A_1301, %get3A_1301 : vector<16xf32>
        %add3A_1350 = arith.addf %add3A_1286, %mul3A_1349 : vector<16xf32>
        %mul3A_1351 = arith.mulf %get3A_1308, %get3A_1308 : vector<16xf32>
        %add3A_1352 = arith.addf %add3A_1288, %mul3A_1351 : vector<16xf32>
        %mul3A_1353 = arith.mulf %get3A_1336, %get3A_1336 : vector<16xf32>
        %add3A_1354 = arith.addf %add3A_1290, %mul3A_1353 : vector<16xf32>
        %mul3A_1355 = arith.mulf %sub3A_1339, %get3A_1329 : vector<16xf32>
        %add3A_1356 = arith.addf %add3A_1292, %mul3A_1355 : vector<16xf32>
        %mul3A_1357 = arith.mulf %add3A_1340, %add3A_1340 : vector<16xf32>
        %add3A_1358 = arith.addf %add3A_1294, %mul3A_1357 : vector<16xf32>
        %get3A_1359 = arith.constant 0 : i32
        %get3A_1360 = arith.constant 0 : i32
        %get3A_1361 = tpu.memref_slice %arg18[%scan3A, %get3A_1359, %get3A_1360] : memref<2x128x64xf32, #tpu.memory_space<vmem>> -> memref<1x128x64xf32, #tpu.memory_space<vmem>>
        %get3A_1362 = tpu.memref_squeeze %get3A_1361 : memref<1x128x64xf32, #tpu.memory_space<vmem>> -> memref<128x64xf32, #tpu.memory_space<vmem>>
        %get3A_1363 = arith.index_cast %add3A_1167 : i32 to index
        %get3A_1364 = arith.constant 48 : index
        %get3A_1365 = tpu.vector_load %get3A_1362[%get3A_1363, %get3A_1364] {strides = array<i32>} : memref<128x64xf32, #tpu.memory_space<vmem>>, vector<16xf32>,
        %get3A_1366 = arith.constant 0 : i32
        %get3A_1367 = arith.constant 0 : i32
        %get3A_1368 = tpu.memref_slice %arg19[%scan3A_585, %get3A_1366, %get3A_1367] : memref<2x128x64xf32, #tpu.memory_space<vmem>> -> memref<1x128x64xf32, #tpu.memory_space<vmem>>
        %get3A_1369 = tpu.memref_squeeze %get3A_1368 : memref<1x128x64xf32, #tpu.memory_space<vmem>> -> memref<128x64xf32, #tpu.memory_space<vmem>>
        %get3A_1370 = arith.index_cast %add3A_1167 : i32 to index
        %get3A_1371 = arith.constant 48 : index
        %get3A_1372 = tpu.vector_load %get3A_1369[%get3A_1370, %get3A_1371] {strides = array<i32>} : memref<128x64xf32, #tpu.memory_space<vmem>>, vector<16xf32>,
        %get3A_1373 = arith.constant 0 : i32
        %get3A_1374 = arith.constant 0 : i32
        %get3A_1375 = tpu.memref_slice %arg20[%scan3A_586, %get3A_1373, %get3A_1374] : memref<2x128x64xf32, #tpu.memory_space<vmem>> -> memref<1x128x64xf32, #tpu.memory_space<vmem>>
        %get3A_1376 = tpu.memref_squeeze %get3A_1375 : memref<1x128x64xf32, #tpu.memory_space<vmem>> -> memref<128x64xf32, #tpu.memory_space<vmem>>
        %get3A_1377 = arith.index_cast %add3A_1167 : i32 to index
        %get3A_1378 = arith.constant 48 : index
        %get3A_1379 = tpu.vector_load %get3A_1376[%get3A_1377, %get3A_1378] {strides = array<i32>} : memref<128x64xf32, #tpu.memory_space<vmem>>, vector<16xf32>,
        %get3A_1380 = arith.constant 0 : i32
        %get3A_1381 = arith.constant 0 : i32
        %get3A_1382 = tpu.memref_slice %arg21[%scan3A_587, %get3A_1380, %get3A_1381] : memref<2x128x64xf32, #tpu.memory_space<vmem>> -> memref<1x128x64xf32, #tpu.memory_space<vmem>>
        %get3A_1383 = tpu.memref_squeeze %get3A_1382 : memref<1x128x64xf32, #tpu.memory_space<vmem>> -> memref<128x64xf32, #tpu.memory_space<vmem>>
        %get3A_1384 = arith.index_cast %add3A_1167 : i32 to index
        %get3A_1385 = arith.constant 48 : index
        %get3A_1386 = tpu.vector_load %get3A_1383[%get3A_1384, %get3A_1385] {strides = array<i32>} : memref<128x64xf32, #tpu.memory_space<vmem>>, vector<16xf32>,
        %get3A_1387 = arith.constant 0 : i32
        %get3A_1388 = arith.constant 0 : i32
        %get3A_1389 = tpu.memref_slice %arg22[%scan3A_588, %get3A_1387, %get3A_1388] : memref<2x128x64xf32, #tpu.memory_space<vmem>> -> memref<1x128x64xf32, #tpu.memory_space<vmem>>
        %get3A_1390 = tpu.memref_squeeze %get3A_1389 : memref<1x128x64xf32, #tpu.memory_space<vmem>> -> memref<128x64xf32, #tpu.memory_space<vmem>>
        %get3A_1391 = arith.index_cast %add3A_1167 : i32 to index
        %get3A_1392 = arith.constant 48 : index
        %get3A_1393 = tpu.vector_load %get3A_1390[%get3A_1391, %get3A_1392] {strides = array<i32>} : memref<128x64xf32, #tpu.memory_space<vmem>>, vector<16xf32>,
        %get3A_1394 = arith.constant 0 : i32
        %get3A_1395 = arith.constant 0 : i32
        %get3A_1396 = tpu.memref_slice %arg23[%scan3A_589, %get3A_1394, %get3A_1395] : memref<2x128x64xf32, #tpu.memory_space<vmem>> -> memref<1x128x64xf32, #tpu.memory_space<vmem>>
        %get3A_1397 = tpu.memref_squeeze %get3A_1396 : memref<1x128x64xf32, #tpu.memory_space<vmem>> -> memref<128x64xf32, #tpu.memory_space<vmem>>
        %get3A_1398 = arith.index_cast %add3A_1167 : i32 to index
        %get3A_1399 = arith.constant 48 : index
        %get3A_1400 = tpu.vector_load %get3A_1397[%get3A_1398, %get3A_1399] {strides = array<i32>} : memref<128x64xf32, #tpu.memory_space<vmem>>, vector<16xf32>,
        %sub3A_1401 = arith.subf %get3A_1365, %get3A_1372 : vector<16xf32>
        %add3A_1402 = arith.addf %sub3A_1401, %get3A_1400 : vector<16xf32>
        %sub3A_1403 = arith.subf %get3A_1379, %get3A_1386 : vector<16xf32>
        %add3A_1404 = arith.addf %sub3A_1403, %get3A_1400 : vector<16xf32>
        %mul3A_1405 = arith.mulf %sub3A_1401, %get3A_1393 : vector<16xf32>
        %add3A_1406 = arith.addf %add3A_1342, %mul3A_1405 : vector<16xf32>
        %mul3A_1407 = arith.mulf %get3A_1393, %get3A_1400 : vector<16xf32>
        %add3A_1408 = arith.addf %add3A_1344, %mul3A_1407 : vector<16xf32>
        %mul3A_1409 = arith.mulf %add3A_1402, %add3A_1402 : vector<16xf32>
        %add3A_1410 = arith.addf %add3A_1346, %mul3A_1409 : vector<16xf32>
        %mul3A_1411 = arith.mulf %get3A_1393, %get3A_1393 : vector<16xf32>
        %add3A_1412 = arith.addf %add3A_1348, %mul3A_1411 : vector<16xf32>
        %mul3A_1413 = arith.mulf %get3A_1365, %get3A_1365 : vector<16xf32>
        %add3A_1414 = arith.addf %add3A_1350, %mul3A_1413 : vector<16xf32>
        %mul3A_1415 = arith.mulf %get3A_1372, %get3A_1372 : vector<16xf32>
        %add3A_1416 = arith.addf %add3A_1352, %mul3A_1415 : vector<16xf32>
        %mul3A_1417 = arith.mulf %get3A_1400, %get3A_1400 : vector<16xf32>
        %add3A_1418 = arith.addf %add3A_1354, %mul3A_1417 : vector<16xf32>
        %mul3A_1419 = arith.mulf %sub3A_1403, %get3A_1393 : vector<16xf32>
        %add3A_1420 = arith.addf %add3A_1356, %mul3A_1419 : vector<16xf32>
        %mul3A_1421 = arith.mulf %add3A_1404, %add3A_1404 : vector<16xf32>
        %add3A_1422 = arith.addf %add3A_1358, %mul3A_1421 : vector<16xf32>
        %eq3A = vector.broadcast %scan3A_1155 : i32 to vector<16xi32>
        %eq3A_1423 = arith.cmpi eq, %iota3A, %eq3A : vector<16xi32>
        %broadcast_in_dim3A_1424 = arith.constant true
        %broadcast_in_dim3A_1425 = vector.broadcast %broadcast_in_dim3A_1424 : i1 to vector<16xi1>
        %masked_cumsum3A = tpu.scan <sum>, %add3A_1406 masked %broadcast_in_dim3A_1425 : vector<16xf32>, vector<16xi1> -> vector<16xf32>
        %slice3A = vector.extract_strided_slice %masked_cumsum3A {offsets = [15], sizes = [1], strides = [1]} : vector<16xf32> to vector<1xf32>
        %squeeze3A = vector.extract %slice3A[0] : f32 from vector<1xf32>
        %broadcast_in_dim3A_1426 = vector.broadcast %squeeze3A : f32 to vector<16xf32>
        %select_n3A_1427 = arith.select %eq3A_1423, %broadcast_in_dim3A_1426, %scan3A_1156 : vector<16xi1>, vector<16xf32>
        %broadcast_in_dim3A_1428 = arith.constant true
        %broadcast_in_dim3A_1429 = vector.broadcast %broadcast_in_dim3A_1428 : i1 to vector<16xi1>
        %masked_cumsum3A_1430 = tpu.scan <sum>, %add3A_1408 masked %broadcast_in_dim3A_1429 : vector<16xf32>, vector<16xi1> -> vector<16xf32>
        %slice3A_1431 = vector.extract_strided_slice %masked_cumsum3A_1430 {offsets = [15], sizes = [1], strides = [1]} : vector<16xf32> to vector<1xf32>
        %squeeze3A_1432 = vector.extract %slice3A_1431[0] : f32 from vector<1xf32>
        %broadcast_in_dim3A_1433 = vector.broadcast %squeeze3A_1432 : f32 to vector<16xf32>
        %select_n3A_1434 = arith.select %eq3A_1423, %broadcast_in_dim3A_1433, %scan3A_1157 : vector<16xi1>, vector<16xf32>
        %broadcast_in_dim3A_1435 = arith.constant true
        %broadcast_in_dim3A_1436 = vector.broadcast %broadcast_in_dim3A_1435 : i1 to vector<16xi1>
        %masked_cumsum3A_1437 = tpu.scan <sum>, %add3A_1410 masked %broadcast_in_dim3A_1436 : vector<16xf32>, vector<16xi1> -> vector<16xf32>
        %slice3A_1438 = vector.extract_strided_slice %masked_cumsum3A_1437 {offsets = [15], sizes = [1], strides = [1]} : vector<16xf32> to vector<1xf32>
        %squeeze3A_1439 = vector.extract %slice3A_1438[0] : f32 from vector<1xf32>
        %broadcast_in_dim3A_1440 = vector.broadcast %squeeze3A_1439 : f32 to vector<16xf32>
        %select_n3A_1441 = arith.select %eq3A_1423, %broadcast_in_dim3A_1440, %scan3A_1158 : vector<16xi1>, vector<16xf32>
        %broadcast_in_dim3A_1442 = arith.constant true
        %broadcast_in_dim3A_1443 = vector.broadcast %broadcast_in_dim3A_1442 : i1 to vector<16xi1>
        %masked_cumsum3A_1444 = tpu.scan <sum>, %add3A_1412 masked %broadcast_in_dim3A_1443 : vector<16xf32>, vector<16xi1> -> vector<16xf32>
        %slice3A_1445 = vector.extract_strided_slice %masked_cumsum3A_1444 {offsets = [15], sizes = [1], strides = [1]} : vector<16xf32> to vector<1xf32>
        %squeeze3A_1446 = vector.extract %slice3A_1445[0] : f32 from vector<1xf32>
        %broadcast_in_dim3A_1447 = vector.broadcast %squeeze3A_1446 : f32 to vector<16xf32>
        %select_n3A_1448 = arith.select %eq3A_1423, %broadcast_in_dim3A_1447, %scan3A_1159 : vector<16xi1>, vector<16xf32>
        %broadcast_in_dim3A_1449 = arith.constant true
        %broadcast_in_dim3A_1450 = vector.broadcast %broadcast_in_dim3A_1449 : i1 to vector<16xi1>
        %masked_cumsum3A_1451 = tpu.scan <sum>, %add3A_1414 masked %broadcast_in_dim3A_1450 : vector<16xf32>, vector<16xi1> -> vector<16xf32>
        %slice3A_1452 = vector.extract_strided_slice %masked_cumsum3A_1451 {offsets = [15], sizes = [1], strides = [1]} : vector<16xf32> to vector<1xf32>
        %squeeze3A_1453 = vector.extract %slice3A_1452[0] : f32 from vector<1xf32>
        %broadcast_in_dim3A_1454 = vector.broadcast %squeeze3A_1453 : f32 to vector<16xf32>
        %select_n3A_1455 = arith.select %eq3A_1423, %broadcast_in_dim3A_1454, %scan3A_1160 : vector<16xi1>, vector<16xf32>
        %broadcast_in_dim3A_1456 = arith.constant true
        %broadcast_in_dim3A_1457 = vector.broadcast %broadcast_in_dim3A_1456 : i1 to vector<16xi1>
        %masked_cumsum3A_1458 = tpu.scan <sum>, %add3A_1416 masked %broadcast_in_dim3A_1457 : vector<16xf32>, vector<16xi1> -> vector<16xf32>
        %slice3A_1459 = vector.extract_strided_slice %masked_cumsum3A_1458 {offsets = [15], sizes = [1], strides = [1]} : vector<16xf32> to vector<1xf32>
        %squeeze3A_1460 = vector.extract %slice3A_1459[0] : f32 from vector<1xf32>
        %broadcast_in_dim3A_1461 = vector.broadcast %squeeze3A_1460 : f32 to vector<16xf32>
        %select_n3A_1462 = arith.select %eq3A_1423, %broadcast_in_dim3A_1461, %scan3A_1161 : vector<16xi1>, vector<16xf32>
        %broadcast_in_dim3A_1463 = arith.constant true
        %broadcast_in_dim3A_1464 = vector.broadcast %broadcast_in_dim3A_1463 : i1 to vector<16xi1>
        %masked_cumsum3A_1465 = tpu.scan <sum>, %add3A_1418 masked %broadcast_in_dim3A_1464 : vector<16xf32>, vector<16xi1> -> vector<16xf32>
        %slice3A_1466 = vector.extract_strided_slice %masked_cumsum3A_1465 {offsets = [15], sizes = [1], strides = [1]} : vector<16xf32> to vector<1xf32>
        %squeeze3A_1467 = vector.extract %slice3A_1466[0] : f32 from vector<1xf32>
        %broadcast_in_dim3A_1468 = vector.broadcast %squeeze3A_1467 : f32 to vector<16xf32>
        %select_n3A_1469 = arith.select %eq3A_1423, %broadcast_in_dim3A_1468, %scan3A_1162 : vector<16xi1>, vector<16xf32>
        %broadcast_in_dim3A_1470 = arith.constant true
        %broadcast_in_dim3A_1471 = vector.broadcast %broadcast_in_dim3A_1470 : i1 to vector<16xi1>
        %masked_cumsum3A_1472 = tpu.scan <sum>, %add3A_1420 masked %broadcast_in_dim3A_1471 : vector<16xf32>, vector<16xi1> -> vector<16xf32>
        %slice3A_1473 = vector.extract_strided_slice %masked_cumsum3A_1472 {offsets = [15], sizes = [1], strides = [1]} : vector<16xf32> to vector<1xf32>
        %squeeze3A_1474 = vector.extract %slice3A_1473[0] : f32 from vector<1xf32>
        %broadcast_in_dim3A_1475 = vector.broadcast %squeeze3A_1474 : f32 to vector<16xf32>
        %select_n3A_1476 = arith.select %eq3A_1423, %broadcast_in_dim3A_1475, %scan3A_1163 : vector<16xi1>, vector<16xf32>
        %broadcast_in_dim3A_1477 = arith.constant true
        %broadcast_in_dim3A_1478 = vector.broadcast %broadcast_in_dim3A_1477 : i1 to vector<16xi1>
        %masked_cumsum3A_1479 = tpu.scan <sum>, %add3A_1422 masked %broadcast_in_dim3A_1478 : vector<16xf32>, vector<16xi1> -> vector<16xf32>
        %slice3A_1480 = vector.extract_strided_slice %masked_cumsum3A_1479 {offsets = [15], sizes = [1], strides = [1]} : vector<16xf32> to vector<1xf32>
        %squeeze3A_1481 = vector.extract %slice3A_1480[0] : f32 from vector<1xf32>
        %broadcast_in_dim3A_1482 = vector.broadcast %squeeze3A_1481 : f32 to vector<16xf32>
        %select_n3A_1483 = arith.select %eq3A_1423, %broadcast_in_dim3A_1482, %scan3A_1164 : vector<16xi1>, vector<16xf32>
        scf.yield %select_n3A_1427, %select_n3A_1434, %select_n3A_1441, %select_n3A_1448, %select_n3A_1455, %select_n3A_1462, %select_n3A_1469, %select_n3A_1476, %select_n3A_1483 : vector<16xf32>, vector<16xf32>, vector<16xf32>, vector<16xf32>, vector<16xf32>, vector<16xf32>, vector<16xf32>, vector<16xf32>, vector<16xf32>
      }
      %scan3A_1007 = arith.constant 16 : i32
      %mul3A_1008 = arith.mulf %scan3A_1006#0, %scan3A_1006#3 : vector<16xf32>
      %add3A_1009 = arith.addf %scan3A_1006#0, %scan3A_1006#1 : vector<16xf32>
      %mul3A_1010 = arith.constant 2.000000e+00 : f32
      %mul3A_1011 = vector.broadcast %mul3A_1010 : f32 to vector<16xf32>
      %mul3A_1012 = arith.mulf %mul3A_1011, %add3A_1009 : vector<16xf32>
      %sub3A = arith.subf %mul3A_1008, %mul3A_1012 : vector<16xf32>
      %mul3A_1013 = arith.mulf %scan3A_1006#0, %sub3A : vector<16xf32>
      %add3A_1014 = arith.addf %scan3A_1006#2, %mul3A_1013 : vector<16xf32>
      %mul3A_1015 = arith.mulf %scan3A_1006#7, %scan3A_1006#3 : vector<16xf32>
      %add3A_1016 = arith.addf %scan3A_1006#7, %scan3A_1006#1 : vector<16xf32>
      %mul3A_1017 = arith.constant 2.000000e+00 : f32
      %mul3A_1018 = vector.broadcast %mul3A_1017 : f32 to vector<16xf32>
      %mul3A_1019 = arith.mulf %mul3A_1018, %add3A_1016 : vector<16xf32>
      %sub3A_1020 = arith.subf %mul3A_1015, %mul3A_1019 : vector<16xf32>
      %mul3A_1021 = arith.mulf %scan3A_1006#7, %sub3A_1020 : vector<16xf32>
      %add3A_1022 = arith.addf %scan3A_1006#8, %mul3A_1021 : vector<16xf32>
      %max3A = arith.constant 0.000000e+00 : f32
      %max3A_1023 = vector.broadcast %max3A : f32 to vector<16xf32>
      %max3A_1024 = arith.maximumf %add3A_1014, %max3A_1023 : vector<16xf32>
      %bitcast_convert_type3A = tpu.bitcast %max3A_1024 : vector<16xf32> -> vector<16xi32>
      %shift_right_arithmetic3A = arith.constant 1 : i32
      %shift_right_arithmetic3A_1025 = vector.broadcast %shift_right_arithmetic3A : i32 to vector<16xi32>
      %shift_right_arithmetic3A_1026 = arith.shrsi %bitcast_convert_type3A, %shift_right_arithmetic3A_1025 : vector<16xi32>
      %sub3A_1027 = arith.constant 1597463007 : i32
      %sub3A_1028 = vector.broadcast %sub3A_1027 : i32 to vector<16xi32>
      %sub3A_1029 = arith.subi %sub3A_1028, %shift_right_arithmetic3A_1026 : vector<16xi32>
      %bitcast_convert_type3A_1030 = tpu.bitcast %sub3A_1029 : vector<16xi32> -> vector<16xf32>
      %mul3A_1031 = arith.constant 5.000000e-01 : f32
      %mul3A_1032 = vector.broadcast %mul3A_1031 : f32 to vector<16xf32>
      %mul3A_1033 = arith.mulf %mul3A_1032, %max3A_1024 : vector<16xf32>
      %mul3A_1034 = arith.mulf %mul3A_1033, %bitcast_convert_type3A_1030 : vector<16xf32>
      %mul3A_1035 = arith.mulf %mul3A_1034, %bitcast_convert_type3A_1030 : vector<16xf32>
      %sub3A_1036 = arith.constant 1.500000e+00 : f32
      %sub3A_1037 = vector.broadcast %sub3A_1036 : f32 to vector<16xf32>
      %sub3A_1038 = arith.subf %sub3A_1037, %mul3A_1035 : vector<16xf32>
      %mul3A_1039 = arith.mulf %bitcast_convert_type3A_1030, %sub3A_1038 : vector<16xf32>
      %mul3A_1040 = arith.constant 5.000000e-01 : f32
      %mul3A_1041 = vector.broadcast %mul3A_1040 : f32 to vector<16xf32>
      %mul3A_1042 = arith.mulf %mul3A_1041, %max3A_1024 : vector<16xf32>
      %mul3A_1043 = arith.mulf %mul3A_1042, %mul3A_1039 : vector<16xf32>
      %mul3A_1044 = arith.mulf %mul3A_1043, %mul3A_1039 : vector<16xf32>
      %sub3A_1045 = arith.constant 1.500000e+00 : f32
      %sub3A_1046 = vector.broadcast %sub3A_1045 : f32 to vector<16xf32>
      %sub3A_1047 = arith.subf %sub3A_1046, %mul3A_1044 : vector<16xf32>
      %mul3A_1048 = arith.mulf %mul3A_1039, %sub3A_1047 : vector<16xf32>
      %mul3A_1049 = arith.constant 5.000000e-01 : f32
      %mul3A_1050 = vector.broadcast %mul3A_1049 : f32 to vector<16xf32>
      %mul3A_1051 = arith.mulf %mul3A_1050, %max3A_1024 : vector<16xf32>
      %mul3A_1052 = arith.mulf %mul3A_1051, %mul3A_1048 : vector<16xf32>
      %mul3A_1053 = arith.mulf %mul3A_1052, %mul3A_1048 : vector<16xf32>
      %sub3A_1054 = arith.constant 1.500000e+00 : f32
      %sub3A_1055 = vector.broadcast %sub3A_1054 : f32 to vector<16xf32>
      %sub3A_1056 = arith.subf %sub3A_1055, %mul3A_1053 : vector<16xf32>
      %mul3A_1057 = arith.mulf %mul3A_1048, %sub3A_1056 : vector<16xf32>
      %gt3A = arith.constant 0.000000e+00 : f32
      %gt3A_1058 = vector.broadcast %gt3A : f32 to vector<16xf32>
      %gt3A_1059 = arith.cmpf ogt, %max3A_1024, %gt3A_1058 : vector<16xf32>
      %mul3A_1060 = arith.mulf %max3A_1024, %mul3A_1057 : vector<16xf32>
      %jit3A = arith.constant 0.000000e+00 : f32
      %broadcast_in_dim3A_1061 = vector.broadcast %jit3A : f32 to vector<16xf32>
      %select_n3A = arith.select %gt3A_1059, %mul3A_1060, %broadcast_in_dim3A_1061 : vector<16xi1>, vector<16xf32>
      %max3A_1062 = arith.constant 0.000000e+00 : f32
      %max3A_1063 = vector.broadcast %max3A_1062 : f32 to vector<16xf32>
      %max3A_1064 = arith.maximumf %add3A_1022, %max3A_1063 : vector<16xf32>
      %bitcast_convert_type3A_1065 = tpu.bitcast %max3A_1064 : vector<16xf32> -> vector<16xi32>
      %shift_right_arithmetic3A_1066 = arith.constant 1 : i32
      %shift_right_arithmetic3A_1067 = vector.broadcast %shift_right_arithmetic3A_1066 : i32 to vector<16xi32>
      %shift_right_arithmetic3A_1068 = arith.shrsi %bitcast_convert_type3A_1065, %shift_right_arithmetic3A_1067 : vector<16xi32>
      %sub3A_1069 = arith.constant 1597463007 : i32
      %sub3A_1070 = vector.broadcast %sub3A_1069 : i32 to vector<16xi32>
      %sub3A_1071 = arith.subi %sub3A_1070, %shift_right_arithmetic3A_1068 : vector<16xi32>
      %bitcast_convert_type3A_1072 = tpu.bitcast %sub3A_1071 : vector<16xi32> -> vector<16xf32>
      %mul3A_1073 = arith.constant 5.000000e-01 : f32
      %mul3A_1074 = vector.broadcast %mul3A_1073 : f32 to vector<16xf32>
      %mul3A_1075 = arith.mulf %mul3A_1074, %max3A_1064 : vector<16xf32>
      %mul3A_1076 = arith.mulf %mul3A_1075, %bitcast_convert_type3A_1072 : vector<16xf32>
      %mul3A_1077 = arith.mulf %mul3A_1076, %bitcast_convert_type3A_1072 : vector<16xf32>
      %sub3A_1078 = arith.constant 1.500000e+00 : f32
      %sub3A_1079 = vector.broadcast %sub3A_1078 : f32 to vector<16xf32>
      %sub3A_1080 = arith.subf %sub3A_1079, %mul3A_1077 : vector<16xf32>
      %mul3A_1081 = arith.mulf %bitcast_convert_type3A_1072, %sub3A_1080 : vector<16xf32>
      %mul3A_1082 = arith.constant 5.000000e-01 : f32
      %mul3A_1083 = vector.broadcast %mul3A_1082 : f32 to vector<16xf32>
      %mul3A_1084 = arith.mulf %mul3A_1083, %max3A_1064 : vector<16xf32>
      %mul3A_1085 = arith.mulf %mul3A_1084, %mul3A_1081 : vector<16xf32>
      %mul3A_1086 = arith.mulf %mul3A_1085, %mul3A_1081 : vector<16xf32>
      %sub3A_1087 = arith.constant 1.500000e+00 : f32
      %sub3A_1088 = vector.broadcast %sub3A_1087 : f32 to vector<16xf32>
      %sub3A_1089 = arith.subf %sub3A_1088, %mul3A_1086 : vector<16xf32>
      %mul3A_1090 = arith.mulf %mul3A_1081, %sub3A_1089 : vector<16xf32>
      %mul3A_1091 = arith.constant 5.000000e-01 : f32
      %mul3A_1092 = vector.broadcast %mul3A_1091 : f32 to vector<16xf32>
      %mul3A_1093 = arith.mulf %mul3A_1092, %max3A_1064 : vector<16xf32>
      %mul3A_1094 = arith.mulf %mul3A_1093, %mul3A_1090 : vector<16xf32>
      %mul3A_1095 = arith.mulf %mul3A_1094, %mul3A_1090 : vector<16xf32>
      %sub3A_1096 = arith.constant 1.500000e+00 : f32
      %sub3A_1097 = vector.broadcast %sub3A_1096 : f32 to vector<16xf32>
      %sub3A_1098 = arith.subf %sub3A_1097, %mul3A_1095 : vector<16xf32>
      %mul3A_1099 = arith.mulf %mul3A_1090, %sub3A_1098 : vector<16xf32>
      %gt3A_1100 = arith.constant 0.000000e+00 : f32
      %gt3A_1101 = vector.broadcast %gt3A_1100 : f32 to vector<16xf32>
      %gt3A_1102 = arith.cmpf ogt, %max3A_1064, %gt3A_1101 : vector<16xf32>
      %mul3A_1103 = arith.mulf %max3A_1064, %mul3A_1099 : vector<16xf32>
      %jit3A_1104 = arith.constant 0.000000e+00 : f32
      %broadcast_in_dim3A_1105 = vector.broadcast %jit3A_1104 : f32 to vector<16xf32>
      %select_n3A_1106 = arith.select %gt3A_1102, %mul3A_1103, %broadcast_in_dim3A_1105 : vector<16xi1>, vector<16xf32>
      %sub3A_1107 = arith.subf %select_n3A, %select_n3A_1106 : vector<16xf32>
      %add3A_1108 = arith.constant 1.000000e+00 : f32
      %add3A_1109 = vector.broadcast %add3A_1108 : f32 to vector<16xf32>
      %add3A_1110 = arith.addf %sub3A_1107, %add3A_1109 : vector<16xf32>
      %max3A_1111 = arith.constant 0.000000e+00 : f32
      %max3A_1112 = vector.broadcast %max3A_1111 : f32 to vector<16xf32>
      %max3A_1113 = arith.maximumf %add3A_1110, %max3A_1112 : vector<16xf32>
      %sub3A_1114 = arith.constant 1.000000e+00 : f32
      %sub3A_1115 = vector.broadcast %sub3A_1114 : f32 to vector<16xf32>
      %sub3A_1116 = arith.subf %scan3A_1006#4, %sub3A_1115 : vector<16xf32>
      %max3A_1117 = arith.constant 0.000000e+00 : f32
      %max3A_1118 = vector.broadcast %max3A_1117 : f32 to vector<16xf32>
      %max3A_1119 = arith.maximumf %sub3A_1116, %max3A_1118 : vector<16xf32>
      %mul3A_1120 = arith.constant 2.500000e-01 : f32
      %mul3A_1121 = vector.broadcast %mul3A_1120 : f32 to vector<16xf32>
      %mul3A_1122 = arith.mulf %mul3A_1121, %max3A_1119 : vector<16xf32>
      %add3A_1123 = arith.addf %max3A_1113, %mul3A_1122 : vector<16xf32>
      %sub3A_1124 = arith.constant 1.000000e+00 : f32
      %sub3A_1125 = vector.broadcast %sub3A_1124 : f32 to vector<16xf32>
      %sub3A_1126 = arith.subf %scan3A_1006#5, %sub3A_1125 : vector<16xf32>
      %max3A_1127 = arith.constant 0.000000e+00 : f32
      %max3A_1128 = vector.broadcast %max3A_1127 : f32 to vector<16xf32>
      %max3A_1129 = arith.maximumf %sub3A_1126, %max3A_1128 : vector<16xf32>
      %mul3A_1130 = arith.constant 2.500000e-01 : f32
      %mul3A_1131 = vector.broadcast %mul3A_1130 : f32 to vector<16xf32>
      %mul3A_1132 = arith.mulf %mul3A_1131, %max3A_1129 : vector<16xf32>
      %add3A_1133 = arith.addf %add3A_1123, %mul3A_1132 : vector<16xf32>
      %mul3A_1134 = arith.mulf %scan3A_1006#1, %scan3A_1006#1 : vector<16xf32>
      %div3A = arith.divf %mul3A_1134, %scan3A_1006#6 : vector<16xf32>
      %sub3A_1135 = arith.constant 9.99999974E-5 : f32
      %sub3A_1136 = vector.broadcast %sub3A_1135 : f32 to vector<16xf32>
      %sub3A_1137 = arith.subf %div3A, %sub3A_1136 : vector<16xf32>
      %max3A_1138 = arith.constant 0.000000e+00 : f32
      %max3A_1139 = vector.broadcast %max3A_1138 : f32 to vector<16xf32>
      %max3A_1140 = arith.maximumf %sub3A_1137, %max3A_1139 : vector<16xf32>
      %mul3A_1141 = arith.constant 2.500000e-01 : f32
      %mul3A_1142 = vector.broadcast %mul3A_1141 : f32 to vector<16xf32>
      %mul3A_1143 = arith.mulf %mul3A_1142, %max3A_1140 : vector<16xf32>
      %add3A_1144 = arith.addf %add3A_1133, %mul3A_1143 : vector<16xf32>
      %mul3A_1145 = arith.constant 16 : i32
      %mul3A_1146 = arith.muli %scan3A_999, %mul3A_1145 : i32
      %add3A_1147 = arith.constant 0 : i32
      %add3A_1148 = arith.addi %add3A_1147, %mul3A_1146 : i32
      %swap3A = arith.index_cast %add3A_1148 : i32 to index
      %swap3A_1149 = tpu.vector_load %arg24[%swap3A] {strides = array<i32>} : memref<512xf32, #tpu.memory_space<vmem>>, vector<16xf32>,
      tpu.vector_store %arg24[%swap3A], %add3A_1144 {strides = array<i32>} : memref<512xf32, #tpu.memory_space<vmem>>, vector<16xf32>,
      %swap3A_1150 = arith.index_cast %add3A_1148 : i32 to index
      %swap3A_1151 = tpu.vector_load %arg25[%swap3A_1150] {strides = array<i32>} : memref<512xf32, #tpu.memory_space<vmem>>, vector<16xf32>,
      tpu.vector_store %arg25[%swap3A_1150], %select_n3A {strides = array<i32>} : memref<512xf32, #tpu.memory_space<vmem>>, vector<16xf32>,
      %swap3A_1152 = arith.index_cast %add3A_1148 : i32 to index
      %swap3A_1153 = tpu.vector_load %arg26[%swap3A_1152] {strides = array<i32>} : memref<512xf32, #tpu.memory_space<vmem>>, vector<16xf32>,
      tpu.vector_store %arg26[%swap3A_1152], %select_n3A_1106 {strides = array<i32>} : memref<512xf32, #tpu.memory_space<vmem>>, vector<16xf32>,
      %scan3A_1154 = arith.constant 0 : i32
      scf.yield %scan3A_1154 : i32
    }
    %scan3A_596 = arith.constant 8 : i32
    %dma_start3A_597 = arith.constant 2 : i32
    %dma_start3A_598 = arith.constant 0 : i32
    %dma_start3A_599 = arith.constant 0 : i32
    %dma_start3A_600 = arith.constant 0 : i32
    %dma_start3A_601 = tpu.memref_slice %arg18[%dma_start3A_598, %dma_start3A_599, %dma_start3A_600] : memref<2x128x64xf32, #tpu.memory_space<vmem>> -> memref<1x128x64xf32, #tpu.memory_space<vmem>>
    %dma_start3A_602 = tpu.memref_squeeze %dma_start3A_601 : memref<1x128x64xf32, #tpu.memory_space<vmem>> -> memref<128x64xf32, #tpu.memory_space<vmem>>
    %dma_start3A_603 = arith.constant 0 : i32
    %dma_start3A_604 = tpu.memref_slice %arg13[%dma_start3A_597, %dma_start3A_603] : memref<4x128xi32, #tpu.memory_space<vmem>> -> memref<1x128xi32, #tpu.memory_space<vmem>>
    %dma_start3A_605 = tpu.memref_squeeze %dma_start3A_604 : memref<1x128xi32, #tpu.memory_space<vmem>> -> memref<128xi32, #tpu.memory_space<vmem>>
    %dma_start3A_606 = arith.constant 0 : i32
    %dma_start3A_607 = arith.constant 0 : i32
    %dma_start3A_608 = tpu.memref_slice %arg7[%dma_start3A_606, %dma_start3A_607] : memref<1000000x64xf32, #tpu.memory_space<hbm>> -> memref<1000000x64xf32, #tpu.memory_space<hbm>>
    tpu.enqueue_indirect_dma source(%dma_start3A_608 : memref<1000000x64xf32, #tpu.memory_space<hbm>>) target(%dma_start3A_602 : memref<128x64xf32, #tpu.memory_space<vmem>>) offsets(%dma_start3A_605 : memref<128xi32, #tpu.memory_space<vmem>>) semaphore(%arg28 : memref<!tpu.dma_semaphore, #tpu.memory_space<semaphore_mem>>)
    %dma_start3A_609 = arith.constant 2 : i32
    %dma_start3A_610 = arith.constant 0 : i32
    %dma_start3A_611 = arith.constant 0 : i32
    %dma_start3A_612 = arith.constant 0 : i32
    %dma_start3A_613 = tpu.memref_slice %arg19[%dma_start3A_610, %dma_start3A_611, %dma_start3A_612] : memref<2x128x64xf32, #tpu.memory_space<vmem>> -> memref<1x128x64xf32, #tpu.memory_space<vmem>>
    %dma_start3A_614 = tpu.memref_squeeze %dma_start3A_613 : memref<1x128x64xf32, #tpu.memory_space<vmem>> -> memref<128x64xf32, #tpu.memory_space<vmem>>
    %dma_start3A_615 = arith.constant 0 : i32
    %dma_start3A_616 = tpu.memref_slice %arg14[%dma_start3A_609, %dma_start3A_615] : memref<4x128xi32, #tpu.memory_space<vmem>> -> memref<1x128xi32, #tpu.memory_space<vmem>>
    %dma_start3A_617 = tpu.memref_squeeze %dma_start3A_616 : memref<1x128xi32, #tpu.memory_space<vmem>> -> memref<128xi32, #tpu.memory_space<vmem>>
    %dma_start3A_618 = arith.constant 0 : i32
    %dma_start3A_619 = arith.constant 0 : i32
    %dma_start3A_620 = tpu.memref_slice %arg7[%dma_start3A_618, %dma_start3A_619] : memref<1000000x64xf32, #tpu.memory_space<hbm>> -> memref<1000000x64xf32, #tpu.memory_space<hbm>>
    tpu.enqueue_indirect_dma source(%dma_start3A_620 : memref<1000000x64xf32, #tpu.memory_space<hbm>>) target(%dma_start3A_614 : memref<128x64xf32, #tpu.memory_space<vmem>>) offsets(%dma_start3A_617 : memref<128xi32, #tpu.memory_space<vmem>>) semaphore(%arg28 : memref<!tpu.dma_semaphore, #tpu.memory_space<semaphore_mem>>)
    %dma_start3A_621 = arith.constant 2 : i32
    %dma_start3A_622 = arith.constant 0 : i32
    %dma_start3A_623 = arith.constant 0 : i32
    %dma_start3A_624 = arith.constant 0 : i32
    %dma_start3A_625 = tpu.memref_slice %arg20[%dma_start3A_622, %dma_start3A_623, %dma_start3A_624] : memref<2x128x64xf32, #tpu.memory_space<vmem>> -> memref<1x128x64xf32, #tpu.memory_space<vmem>>
    %dma_start3A_626 = tpu.memref_squeeze %dma_start3A_625 : memref<1x128x64xf32, #tpu.memory_space<vmem>> -> memref<128x64xf32, #tpu.memory_space<vmem>>
    %dma_start3A_627 = arith.constant 0 : i32
    %dma_start3A_628 = tpu.memref_slice %arg15[%dma_start3A_621, %dma_start3A_627] : memref<4x128xi32, #tpu.memory_space<vmem>> -> memref<1x128xi32, #tpu.memory_space<vmem>>
    %dma_start3A_629 = tpu.memref_squeeze %dma_start3A_628 : memref<1x128xi32, #tpu.memory_space<vmem>> -> memref<128xi32, #tpu.memory_space<vmem>>
    %dma_start3A_630 = arith.constant 0 : i32
    %dma_start3A_631 = arith.constant 0 : i32
    %dma_start3A_632 = tpu.memref_slice %arg7[%dma_start3A_630, %dma_start3A_631] : memref<1000000x64xf32, #tpu.memory_space<hbm>> -> memref<1000000x64xf32, #tpu.memory_space<hbm>>
    tpu.enqueue_indirect_dma source(%dma_start3A_632 : memref<1000000x64xf32, #tpu.memory_space<hbm>>) target(%dma_start3A_626 : memref<128x64xf32, #tpu.memory_space<vmem>>) offsets(%dma_start3A_629 : memref<128xi32, #tpu.memory_space<vmem>>) semaphore(%arg28 : memref<!tpu.dma_semaphore, #tpu.memory_space<semaphore_mem>>)
    %dma_start3A_633 = arith.constant 2 : i32
    %dma_start3A_634 = arith.constant 0 : i32
    %dma_start3A_635 = arith.constant 0 : i32
    %dma_start3A_636 = arith.constant 0 : i32
    %dma_start3A_637 = tpu.memref_slice %arg21[%dma_start3A_634, %dma_start3A_635, %dma_start3A_636] : memref<2x128x64xf32, #tpu.memory_space<vmem>> -> memref<1x128x64xf32, #tpu.memory_space<vmem>>
    %dma_start3A_638 = tpu.memref_squeeze %dma_start3A_637 : memref<1x128x64xf32, #tpu.memory_space<vmem>> -> memref<128x64xf32, #tpu.memory_space<vmem>>
    %dma_start3A_639 = arith.constant 0 : i32
    %dma_start3A_640 = tpu.memref_slice %arg16[%dma_start3A_633, %dma_start3A_639] : memref<4x128xi32, #tpu.memory_space<vmem>> -> memref<1x128xi32, #tpu.memory_space<vmem>>
    %dma_start3A_641 = tpu.memref_squeeze %dma_start3A_640 : memref<1x128xi32, #tpu.memory_space<vmem>> -> memref<128xi32, #tpu.memory_space<vmem>>
    %dma_start3A_642 = arith.constant 0 : i32
    %dma_start3A_643 = arith.constant 0 : i32
    %dma_start3A_644 = tpu.memref_slice %arg7[%dma_start3A_642, %dma_start3A_643] : memref<1000000x64xf32, #tpu.memory_space<hbm>> -> memref<1000000x64xf32, #tpu.memory_space<hbm>>
    tpu.enqueue_indirect_dma source(%dma_start3A_644 : memref<1000000x64xf32, #tpu.memory_space<hbm>>) target(%dma_start3A_638 : memref<128x64xf32, #tpu.memory_space<vmem>>) offsets(%dma_start3A_641 : memref<128xi32, #tpu.memory_space<vmem>>) semaphore(%arg28 : memref<!tpu.dma_semaphore, #tpu.memory_space<semaphore_mem>>)
    %dma_start3A_645 = arith.constant 2 : i32
    %dma_start3A_646 = arith.constant 0 : i32
    %dma_start3A_647 = arith.constant 0 : i32
    %dma_start3A_648 = arith.constant 0 : i32
    %dma_start3A_649 = tpu.memref_slice %arg22[%dma_start3A_646, %dma_start3A_647, %dma_start3A_648] : memref<2x128x64xf32, #tpu.memory_space<vmem>> -> memref<1x128x64xf32, #tpu.memory_space<vmem>>
    %dma_start3A_650 = tpu.memref_squeeze %dma_start3A_649 : memref<1x128x64xf32, #tpu.memory_space<vmem>> -> memref<128x64xf32, #tpu.memory_space<vmem>>
    %dma_start3A_651 = arith.constant 0 : i32
    %dma_start3A_652 = tpu.memref_slice %arg17[%dma_start3A_645, %dma_start3A_651] : memref<4x128xi32, #tpu.memory_space<vmem>> -> memref<1x128xi32, #tpu.memory_space<vmem>>
    %dma_start3A_653 = tpu.memref_squeeze %dma_start3A_652 : memref<1x128xi32, #tpu.memory_space<vmem>> -> memref<128xi32, #tpu.memory_space<vmem>>
    %dma_start3A_654 = arith.constant 0 : i32
    %dma_start3A_655 = arith.constant 0 : i32
    %dma_start3A_656 = tpu.memref_slice %arg9[%dma_start3A_654, %dma_start3A_655] : memref<1000x64xf32, #tpu.memory_space<hbm>> -> memref<1000x64xf32, #tpu.memory_space<hbm>>
    tpu.enqueue_indirect_dma source(%dma_start3A_656 : memref<1000x64xf32, #tpu.memory_space<hbm>>) target(%dma_start3A_650 : memref<128x64xf32, #tpu.memory_space<vmem>>) offsets(%dma_start3A_653 : memref<128xi32, #tpu.memory_space<vmem>>) semaphore(%arg28 : memref<!tpu.dma_semaphore, #tpu.memory_space<semaphore_mem>>)
    %dma_start3A_657 = arith.constant 2 : i32
    %dma_start3A_658 = arith.constant 0 : i32
    %dma_start3A_659 = arith.constant 0 : i32
    %dma_start3A_660 = arith.constant 0 : i32
    %dma_start3A_661 = tpu.memref_slice %arg23[%dma_start3A_658, %dma_start3A_659, %dma_start3A_660] : memref<2x128x64xf32, #tpu.memory_space<vmem>> -> memref<1x128x64xf32, #tpu.memory_space<vmem>>
    %dma_start3A_662 = tpu.memref_squeeze %dma_start3A_661 : memref<1x128x64xf32, #tpu.memory_space<vmem>> -> memref<128x64xf32, #tpu.memory_space<vmem>>
    %dma_start3A_663 = arith.constant 0 : i32
    %dma_start3A_664 = tpu.memref_slice %arg17[%dma_start3A_657, %dma_start3A_663] : memref<4x128xi32, #tpu.memory_space<vmem>> -> memref<1x128xi32, #tpu.memory_space<vmem>>
    %dma_start3A_665 = tpu.memref_squeeze %dma_start3A_664 : memref<1x128xi32, #tpu.memory_space<vmem>> -> memref<128xi32, #tpu.memory_space<vmem>>
    %dma_start3A_666 = arith.constant 0 : i32
    %dma_start3A_667 = arith.constant 0 : i32
    %dma_start3A_668 = tpu.memref_slice %arg8[%dma_start3A_666, %dma_start3A_667] : memref<1000x64xf32, #tpu.memory_space<hbm>> -> memref<1000x64xf32, #tpu.memory_space<hbm>>
    tpu.enqueue_indirect_dma source(%dma_start3A_668 : memref<1000x64xf32, #tpu.memory_space<hbm>>) target(%dma_start3A_662 : memref<128x64xf32, #tpu.memory_space<vmem>>) offsets(%dma_start3A_665 : memref<128xi32, #tpu.memory_space<vmem>>) semaphore(%arg28 : memref<!tpu.dma_semaphore, #tpu.memory_space<semaphore_mem>>)
    %dma_wait3A_669 = arith.constant 1 : i32
    %dma_wait3A_670 = arith.constant 1 : i32
    %dma_wait3A_671 = arith.constant 0 : i32
    %dma_wait3A_672 = arith.constant 0 : i32
    %dma_wait3A_673 = tpu.memref_slice %arg18[%dma_wait3A_670, %dma_wait3A_671, %dma_wait3A_672] : memref<2x128x64xf32, #tpu.memory_space<vmem>> -> memref<1x128x64xf32, #tpu.memory_space<vmem>>
    %dma_wait3A_674 = tpu.memref_squeeze %dma_wait3A_673 : memref<1x128x64xf32, #tpu.memory_space<vmem>> -> memref<128x64xf32, #tpu.memory_space<vmem>>
    %dma_wait3A_675 = arith.constant 0 : i32
    %dma_wait3A_676 = tpu.memref_slice %arg13[%dma_wait3A_669, %dma_wait3A_675] : memref<4x128xi32, #tpu.memory_space<vmem>> -> memref<1x128xi32, #tpu.memory_space<vmem>>
    %dma_wait3A_677 = tpu.memref_squeeze %dma_wait3A_676 : memref<1x128xi32, #tpu.memory_space<vmem>> -> memref<128xi32, #tpu.memory_space<vmem>>
    %dma_wait3A_678 = arith.constant 0 : i32
    %dma_wait3A_679 = arith.constant 0 : i32
    %dma_wait3A_680 = tpu.memref_slice %arg7[%dma_wait3A_678, %dma_wait3A_679] : memref<1000000x64xf32, #tpu.memory_space<hbm>> -> memref<1000000x64xf32, #tpu.memory_space<hbm>>
    tpu.wait_indirect_dma semaphore(%arg29 : memref<!tpu.dma_semaphore, #tpu.memory_space<semaphore_mem>>) src(%dma_wait3A_680 : memref<1000000x64xf32, #tpu.memory_space<hbm>>) dst(%dma_wait3A_674 : memref<128x64xf32, #tpu.memory_space<vmem>>)
    %dma_wait3A_681 = arith.constant 1 : i32
    %dma_wait3A_682 = arith.constant 1 : i32
    %dma_wait3A_683 = arith.constant 0 : i32
    %dma_wait3A_684 = arith.constant 0 : i32
    %dma_wait3A_685 = tpu.memref_slice %arg19[%dma_wait3A_682, %dma_wait3A_683, %dma_wait3A_684] : memref<2x128x64xf32, #tpu.memory_space<vmem>> -> memref<1x128x64xf32, #tpu.memory_space<vmem>>
    %dma_wait3A_686 = tpu.memref_squeeze %dma_wait3A_685 : memref<1x128x64xf32, #tpu.memory_space<vmem>> -> memref<128x64xf32, #tpu.memory_space<vmem>>
    %dma_wait3A_687 = arith.constant 0 : i32
    %dma_wait3A_688 = tpu.memref_slice %arg14[%dma_wait3A_681, %dma_wait3A_687] : memref<4x128xi32, #tpu.memory_space<vmem>> -> memref<1x128xi32, #tpu.memory_space<vmem>>
    %dma_wait3A_689 = tpu.memref_squeeze %dma_wait3A_688 : memref<1x128xi32, #tpu.memory_space<vmem>> -> memref<128xi32, #tpu.memory_space<vmem>>
    %dma_wait3A_690 = arith.constant 0 : i32
    %dma_wait3A_691 = arith.constant 0 : i32
    %dma_wait3A_692 = tpu.memref_slice %arg7[%dma_wait3A_690, %dma_wait3A_691] : memref<1000000x64xf32, #tpu.memory_space<hbm>> -> memref<1000000x64xf32, #tpu.memory_space<hbm>>
    tpu.wait_indirect_dma semaphore(%arg29 : memref<!tpu.dma_semaphore, #tpu.memory_space<semaphore_mem>>) src(%dma_wait3A_692 : memref<1000000x64xf32, #tpu.memory_space<hbm>>) dst(%dma_wait3A_686 : memref<128x64xf32, #tpu.memory_space<vmem>>)
    %dma_wait3A_693 = arith.constant 1 : i32
    %dma_wait3A_694 = arith.constant 1 : i32
    %dma_wait3A_695 = arith.constant 0 : i32
    %dma_wait3A_696 = arith.constant 0 : i32
    %dma_wait3A_697 = tpu.memref_slice %arg20[%dma_wait3A_694, %dma_wait3A_695, %dma_wait3A_696] : memref<2x128x64xf32, #tpu.memory_space<vmem>> -> memref<1x128x64xf32, #tpu.memory_space<vmem>>
    %dma_wait3A_698 = tpu.memref_squeeze %dma_wait3A_697 : memref<1x128x64xf32, #tpu.memory_space<vmem>> -> memref<128x64xf32, #tpu.memory_space<vmem>>
    %dma_wait3A_699 = arith.constant 0 : i32
    %dma_wait3A_700 = tpu.memref_slice %arg15[%dma_wait3A_693, %dma_wait3A_699] : memref<4x128xi32, #tpu.memory_space<vmem>> -> memref<1x128xi32, #tpu.memory_space<vmem>>
    %dma_wait3A_701 = tpu.memref_squeeze %dma_wait3A_700 : memref<1x128xi32, #tpu.memory_space<vmem>> -> memref<128xi32, #tpu.memory_space<vmem>>
    %dma_wait3A_702 = arith.constant 0 : i32
    %dma_wait3A_703 = arith.constant 0 : i32
    %dma_wait3A_704 = tpu.memref_slice %arg7[%dma_wait3A_702, %dma_wait3A_703] : memref<1000000x64xf32, #tpu.memory_space<hbm>> -> memref<1000000x64xf32, #tpu.memory_space<hbm>>
    tpu.wait_indirect_dma semaphore(%arg29 : memref<!tpu.dma_semaphore, #tpu.memory_space<semaphore_mem>>) src(%dma_wait3A_704 : memref<1000000x64xf32, #tpu.memory_space<hbm>>) dst(%dma_wait3A_698 : memref<128x64xf32, #tpu.memory_space<vmem>>)
    %dma_wait3A_705 = arith.constant 1 : i32
    %dma_wait3A_706 = arith.constant 1 : i32
    %dma_wait3A_707 = arith.constant 0 : i32
    %dma_wait3A_708 = arith.constant 0 : i32
    %dma_wait3A_709 = tpu.memref_slice %arg21[%dma_wait3A_706, %dma_wait3A_707, %dma_wait3A_708] : memref<2x128x64xf32, #tpu.memory_space<vmem>> -> memref<1x128x64xf32, #tpu.memory_space<vmem>>
    %dma_wait3A_710 = tpu.memref_squeeze %dma_wait3A_709 : memref<1x128x64xf32, #tpu.memory_space<vmem>> -> memref<128x64xf32, #tpu.memory_space<vmem>>
    %dma_wait3A_711 = arith.constant 0 : i32
    %dma_wait3A_712 = tpu.memref_slice %arg16[%dma_wait3A_705, %dma_wait3A_711] : memref<4x128xi32, #tpu.memory_space<vmem>> -> memref<1x128xi32, #tpu.memory_space<vmem>>
    %dma_wait3A_713 = tpu.memref_squeeze %dma_wait3A_712 : memref<1x128xi32, #tpu.memory_space<vmem>> -> memref<128xi32, #tpu.memory_space<vmem>>
    %dma_wait3A_714 = arith.constant 0 : i32
    %dma_wait3A_715 = arith.constant 0 : i32
    %dma_wait3A_716 = tpu.memref_slice %arg7[%dma_wait3A_714, %dma_wait3A_715] : memref<1000000x64xf32, #tpu.memory_space<hbm>> -> memref<1000000x64xf32, #tpu.memory_space<hbm>>
    tpu.wait_indirect_dma semaphore(%arg29 : memref<!tpu.dma_semaphore, #tpu.memory_space<semaphore_mem>>) src(%dma_wait3A_716 : memref<1000000x64xf32, #tpu.memory_space<hbm>>) dst(%dma_wait3A_710 : memref<128x64xf32, #tpu.memory_space<vmem>>)
    %dma_wait3A_717 = arith.constant 1 : i32
    %dma_wait3A_718 = arith.constant 1 : i32
    %dma_wait3A_719 = arith.constant 0 : i32
    %dma_wait3A_720 = arith.constant 0 : i32
    %dma_wait3A_721 = tpu.memref_slice %arg22[%dma_wait3A_718, %dma_wait3A_719, %dma_wait3A_720] : memref<2x128x64xf32, #tpu.memory_space<vmem>> -> memref<1x128x64xf32, #tpu.memory_space<vmem>>
    %dma_wait3A_722 = tpu.memref_squeeze %dma_wait3A_721 : memref<1x128x64xf32, #tpu.memory_space<vmem>> -> memref<128x64xf32, #tpu.memory_space<vmem>>
    %dma_wait3A_723 = arith.constant 0 : i32
    %dma_wait3A_724 = tpu.memref_slice %arg17[%dma_wait3A_717, %dma_wait3A_723] : memref<4x128xi32, #tpu.memory_space<vmem>> -> memref<1x128xi32, #tpu.memory_space<vmem>>
    %dma_wait3A_725 = tpu.memref_squeeze %dma_wait3A_724 : memref<1x128xi32, #tpu.memory_space<vmem>> -> memref<128xi32, #tpu.memory_space<vmem>>
    %dma_wait3A_726 = arith.constant 0 : i32
    %dma_wait3A_727 = arith.constant 0 : i32
    %dma_wait3A_728 = tpu.memref_slice %arg9[%dma_wait3A_726, %dma_wait3A_727] : memref<1000x64xf32, #tpu.memory_space<hbm>> -> memref<1000x64xf32, #tpu.memory_space<hbm>>
    tpu.wait_indirect_dma semaphore(%arg29 : memref<!tpu.dma_semaphore, #tpu.memory_space<semaphore_mem>>) src(%dma_wait3A_728 : memref<1000x64xf32, #tpu.memory_space<hbm>>) dst(%dma_wait3A_722 : memref<128x64xf32, #tpu.memory_space<vmem>>)
    %dma_wait3A_729 = arith.constant 1 : i32
    %dma_wait3A_730 = arith.constant 1 : i32
    %dma_wait3A_731 = arith.constant 0 : i32
    %dma_wait3A_732 = arith.constant 0 : i32
    %dma_wait3A_733 = tpu.memref_slice %arg23[%dma_wait3A_730, %dma_wait3A_731, %dma_wait3A_732] : memref<2x128x64xf32, #tpu.memory_space<vmem>> -> memref<1x128x64xf32, #tpu.memory_space<vmem>>
    %dma_wait3A_734 = tpu.memref_squeeze %dma_wait3A_733 : memref<1x128x64xf32, #tpu.memory_space<vmem>> -> memref<128x64xf32, #tpu.memory_space<vmem>>
    %dma_wait3A_735 = arith.constant 0 : i32
    %dma_wait3A_736 = tpu.memref_slice %arg17[%dma_wait3A_729, %dma_wait3A_735] : memref<4x128xi32, #tpu.memory_space<vmem>> -> memref<1x128xi32, #tpu.memory_space<vmem>>
    %dma_wait3A_737 = tpu.memref_squeeze %dma_wait3A_736 : memref<1x128xi32, #tpu.memory_space<vmem>> -> memref<128xi32, #tpu.memory_space<vmem>>
    %dma_wait3A_738 = arith.constant 0 : i32
    %dma_wait3A_739 = arith.constant 0 : i32
    %dma_wait3A_740 = tpu.memref_slice %arg8[%dma_wait3A_738, %dma_wait3A_739] : memref<1000x64xf32, #tpu.memory_space<hbm>> -> memref<1000x64xf32, #tpu.memory_space<hbm>>
    tpu.wait_indirect_dma semaphore(%arg29 : memref<!tpu.dma_semaphore, #tpu.memory_space<semaphore_mem>>) src(%dma_wait3A_740 : memref<1000x64xf32, #tpu.memory_space<hbm>>) dst(%dma_wait3A_734 : memref<128x64xf32, #tpu.memory_space<vmem>>)
    %iota3A_741 = tpu.iota {dimensions = array<i32: 0>} : vector<16xi32>
    %scan3A_742 = arith.constant 1 : i32
    %scan3A_743 = arith.constant 1 : i32
    %scan3A_744 = arith.constant 1 : i32
    %scan3A_745 = arith.constant 1 : i32
    %scan3A_746 = arith.constant 1 : i32
    %scan3A_747 = arith.constant 1 : i32
    %scan3A_748 = arith.constant 0 : i32
    %scan3A_749 = arith.constant 0 : i32
    %scan3A_750 = arith.constant 8 : i32
    %scan3A_751 = arith.addi %scan3A_749, %scan3A_750 : i32
    %scan3A_752 = arith.constant 1 : i32
    %scan3A_753 = scf.for %scan3A_999 = %scan3A_749 to %scan3A_751 step %scan3A_752 iter_args(%scan3A_1000 = %scan3A_748) -> (i32)  : i32 {
      %broadcast_in_dim3A = arith.constant 0.000000e+00 : f32
      %broadcast_in_dim3A_1001 = vector.broadcast %broadcast_in_dim3A : f32 to vector<16xf32>
      %scan3A_1002 = arith.constant 0 : i32
      %scan3A_1003 = arith.constant 16 : i32
      %scan3A_1004 = arith.addi %scan3A_1002, %scan3A_1003 : i32
      %scan3A_1005 = arith.constant 1 : i32
      %scan3A_1006:9 = scf.for %scan3A_1155 = %scan3A_1002 to %scan3A_1004 step %scan3A_1005 iter_args(%scan3A_1156 = %broadcast_in_dim3A_1001, %scan3A_1157 = %broadcast_in_dim3A_1001, %scan3A_1158 = %broadcast_in_dim3A_1001, %scan3A_1159 = %broadcast_in_dim3A_1001, %scan3A_1160 = %broadcast_in_dim3A_1001, %scan3A_1161 = %broadcast_in_dim3A_1001, %scan3A_1162 = %broadcast_in_dim3A_1001, %scan3A_1163 = %broadcast_in_dim3A_1001, %scan3A_1164 = %broadcast_in_dim3A_1001) -> (vector<16xf32>, vector<16xf32>, vector<16xf32>, vector<16xf32>, vector<16xf32>, vector<16xf32>, vector<16xf32>, vector<16xf32>, vector<16xf32>)  : i32 {
        %mul3A_1165 = arith.constant 16 : i32
        %mul3A_1166 = arith.muli %scan3A_999, %mul3A_1165 : i32
        %add3A_1167 = arith.addi %mul3A_1166, %scan3A_1155 : i32
        %get3A = arith.constant 0 : i32
        %get3A_1168 = arith.constant 0 : i32
        %get3A_1169 = tpu.memref_slice %arg18[%scan3A_742, %get3A, %get3A_1168] : memref<2x128x64xf32, #tpu.memory_space<vmem>> -> memref<1x128x64xf32, #tpu.memory_space<vmem>>
        %get3A_1170 = tpu.memref_squeeze %get3A_1169 : memref<1x128x64xf32, #tpu.memory_space<vmem>> -> memref<128x64xf32, #tpu.memory_space<vmem>>
        %get3A_1171 = arith.index_cast %add3A_1167 : i32 to index
        %get3A_1172 = arith.constant 0 : index
        %get3A_1173 = tpu.vector_load %get3A_1170[%get3A_1171, %get3A_1172] {strides = array<i32>} : memref<128x64xf32, #tpu.memory_space<vmem>>, vector<16xf32>,
        %get3A_1174 = arith.constant 0 : i32
        %get3A_1175 = arith.constant 0 : i32
        %get3A_1176 = tpu.memref_slice %arg19[%scan3A_743, %get3A_1174, %get3A_1175] : memref<2x128x64xf32, #tpu.memory_space<vmem>> -> memref<1x128x64xf32, #tpu.memory_space<vmem>>
        %get3A_1177 = tpu.memref_squeeze %get3A_1176 : memref<1x128x64xf32, #tpu.memory_space<vmem>> -> memref<128x64xf32, #tpu.memory_space<vmem>>
        %get3A_1178 = arith.index_cast %add3A_1167 : i32 to index
        %get3A_1179 = arith.constant 0 : index
        %get3A_1180 = tpu.vector_load %get3A_1177[%get3A_1178, %get3A_1179] {strides = array<i32>} : memref<128x64xf32, #tpu.memory_space<vmem>>, vector<16xf32>,
        %get3A_1181 = arith.constant 0 : i32
        %get3A_1182 = arith.constant 0 : i32
        %get3A_1183 = tpu.memref_slice %arg20[%scan3A_744, %get3A_1181, %get3A_1182] : memref<2x128x64xf32, #tpu.memory_space<vmem>> -> memref<1x128x64xf32, #tpu.memory_space<vmem>>
        %get3A_1184 = tpu.memref_squeeze %get3A_1183 : memref<1x128x64xf32, #tpu.memory_space<vmem>> -> memref<128x64xf32, #tpu.memory_space<vmem>>
        %get3A_1185 = arith.index_cast %add3A_1167 : i32 to index
        %get3A_1186 = arith.constant 0 : index
        %get3A_1187 = tpu.vector_load %get3A_1184[%get3A_1185, %get3A_1186] {strides = array<i32>} : memref<128x64xf32, #tpu.memory_space<vmem>>, vector<16xf32>,
        %get3A_1188 = arith.constant 0 : i32
        %get3A_1189 = arith.constant 0 : i32
        %get3A_1190 = tpu.memref_slice %arg21[%scan3A_745, %get3A_1188, %get3A_1189] : memref<2x128x64xf32, #tpu.memory_space<vmem>> -> memref<1x128x64xf32, #tpu.memory_space<vmem>>
        %get3A_1191 = tpu.memref_squeeze %get3A_1190 : memref<1x128x64xf32, #tpu.memory_space<vmem>> -> memref<128x64xf32, #tpu.memory_space<vmem>>
        %get3A_1192 = arith.index_cast %add3A_1167 : i32 to index
        %get3A_1193 = arith.constant 0 : index
        %get3A_1194 = tpu.vector_load %get3A_1191[%get3A_1192, %get3A_1193] {strides = array<i32>} : memref<128x64xf32, #tpu.memory_space<vmem>>, vector<16xf32>,
        %get3A_1195 = arith.constant 0 : i32
        %get3A_1196 = arith.constant 0 : i32
        %get3A_1197 = tpu.memref_slice %arg22[%scan3A_746, %get3A_1195, %get3A_1196] : memref<2x128x64xf32, #tpu.memory_space<vmem>> -> memref<1x128x64xf32, #tpu.memory_space<vmem>>
        %get3A_1198 = tpu.memref_squeeze %get3A_1197 : memref<1x128x64xf32, #tpu.memory_space<vmem>> -> memref<128x64xf32, #tpu.memory_space<vmem>>
        %get3A_1199 = arith.index_cast %add3A_1167 : i32 to index
        %get3A_1200 = arith.constant 0 : index
        %get3A_1201 = tpu.vector_load %get3A_1198[%get3A_1199, %get3A_1200] {strides = array<i32>} : memref<128x64xf32, #tpu.memory_space<vmem>>, vector<16xf32>,
        %get3A_1202 = arith.constant 0 : i32
        %get3A_1203 = arith.constant 0 : i32
        %get3A_1204 = tpu.memref_slice %arg23[%scan3A_747, %get3A_1202, %get3A_1203] : memref<2x128x64xf32, #tpu.memory_space<vmem>> -> memref<1x128x64xf32, #tpu.memory_space<vmem>>
        %get3A_1205 = tpu.memref_squeeze %get3A_1204 : memref<1x128x64xf32, #tpu.memory_space<vmem>> -> memref<128x64xf32, #tpu.memory_space<vmem>>
        %get3A_1206 = arith.index_cast %add3A_1167 : i32 to index
        %get3A_1207 = arith.constant 0 : index
        %get3A_1208 = tpu.vector_load %get3A_1205[%get3A_1206, %get3A_1207] {strides = array<i32>} : memref<128x64xf32, #tpu.memory_space<vmem>>, vector<16xf32>,
        %sub3A_1209 = arith.subf %get3A_1173, %get3A_1180 : vector<16xf32>
        %add3A_1210 = arith.addf %sub3A_1209, %get3A_1208 : vector<16xf32>
        %sub3A_1211 = arith.subf %get3A_1187, %get3A_1194 : vector<16xf32>
        %add3A_1212 = arith.addf %sub3A_1211, %get3A_1208 : vector<16xf32>
        %mul3A_1213 = arith.mulf %sub3A_1209, %get3A_1201 : vector<16xf32>
        %add3A_1214 = arith.addf %broadcast_in_dim3A_1001, %mul3A_1213 : vector<16xf32>
        %mul3A_1215 = arith.mulf %get3A_1201, %get3A_1208 : vector<16xf32>
        %add3A_1216 = arith.addf %broadcast_in_dim3A_1001, %mul3A_1215 : vector<16xf32>
        %mul3A_1217 = arith.mulf %add3A_1210, %add3A_1210 : vector<16xf32>
        %add3A_1218 = arith.addf %broadcast_in_dim3A_1001, %mul3A_1217 : vector<16xf32>
        %mul3A_1219 = arith.mulf %get3A_1201, %get3A_1201 : vector<16xf32>
        %add3A_1220 = arith.addf %broadcast_in_dim3A_1001, %mul3A_1219 : vector<16xf32>
        %mul3A_1221 = arith.mulf %get3A_1173, %get3A_1173 : vector<16xf32>
        %add3A_1222 = arith.addf %broadcast_in_dim3A_1001, %mul3A_1221 : vector<16xf32>
        %mul3A_1223 = arith.mulf %get3A_1180, %get3A_1180 : vector<16xf32>
        %add3A_1224 = arith.addf %broadcast_in_dim3A_1001, %mul3A_1223 : vector<16xf32>
        %mul3A_1225 = arith.mulf %get3A_1208, %get3A_1208 : vector<16xf32>
        %add3A_1226 = arith.addf %broadcast_in_dim3A_1001, %mul3A_1225 : vector<16xf32>
        %mul3A_1227 = arith.mulf %sub3A_1211, %get3A_1201 : vector<16xf32>
        %add3A_1228 = arith.addf %broadcast_in_dim3A_1001, %mul3A_1227 : vector<16xf32>
        %mul3A_1229 = arith.mulf %add3A_1212, %add3A_1212 : vector<16xf32>
        %add3A_1230 = arith.addf %broadcast_in_dim3A_1001, %mul3A_1229 : vector<16xf32>
        %get3A_1231 = arith.constant 0 : i32
        %get3A_1232 = arith.constant 0 : i32
        %get3A_1233 = tpu.memref_slice %arg18[%scan3A_742, %get3A_1231, %get3A_1232] : memref<2x128x64xf32, #tpu.memory_space<vmem>> -> memref<1x128x64xf32, #tpu.memory_space<vmem>>
        %get3A_1234 = tpu.memref_squeeze %get3A_1233 : memref<1x128x64xf32, #tpu.memory_space<vmem>> -> memref<128x64xf32, #tpu.memory_space<vmem>>
        %get3A_1235 = arith.index_cast %add3A_1167 : i32 to index
        %get3A_1236 = arith.constant 16 : index
        %get3A_1237 = tpu.vector_load %get3A_1234[%get3A_1235, %get3A_1236] {strides = array<i32>} : memref<128x64xf32, #tpu.memory_space<vmem>>, vector<16xf32>,
        %get3A_1238 = arith.constant 0 : i32
        %get3A_1239 = arith.constant 0 : i32
        %get3A_1240 = tpu.memref_slice %arg19[%scan3A_743, %get3A_1238, %get3A_1239] : memref<2x128x64xf32, #tpu.memory_space<vmem>> -> memref<1x128x64xf32, #tpu.memory_space<vmem>>
        %get3A_1241 = tpu.memref_squeeze %get3A_1240 : memref<1x128x64xf32, #tpu.memory_space<vmem>> -> memref<128x64xf32, #tpu.memory_space<vmem>>
        %get3A_1242 = arith.index_cast %add3A_1167 : i32 to index
        %get3A_1243 = arith.constant 16 : index
        %get3A_1244 = tpu.vector_load %get3A_1241[%get3A_1242, %get3A_1243] {strides = array<i32>} : memref<128x64xf32, #tpu.memory_space<vmem>>, vector<16xf32>,
        %get3A_1245 = arith.constant 0 : i32
        %get3A_1246 = arith.constant 0 : i32
        %get3A_1247 = tpu.memref_slice %arg20[%scan3A_744, %get3A_1245, %get3A_1246] : memref<2x128x64xf32, #tpu.memory_space<vmem>> -> memref<1x128x64xf32, #tpu.memory_space<vmem>>
        %get3A_1248 = tpu.memref_squeeze %get3A_1247 : memref<1x128x64xf32, #tpu.memory_space<vmem>> -> memref<128x64xf32, #tpu.memory_space<vmem>>
        %get3A_1249 = arith.index_cast %add3A_1167 : i32 to index
        %get3A_1250 = arith.constant 16 : index
        %get3A_1251 = tpu.vector_load %get3A_1248[%get3A_1249, %get3A_1250] {strides = array<i32>} : memref<128x64xf32, #tpu.memory_space<vmem>>, vector<16xf32>,
        %get3A_1252 = arith.constant 0 : i32
        %get3A_1253 = arith.constant 0 : i32
        %get3A_1254 = tpu.memref_slice %arg21[%scan3A_745, %get3A_1252, %get3A_1253] : memref<2x128x64xf32, #tpu.memory_space<vmem>> -> memref<1x128x64xf32, #tpu.memory_space<vmem>>
        %get3A_1255 = tpu.memref_squeeze %get3A_1254 : memref<1x128x64xf32, #tpu.memory_space<vmem>> -> memref<128x64xf32, #tpu.memory_space<vmem>>
        %get3A_1256 = arith.index_cast %add3A_1167 : i32 to index
        %get3A_1257 = arith.constant 16 : index
        %get3A_1258 = tpu.vector_load %get3A_1255[%get3A_1256, %get3A_1257] {strides = array<i32>} : memref<128x64xf32, #tpu.memory_space<vmem>>, vector<16xf32>,
        %get3A_1259 = arith.constant 0 : i32
        %get3A_1260 = arith.constant 0 : i32
        %get3A_1261 = tpu.memref_slice %arg22[%scan3A_746, %get3A_1259, %get3A_1260] : memref<2x128x64xf32, #tpu.memory_space<vmem>> -> memref<1x128x64xf32, #tpu.memory_space<vmem>>
        %get3A_1262 = tpu.memref_squeeze %get3A_1261 : memref<1x128x64xf32, #tpu.memory_space<vmem>> -> memref<128x64xf32, #tpu.memory_space<vmem>>
        %get3A_1263 = arith.index_cast %add3A_1167 : i32 to index
        %get3A_1264 = arith.constant 16 : index
        %get3A_1265 = tpu.vector_load %get3A_1262[%get3A_1263, %get3A_1264] {strides = array<i32>} : memref<128x64xf32, #tpu.memory_space<vmem>>, vector<16xf32>,
        %get3A_1266 = arith.constant 0 : i32
        %get3A_1267 = arith.constant 0 : i32
        %get3A_1268 = tpu.memref_slice %arg23[%scan3A_747, %get3A_1266, %get3A_1267] : memref<2x128x64xf32, #tpu.memory_space<vmem>> -> memref<1x128x64xf32, #tpu.memory_space<vmem>>
        %get3A_1269 = tpu.memref_squeeze %get3A_1268 : memref<1x128x64xf32, #tpu.memory_space<vmem>> -> memref<128x64xf32, #tpu.memory_space<vmem>>
        %get3A_1270 = arith.index_cast %add3A_1167 : i32 to index
        %get3A_1271 = arith.constant 16 : index
        %get3A_1272 = tpu.vector_load %get3A_1269[%get3A_1270, %get3A_1271] {strides = array<i32>} : memref<128x64xf32, #tpu.memory_space<vmem>>, vector<16xf32>,
        %sub3A_1273 = arith.subf %get3A_1237, %get3A_1244 : vector<16xf32>
        %add3A_1274 = arith.addf %sub3A_1273, %get3A_1272 : vector<16xf32>
        %sub3A_1275 = arith.subf %get3A_1251, %get3A_1258 : vector<16xf32>
        %add3A_1276 = arith.addf %sub3A_1275, %get3A_1272 : vector<16xf32>
        %mul3A_1277 = arith.mulf %sub3A_1273, %get3A_1265 : vector<16xf32>
        %add3A_1278 = arith.addf %add3A_1214, %mul3A_1277 : vector<16xf32>
        %mul3A_1279 = arith.mulf %get3A_1265, %get3A_1272 : vector<16xf32>
        %add3A_1280 = arith.addf %add3A_1216, %mul3A_1279 : vector<16xf32>
        %mul3A_1281 = arith.mulf %add3A_1274, %add3A_1274 : vector<16xf32>
        %add3A_1282 = arith.addf %add3A_1218, %mul3A_1281 : vector<16xf32>
        %mul3A_1283 = arith.mulf %get3A_1265, %get3A_1265 : vector<16xf32>
        %add3A_1284 = arith.addf %add3A_1220, %mul3A_1283 : vector<16xf32>
        %mul3A_1285 = arith.mulf %get3A_1237, %get3A_1237 : vector<16xf32>
        %add3A_1286 = arith.addf %add3A_1222, %mul3A_1285 : vector<16xf32>
        %mul3A_1287 = arith.mulf %get3A_1244, %get3A_1244 : vector<16xf32>
        %add3A_1288 = arith.addf %add3A_1224, %mul3A_1287 : vector<16xf32>
        %mul3A_1289 = arith.mulf %get3A_1272, %get3A_1272 : vector<16xf32>
        %add3A_1290 = arith.addf %add3A_1226, %mul3A_1289 : vector<16xf32>
        %mul3A_1291 = arith.mulf %sub3A_1275, %get3A_1265 : vector<16xf32>
        %add3A_1292 = arith.addf %add3A_1228, %mul3A_1291 : vector<16xf32>
        %mul3A_1293 = arith.mulf %add3A_1276, %add3A_1276 : vector<16xf32>
        %add3A_1294 = arith.addf %add3A_1230, %mul3A_1293 : vector<16xf32>
        %get3A_1295 = arith.constant 0 : i32
        %get3A_1296 = arith.constant 0 : i32
        %get3A_1297 = tpu.memref_slice %arg18[%scan3A_742, %get3A_1295, %get3A_1296] : memref<2x128x64xf32, #tpu.memory_space<vmem>> -> memref<1x128x64xf32, #tpu.memory_space<vmem>>
        %get3A_1298 = tpu.memref_squeeze %get3A_1297 : memref<1x128x64xf32, #tpu.memory_space<vmem>> -> memref<128x64xf32, #tpu.memory_space<vmem>>
        %get3A_1299 = arith.index_cast %add3A_1167 : i32 to index
        %get3A_1300 = arith.constant 32 : index
        %get3A_1301 = tpu.vector_load %get3A_1298[%get3A_1299, %get3A_1300] {strides = array<i32>} : memref<128x64xf32, #tpu.memory_space<vmem>>, vector<16xf32>,
        %get3A_1302 = arith.constant 0 : i32
        %get3A_1303 = arith.constant 0 : i32
        %get3A_1304 = tpu.memref_slice %arg19[%scan3A_743, %get3A_1302, %get3A_1303] : memref<2x128x64xf32, #tpu.memory_space<vmem>> -> memref<1x128x64xf32, #tpu.memory_space<vmem>>
        %get3A_1305 = tpu.memref_squeeze %get3A_1304 : memref<1x128x64xf32, #tpu.memory_space<vmem>> -> memref<128x64xf32, #tpu.memory_space<vmem>>
        %get3A_1306 = arith.index_cast %add3A_1167 : i32 to index
        %get3A_1307 = arith.constant 32 : index
        %get3A_1308 = tpu.vector_load %get3A_1305[%get3A_1306, %get3A_1307] {strides = array<i32>} : memref<128x64xf32, #tpu.memory_space<vmem>>, vector<16xf32>,
        %get3A_1309 = arith.constant 0 : i32
        %get3A_1310 = arith.constant 0 : i32
        %get3A_1311 = tpu.memref_slice %arg20[%scan3A_744, %get3A_1309, %get3A_1310] : memref<2x128x64xf32, #tpu.memory_space<vmem>> -> memref<1x128x64xf32, #tpu.memory_space<vmem>>
        %get3A_1312 = tpu.memref_squeeze %get3A_1311 : memref<1x128x64xf32, #tpu.memory_space<vmem>> -> memref<128x64xf32, #tpu.memory_space<vmem>>
        %get3A_1313 = arith.index_cast %add3A_1167 : i32 to index
        %get3A_1314 = arith.constant 32 : index
        %get3A_1315 = tpu.vector_load %get3A_1312[%get3A_1313, %get3A_1314] {strides = array<i32>} : memref<128x64xf32, #tpu.memory_space<vmem>>, vector<16xf32>,
        %get3A_1316 = arith.constant 0 : i32
        %get3A_1317 = arith.constant 0 : i32
        %get3A_1318 = tpu.memref_slice %arg21[%scan3A_745, %get3A_1316, %get3A_1317] : memref<2x128x64xf32, #tpu.memory_space<vmem>> -> memref<1x128x64xf32, #tpu.memory_space<vmem>>
        %get3A_1319 = tpu.memref_squeeze %get3A_1318 : memref<1x128x64xf32, #tpu.memory_space<vmem>> -> memref<128x64xf32, #tpu.memory_space<vmem>>
        %get3A_1320 = arith.index_cast %add3A_1167 : i32 to index
        %get3A_1321 = arith.constant 32 : index
        %get3A_1322 = tpu.vector_load %get3A_1319[%get3A_1320, %get3A_1321] {strides = array<i32>} : memref<128x64xf32, #tpu.memory_space<vmem>>, vector<16xf32>,
        %get3A_1323 = arith.constant 0 : i32
        %get3A_1324 = arith.constant 0 : i32
        %get3A_1325 = tpu.memref_slice %arg22[%scan3A_746, %get3A_1323, %get3A_1324] : memref<2x128x64xf32, #tpu.memory_space<vmem>> -> memref<1x128x64xf32, #tpu.memory_space<vmem>>
        %get3A_1326 = tpu.memref_squeeze %get3A_1325 : memref<1x128x64xf32, #tpu.memory_space<vmem>> -> memref<128x64xf32, #tpu.memory_space<vmem>>
        %get3A_1327 = arith.index_cast %add3A_1167 : i32 to index
        %get3A_1328 = arith.constant 32 : index
        %get3A_1329 = tpu.vector_load %get3A_1326[%get3A_1327, %get3A_1328] {strides = array<i32>} : memref<128x64xf32, #tpu.memory_space<vmem>>, vector<16xf32>,
        %get3A_1330 = arith.constant 0 : i32
        %get3A_1331 = arith.constant 0 : i32
        %get3A_1332 = tpu.memref_slice %arg23[%scan3A_747, %get3A_1330, %get3A_1331] : memref<2x128x64xf32, #tpu.memory_space<vmem>> -> memref<1x128x64xf32, #tpu.memory_space<vmem>>
        %get3A_1333 = tpu.memref_squeeze %get3A_1332 : memref<1x128x64xf32, #tpu.memory_space<vmem>> -> memref<128x64xf32, #tpu.memory_space<vmem>>
        %get3A_1334 = arith.index_cast %add3A_1167 : i32 to index
        %get3A_1335 = arith.constant 32 : index
        %get3A_1336 = tpu.vector_load %get3A_1333[%get3A_1334, %get3A_1335] {strides = array<i32>} : memref<128x64xf32, #tpu.memory_space<vmem>>, vector<16xf32>,
        %sub3A_1337 = arith.subf %get3A_1301, %get3A_1308 : vector<16xf32>
        %add3A_1338 = arith.addf %sub3A_1337, %get3A_1336 : vector<16xf32>
        %sub3A_1339 = arith.subf %get3A_1315, %get3A_1322 : vector<16xf32>
        %add3A_1340 = arith.addf %sub3A_1339, %get3A_1336 : vector<16xf32>
        %mul3A_1341 = arith.mulf %sub3A_1337, %get3A_1329 : vector<16xf32>
        %add3A_1342 = arith.addf %add3A_1278, %mul3A_1341 : vector<16xf32>
        %mul3A_1343 = arith.mulf %get3A_1329, %get3A_1336 : vector<16xf32>
        %add3A_1344 = arith.addf %add3A_1280, %mul3A_1343 : vector<16xf32>
        %mul3A_1345 = arith.mulf %add3A_1338, %add3A_1338 : vector<16xf32>
        %add3A_1346 = arith.addf %add3A_1282, %mul3A_1345 : vector<16xf32>
        %mul3A_1347 = arith.mulf %get3A_1329, %get3A_1329 : vector<16xf32>
        %add3A_1348 = arith.addf %add3A_1284, %mul3A_1347 : vector<16xf32>
        %mul3A_1349 = arith.mulf %get3A_1301, %get3A_1301 : vector<16xf32>
        %add3A_1350 = arith.addf %add3A_1286, %mul3A_1349 : vector<16xf32>
        %mul3A_1351 = arith.mulf %get3A_1308, %get3A_1308 : vector<16xf32>
        %add3A_1352 = arith.addf %add3A_1288, %mul3A_1351 : vector<16xf32>
        %mul3A_1353 = arith.mulf %get3A_1336, %get3A_1336 : vector<16xf32>
        %add3A_1354 = arith.addf %add3A_1290, %mul3A_1353 : vector<16xf32>
        %mul3A_1355 = arith.mulf %sub3A_1339, %get3A_1329 : vector<16xf32>
        %add3A_1356 = arith.addf %add3A_1292, %mul3A_1355 : vector<16xf32>
        %mul3A_1357 = arith.mulf %add3A_1340, %add3A_1340 : vector<16xf32>
        %add3A_1358 = arith.addf %add3A_1294, %mul3A_1357 : vector<16xf32>
        %get3A_1359 = arith.constant 0 : i32
        %get3A_1360 = arith.constant 0 : i32
        %get3A_1361 = tpu.memref_slice %arg18[%scan3A_742, %get3A_1359, %get3A_1360] : memref<2x128x64xf32, #tpu.memory_space<vmem>> -> memref<1x128x64xf32, #tpu.memory_space<vmem>>
        %get3A_1362 = tpu.memref_squeeze %get3A_1361 : memref<1x128x64xf32, #tpu.memory_space<vmem>> -> memref<128x64xf32, #tpu.memory_space<vmem>>
        %get3A_1363 = arith.index_cast %add3A_1167 : i32 to index
        %get3A_1364 = arith.constant 48 : index
        %get3A_1365 = tpu.vector_load %get3A_1362[%get3A_1363, %get3A_1364] {strides = array<i32>} : memref<128x64xf32, #tpu.memory_space<vmem>>, vector<16xf32>,
        %get3A_1366 = arith.constant 0 : i32
        %get3A_1367 = arith.constant 0 : i32
        %get3A_1368 = tpu.memref_slice %arg19[%scan3A_743, %get3A_1366, %get3A_1367] : memref<2x128x64xf32, #tpu.memory_space<vmem>> -> memref<1x128x64xf32, #tpu.memory_space<vmem>>
        %get3A_1369 = tpu.memref_squeeze %get3A_1368 : memref<1x128x64xf32, #tpu.memory_space<vmem>> -> memref<128x64xf32, #tpu.memory_space<vmem>>
        %get3A_1370 = arith.index_cast %add3A_1167 : i32 to index
        %get3A_1371 = arith.constant 48 : index
        %get3A_1372 = tpu.vector_load %get3A_1369[%get3A_1370, %get3A_1371] {strides = array<i32>} : memref<128x64xf32, #tpu.memory_space<vmem>>, vector<16xf32>,
        %get3A_1373 = arith.constant 0 : i32
        %get3A_1374 = arith.constant 0 : i32
        %get3A_1375 = tpu.memref_slice %arg20[%scan3A_744, %get3A_1373, %get3A_1374] : memref<2x128x64xf32, #tpu.memory_space<vmem>> -> memref<1x128x64xf32, #tpu.memory_space<vmem>>
        %get3A_1376 = tpu.memref_squeeze %get3A_1375 : memref<1x128x64xf32, #tpu.memory_space<vmem>> -> memref<128x64xf32, #tpu.memory_space<vmem>>
        %get3A_1377 = arith.index_cast %add3A_1167 : i32 to index
        %get3A_1378 = arith.constant 48 : index
        %get3A_1379 = tpu.vector_load %get3A_1376[%get3A_1377, %get3A_1378] {strides = array<i32>} : memref<128x64xf32, #tpu.memory_space<vmem>>, vector<16xf32>,
        %get3A_1380 = arith.constant 0 : i32
        %get3A_1381 = arith.constant 0 : i32
        %get3A_1382 = tpu.memref_slice %arg21[%scan3A_745, %get3A_1380, %get3A_1381] : memref<2x128x64xf32, #tpu.memory_space<vmem>> -> memref<1x128x64xf32, #tpu.memory_space<vmem>>
        %get3A_1383 = tpu.memref_squeeze %get3A_1382 : memref<1x128x64xf32, #tpu.memory_space<vmem>> -> memref<128x64xf32, #tpu.memory_space<vmem>>
        %get3A_1384 = arith.index_cast %add3A_1167 : i32 to index
        %get3A_1385 = arith.constant 48 : index
        %get3A_1386 = tpu.vector_load %get3A_1383[%get3A_1384, %get3A_1385] {strides = array<i32>} : memref<128x64xf32, #tpu.memory_space<vmem>>, vector<16xf32>,
        %get3A_1387 = arith.constant 0 : i32
        %get3A_1388 = arith.constant 0 : i32
        %get3A_1389 = tpu.memref_slice %arg22[%scan3A_746, %get3A_1387, %get3A_1388] : memref<2x128x64xf32, #tpu.memory_space<vmem>> -> memref<1x128x64xf32, #tpu.memory_space<vmem>>
        %get3A_1390 = tpu.memref_squeeze %get3A_1389 : memref<1x128x64xf32, #tpu.memory_space<vmem>> -> memref<128x64xf32, #tpu.memory_space<vmem>>
        %get3A_1391 = arith.index_cast %add3A_1167 : i32 to index
        %get3A_1392 = arith.constant 48 : index
        %get3A_1393 = tpu.vector_load %get3A_1390[%get3A_1391, %get3A_1392] {strides = array<i32>} : memref<128x64xf32, #tpu.memory_space<vmem>>, vector<16xf32>,
        %get3A_1394 = arith.constant 0 : i32
        %get3A_1395 = arith.constant 0 : i32
        %get3A_1396 = tpu.memref_slice %arg23[%scan3A_747, %get3A_1394, %get3A_1395] : memref<2x128x64xf32, #tpu.memory_space<vmem>> -> memref<1x128x64xf32, #tpu.memory_space<vmem>>
        %get3A_1397 = tpu.memref_squeeze %get3A_1396 : memref<1x128x64xf32, #tpu.memory_space<vmem>> -> memref<128x64xf32, #tpu.memory_space<vmem>>
        %get3A_1398 = arith.index_cast %add3A_1167 : i32 to index
        %get3A_1399 = arith.constant 48 : index
        %get3A_1400 = tpu.vector_load %get3A_1397[%get3A_1398, %get3A_1399] {strides = array<i32>} : memref<128x64xf32, #tpu.memory_space<vmem>>, vector<16xf32>,
        %sub3A_1401 = arith.subf %get3A_1365, %get3A_1372 : vector<16xf32>
        %add3A_1402 = arith.addf %sub3A_1401, %get3A_1400 : vector<16xf32>
        %sub3A_1403 = arith.subf %get3A_1379, %get3A_1386 : vector<16xf32>
        %add3A_1404 = arith.addf %sub3A_1403, %get3A_1400 : vector<16xf32>
        %mul3A_1405 = arith.mulf %sub3A_1401, %get3A_1393 : vector<16xf32>
        %add3A_1406 = arith.addf %add3A_1342, %mul3A_1405 : vector<16xf32>
        %mul3A_1407 = arith.mulf %get3A_1393, %get3A_1400 : vector<16xf32>
        %add3A_1408 = arith.addf %add3A_1344, %mul3A_1407 : vector<16xf32>
        %mul3A_1409 = arith.mulf %add3A_1402, %add3A_1402 : vector<16xf32>
        %add3A_1410 = arith.addf %add3A_1346, %mul3A_1409 : vector<16xf32>
        %mul3A_1411 = arith.mulf %get3A_1393, %get3A_1393 : vector<16xf32>
        %add3A_1412 = arith.addf %add3A_1348, %mul3A_1411 : vector<16xf32>
        %mul3A_1413 = arith.mulf %get3A_1365, %get3A_1365 : vector<16xf32>
        %add3A_1414 = arith.addf %add3A_1350, %mul3A_1413 : vector<16xf32>
        %mul3A_1415 = arith.mulf %get3A_1372, %get3A_1372 : vector<16xf32>
        %add3A_1416 = arith.addf %add3A_1352, %mul3A_1415 : vector<16xf32>
        %mul3A_1417 = arith.mulf %get3A_1400, %get3A_1400 : vector<16xf32>
        %add3A_1418 = arith.addf %add3A_1354, %mul3A_1417 : vector<16xf32>
        %mul3A_1419 = arith.mulf %sub3A_1403, %get3A_1393 : vector<16xf32>
        %add3A_1420 = arith.addf %add3A_1356, %mul3A_1419 : vector<16xf32>
        %mul3A_1421 = arith.mulf %add3A_1404, %add3A_1404 : vector<16xf32>
        %add3A_1422 = arith.addf %add3A_1358, %mul3A_1421 : vector<16xf32>
        %eq3A = vector.broadcast %scan3A_1155 : i32 to vector<16xi32>
        %eq3A_1423 = arith.cmpi eq, %iota3A_741, %eq3A : vector<16xi32>
        %broadcast_in_dim3A_1424 = arith.constant true
        %broadcast_in_dim3A_1425 = vector.broadcast %broadcast_in_dim3A_1424 : i1 to vector<16xi1>
        %masked_cumsum3A = tpu.scan <sum>, %add3A_1406 masked %broadcast_in_dim3A_1425 : vector<16xf32>, vector<16xi1> -> vector<16xf32>
        %slice3A = vector.extract_strided_slice %masked_cumsum3A {offsets = [15], sizes = [1], strides = [1]} : vector<16xf32> to vector<1xf32>
        %squeeze3A = vector.extract %slice3A[0] : f32 from vector<1xf32>
        %broadcast_in_dim3A_1426 = vector.broadcast %squeeze3A : f32 to vector<16xf32>
        %select_n3A_1427 = arith.select %eq3A_1423, %broadcast_in_dim3A_1426, %scan3A_1156 : vector<16xi1>, vector<16xf32>
        %broadcast_in_dim3A_1428 = arith.constant true
        %broadcast_in_dim3A_1429 = vector.broadcast %broadcast_in_dim3A_1428 : i1 to vector<16xi1>
        %masked_cumsum3A_1430 = tpu.scan <sum>, %add3A_1408 masked %broadcast_in_dim3A_1429 : vector<16xf32>, vector<16xi1> -> vector<16xf32>
        %slice3A_1431 = vector.extract_strided_slice %masked_cumsum3A_1430 {offsets = [15], sizes = [1], strides = [1]} : vector<16xf32> to vector<1xf32>
        %squeeze3A_1432 = vector.extract %slice3A_1431[0] : f32 from vector<1xf32>
        %broadcast_in_dim3A_1433 = vector.broadcast %squeeze3A_1432 : f32 to vector<16xf32>
        %select_n3A_1434 = arith.select %eq3A_1423, %broadcast_in_dim3A_1433, %scan3A_1157 : vector<16xi1>, vector<16xf32>
        %broadcast_in_dim3A_1435 = arith.constant true
        %broadcast_in_dim3A_1436 = vector.broadcast %broadcast_in_dim3A_1435 : i1 to vector<16xi1>
        %masked_cumsum3A_1437 = tpu.scan <sum>, %add3A_1410 masked %broadcast_in_dim3A_1436 : vector<16xf32>, vector<16xi1> -> vector<16xf32>
        %slice3A_1438 = vector.extract_strided_slice %masked_cumsum3A_1437 {offsets = [15], sizes = [1], strides = [1]} : vector<16xf32> to vector<1xf32>
        %squeeze3A_1439 = vector.extract %slice3A_1438[0] : f32 from vector<1xf32>
        %broadcast_in_dim3A_1440 = vector.broadcast %squeeze3A_1439 : f32 to vector<16xf32>
        %select_n3A_1441 = arith.select %eq3A_1423, %broadcast_in_dim3A_1440, %scan3A_1158 : vector<16xi1>, vector<16xf32>
        %broadcast_in_dim3A_1442 = arith.constant true
        %broadcast_in_dim3A_1443 = vector.broadcast %broadcast_in_dim3A_1442 : i1 to vector<16xi1>
        %masked_cumsum3A_1444 = tpu.scan <sum>, %add3A_1412 masked %broadcast_in_dim3A_1443 : vector<16xf32>, vector<16xi1> -> vector<16xf32>
        %slice3A_1445 = vector.extract_strided_slice %masked_cumsum3A_1444 {offsets = [15], sizes = [1], strides = [1]} : vector<16xf32> to vector<1xf32>
        %squeeze3A_1446 = vector.extract %slice3A_1445[0] : f32 from vector<1xf32>
        %broadcast_in_dim3A_1447 = vector.broadcast %squeeze3A_1446 : f32 to vector<16xf32>
        %select_n3A_1448 = arith.select %eq3A_1423, %broadcast_in_dim3A_1447, %scan3A_1159 : vector<16xi1>, vector<16xf32>
        %broadcast_in_dim3A_1449 = arith.constant true
        %broadcast_in_dim3A_1450 = vector.broadcast %broadcast_in_dim3A_1449 : i1 to vector<16xi1>
        %masked_cumsum3A_1451 = tpu.scan <sum>, %add3A_1414 masked %broadcast_in_dim3A_1450 : vector<16xf32>, vector<16xi1> -> vector<16xf32>
        %slice3A_1452 = vector.extract_strided_slice %masked_cumsum3A_1451 {offsets = [15], sizes = [1], strides = [1]} : vector<16xf32> to vector<1xf32>
        %squeeze3A_1453 = vector.extract %slice3A_1452[0] : f32 from vector<1xf32>
        %broadcast_in_dim3A_1454 = vector.broadcast %squeeze3A_1453 : f32 to vector<16xf32>
        %select_n3A_1455 = arith.select %eq3A_1423, %broadcast_in_dim3A_1454, %scan3A_1160 : vector<16xi1>, vector<16xf32>
        %broadcast_in_dim3A_1456 = arith.constant true
        %broadcast_in_dim3A_1457 = vector.broadcast %broadcast_in_dim3A_1456 : i1 to vector<16xi1>
        %masked_cumsum3A_1458 = tpu.scan <sum>, %add3A_1416 masked %broadcast_in_dim3A_1457 : vector<16xf32>, vector<16xi1> -> vector<16xf32>
        %slice3A_1459 = vector.extract_strided_slice %masked_cumsum3A_1458 {offsets = [15], sizes = [1], strides = [1]} : vector<16xf32> to vector<1xf32>
        %squeeze3A_1460 = vector.extract %slice3A_1459[0] : f32 from vector<1xf32>
        %broadcast_in_dim3A_1461 = vector.broadcast %squeeze3A_1460 : f32 to vector<16xf32>
        %select_n3A_1462 = arith.select %eq3A_1423, %broadcast_in_dim3A_1461, %scan3A_1161 : vector<16xi1>, vector<16xf32>
        %broadcast_in_dim3A_1463 = arith.constant true
        %broadcast_in_dim3A_1464 = vector.broadcast %broadcast_in_dim3A_1463 : i1 to vector<16xi1>
        %masked_cumsum3A_1465 = tpu.scan <sum>, %add3A_1418 masked %broadcast_in_dim3A_1464 : vector<16xf32>, vector<16xi1> -> vector<16xf32>
        %slice3A_1466 = vector.extract_strided_slice %masked_cumsum3A_1465 {offsets = [15], sizes = [1], strides = [1]} : vector<16xf32> to vector<1xf32>
        %squeeze3A_1467 = vector.extract %slice3A_1466[0] : f32 from vector<1xf32>
        %broadcast_in_dim3A_1468 = vector.broadcast %squeeze3A_1467 : f32 to vector<16xf32>
        %select_n3A_1469 = arith.select %eq3A_1423, %broadcast_in_dim3A_1468, %scan3A_1162 : vector<16xi1>, vector<16xf32>
        %broadcast_in_dim3A_1470 = arith.constant true
        %broadcast_in_dim3A_1471 = vector.broadcast %broadcast_in_dim3A_1470 : i1 to vector<16xi1>
        %masked_cumsum3A_1472 = tpu.scan <sum>, %add3A_1420 masked %broadcast_in_dim3A_1471 : vector<16xf32>, vector<16xi1> -> vector<16xf32>
        %slice3A_1473 = vector.extract_strided_slice %masked_cumsum3A_1472 {offsets = [15], sizes = [1], strides = [1]} : vector<16xf32> to vector<1xf32>
        %squeeze3A_1474 = vector.extract %slice3A_1473[0] : f32 from vector<1xf32>
        %broadcast_in_dim3A_1475 = vector.broadcast %squeeze3A_1474 : f32 to vector<16xf32>
        %select_n3A_1476 = arith.select %eq3A_1423, %broadcast_in_dim3A_1475, %scan3A_1163 : vector<16xi1>, vector<16xf32>
        %broadcast_in_dim3A_1477 = arith.constant true
        %broadcast_in_dim3A_1478 = vector.broadcast %broadcast_in_dim3A_1477 : i1 to vector<16xi1>
        %masked_cumsum3A_1479 = tpu.scan <sum>, %add3A_1422 masked %broadcast_in_dim3A_1478 : vector<16xf32>, vector<16xi1> -> vector<16xf32>
        %slice3A_1480 = vector.extract_strided_slice %masked_cumsum3A_1479 {offsets = [15], sizes = [1], strides = [1]} : vector<16xf32> to vector<1xf32>
        %squeeze3A_1481 = vector.extract %slice3A_1480[0] : f32 from vector<1xf32>
        %broadcast_in_dim3A_1482 = vector.broadcast %squeeze3A_1481 : f32 to vector<16xf32>
        %select_n3A_1483 = arith.select %eq3A_1423, %broadcast_in_dim3A_1482, %scan3A_1164 : vector<16xi1>, vector<16xf32>
        scf.yield %select_n3A_1427, %select_n3A_1434, %select_n3A_1441, %select_n3A_1448, %select_n3A_1455, %select_n3A_1462, %select_n3A_1469, %select_n3A_1476, %select_n3A_1483 : vector<16xf32>, vector<16xf32>, vector<16xf32>, vector<16xf32>, vector<16xf32>, vector<16xf32>, vector<16xf32>, vector<16xf32>, vector<16xf32>
      }
      %scan3A_1007 = arith.constant 16 : i32
      %mul3A_1008 = arith.mulf %scan3A_1006#0, %scan3A_1006#3 : vector<16xf32>
      %add3A_1009 = arith.addf %scan3A_1006#0, %scan3A_1006#1 : vector<16xf32>
      %mul3A_1010 = arith.constant 2.000000e+00 : f32
      %mul3A_1011 = vector.broadcast %mul3A_1010 : f32 to vector<16xf32>
      %mul3A_1012 = arith.mulf %mul3A_1011, %add3A_1009 : vector<16xf32>
      %sub3A = arith.subf %mul3A_1008, %mul3A_1012 : vector<16xf32>
      %mul3A_1013 = arith.mulf %scan3A_1006#0, %sub3A : vector<16xf32>
      %add3A_1014 = arith.addf %scan3A_1006#2, %mul3A_1013 : vector<16xf32>
      %mul3A_1015 = arith.mulf %scan3A_1006#7, %scan3A_1006#3 : vector<16xf32>
      %add3A_1016 = arith.addf %scan3A_1006#7, %scan3A_1006#1 : vector<16xf32>
      %mul3A_1017 = arith.constant 2.000000e+00 : f32
      %mul3A_1018 = vector.broadcast %mul3A_1017 : f32 to vector<16xf32>
      %mul3A_1019 = arith.mulf %mul3A_1018, %add3A_1016 : vector<16xf32>
      %sub3A_1020 = arith.subf %mul3A_1015, %mul3A_1019 : vector<16xf32>
      %mul3A_1021 = arith.mulf %scan3A_1006#7, %sub3A_1020 : vector<16xf32>
      %add3A_1022 = arith.addf %scan3A_1006#8, %mul3A_1021 : vector<16xf32>
      %max3A = arith.constant 0.000000e+00 : f32
      %max3A_1023 = vector.broadcast %max3A : f32 to vector<16xf32>
      %max3A_1024 = arith.maximumf %add3A_1014, %max3A_1023 : vector<16xf32>
      %bitcast_convert_type3A = tpu.bitcast %max3A_1024 : vector<16xf32> -> vector<16xi32>
      %shift_right_arithmetic3A = arith.constant 1 : i32
      %shift_right_arithmetic3A_1025 = vector.broadcast %shift_right_arithmetic3A : i32 to vector<16xi32>
      %shift_right_arithmetic3A_1026 = arith.shrsi %bitcast_convert_type3A, %shift_right_arithmetic3A_1025 : vector<16xi32>
      %sub3A_1027 = arith.constant 1597463007 : i32
      %sub3A_1028 = vector.broadcast %sub3A_1027 : i32 to vector<16xi32>
      %sub3A_1029 = arith.subi %sub3A_1028, %shift_right_arithmetic3A_1026 : vector<16xi32>
      %bitcast_convert_type3A_1030 = tpu.bitcast %sub3A_1029 : vector<16xi32> -> vector<16xf32>
      %mul3A_1031 = arith.constant 5.000000e-01 : f32
      %mul3A_1032 = vector.broadcast %mul3A_1031 : f32 to vector<16xf32>
      %mul3A_1033 = arith.mulf %mul3A_1032, %max3A_1024 : vector<16xf32>
      %mul3A_1034 = arith.mulf %mul3A_1033, %bitcast_convert_type3A_1030 : vector<16xf32>
      %mul3A_1035 = arith.mulf %mul3A_1034, %bitcast_convert_type3A_1030 : vector<16xf32>
      %sub3A_1036 = arith.constant 1.500000e+00 : f32
      %sub3A_1037 = vector.broadcast %sub3A_1036 : f32 to vector<16xf32>
      %sub3A_1038 = arith.subf %sub3A_1037, %mul3A_1035 : vector<16xf32>
      %mul3A_1039 = arith.mulf %bitcast_convert_type3A_1030, %sub3A_1038 : vector<16xf32>
      %mul3A_1040 = arith.constant 5.000000e-01 : f32
      %mul3A_1041 = vector.broadcast %mul3A_1040 : f32 to vector<16xf32>
      %mul3A_1042 = arith.mulf %mul3A_1041, %max3A_1024 : vector<16xf32>
      %mul3A_1043 = arith.mulf %mul3A_1042, %mul3A_1039 : vector<16xf32>
      %mul3A_1044 = arith.mulf %mul3A_1043, %mul3A_1039 : vector<16xf32>
      %sub3A_1045 = arith.constant 1.500000e+00 : f32
      %sub3A_1046 = vector.broadcast %sub3A_1045 : f32 to vector<16xf32>
      %sub3A_1047 = arith.subf %sub3A_1046, %mul3A_1044 : vector<16xf32>
      %mul3A_1048 = arith.mulf %mul3A_1039, %sub3A_1047 : vector<16xf32>
      %mul3A_1049 = arith.constant 5.000000e-01 : f32
      %mul3A_1050 = vector.broadcast %mul3A_1049 : f32 to vector<16xf32>
      %mul3A_1051 = arith.mulf %mul3A_1050, %max3A_1024 : vector<16xf32>
      %mul3A_1052 = arith.mulf %mul3A_1051, %mul3A_1048 : vector<16xf32>
      %mul3A_1053 = arith.mulf %mul3A_1052, %mul3A_1048 : vector<16xf32>
      %sub3A_1054 = arith.constant 1.500000e+00 : f32
      %sub3A_1055 = vector.broadcast %sub3A_1054 : f32 to vector<16xf32>
      %sub3A_1056 = arith.subf %sub3A_1055, %mul3A_1053 : vector<16xf32>
      %mul3A_1057 = arith.mulf %mul3A_1048, %sub3A_1056 : vector<16xf32>
      %gt3A = arith.constant 0.000000e+00 : f32
      %gt3A_1058 = vector.broadcast %gt3A : f32 to vector<16xf32>
      %gt3A_1059 = arith.cmpf ogt, %max3A_1024, %gt3A_1058 : vector<16xf32>
      %mul3A_1060 = arith.mulf %max3A_1024, %mul3A_1057 : vector<16xf32>
      %jit3A = arith.constant 0.000000e+00 : f32
      %broadcast_in_dim3A_1061 = vector.broadcast %jit3A : f32 to vector<16xf32>
      %select_n3A = arith.select %gt3A_1059, %mul3A_1060, %broadcast_in_dim3A_1061 : vector<16xi1>, vector<16xf32>
      %max3A_1062 = arith.constant 0.000000e+00 : f32
      %max3A_1063 = vector.broadcast %max3A_1062 : f32 to vector<16xf32>
      %max3A_1064 = arith.maximumf %add3A_1022, %max3A_1063 : vector<16xf32>
      %bitcast_convert_type3A_1065 = tpu.bitcast %max3A_1064 : vector<16xf32> -> vector<16xi32>
      %shift_right_arithmetic3A_1066 = arith.constant 1 : i32
      %shift_right_arithmetic3A_1067 = vector.broadcast %shift_right_arithmetic3A_1066 : i32 to vector<16xi32>
      %shift_right_arithmetic3A_1068 = arith.shrsi %bitcast_convert_type3A_1065, %shift_right_arithmetic3A_1067 : vector<16xi32>
      %sub3A_1069 = arith.constant 1597463007 : i32
      %sub3A_1070 = vector.broadcast %sub3A_1069 : i32 to vector<16xi32>
      %sub3A_1071 = arith.subi %sub3A_1070, %shift_right_arithmetic3A_1068 : vector<16xi32>
      %bitcast_convert_type3A_1072 = tpu.bitcast %sub3A_1071 : vector<16xi32> -> vector<16xf32>
      %mul3A_1073 = arith.constant 5.000000e-01 : f32
      %mul3A_1074 = vector.broadcast %mul3A_1073 : f32 to vector<16xf32>
      %mul3A_1075 = arith.mulf %mul3A_1074, %max3A_1064 : vector<16xf32>
      %mul3A_1076 = arith.mulf %mul3A_1075, %bitcast_convert_type3A_1072 : vector<16xf32>
      %mul3A_1077 = arith.mulf %mul3A_1076, %bitcast_convert_type3A_1072 : vector<16xf32>
      %sub3A_1078 = arith.constant 1.500000e+00 : f32
      %sub3A_1079 = vector.broadcast %sub3A_1078 : f32 to vector<16xf32>
      %sub3A_1080 = arith.subf %sub3A_1079, %mul3A_1077 : vector<16xf32>
      %mul3A_1081 = arith.mulf %bitcast_convert_type3A_1072, %sub3A_1080 : vector<16xf32>
      %mul3A_1082 = arith.constant 5.000000e-01 : f32
      %mul3A_1083 = vector.broadcast %mul3A_1082 : f32 to vector<16xf32>
      %mul3A_1084 = arith.mulf %mul3A_1083, %max3A_1064 : vector<16xf32>
      %mul3A_1085 = arith.mulf %mul3A_1084, %mul3A_1081 : vector<16xf32>
      %mul3A_1086 = arith.mulf %mul3A_1085, %mul3A_1081 : vector<16xf32>
      %sub3A_1087 = arith.constant 1.500000e+00 : f32
      %sub3A_1088 = vector.broadcast %sub3A_1087 : f32 to vector<16xf32>
      %sub3A_1089 = arith.subf %sub3A_1088, %mul3A_1086 : vector<16xf32>
      %mul3A_1090 = arith.mulf %mul3A_1081, %sub3A_1089 : vector<16xf32>
      %mul3A_1091 = arith.constant 5.000000e-01 : f32
      %mul3A_1092 = vector.broadcast %mul3A_1091 : f32 to vector<16xf32>
      %mul3A_1093 = arith.mulf %mul3A_1092, %max3A_1064 : vector<16xf32>
      %mul3A_1094 = arith.mulf %mul3A_1093, %mul3A_1090 : vector<16xf32>
      %mul3A_1095 = arith.mulf %mul3A_1094, %mul3A_1090 : vector<16xf32>
      %sub3A_1096 = arith.constant 1.500000e+00 : f32
      %sub3A_1097 = vector.broadcast %sub3A_1096 : f32 to vector<16xf32>
      %sub3A_1098 = arith.subf %sub3A_1097, %mul3A_1095 : vector<16xf32>
      %mul3A_1099 = arith.mulf %mul3A_1090, %sub3A_1098 : vector<16xf32>
      %gt3A_1100 = arith.constant 0.000000e+00 : f32
      %gt3A_1101 = vector.broadcast %gt3A_1100 : f32 to vector<16xf32>
      %gt3A_1102 = arith.cmpf ogt, %max3A_1064, %gt3A_1101 : vector<16xf32>
      %mul3A_1103 = arith.mulf %max3A_1064, %mul3A_1099 : vector<16xf32>
      %jit3A_1104 = arith.constant 0.000000e+00 : f32
      %broadcast_in_dim3A_1105 = vector.broadcast %jit3A_1104 : f32 to vector<16xf32>
      %select_n3A_1106 = arith.select %gt3A_1102, %mul3A_1103, %broadcast_in_dim3A_1105 : vector<16xi1>, vector<16xf32>
      %sub3A_1107 = arith.subf %select_n3A, %select_n3A_1106 : vector<16xf32>
      %add3A_1108 = arith.constant 1.000000e+00 : f32
      %add3A_1109 = vector.broadcast %add3A_1108 : f32 to vector<16xf32>
      %add3A_1110 = arith.addf %sub3A_1107, %add3A_1109 : vector<16xf32>
      %max3A_1111 = arith.constant 0.000000e+00 : f32
      %max3A_1112 = vector.broadcast %max3A_1111 : f32 to vector<16xf32>
      %max3A_1113 = arith.maximumf %add3A_1110, %max3A_1112 : vector<16xf32>
      %sub3A_1114 = arith.constant 1.000000e+00 : f32
      %sub3A_1115 = vector.broadcast %sub3A_1114 : f32 to vector<16xf32>
      %sub3A_1116 = arith.subf %scan3A_1006#4, %sub3A_1115 : vector<16xf32>
      %max3A_1117 = arith.constant 0.000000e+00 : f32
      %max3A_1118 = vector.broadcast %max3A_1117 : f32 to vector<16xf32>
      %max3A_1119 = arith.maximumf %sub3A_1116, %max3A_1118 : vector<16xf32>
      %mul3A_1120 = arith.constant 2.500000e-01 : f32
      %mul3A_1121 = vector.broadcast %mul3A_1120 : f32 to vector<16xf32>
      %mul3A_1122 = arith.mulf %mul3A_1121, %max3A_1119 : vector<16xf32>
      %add3A_1123 = arith.addf %max3A_1113, %mul3A_1122 : vector<16xf32>
      %sub3A_1124 = arith.constant 1.000000e+00 : f32
      %sub3A_1125 = vector.broadcast %sub3A_1124 : f32 to vector<16xf32>
      %sub3A_1126 = arith.subf %scan3A_1006#5, %sub3A_1125 : vector<16xf32>
      %max3A_1127 = arith.constant 0.000000e+00 : f32
      %max3A_1128 = vector.broadcast %max3A_1127 : f32 to vector<16xf32>
      %max3A_1129 = arith.maximumf %sub3A_1126, %max3A_1128 : vector<16xf32>
      %mul3A_1130 = arith.constant 2.500000e-01 : f32
      %mul3A_1131 = vector.broadcast %mul3A_1130 : f32 to vector<16xf32>
      %mul3A_1132 = arith.mulf %mul3A_1131, %max3A_1129 : vector<16xf32>
      %add3A_1133 = arith.addf %add3A_1123, %mul3A_1132 : vector<16xf32>
      %mul3A_1134 = arith.mulf %scan3A_1006#1, %scan3A_1006#1 : vector<16xf32>
      %div3A = arith.divf %mul3A_1134, %scan3A_1006#6 : vector<16xf32>
      %sub3A_1135 = arith.constant 9.99999974E-5 : f32
      %sub3A_1136 = vector.broadcast %sub3A_1135 : f32 to vector<16xf32>
      %sub3A_1137 = arith.subf %div3A, %sub3A_1136 : vector<16xf32>
      %max3A_1138 = arith.constant 0.000000e+00 : f32
      %max3A_1139 = vector.broadcast %max3A_1138 : f32 to vector<16xf32>
      %max3A_1140 = arith.maximumf %sub3A_1137, %max3A_1139 : vector<16xf32>
      %mul3A_1141 = arith.constant 2.500000e-01 : f32
      %mul3A_1142 = vector.broadcast %mul3A_1141 : f32 to vector<16xf32>
      %mul3A_1143 = arith.mulf %mul3A_1142, %max3A_1140 : vector<16xf32>
      %add3A_1144 = arith.addf %add3A_1133, %mul3A_1143 : vector<16xf32>
      %mul3A_1145 = arith.constant 16 : i32
      %mul3A_1146 = arith.muli %scan3A_999, %mul3A_1145 : i32
      %add3A_1147 = arith.constant 128 : i32
      %add3A_1148 = arith.addi %add3A_1147, %mul3A_1146 : i32
      %swap3A = arith.index_cast %add3A_1148 : i32 to index
      %swap3A_1149 = tpu.vector_load %arg24[%swap3A] {strides = array<i32>} : memref<512xf32, #tpu.memory_space<vmem>>, vector<16xf32>,
      tpu.vector_store %arg24[%swap3A], %add3A_1144 {strides = array<i32>} : memref<512xf32, #tpu.memory_space<vmem>>, vector<16xf32>,
      %swap3A_1150 = arith.index_cast %add3A_1148 : i32 to index
      %swap3A_1151 = tpu.vector_load %arg25[%swap3A_1150] {strides = array<i32>} : memref<512xf32, #tpu.memory_space<vmem>>, vector<16xf32>,
      tpu.vector_store %arg25[%swap3A_1150], %select_n3A {strides = array<i32>} : memref<512xf32, #tpu.memory_space<vmem>>, vector<16xf32>,
      %swap3A_1152 = arith.index_cast %add3A_1148 : i32 to index
      %swap3A_1153 = tpu.vector_load %arg26[%swap3A_1152] {strides = array<i32>} : memref<512xf32, #tpu.memory_space<vmem>>, vector<16xf32>,
      tpu.vector_store %arg26[%swap3A_1152], %select_n3A_1106 {strides = array<i32>} : memref<512xf32, #tpu.memory_space<vmem>>, vector<16xf32>,
      %scan3A_1154 = arith.constant 0 : i32
      scf.yield %scan3A_1154 : i32
    }
    %scan3A_754 = arith.constant 8 : i32
    %dma_start3A_755 = arith.constant 3 : i32
    %dma_start3A_756 = arith.constant 1 : i32
    %dma_start3A_757 = arith.constant 0 : i32
    %dma_start3A_758 = arith.constant 0 : i32
    %dma_start3A_759 = tpu.memref_slice %arg18[%dma_start3A_756, %dma_start3A_757, %dma_start3A_758] : memref<2x128x64xf32, #tpu.memory_space<vmem>> -> memref<1x128x64xf32, #tpu.memory_space<vmem>>
    %dma_start3A_760 = tpu.memref_squeeze %dma_start3A_759 : memref<1x128x64xf32, #tpu.memory_space<vmem>> -> memref<128x64xf32, #tpu.memory_space<vmem>>
    %dma_start3A_761 = arith.constant 0 : i32
    %dma_start3A_762 = tpu.memref_slice %arg13[%dma_start3A_755, %dma_start3A_761] : memref<4x128xi32, #tpu.memory_space<vmem>> -> memref<1x128xi32, #tpu.memory_space<vmem>>
    %dma_start3A_763 = tpu.memref_squeeze %dma_start3A_762 : memref<1x128xi32, #tpu.memory_space<vmem>> -> memref<128xi32, #tpu.memory_space<vmem>>
    %dma_start3A_764 = arith.constant 0 : i32
    %dma_start3A_765 = arith.constant 0 : i32
    %dma_start3A_766 = tpu.memref_slice %arg7[%dma_start3A_764, %dma_start3A_765] : memref<1000000x64xf32, #tpu.memory_space<hbm>> -> memref<1000000x64xf32, #tpu.memory_space<hbm>>
    tpu.enqueue_indirect_dma source(%dma_start3A_766 : memref<1000000x64xf32, #tpu.memory_space<hbm>>) target(%dma_start3A_760 : memref<128x64xf32, #tpu.memory_space<vmem>>) offsets(%dma_start3A_763 : memref<128xi32, #tpu.memory_space<vmem>>) semaphore(%arg29 : memref<!tpu.dma_semaphore, #tpu.memory_space<semaphore_mem>>)
    %dma_start3A_767 = arith.constant 3 : i32
    %dma_start3A_768 = arith.constant 1 : i32
    %dma_start3A_769 = arith.constant 0 : i32
    %dma_start3A_770 = arith.constant 0 : i32
    %dma_start3A_771 = tpu.memref_slice %arg19[%dma_start3A_768, %dma_start3A_769, %dma_start3A_770] : memref<2x128x64xf32, #tpu.memory_space<vmem>> -> memref<1x128x64xf32, #tpu.memory_space<vmem>>
    %dma_start3A_772 = tpu.memref_squeeze %dma_start3A_771 : memref<1x128x64xf32, #tpu.memory_space<vmem>> -> memref<128x64xf32, #tpu.memory_space<vmem>>
    %dma_start3A_773 = arith.constant 0 : i32
    %dma_start3A_774 = tpu.memref_slice %arg14[%dma_start3A_767, %dma_start3A_773] : memref<4x128xi32, #tpu.memory_space<vmem>> -> memref<1x128xi32, #tpu.memory_space<vmem>>
    %dma_start3A_775 = tpu.memref_squeeze %dma_start3A_774 : memref<1x128xi32, #tpu.memory_space<vmem>> -> memref<128xi32, #tpu.memory_space<vmem>>
    %dma_start3A_776 = arith.constant 0 : i32
    %dma_start3A_777 = arith.constant 0 : i32
    %dma_start3A_778 = tpu.memref_slice %arg7[%dma_start3A_776, %dma_start3A_777] : memref<1000000x64xf32, #tpu.memory_space<hbm>> -> memref<1000000x64xf32, #tpu.memory_space<hbm>>
    tpu.enqueue_indirect_dma source(%dma_start3A_778 : memref<1000000x64xf32, #tpu.memory_space<hbm>>) target(%dma_start3A_772 : memref<128x64xf32, #tpu.memory_space<vmem>>) offsets(%dma_start3A_775 : memref<128xi32, #tpu.memory_space<vmem>>) semaphore(%arg29 : memref<!tpu.dma_semaphore, #tpu.memory_space<semaphore_mem>>)
    %dma_start3A_779 = arith.constant 3 : i32
    %dma_start3A_780 = arith.constant 1 : i32
    %dma_start3A_781 = arith.constant 0 : i32
    %dma_start3A_782 = arith.constant 0 : i32
    %dma_start3A_783 = tpu.memref_slice %arg20[%dma_start3A_780, %dma_start3A_781, %dma_start3A_782] : memref<2x128x64xf32, #tpu.memory_space<vmem>> -> memref<1x128x64xf32, #tpu.memory_space<vmem>>
    %dma_start3A_784 = tpu.memref_squeeze %dma_start3A_783 : memref<1x128x64xf32, #tpu.memory_space<vmem>> -> memref<128x64xf32, #tpu.memory_space<vmem>>
    %dma_start3A_785 = arith.constant 0 : i32
    %dma_start3A_786 = tpu.memref_slice %arg15[%dma_start3A_779, %dma_start3A_785] : memref<4x128xi32, #tpu.memory_space<vmem>> -> memref<1x128xi32, #tpu.memory_space<vmem>>
    %dma_start3A_787 = tpu.memref_squeeze %dma_start3A_786 : memref<1x128xi32, #tpu.memory_space<vmem>> -> memref<128xi32, #tpu.memory_space<vmem>>
    %dma_start3A_788 = arith.constant 0 : i32
    %dma_start3A_789 = arith.constant 0 : i32
    %dma_start3A_790 = tpu.memref_slice %arg7[%dma_start3A_788, %dma_start3A_789] : memref<1000000x64xf32, #tpu.memory_space<hbm>> -> memref<1000000x64xf32, #tpu.memory_space<hbm>>
    tpu.enqueue_indirect_dma source(%dma_start3A_790 : memref<1000000x64xf32, #tpu.memory_space<hbm>>) target(%dma_start3A_784 : memref<128x64xf32, #tpu.memory_space<vmem>>) offsets(%dma_start3A_787 : memref<128xi32, #tpu.memory_space<vmem>>) semaphore(%arg29 : memref<!tpu.dma_semaphore, #tpu.memory_space<semaphore_mem>>)
    %dma_start3A_791 = arith.constant 3 : i32
    %dma_start3A_792 = arith.constant 1 : i32
    %dma_start3A_793 = arith.constant 0 : i32
    %dma_start3A_794 = arith.constant 0 : i32
    %dma_start3A_795 = tpu.memref_slice %arg21[%dma_start3A_792, %dma_start3A_793, %dma_start3A_794] : memref<2x128x64xf32, #tpu.memory_space<vmem>> -> memref<1x128x64xf32, #tpu.memory_space<vmem>>
    %dma_start3A_796 = tpu.memref_squeeze %dma_start3A_795 : memref<1x128x64xf32, #tpu.memory_space<vmem>> -> memref<128x64xf32, #tpu.memory_space<vmem>>
    %dma_start3A_797 = arith.constant 0 : i32
    %dma_start3A_798 = tpu.memref_slice %arg16[%dma_start3A_791, %dma_start3A_797] : memref<4x128xi32, #tpu.memory_space<vmem>> -> memref<1x128xi32, #tpu.memory_space<vmem>>
    %dma_start3A_799 = tpu.memref_squeeze %dma_start3A_798 : memref<1x128xi32, #tpu.memory_space<vmem>> -> memref<128xi32, #tpu.memory_space<vmem>>
    %dma_start3A_800 = arith.constant 0 : i32
    %dma_start3A_801 = arith.constant 0 : i32
    %dma_start3A_802 = tpu.memref_slice %arg7[%dma_start3A_800, %dma_start3A_801] : memref<1000000x64xf32, #tpu.memory_space<hbm>> -> memref<1000000x64xf32, #tpu.memory_space<hbm>>
    tpu.enqueue_indirect_dma source(%dma_start3A_802 : memref<1000000x64xf32, #tpu.memory_space<hbm>>) target(%dma_start3A_796 : memref<128x64xf32, #tpu.memory_space<vmem>>) offsets(%dma_start3A_799 : memref<128xi32, #tpu.memory_space<vmem>>) semaphore(%arg29 : memref<!tpu.dma_semaphore, #tpu.memory_space<semaphore_mem>>)
    %dma_start3A_803 = arith.constant 3 : i32
    %dma_start3A_804 = arith.constant 1 : i32
    %dma_start3A_805 = arith.constant 0 : i32
    %dma_start3A_806 = arith.constant 0 : i32
    %dma_start3A_807 = tpu.memref_slice %arg22[%dma_start3A_804, %dma_start3A_805, %dma_start3A_806] : memref<2x128x64xf32, #tpu.memory_space<vmem>> -> memref<1x128x64xf32, #tpu.memory_space<vmem>>
    %dma_start3A_808 = tpu.memref_squeeze %dma_start3A_807 : memref<1x128x64xf32, #tpu.memory_space<vmem>> -> memref<128x64xf32, #tpu.memory_space<vmem>>
    %dma_start3A_809 = arith.constant 0 : i32
    %dma_start3A_810 = tpu.memref_slice %arg17[%dma_start3A_803, %dma_start3A_809] : memref<4x128xi32, #tpu.memory_space<vmem>> -> memref<1x128xi32, #tpu.memory_space<vmem>>
    %dma_start3A_811 = tpu.memref_squeeze %dma_start3A_810 : memref<1x128xi32, #tpu.memory_space<vmem>> -> memref<128xi32, #tpu.memory_space<vmem>>
    %dma_start3A_812 = arith.constant 0 : i32
    %dma_start3A_813 = arith.constant 0 : i32
    %dma_start3A_814 = tpu.memref_slice %arg9[%dma_start3A_812, %dma_start3A_813] : memref<1000x64xf32, #tpu.memory_space<hbm>> -> memref<1000x64xf32, #tpu.memory_space<hbm>>
    tpu.enqueue_indirect_dma source(%dma_start3A_814 : memref<1000x64xf32, #tpu.memory_space<hbm>>) target(%dma_start3A_808 : memref<128x64xf32, #tpu.memory_space<vmem>>) offsets(%dma_start3A_811 : memref<128xi32, #tpu.memory_space<vmem>>) semaphore(%arg29 : memref<!tpu.dma_semaphore, #tpu.memory_space<semaphore_mem>>)
    %dma_start3A_815 = arith.constant 3 : i32
    %dma_start3A_816 = arith.constant 1 : i32
    %dma_start3A_817 = arith.constant 0 : i32
    %dma_start3A_818 = arith.constant 0 : i32
    %dma_start3A_819 = tpu.memref_slice %arg23[%dma_start3A_816, %dma_start3A_817, %dma_start3A_818] : memref<2x128x64xf32, #tpu.memory_space<vmem>> -> memref<1x128x64xf32, #tpu.memory_space<vmem>>
    %dma_start3A_820 = tpu.memref_squeeze %dma_start3A_819 : memref<1x128x64xf32, #tpu.memory_space<vmem>> -> memref<128x64xf32, #tpu.memory_space<vmem>>
    %dma_start3A_821 = arith.constant 0 : i32
    %dma_start3A_822 = tpu.memref_slice %arg17[%dma_start3A_815, %dma_start3A_821] : memref<4x128xi32, #tpu.memory_space<vmem>> -> memref<1x128xi32, #tpu.memory_space<vmem>>
    %dma_start3A_823 = tpu.memref_squeeze %dma_start3A_822 : memref<1x128xi32, #tpu.memory_space<vmem>> -> memref<128xi32, #tpu.memory_space<vmem>>
    %dma_start3A_824 = arith.constant 0 : i32
    %dma_start3A_825 = arith.constant 0 : i32
    %dma_start3A_826 = tpu.memref_slice %arg8[%dma_start3A_824, %dma_start3A_825] : memref<1000x64xf32, #tpu.memory_space<hbm>> -> memref<1000x64xf32, #tpu.memory_space<hbm>>
    tpu.enqueue_indirect_dma source(%dma_start3A_826 : memref<1000x64xf32, #tpu.memory_space<hbm>>) target(%dma_start3A_820 : memref<128x64xf32, #tpu.memory_space<vmem>>) offsets(%dma_start3A_823 : memref<128xi32, #tpu.memory_space<vmem>>) semaphore(%arg29 : memref<!tpu.dma_semaphore, #tpu.memory_space<semaphore_mem>>)
    %dma_wait3A_827 = arith.constant 2 : i32
    %dma_wait3A_828 = arith.constant 0 : i32
    %dma_wait3A_829 = arith.constant 0 : i32
    %dma_wait3A_830 = arith.constant 0 : i32
    %dma_wait3A_831 = tpu.memref_slice %arg18[%dma_wait3A_828, %dma_wait3A_829, %dma_wait3A_830] : memref<2x128x64xf32, #tpu.memory_space<vmem>> -> memref<1x128x64xf32, #tpu.memory_space<vmem>>
    %dma_wait3A_832 = tpu.memref_squeeze %dma_wait3A_831 : memref<1x128x64xf32, #tpu.memory_space<vmem>> -> memref<128x64xf32, #tpu.memory_space<vmem>>
    %dma_wait3A_833 = arith.constant 0 : i32
    %dma_wait3A_834 = tpu.memref_slice %arg13[%dma_wait3A_827, %dma_wait3A_833] : memref<4x128xi32, #tpu.memory_space<vmem>> -> memref<1x128xi32, #tpu.memory_space<vmem>>
    %dma_wait3A_835 = tpu.memref_squeeze %dma_wait3A_834 : memref<1x128xi32, #tpu.memory_space<vmem>> -> memref<128xi32, #tpu.memory_space<vmem>>
    %dma_wait3A_836 = arith.constant 0 : i32
    %dma_wait3A_837 = arith.constant 0 : i32
    %dma_wait3A_838 = tpu.memref_slice %arg7[%dma_wait3A_836, %dma_wait3A_837] : memref<1000000x64xf32, #tpu.memory_space<hbm>> -> memref<1000000x64xf32, #tpu.memory_space<hbm>>
    tpu.wait_indirect_dma semaphore(%arg28 : memref<!tpu.dma_semaphore, #tpu.memory_space<semaphore_mem>>) src(%dma_wait3A_838 : memref<1000000x64xf32, #tpu.memory_space<hbm>>) dst(%dma_wait3A_832 : memref<128x64xf32, #tpu.memory_space<vmem>>)
    %dma_wait3A_839 = arith.constant 2 : i32
    %dma_wait3A_840 = arith.constant 0 : i32
    %dma_wait3A_841 = arith.constant 0 : i32
    %dma_wait3A_842 = arith.constant 0 : i32
    %dma_wait3A_843 = tpu.memref_slice %arg19[%dma_wait3A_840, %dma_wait3A_841, %dma_wait3A_842] : memref<2x128x64xf32, #tpu.memory_space<vmem>> -> memref<1x128x64xf32, #tpu.memory_space<vmem>>
    %dma_wait3A_844 = tpu.memref_squeeze %dma_wait3A_843 : memref<1x128x64xf32, #tpu.memory_space<vmem>> -> memref<128x64xf32, #tpu.memory_space<vmem>>
    %dma_wait3A_845 = arith.constant 0 : i32
    %dma_wait3A_846 = tpu.memref_slice %arg14[%dma_wait3A_839, %dma_wait3A_845] : memref<4x128xi32, #tpu.memory_space<vmem>> -> memref<1x128xi32, #tpu.memory_space<vmem>>
    %dma_wait3A_847 = tpu.memref_squeeze %dma_wait3A_846 : memref<1x128xi32, #tpu.memory_space<vmem>> -> memref<128xi32, #tpu.memory_space<vmem>>
    %dma_wait3A_848 = arith.constant 0 : i32
    %dma_wait3A_849 = arith.constant 0 : i32
    %dma_wait3A_850 = tpu.memref_slice %arg7[%dma_wait3A_848, %dma_wait3A_849] : memref<1000000x64xf32, #tpu.memory_space<hbm>> -> memref<1000000x64xf32, #tpu.memory_space<hbm>>
    tpu.wait_indirect_dma semaphore(%arg28 : memref<!tpu.dma_semaphore, #tpu.memory_space<semaphore_mem>>) src(%dma_wait3A_850 : memref<1000000x64xf32, #tpu.memory_space<hbm>>) dst(%dma_wait3A_844 : memref<128x64xf32, #tpu.memory_space<vmem>>)
    %dma_wait3A_851 = arith.constant 2 : i32
    %dma_wait3A_852 = arith.constant 0 : i32
    %dma_wait3A_853 = arith.constant 0 : i32
    %dma_wait3A_854 = arith.constant 0 : i32
    %dma_wait3A_855 = tpu.memref_slice %arg20[%dma_wait3A_852, %dma_wait3A_853, %dma_wait3A_854] : memref<2x128x64xf32, #tpu.memory_space<vmem>> -> memref<1x128x64xf32, #tpu.memory_space<vmem>>
    %dma_wait3A_856 = tpu.memref_squeeze %dma_wait3A_855 : memref<1x128x64xf32, #tpu.memory_space<vmem>> -> memref<128x64xf32, #tpu.memory_space<vmem>>
    %dma_wait3A_857 = arith.constant 0 : i32
    %dma_wait3A_858 = tpu.memref_slice %arg15[%dma_wait3A_851, %dma_wait3A_857] : memref<4x128xi32, #tpu.memory_space<vmem>> -> memref<1x128xi32, #tpu.memory_space<vmem>>
    %dma_wait3A_859 = tpu.memref_squeeze %dma_wait3A_858 : memref<1x128xi32, #tpu.memory_space<vmem>> -> memref<128xi32, #tpu.memory_space<vmem>>
    %dma_wait3A_860 = arith.constant 0 : i32
    %dma_wait3A_861 = arith.constant 0 : i32
    %dma_wait3A_862 = tpu.memref_slice %arg7[%dma_wait3A_860, %dma_wait3A_861] : memref<1000000x64xf32, #tpu.memory_space<hbm>> -> memref<1000000x64xf32, #tpu.memory_space<hbm>>
    tpu.wait_indirect_dma semaphore(%arg28 : memref<!tpu.dma_semaphore, #tpu.memory_space<semaphore_mem>>) src(%dma_wait3A_862 : memref<1000000x64xf32, #tpu.memory_space<hbm>>) dst(%dma_wait3A_856 : memref<128x64xf32, #tpu.memory_space<vmem>>)
    %dma_wait3A_863 = arith.constant 2 : i32
    %dma_wait3A_864 = arith.constant 0 : i32
    %dma_wait3A_865 = arith.constant 0 : i32
    %dma_wait3A_866 = arith.constant 0 : i32
    %dma_wait3A_867 = tpu.memref_slice %arg21[%dma_wait3A_864, %dma_wait3A_865, %dma_wait3A_866] : memref<2x128x64xf32, #tpu.memory_space<vmem>> -> memref<1x128x64xf32, #tpu.memory_space<vmem>>
    %dma_wait3A_868 = tpu.memref_squeeze %dma_wait3A_867 : memref<1x128x64xf32, #tpu.memory_space<vmem>> -> memref<128x64xf32, #tpu.memory_space<vmem>>
    %dma_wait3A_869 = arith.constant 0 : i32
    %dma_wait3A_870 = tpu.memref_slice %arg16[%dma_wait3A_863, %dma_wait3A_869] : memref<4x128xi32, #tpu.memory_space<vmem>> -> memref<1x128xi32, #tpu.memory_space<vmem>>
    %dma_wait3A_871 = tpu.memref_squeeze %dma_wait3A_870 : memref<1x128xi32, #tpu.memory_space<vmem>> -> memref<128xi32, #tpu.memory_space<vmem>>
    %dma_wait3A_872 = arith.constant 0 : i32
    %dma_wait3A_873 = arith.constant 0 : i32
    %dma_wait3A_874 = tpu.memref_slice %arg7[%dma_wait3A_872, %dma_wait3A_873] : memref<1000000x64xf32, #tpu.memory_space<hbm>> -> memref<1000000x64xf32, #tpu.memory_space<hbm>>
    tpu.wait_indirect_dma semaphore(%arg28 : memref<!tpu.dma_semaphore, #tpu.memory_space<semaphore_mem>>) src(%dma_wait3A_874 : memref<1000000x64xf32, #tpu.memory_space<hbm>>) dst(%dma_wait3A_868 : memref<128x64xf32, #tpu.memory_space<vmem>>)
    %dma_wait3A_875 = arith.constant 2 : i32
    %dma_wait3A_876 = arith.constant 0 : i32
    %dma_wait3A_877 = arith.constant 0 : i32
    %dma_wait3A_878 = arith.constant 0 : i32
    %dma_wait3A_879 = tpu.memref_slice %arg22[%dma_wait3A_876, %dma_wait3A_877, %dma_wait3A_878] : memref<2x128x64xf32, #tpu.memory_space<vmem>> -> memref<1x128x64xf32, #tpu.memory_space<vmem>>
    %dma_wait3A_880 = tpu.memref_squeeze %dma_wait3A_879 : memref<1x128x64xf32, #tpu.memory_space<vmem>> -> memref<128x64xf32, #tpu.memory_space<vmem>>
    %dma_wait3A_881 = arith.constant 0 : i32
    %dma_wait3A_882 = tpu.memref_slice %arg17[%dma_wait3A_875, %dma_wait3A_881] : memref<4x128xi32, #tpu.memory_space<vmem>> -> memref<1x128xi32, #tpu.memory_space<vmem>>
    %dma_wait3A_883 = tpu.memref_squeeze %dma_wait3A_882 : memref<1x128xi32, #tpu.memory_space<vmem>> -> memref<128xi32, #tpu.memory_space<vmem>>
    %dma_wait3A_884 = arith.constant 0 : i32
    %dma_wait3A_885 = arith.constant 0 : i32
    %dma_wait3A_886 = tpu.memref_slice %arg9[%dma_wait3A_884, %dma_wait3A_885] : memref<1000x64xf32, #tpu.memory_space<hbm>> -> memref<1000x64xf32, #tpu.memory_space<hbm>>
    tpu.wait_indirect_dma semaphore(%arg28 : memref<!tpu.dma_semaphore, #tpu.memory_space<semaphore_mem>>) src(%dma_wait3A_886 : memref<1000x64xf32, #tpu.memory_space<hbm>>) dst(%dma_wait3A_880 : memref<128x64xf32, #tpu.memory_space<vmem>>)
    %dma_wait3A_887 = arith.constant 2 : i32
    %dma_wait3A_888 = arith.constant 0 : i32
    %dma_wait3A_889 = arith.constant 0 : i32
    %dma_wait3A_890 = arith.constant 0 : i32
    %dma_wait3A_891 = tpu.memref_slice %arg23[%dma_wait3A_888, %dma_wait3A_889, %dma_wait3A_890] : memref<2x128x64xf32, #tpu.memory_space<vmem>> -> memref<1x128x64xf32, #tpu.memory_space<vmem>>
    %dma_wait3A_892 = tpu.memref_squeeze %dma_wait3A_891 : memref<1x128x64xf32, #tpu.memory_space<vmem>> -> memref<128x64xf32, #tpu.memory_space<vmem>>
    %dma_wait3A_893 = arith.constant 0 : i32
    %dma_wait3A_894 = tpu.memref_slice %arg17[%dma_wait3A_887, %dma_wait3A_893] : memref<4x128xi32, #tpu.memory_space<vmem>> -> memref<1x128xi32, #tpu.memory_space<vmem>>
    %dma_wait3A_895 = tpu.memref_squeeze %dma_wait3A_894 : memref<1x128xi32, #tpu.memory_space<vmem>> -> memref<128xi32, #tpu.memory_space<vmem>>
    %dma_wait3A_896 = arith.constant 0 : i32
    %dma_wait3A_897 = arith.constant 0 : i32
    %dma_wait3A_898 = tpu.memref_slice %arg8[%dma_wait3A_896, %dma_wait3A_897] : memref<1000x64xf32, #tpu.memory_space<hbm>> -> memref<1000x64xf32, #tpu.memory_space<hbm>>
    tpu.wait_indirect_dma semaphore(%arg28 : memref<!tpu.dma_semaphore, #tpu.memory_space<semaphore_mem>>) src(%dma_wait3A_898 : memref<1000x64xf32, #tpu.memory_space<hbm>>) dst(%dma_wait3A_892 : memref<128x64xf32, #tpu.memory_space<vmem>>)
    %iota3A_899 = tpu.iota {dimensions = array<i32: 0>} : vector<16xi32>
    %scan3A_900 = arith.constant 0 : i32
    %scan3A_901 = arith.constant 0 : i32
    %scan3A_902 = arith.constant 0 : i32
    %scan3A_903 = arith.constant 0 : i32
    %scan3A_904 = arith.constant 0 : i32
    %scan3A_905 = arith.constant 0 : i32
    %scan3A_906 = arith.constant 0 : i32
    %scan3A_907 = arith.constant 0 : i32
    %scan3A_908 = arith.constant 8 : i32
    %scan3A_909 = arith.addi %scan3A_907, %scan3A_908 : i32
    %scan3A_910 = arith.constant 1 : i32
    %scan3A_911 = scf.for %scan3A_999 = %scan3A_907 to %scan3A_909 step %scan3A_910 iter_args(%scan3A_1000 = %scan3A_906) -> (i32)  : i32 {
      %broadcast_in_dim3A = arith.constant 0.000000e+00 : f32
      %broadcast_in_dim3A_1001 = vector.broadcast %broadcast_in_dim3A : f32 to vector<16xf32>
      %scan3A_1002 = arith.constant 0 : i32
      %scan3A_1003 = arith.constant 16 : i32
      %scan3A_1004 = arith.addi %scan3A_1002, %scan3A_1003 : i32
      %scan3A_1005 = arith.constant 1 : i32
      %scan3A_1006:9 = scf.for %scan3A_1155 = %scan3A_1002 to %scan3A_1004 step %scan3A_1005 iter_args(%scan3A_1156 = %broadcast_in_dim3A_1001, %scan3A_1157 = %broadcast_in_dim3A_1001, %scan3A_1158 = %broadcast_in_dim3A_1001, %scan3A_1159 = %broadcast_in_dim3A_1001, %scan3A_1160 = %broadcast_in_dim3A_1001, %scan3A_1161 = %broadcast_in_dim3A_1001, %scan3A_1162 = %broadcast_in_dim3A_1001, %scan3A_1163 = %broadcast_in_dim3A_1001, %scan3A_1164 = %broadcast_in_dim3A_1001) -> (vector<16xf32>, vector<16xf32>, vector<16xf32>, vector<16xf32>, vector<16xf32>, vector<16xf32>, vector<16xf32>, vector<16xf32>, vector<16xf32>)  : i32 {
        %mul3A_1165 = arith.constant 16 : i32
        %mul3A_1166 = arith.muli %scan3A_999, %mul3A_1165 : i32
        %add3A_1167 = arith.addi %mul3A_1166, %scan3A_1155 : i32
        %get3A = arith.constant 0 : i32
        %get3A_1168 = arith.constant 0 : i32
        %get3A_1169 = tpu.memref_slice %arg18[%scan3A_900, %get3A, %get3A_1168] : memref<2x128x64xf32, #tpu.memory_space<vmem>> -> memref<1x128x64xf32, #tpu.memory_space<vmem>>
        %get3A_1170 = tpu.memref_squeeze %get3A_1169 : memref<1x128x64xf32, #tpu.memory_space<vmem>> -> memref<128x64xf32, #tpu.memory_space<vmem>>
        %get3A_1171 = arith.index_cast %add3A_1167 : i32 to index
        %get3A_1172 = arith.constant 0 : index
        %get3A_1173 = tpu.vector_load %get3A_1170[%get3A_1171, %get3A_1172] {strides = array<i32>} : memref<128x64xf32, #tpu.memory_space<vmem>>, vector<16xf32>,
        %get3A_1174 = arith.constant 0 : i32
        %get3A_1175 = arith.constant 0 : i32
        %get3A_1176 = tpu.memref_slice %arg19[%scan3A_901, %get3A_1174, %get3A_1175] : memref<2x128x64xf32, #tpu.memory_space<vmem>> -> memref<1x128x64xf32, #tpu.memory_space<vmem>>
        %get3A_1177 = tpu.memref_squeeze %get3A_1176 : memref<1x128x64xf32, #tpu.memory_space<vmem>> -> memref<128x64xf32, #tpu.memory_space<vmem>>
        %get3A_1178 = arith.index_cast %add3A_1167 : i32 to index
        %get3A_1179 = arith.constant 0 : index
        %get3A_1180 = tpu.vector_load %get3A_1177[%get3A_1178, %get3A_1179] {strides = array<i32>} : memref<128x64xf32, #tpu.memory_space<vmem>>, vector<16xf32>,
        %get3A_1181 = arith.constant 0 : i32
        %get3A_1182 = arith.constant 0 : i32
        %get3A_1183 = tpu.memref_slice %arg20[%scan3A_902, %get3A_1181, %get3A_1182] : memref<2x128x64xf32, #tpu.memory_space<vmem>> -> memref<1x128x64xf32, #tpu.memory_space<vmem>>
        %get3A_1184 = tpu.memref_squeeze %get3A_1183 : memref<1x128x64xf32, #tpu.memory_space<vmem>> -> memref<128x64xf32, #tpu.memory_space<vmem>>
        %get3A_1185 = arith.index_cast %add3A_1167 : i32 to index
        %get3A_1186 = arith.constant 0 : index
        %get3A_1187 = tpu.vector_load %get3A_1184[%get3A_1185, %get3A_1186] {strides = array<i32>} : memref<128x64xf32, #tpu.memory_space<vmem>>, vector<16xf32>,
        %get3A_1188 = arith.constant 0 : i32
        %get3A_1189 = arith.constant 0 : i32
        %get3A_1190 = tpu.memref_slice %arg21[%scan3A_903, %get3A_1188, %get3A_1189] : memref<2x128x64xf32, #tpu.memory_space<vmem>> -> memref<1x128x64xf32, #tpu.memory_space<vmem>>
        %get3A_1191 = tpu.memref_squeeze %get3A_1190 : memref<1x128x64xf32, #tpu.memory_space<vmem>> -> memref<128x64xf32, #tpu.memory_space<vmem>>
        %get3A_1192 = arith.index_cast %add3A_1167 : i32 to index
        %get3A_1193 = arith.constant 0 : index
        %get3A_1194 = tpu.vector_load %get3A_1191[%get3A_1192, %get3A_1193] {strides = array<i32>} : memref<128x64xf32, #tpu.memory_space<vmem>>, vector<16xf32>,
        %get3A_1195 = arith.constant 0 : i32
        %get3A_1196 = arith.constant 0 : i32
        %get3A_1197 = tpu.memref_slice %arg22[%scan3A_904, %get3A_1195, %get3A_1196] : memref<2x128x64xf32, #tpu.memory_space<vmem>> -> memref<1x128x64xf32, #tpu.memory_space<vmem>>
        %get3A_1198 = tpu.memref_squeeze %get3A_1197 : memref<1x128x64xf32, #tpu.memory_space<vmem>> -> memref<128x64xf32, #tpu.memory_space<vmem>>
        %get3A_1199 = arith.index_cast %add3A_1167 : i32 to index
        %get3A_1200 = arith.constant 0 : index
        %get3A_1201 = tpu.vector_load %get3A_1198[%get3A_1199, %get3A_1200] {strides = array<i32>} : memref<128x64xf32, #tpu.memory_space<vmem>>, vector<16xf32>,
        %get3A_1202 = arith.constant 0 : i32
        %get3A_1203 = arith.constant 0 : i32
        %get3A_1204 = tpu.memref_slice %arg23[%scan3A_905, %get3A_1202, %get3A_1203] : memref<2x128x64xf32, #tpu.memory_space<vmem>> -> memref<1x128x64xf32, #tpu.memory_space<vmem>>
        %get3A_1205 = tpu.memref_squeeze %get3A_1204 : memref<1x128x64xf32, #tpu.memory_space<vmem>> -> memref<128x64xf32, #tpu.memory_space<vmem>>
        %get3A_1206 = arith.index_cast %add3A_1167 : i32 to index
        %get3A_1207 = arith.constant 0 : index
        %get3A_1208 = tpu.vector_load %get3A_1205[%get3A_1206, %get3A_1207] {strides = array<i32>} : memref<128x64xf32, #tpu.memory_space<vmem>>, vector<16xf32>,
        %sub3A_1209 = arith.subf %get3A_1173, %get3A_1180 : vector<16xf32>
        %add3A_1210 = arith.addf %sub3A_1209, %get3A_1208 : vector<16xf32>
        %sub3A_1211 = arith.subf %get3A_1187, %get3A_1194 : vector<16xf32>
        %add3A_1212 = arith.addf %sub3A_1211, %get3A_1208 : vector<16xf32>
        %mul3A_1213 = arith.mulf %sub3A_1209, %get3A_1201 : vector<16xf32>
        %add3A_1214 = arith.addf %broadcast_in_dim3A_1001, %mul3A_1213 : vector<16xf32>
        %mul3A_1215 = arith.mulf %get3A_1201, %get3A_1208 : vector<16xf32>
        %add3A_1216 = arith.addf %broadcast_in_dim3A_1001, %mul3A_1215 : vector<16xf32>
        %mul3A_1217 = arith.mulf %add3A_1210, %add3A_1210 : vector<16xf32>
        %add3A_1218 = arith.addf %broadcast_in_dim3A_1001, %mul3A_1217 : vector<16xf32>
        %mul3A_1219 = arith.mulf %get3A_1201, %get3A_1201 : vector<16xf32>
        %add3A_1220 = arith.addf %broadcast_in_dim3A_1001, %mul3A_1219 : vector<16xf32>
        %mul3A_1221 = arith.mulf %get3A_1173, %get3A_1173 : vector<16xf32>
        %add3A_1222 = arith.addf %broadcast_in_dim3A_1001, %mul3A_1221 : vector<16xf32>
        %mul3A_1223 = arith.mulf %get3A_1180, %get3A_1180 : vector<16xf32>
        %add3A_1224 = arith.addf %broadcast_in_dim3A_1001, %mul3A_1223 : vector<16xf32>
        %mul3A_1225 = arith.mulf %get3A_1208, %get3A_1208 : vector<16xf32>
        %add3A_1226 = arith.addf %broadcast_in_dim3A_1001, %mul3A_1225 : vector<16xf32>
        %mul3A_1227 = arith.mulf %sub3A_1211, %get3A_1201 : vector<16xf32>
        %add3A_1228 = arith.addf %broadcast_in_dim3A_1001, %mul3A_1227 : vector<16xf32>
        %mul3A_1229 = arith.mulf %add3A_1212, %add3A_1212 : vector<16xf32>
        %add3A_1230 = arith.addf %broadcast_in_dim3A_1001, %mul3A_1229 : vector<16xf32>
        %get3A_1231 = arith.constant 0 : i32
        %get3A_1232 = arith.constant 0 : i32
        %get3A_1233 = tpu.memref_slice %arg18[%scan3A_900, %get3A_1231, %get3A_1232] : memref<2x128x64xf32, #tpu.memory_space<vmem>> -> memref<1x128x64xf32, #tpu.memory_space<vmem>>
        %get3A_1234 = tpu.memref_squeeze %get3A_1233 : memref<1x128x64xf32, #tpu.memory_space<vmem>> -> memref<128x64xf32, #tpu.memory_space<vmem>>
        %get3A_1235 = arith.index_cast %add3A_1167 : i32 to index
        %get3A_1236 = arith.constant 16 : index
        %get3A_1237 = tpu.vector_load %get3A_1234[%get3A_1235, %get3A_1236] {strides = array<i32>} : memref<128x64xf32, #tpu.memory_space<vmem>>, vector<16xf32>,
        %get3A_1238 = arith.constant 0 : i32
        %get3A_1239 = arith.constant 0 : i32
        %get3A_1240 = tpu.memref_slice %arg19[%scan3A_901, %get3A_1238, %get3A_1239] : memref<2x128x64xf32, #tpu.memory_space<vmem>> -> memref<1x128x64xf32, #tpu.memory_space<vmem>>
        %get3A_1241 = tpu.memref_squeeze %get3A_1240 : memref<1x128x64xf32, #tpu.memory_space<vmem>> -> memref<128x64xf32, #tpu.memory_space<vmem>>
        %get3A_1242 = arith.index_cast %add3A_1167 : i32 to index
        %get3A_1243 = arith.constant 16 : index
        %get3A_1244 = tpu.vector_load %get3A_1241[%get3A_1242, %get3A_1243] {strides = array<i32>} : memref<128x64xf32, #tpu.memory_space<vmem>>, vector<16xf32>,
        %get3A_1245 = arith.constant 0 : i32
        %get3A_1246 = arith.constant 0 : i32
        %get3A_1247 = tpu.memref_slice %arg20[%scan3A_902, %get3A_1245, %get3A_1246] : memref<2x128x64xf32, #tpu.memory_space<vmem>> -> memref<1x128x64xf32, #tpu.memory_space<vmem>>
        %get3A_1248 = tpu.memref_squeeze %get3A_1247 : memref<1x128x64xf32, #tpu.memory_space<vmem>> -> memref<128x64xf32, #tpu.memory_space<vmem>>
        %get3A_1249 = arith.index_cast %add3A_1167 : i32 to index
        %get3A_1250 = arith.constant 16 : index
        %get3A_1251 = tpu.vector_load %get3A_1248[%get3A_1249, %get3A_1250] {strides = array<i32>} : memref<128x64xf32, #tpu.memory_space<vmem>>, vector<16xf32>,
        %get3A_1252 = arith.constant 0 : i32
        %get3A_1253 = arith.constant 0 : i32
        %get3A_1254 = tpu.memref_slice %arg21[%scan3A_903, %get3A_1252, %get3A_1253] : memref<2x128x64xf32, #tpu.memory_space<vmem>> -> memref<1x128x64xf32, #tpu.memory_space<vmem>>
        %get3A_1255 = tpu.memref_squeeze %get3A_1254 : memref<1x128x64xf32, #tpu.memory_space<vmem>> -> memref<128x64xf32, #tpu.memory_space<vmem>>
        %get3A_1256 = arith.index_cast %add3A_1167 : i32 to index
        %get3A_1257 = arith.constant 16 : index
        %get3A_1258 = tpu.vector_load %get3A_1255[%get3A_1256, %get3A_1257] {strides = array<i32>} : memref<128x64xf32, #tpu.memory_space<vmem>>, vector<16xf32>,
        %get3A_1259 = arith.constant 0 : i32
        %get3A_1260 = arith.constant 0 : i32
        %get3A_1261 = tpu.memref_slice %arg22[%scan3A_904, %get3A_1259, %get3A_1260] : memref<2x128x64xf32, #tpu.memory_space<vmem>> -> memref<1x128x64xf32, #tpu.memory_space<vmem>>
        %get3A_1262 = tpu.memref_squeeze %get3A_1261 : memref<1x128x64xf32, #tpu.memory_space<vmem>> -> memref<128x64xf32, #tpu.memory_space<vmem>>
        %get3A_1263 = arith.index_cast %add3A_1167 : i32 to index
        %get3A_1264 = arith.constant 16 : index
        %get3A_1265 = tpu.vector_load %get3A_1262[%get3A_1263, %get3A_1264] {strides = array<i32>} : memref<128x64xf32, #tpu.memory_space<vmem>>, vector<16xf32>,
        %get3A_1266 = arith.constant 0 : i32
        %get3A_1267 = arith.constant 0 : i32
        %get3A_1268 = tpu.memref_slice %arg23[%scan3A_905, %get3A_1266, %get3A_1267] : memref<2x128x64xf32, #tpu.memory_space<vmem>> -> memref<1x128x64xf32, #tpu.memory_space<vmem>>
        %get3A_1269 = tpu.memref_squeeze %get3A_1268 : memref<1x128x64xf32, #tpu.memory_space<vmem>> -> memref<128x64xf32, #tpu.memory_space<vmem>>
        %get3A_1270 = arith.index_cast %add3A_1167 : i32 to index
        %get3A_1271 = arith.constant 16 : index
        %get3A_1272 = tpu.vector_load %get3A_1269[%get3A_1270, %get3A_1271] {strides = array<i32>} : memref<128x64xf32, #tpu.memory_space<vmem>>, vector<16xf32>,
        %sub3A_1273 = arith.subf %get3A_1237, %get3A_1244 : vector<16xf32>
        %add3A_1274 = arith.addf %sub3A_1273, %get3A_1272 : vector<16xf32>
        %sub3A_1275 = arith.subf %get3A_1251, %get3A_1258 : vector<16xf32>
        %add3A_1276 = arith.addf %sub3A_1275, %get3A_1272 : vector<16xf32>
        %mul3A_1277 = arith.mulf %sub3A_1273, %get3A_1265 : vector<16xf32>
        %add3A_1278 = arith.addf %add3A_1214, %mul3A_1277 : vector<16xf32>
        %mul3A_1279 = arith.mulf %get3A_1265, %get3A_1272 : vector<16xf32>
        %add3A_1280 = arith.addf %add3A_1216, %mul3A_1279 : vector<16xf32>
        %mul3A_1281 = arith.mulf %add3A_1274, %add3A_1274 : vector<16xf32>
        %add3A_1282 = arith.addf %add3A_1218, %mul3A_1281 : vector<16xf32>
        %mul3A_1283 = arith.mulf %get3A_1265, %get3A_1265 : vector<16xf32>
        %add3A_1284 = arith.addf %add3A_1220, %mul3A_1283 : vector<16xf32>
        %mul3A_1285 = arith.mulf %get3A_1237, %get3A_1237 : vector<16xf32>
        %add3A_1286 = arith.addf %add3A_1222, %mul3A_1285 : vector<16xf32>
        %mul3A_1287 = arith.mulf %get3A_1244, %get3A_1244 : vector<16xf32>
        %add3A_1288 = arith.addf %add3A_1224, %mul3A_1287 : vector<16xf32>
        %mul3A_1289 = arith.mulf %get3A_1272, %get3A_1272 : vector<16xf32>
        %add3A_1290 = arith.addf %add3A_1226, %mul3A_1289 : vector<16xf32>
        %mul3A_1291 = arith.mulf %sub3A_1275, %get3A_1265 : vector<16xf32>
        %add3A_1292 = arith.addf %add3A_1228, %mul3A_1291 : vector<16xf32>
        %mul3A_1293 = arith.mulf %add3A_1276, %add3A_1276 : vector<16xf32>
        %add3A_1294 = arith.addf %add3A_1230, %mul3A_1293 : vector<16xf32>
        %get3A_1295 = arith.constant 0 : i32
        %get3A_1296 = arith.constant 0 : i32
        %get3A_1297 = tpu.memref_slice %arg18[%scan3A_900, %get3A_1295, %get3A_1296] : memref<2x128x64xf32, #tpu.memory_space<vmem>> -> memref<1x128x64xf32, #tpu.memory_space<vmem>>
        %get3A_1298 = tpu.memref_squeeze %get3A_1297 : memref<1x128x64xf32, #tpu.memory_space<vmem>> -> memref<128x64xf32, #tpu.memory_space<vmem>>
        %get3A_1299 = arith.index_cast %add3A_1167 : i32 to index
        %get3A_1300 = arith.constant 32 : index
        %get3A_1301 = tpu.vector_load %get3A_1298[%get3A_1299, %get3A_1300] {strides = array<i32>} : memref<128x64xf32, #tpu.memory_space<vmem>>, vector<16xf32>,
        %get3A_1302 = arith.constant 0 : i32
        %get3A_1303 = arith.constant 0 : i32
        %get3A_1304 = tpu.memref_slice %arg19[%scan3A_901, %get3A_1302, %get3A_1303] : memref<2x128x64xf32, #tpu.memory_space<vmem>> -> memref<1x128x64xf32, #tpu.memory_space<vmem>>
        %get3A_1305 = tpu.memref_squeeze %get3A_1304 : memref<1x128x64xf32, #tpu.memory_space<vmem>> -> memref<128x64xf32, #tpu.memory_space<vmem>>
        %get3A_1306 = arith.index_cast %add3A_1167 : i32 to index
        %get3A_1307 = arith.constant 32 : index
        %get3A_1308 = tpu.vector_load %get3A_1305[%get3A_1306, %get3A_1307] {strides = array<i32>} : memref<128x64xf32, #tpu.memory_space<vmem>>, vector<16xf32>,
        %get3A_1309 = arith.constant 0 : i32
        %get3A_1310 = arith.constant 0 : i32
        %get3A_1311 = tpu.memref_slice %arg20[%scan3A_902, %get3A_1309, %get3A_1310] : memref<2x128x64xf32, #tpu.memory_space<vmem>> -> memref<1x128x64xf32, #tpu.memory_space<vmem>>
        %get3A_1312 = tpu.memref_squeeze %get3A_1311 : memref<1x128x64xf32, #tpu.memory_space<vmem>> -> memref<128x64xf32, #tpu.memory_space<vmem>>
        %get3A_1313 = arith.index_cast %add3A_1167 : i32 to index
        %get3A_1314 = arith.constant 32 : index
        %get3A_1315 = tpu.vector_load %get3A_1312[%get3A_1313, %get3A_1314] {strides = array<i32>} : memref<128x64xf32, #tpu.memory_space<vmem>>, vector<16xf32>,
        %get3A_1316 = arith.constant 0 : i32
        %get3A_1317 = arith.constant 0 : i32
        %get3A_1318 = tpu.memref_slice %arg21[%scan3A_903, %get3A_1316, %get3A_1317] : memref<2x128x64xf32, #tpu.memory_space<vmem>> -> memref<1x128x64xf32, #tpu.memory_space<vmem>>
        %get3A_1319 = tpu.memref_squeeze %get3A_1318 : memref<1x128x64xf32, #tpu.memory_space<vmem>> -> memref<128x64xf32, #tpu.memory_space<vmem>>
        %get3A_1320 = arith.index_cast %add3A_1167 : i32 to index
        %get3A_1321 = arith.constant 32 : index
        %get3A_1322 = tpu.vector_load %get3A_1319[%get3A_1320, %get3A_1321] {strides = array<i32>} : memref<128x64xf32, #tpu.memory_space<vmem>>, vector<16xf32>,
        %get3A_1323 = arith.constant 0 : i32
        %get3A_1324 = arith.constant 0 : i32
        %get3A_1325 = tpu.memref_slice %arg22[%scan3A_904, %get3A_1323, %get3A_1324] : memref<2x128x64xf32, #tpu.memory_space<vmem>> -> memref<1x128x64xf32, #tpu.memory_space<vmem>>
        %get3A_1326 = tpu.memref_squeeze %get3A_1325 : memref<1x128x64xf32, #tpu.memory_space<vmem>> -> memref<128x64xf32, #tpu.memory_space<vmem>>
        %get3A_1327 = arith.index_cast %add3A_1167 : i32 to index
        %get3A_1328 = arith.constant 32 : index
        %get3A_1329 = tpu.vector_load %get3A_1326[%get3A_1327, %get3A_1328] {strides = array<i32>} : memref<128x64xf32, #tpu.memory_space<vmem>>, vector<16xf32>,
        %get3A_1330 = arith.constant 0 : i32
        %get3A_1331 = arith.constant 0 : i32
        %get3A_1332 = tpu.memref_slice %arg23[%scan3A_905, %get3A_1330, %get3A_1331] : memref<2x128x64xf32, #tpu.memory_space<vmem>> -> memref<1x128x64xf32, #tpu.memory_space<vmem>>
        %get3A_1333 = tpu.memref_squeeze %get3A_1332 : memref<1x128x64xf32, #tpu.memory_space<vmem>> -> memref<128x64xf32, #tpu.memory_space<vmem>>
        %get3A_1334 = arith.index_cast %add3A_1167 : i32 to index
        %get3A_1335 = arith.constant 32 : index
        %get3A_1336 = tpu.vector_load %get3A_1333[%get3A_1334, %get3A_1335] {strides = array<i32>} : memref<128x64xf32, #tpu.memory_space<vmem>>, vector<16xf32>,
        %sub3A_1337 = arith.subf %get3A_1301, %get3A_1308 : vector<16xf32>
        %add3A_1338 = arith.addf %sub3A_1337, %get3A_1336 : vector<16xf32>
        %sub3A_1339 = arith.subf %get3A_1315, %get3A_1322 : vector<16xf32>
        %add3A_1340 = arith.addf %sub3A_1339, %get3A_1336 : vector<16xf32>
        %mul3A_1341 = arith.mulf %sub3A_1337, %get3A_1329 : vector<16xf32>
        %add3A_1342 = arith.addf %add3A_1278, %mul3A_1341 : vector<16xf32>
        %mul3A_1343 = arith.mulf %get3A_1329, %get3A_1336 : vector<16xf32>
        %add3A_1344 = arith.addf %add3A_1280, %mul3A_1343 : vector<16xf32>
        %mul3A_1345 = arith.mulf %add3A_1338, %add3A_1338 : vector<16xf32>
        %add3A_1346 = arith.addf %add3A_1282, %mul3A_1345 : vector<16xf32>
        %mul3A_1347 = arith.mulf %get3A_1329, %get3A_1329 : vector<16xf32>
        %add3A_1348 = arith.addf %add3A_1284, %mul3A_1347 : vector<16xf32>
        %mul3A_1349 = arith.mulf %get3A_1301, %get3A_1301 : vector<16xf32>
        %add3A_1350 = arith.addf %add3A_1286, %mul3A_1349 : vector<16xf32>
        %mul3A_1351 = arith.mulf %get3A_1308, %get3A_1308 : vector<16xf32>
        %add3A_1352 = arith.addf %add3A_1288, %mul3A_1351 : vector<16xf32>
        %mul3A_1353 = arith.mulf %get3A_1336, %get3A_1336 : vector<16xf32>
        %add3A_1354 = arith.addf %add3A_1290, %mul3A_1353 : vector<16xf32>
        %mul3A_1355 = arith.mulf %sub3A_1339, %get3A_1329 : vector<16xf32>
        %add3A_1356 = arith.addf %add3A_1292, %mul3A_1355 : vector<16xf32>
        %mul3A_1357 = arith.mulf %add3A_1340, %add3A_1340 : vector<16xf32>
        %add3A_1358 = arith.addf %add3A_1294, %mul3A_1357 : vector<16xf32>
        %get3A_1359 = arith.constant 0 : i32
        %get3A_1360 = arith.constant 0 : i32
        %get3A_1361 = tpu.memref_slice %arg18[%scan3A_900, %get3A_1359, %get3A_1360] : memref<2x128x64xf32, #tpu.memory_space<vmem>> -> memref<1x128x64xf32, #tpu.memory_space<vmem>>
        %get3A_1362 = tpu.memref_squeeze %get3A_1361 : memref<1x128x64xf32, #tpu.memory_space<vmem>> -> memref<128x64xf32, #tpu.memory_space<vmem>>
        %get3A_1363 = arith.index_cast %add3A_1167 : i32 to index
        %get3A_1364 = arith.constant 48 : index
        %get3A_1365 = tpu.vector_load %get3A_1362[%get3A_1363, %get3A_1364] {strides = array<i32>} : memref<128x64xf32, #tpu.memory_space<vmem>>, vector<16xf32>,
        %get3A_1366 = arith.constant 0 : i32
        %get3A_1367 = arith.constant 0 : i32
        %get3A_1368 = tpu.memref_slice %arg19[%scan3A_901, %get3A_1366, %get3A_1367] : memref<2x128x64xf32, #tpu.memory_space<vmem>> -> memref<1x128x64xf32, #tpu.memory_space<vmem>>
        %get3A_1369 = tpu.memref_squeeze %get3A_1368 : memref<1x128x64xf32, #tpu.memory_space<vmem>> -> memref<128x64xf32, #tpu.memory_space<vmem>>
        %get3A_1370 = arith.index_cast %add3A_1167 : i32 to index
        %get3A_1371 = arith.constant 48 : index
        %get3A_1372 = tpu.vector_load %get3A_1369[%get3A_1370, %get3A_1371] {strides = array<i32>} : memref<128x64xf32, #tpu.memory_space<vmem>>, vector<16xf32>,
        %get3A_1373 = arith.constant 0 : i32
        %get3A_1374 = arith.constant 0 : i32
        %get3A_1375 = tpu.memref_slice %arg20[%scan3A_902, %get3A_1373, %get3A_1374] : memref<2x128x64xf32, #tpu.memory_space<vmem>> -> memref<1x128x64xf32, #tpu.memory_space<vmem>>
        %get3A_1376 = tpu.memref_squeeze %get3A_1375 : memref<1x128x64xf32, #tpu.memory_space<vmem>> -> memref<128x64xf32, #tpu.memory_space<vmem>>
        %get3A_1377 = arith.index_cast %add3A_1167 : i32 to index
        %get3A_1378 = arith.constant 48 : index
        %get3A_1379 = tpu.vector_load %get3A_1376[%get3A_1377, %get3A_1378] {strides = array<i32>} : memref<128x64xf32, #tpu.memory_space<vmem>>, vector<16xf32>,
        %get3A_1380 = arith.constant 0 : i32
        %get3A_1381 = arith.constant 0 : i32
        %get3A_1382 = tpu.memref_slice %arg21[%scan3A_903, %get3A_1380, %get3A_1381] : memref<2x128x64xf32, #tpu.memory_space<vmem>> -> memref<1x128x64xf32, #tpu.memory_space<vmem>>
        %get3A_1383 = tpu.memref_squeeze %get3A_1382 : memref<1x128x64xf32, #tpu.memory_space<vmem>> -> memref<128x64xf32, #tpu.memory_space<vmem>>
        %get3A_1384 = arith.index_cast %add3A_1167 : i32 to index
        %get3A_1385 = arith.constant 48 : index
        %get3A_1386 = tpu.vector_load %get3A_1383[%get3A_1384, %get3A_1385] {strides = array<i32>} : memref<128x64xf32, #tpu.memory_space<vmem>>, vector<16xf32>,
        %get3A_1387 = arith.constant 0 : i32
        %get3A_1388 = arith.constant 0 : i32
        %get3A_1389 = tpu.memref_slice %arg22[%scan3A_904, %get3A_1387, %get3A_1388] : memref<2x128x64xf32, #tpu.memory_space<vmem>> -> memref<1x128x64xf32, #tpu.memory_space<vmem>>
        %get3A_1390 = tpu.memref_squeeze %get3A_1389 : memref<1x128x64xf32, #tpu.memory_space<vmem>> -> memref<128x64xf32, #tpu.memory_space<vmem>>
        %get3A_1391 = arith.index_cast %add3A_1167 : i32 to index
        %get3A_1392 = arith.constant 48 : index
        %get3A_1393 = tpu.vector_load %get3A_1390[%get3A_1391, %get3A_1392] {strides = array<i32>} : memref<128x64xf32, #tpu.memory_space<vmem>>, vector<16xf32>,
        %get3A_1394 = arith.constant 0 : i32
        %get3A_1395 = arith.constant 0 : i32
        %get3A_1396 = tpu.memref_slice %arg23[%scan3A_905, %get3A_1394, %get3A_1395] : memref<2x128x64xf32, #tpu.memory_space<vmem>> -> memref<1x128x64xf32, #tpu.memory_space<vmem>>
        %get3A_1397 = tpu.memref_squeeze %get3A_1396 : memref<1x128x64xf32, #tpu.memory_space<vmem>> -> memref<128x64xf32, #tpu.memory_space<vmem>>
        %get3A_1398 = arith.index_cast %add3A_1167 : i32 to index
        %get3A_1399 = arith.constant 48 : index
        %get3A_1400 = tpu.vector_load %get3A_1397[%get3A_1398, %get3A_1399] {strides = array<i32>} : memref<128x64xf32, #tpu.memory_space<vmem>>, vector<16xf32>,
        %sub3A_1401 = arith.subf %get3A_1365, %get3A_1372 : vector<16xf32>
        %add3A_1402 = arith.addf %sub3A_1401, %get3A_1400 : vector<16xf32>
        %sub3A_1403 = arith.subf %get3A_1379, %get3A_1386 : vector<16xf32>
        %add3A_1404 = arith.addf %sub3A_1403, %get3A_1400 : vector<16xf32>
        %mul3A_1405 = arith.mulf %sub3A_1401, %get3A_1393 : vector<16xf32>
        %add3A_1406 = arith.addf %add3A_1342, %mul3A_1405 : vector<16xf32>
        %mul3A_1407 = arith.mulf %get3A_1393, %get3A_1400 : vector<16xf32>
        %add3A_1408 = arith.addf %add3A_1344, %mul3A_1407 : vector<16xf32>
        %mul3A_1409 = arith.mulf %add3A_1402, %add3A_1402 : vector<16xf32>
        %add3A_1410 = arith.addf %add3A_1346, %mul3A_1409 : vector<16xf32>
        %mul3A_1411 = arith.mulf %get3A_1393, %get3A_1393 : vector<16xf32>
        %add3A_1412 = arith.addf %add3A_1348, %mul3A_1411 : vector<16xf32>
        %mul3A_1413 = arith.mulf %get3A_1365, %get3A_1365 : vector<16xf32>
        %add3A_1414 = arith.addf %add3A_1350, %mul3A_1413 : vector<16xf32>
        %mul3A_1415 = arith.mulf %get3A_1372, %get3A_1372 : vector<16xf32>
        %add3A_1416 = arith.addf %add3A_1352, %mul3A_1415 : vector<16xf32>
        %mul3A_1417 = arith.mulf %get3A_1400, %get3A_1400 : vector<16xf32>
        %add3A_1418 = arith.addf %add3A_1354, %mul3A_1417 : vector<16xf32>
        %mul3A_1419 = arith.mulf %sub3A_1403, %get3A_1393 : vector<16xf32>
        %add3A_1420 = arith.addf %add3A_1356, %mul3A_1419 : vector<16xf32>
        %mul3A_1421 = arith.mulf %add3A_1404, %add3A_1404 : vector<16xf32>
        %add3A_1422 = arith.addf %add3A_1358, %mul3A_1421 : vector<16xf32>
        %eq3A = vector.broadcast %scan3A_1155 : i32 to vector<16xi32>
        %eq3A_1423 = arith.cmpi eq, %iota3A_899, %eq3A : vector<16xi32>
        %broadcast_in_dim3A_1424 = arith.constant true
        %broadcast_in_dim3A_1425 = vector.broadcast %broadcast_in_dim3A_1424 : i1 to vector<16xi1>
        %masked_cumsum3A = tpu.scan <sum>, %add3A_1406 masked %broadcast_in_dim3A_1425 : vector<16xf32>, vector<16xi1> -> vector<16xf32>
        %slice3A = vector.extract_strided_slice %masked_cumsum3A {offsets = [15], sizes = [1], strides = [1]} : vector<16xf32> to vector<1xf32>
        %squeeze3A = vector.extract %slice3A[0] : f32 from vector<1xf32>
        %broadcast_in_dim3A_1426 = vector.broadcast %squeeze3A : f32 to vector<16xf32>
        %select_n3A_1427 = arith.select %eq3A_1423, %broadcast_in_dim3A_1426, %scan3A_1156 : vector<16xi1>, vector<16xf32>
        %broadcast_in_dim3A_1428 = arith.constant true
        %broadcast_in_dim3A_1429 = vector.broadcast %broadcast_in_dim3A_1428 : i1 to vector<16xi1>
        %masked_cumsum3A_1430 = tpu.scan <sum>, %add3A_1408 masked %broadcast_in_dim3A_1429 : vector<16xf32>, vector<16xi1> -> vector<16xf32>
        %slice3A_1431 = vector.extract_strided_slice %masked_cumsum3A_1430 {offsets = [15], sizes = [1], strides = [1]} : vector<16xf32> to vector<1xf32>
        %squeeze3A_1432 = vector.extract %slice3A_1431[0] : f32 from vector<1xf32>
        %broadcast_in_dim3A_1433 = vector.broadcast %squeeze3A_1432 : f32 to vector<16xf32>
        %select_n3A_1434 = arith.select %eq3A_1423, %broadcast_in_dim3A_1433, %scan3A_1157 : vector<16xi1>, vector<16xf32>
        %broadcast_in_dim3A_1435 = arith.constant true
        %broadcast_in_dim3A_1436 = vector.broadcast %broadcast_in_dim3A_1435 : i1 to vector<16xi1>
        %masked_cumsum3A_1437 = tpu.scan <sum>, %add3A_1410 masked %broadcast_in_dim3A_1436 : vector<16xf32>, vector<16xi1> -> vector<16xf32>
        %slice3A_1438 = vector.extract_strided_slice %masked_cumsum3A_1437 {offsets = [15], sizes = [1], strides = [1]} : vector<16xf32> to vector<1xf32>
        %squeeze3A_1439 = vector.extract %slice3A_1438[0] : f32 from vector<1xf32>
        %broadcast_in_dim3A_1440 = vector.broadcast %squeeze3A_1439 : f32 to vector<16xf32>
        %select_n3A_1441 = arith.select %eq3A_1423, %broadcast_in_dim3A_1440, %scan3A_1158 : vector<16xi1>, vector<16xf32>
        %broadcast_in_dim3A_1442 = arith.constant true
        %broadcast_in_dim3A_1443 = vector.broadcast %broadcast_in_dim3A_1442 : i1 to vector<16xi1>
        %masked_cumsum3A_1444 = tpu.scan <sum>, %add3A_1412 masked %broadcast_in_dim3A_1443 : vector<16xf32>, vector<16xi1> -> vector<16xf32>
        %slice3A_1445 = vector.extract_strided_slice %masked_cumsum3A_1444 {offsets = [15], sizes = [1], strides = [1]} : vector<16xf32> to vector<1xf32>
        %squeeze3A_1446 = vector.extract %slice3A_1445[0] : f32 from vector<1xf32>
        %broadcast_in_dim3A_1447 = vector.broadcast %squeeze3A_1446 : f32 to vector<16xf32>
        %select_n3A_1448 = arith.select %eq3A_1423, %broadcast_in_dim3A_1447, %scan3A_1159 : vector<16xi1>, vector<16xf32>
        %broadcast_in_dim3A_1449 = arith.constant true
        %broadcast_in_dim3A_1450 = vector.broadcast %broadcast_in_dim3A_1449 : i1 to vector<16xi1>
        %masked_cumsum3A_1451 = tpu.scan <sum>, %add3A_1414 masked %broadcast_in_dim3A_1450 : vector<16xf32>, vector<16xi1> -> vector<16xf32>
        %slice3A_1452 = vector.extract_strided_slice %masked_cumsum3A_1451 {offsets = [15], sizes = [1], strides = [1]} : vector<16xf32> to vector<1xf32>
        %squeeze3A_1453 = vector.extract %slice3A_1452[0] : f32 from vector<1xf32>
        %broadcast_in_dim3A_1454 = vector.broadcast %squeeze3A_1453 : f32 to vector<16xf32>
        %select_n3A_1455 = arith.select %eq3A_1423, %broadcast_in_dim3A_1454, %scan3A_1160 : vector<16xi1>, vector<16xf32>
        %broadcast_in_dim3A_1456 = arith.constant true
        %broadcast_in_dim3A_1457 = vector.broadcast %broadcast_in_dim3A_1456 : i1 to vector<16xi1>
        %masked_cumsum3A_1458 = tpu.scan <sum>, %add3A_1416 masked %broadcast_in_dim3A_1457 : vector<16xf32>, vector<16xi1> -> vector<16xf32>
        %slice3A_1459 = vector.extract_strided_slice %masked_cumsum3A_1458 {offsets = [15], sizes = [1], strides = [1]} : vector<16xf32> to vector<1xf32>
        %squeeze3A_1460 = vector.extract %slice3A_1459[0] : f32 from vector<1xf32>
        %broadcast_in_dim3A_1461 = vector.broadcast %squeeze3A_1460 : f32 to vector<16xf32>
        %select_n3A_1462 = arith.select %eq3A_1423, %broadcast_in_dim3A_1461, %scan3A_1161 : vector<16xi1>, vector<16xf32>
        %broadcast_in_dim3A_1463 = arith.constant true
        %broadcast_in_dim3A_1464 = vector.broadcast %broadcast_in_dim3A_1463 : i1 to vector<16xi1>
        %masked_cumsum3A_1465 = tpu.scan <sum>, %add3A_1418 masked %broadcast_in_dim3A_1464 : vector<16xf32>, vector<16xi1> -> vector<16xf32>
        %slice3A_1466 = vector.extract_strided_slice %masked_cumsum3A_1465 {offsets = [15], sizes = [1], strides = [1]} : vector<16xf32> to vector<1xf32>
        %squeeze3A_1467 = vector.extract %slice3A_1466[0] : f32 from vector<1xf32>
        %broadcast_in_dim3A_1468 = vector.broadcast %squeeze3A_1467 : f32 to vector<16xf32>
        %select_n3A_1469 = arith.select %eq3A_1423, %broadcast_in_dim3A_1468, %scan3A_1162 : vector<16xi1>, vector<16xf32>
        %broadcast_in_dim3A_1470 = arith.constant true
        %broadcast_in_dim3A_1471 = vector.broadcast %broadcast_in_dim3A_1470 : i1 to vector<16xi1>
        %masked_cumsum3A_1472 = tpu.scan <sum>, %add3A_1420 masked %broadcast_in_dim3A_1471 : vector<16xf32>, vector<16xi1> -> vector<16xf32>
        %slice3A_1473 = vector.extract_strided_slice %masked_cumsum3A_1472 {offsets = [15], sizes = [1], strides = [1]} : vector<16xf32> to vector<1xf32>
        %squeeze3A_1474 = vector.extract %slice3A_1473[0] : f32 from vector<1xf32>
        %broadcast_in_dim3A_1475 = vector.broadcast %squeeze3A_1474 : f32 to vector<16xf32>
        %select_n3A_1476 = arith.select %eq3A_1423, %broadcast_in_dim3A_1475, %scan3A_1163 : vector<16xi1>, vector<16xf32>
        %broadcast_in_dim3A_1477 = arith.constant true
        %broadcast_in_dim3A_1478 = vector.broadcast %broadcast_in_dim3A_1477 : i1 to vector<16xi1>
        %masked_cumsum3A_1479 = tpu.scan <sum>, %add3A_1422 masked %broadcast_in_dim3A_1478 : vector<16xf32>, vector<16xi1> -> vector<16xf32>
        %slice3A_1480 = vector.extract_strided_slice %masked_cumsum3A_1479 {offsets = [15], sizes = [1], strides = [1]} : vector<16xf32> to vector<1xf32>
        %squeeze3A_1481 = vector.extract %slice3A_1480[0] : f32 from vector<1xf32>
        %broadcast_in_dim3A_1482 = vector.broadcast %squeeze3A_1481 : f32 to vector<16xf32>
        %select_n3A_1483 = arith.select %eq3A_1423, %broadcast_in_dim3A_1482, %scan3A_1164 : vector<16xi1>, vector<16xf32>
        scf.yield %select_n3A_1427, %select_n3A_1434, %select_n3A_1441, %select_n3A_1448, %select_n3A_1455, %select_n3A_1462, %select_n3A_1469, %select_n3A_1476, %select_n3A_1483 : vector<16xf32>, vector<16xf32>, vector<16xf32>, vector<16xf32>, vector<16xf32>, vector<16xf32>, vector<16xf32>, vector<16xf32>, vector<16xf32>
      }
      %scan3A_1007 = arith.constant 16 : i32
      %mul3A_1008 = arith.mulf %scan3A_1006#0, %scan3A_1006#3 : vector<16xf32>
      %add3A_1009 = arith.addf %scan3A_1006#0, %scan3A_1006#1 : vector<16xf32>
      %mul3A_1010 = arith.constant 2.000000e+00 : f32
      %mul3A_1011 = vector.broadcast %mul3A_1010 : f32 to vector<16xf32>
      %mul3A_1012 = arith.mulf %mul3A_1011, %add3A_1009 : vector<16xf32>
      %sub3A = arith.subf %mul3A_1008, %mul3A_1012 : vector<16xf32>
      %mul3A_1013 = arith.mulf %scan3A_1006#0, %sub3A : vector<16xf32>
      %add3A_1014 = arith.addf %scan3A_1006#2, %mul3A_1013 : vector<16xf32>
      %mul3A_1015 = arith.mulf %scan3A_1006#7, %scan3A_1006#3 : vector<16xf32>
      %add3A_1016 = arith.addf %scan3A_1006#7, %scan3A_1006#1 : vector<16xf32>
      %mul3A_1017 = arith.constant 2.000000e+00 : f32
      %mul3A_1018 = vector.broadcast %mul3A_1017 : f32 to vector<16xf32>
      %mul3A_1019 = arith.mulf %mul3A_1018, %add3A_1016 : vector<16xf32>
      %sub3A_1020 = arith.subf %mul3A_1015, %mul3A_1019 : vector<16xf32>
      %mul3A_1021 = arith.mulf %scan3A_1006#7, %sub3A_1020 : vector<16xf32>
      %add3A_1022 = arith.addf %scan3A_1006#8, %mul3A_1021 : vector<16xf32>
      %max3A = arith.constant 0.000000e+00 : f32
      %max3A_1023 = vector.broadcast %max3A : f32 to vector<16xf32>
      %max3A_1024 = arith.maximumf %add3A_1014, %max3A_1023 : vector<16xf32>
      %bitcast_convert_type3A = tpu.bitcast %max3A_1024 : vector<16xf32> -> vector<16xi32>
      %shift_right_arithmetic3A = arith.constant 1 : i32
      %shift_right_arithmetic3A_1025 = vector.broadcast %shift_right_arithmetic3A : i32 to vector<16xi32>
      %shift_right_arithmetic3A_1026 = arith.shrsi %bitcast_convert_type3A, %shift_right_arithmetic3A_1025 : vector<16xi32>
      %sub3A_1027 = arith.constant 1597463007 : i32
      %sub3A_1028 = vector.broadcast %sub3A_1027 : i32 to vector<16xi32>
      %sub3A_1029 = arith.subi %sub3A_1028, %shift_right_arithmetic3A_1026 : vector<16xi32>
      %bitcast_convert_type3A_1030 = tpu.bitcast %sub3A_1029 : vector<16xi32> -> vector<16xf32>
      %mul3A_1031 = arith.constant 5.000000e-01 : f32
      %mul3A_1032 = vector.broadcast %mul3A_1031 : f32 to vector<16xf32>
      %mul3A_1033 = arith.mulf %mul3A_1032, %max3A_1024 : vector<16xf32>
      %mul3A_1034 = arith.mulf %mul3A_1033, %bitcast_convert_type3A_1030 : vector<16xf32>
      %mul3A_1035 = arith.mulf %mul3A_1034, %bitcast_convert_type3A_1030 : vector<16xf32>
      %sub3A_1036 = arith.constant 1.500000e+00 : f32
      %sub3A_1037 = vector.broadcast %sub3A_1036 : f32 to vector<16xf32>
      %sub3A_1038 = arith.subf %sub3A_1037, %mul3A_1035 : vector<16xf32>
      %mul3A_1039 = arith.mulf %bitcast_convert_type3A_1030, %sub3A_1038 : vector<16xf32>
      %mul3A_1040 = arith.constant 5.000000e-01 : f32
      %mul3A_1041 = vector.broadcast %mul3A_1040 : f32 to vector<16xf32>
      %mul3A_1042 = arith.mulf %mul3A_1041, %max3A_1024 : vector<16xf32>
      %mul3A_1043 = arith.mulf %mul3A_1042, %mul3A_1039 : vector<16xf32>
      %mul3A_1044 = arith.mulf %mul3A_1043, %mul3A_1039 : vector<16xf32>
      %sub3A_1045 = arith.constant 1.500000e+00 : f32
      %sub3A_1046 = vector.broadcast %sub3A_1045 : f32 to vector<16xf32>
      %sub3A_1047 = arith.subf %sub3A_1046, %mul3A_1044 : vector<16xf32>
      %mul3A_1048 = arith.mulf %mul3A_1039, %sub3A_1047 : vector<16xf32>
      %mul3A_1049 = arith.constant 5.000000e-01 : f32
      %mul3A_1050 = vector.broadcast %mul3A_1049 : f32 to vector<16xf32>
      %mul3A_1051 = arith.mulf %mul3A_1050, %max3A_1024 : vector<16xf32>
      %mul3A_1052 = arith.mulf %mul3A_1051, %mul3A_1048 : vector<16xf32>
      %mul3A_1053 = arith.mulf %mul3A_1052, %mul3A_1048 : vector<16xf32>
      %sub3A_1054 = arith.constant 1.500000e+00 : f32
      %sub3A_1055 = vector.broadcast %sub3A_1054 : f32 to vector<16xf32>
      %sub3A_1056 = arith.subf %sub3A_1055, %mul3A_1053 : vector<16xf32>
      %mul3A_1057 = arith.mulf %mul3A_1048, %sub3A_1056 : vector<16xf32>
      %gt3A = arith.constant 0.000000e+00 : f32
      %gt3A_1058 = vector.broadcast %gt3A : f32 to vector<16xf32>
      %gt3A_1059 = arith.cmpf ogt, %max3A_1024, %gt3A_1058 : vector<16xf32>
      %mul3A_1060 = arith.mulf %max3A_1024, %mul3A_1057 : vector<16xf32>
      %jit3A = arith.constant 0.000000e+00 : f32
      %broadcast_in_dim3A_1061 = vector.broadcast %jit3A : f32 to vector<16xf32>
      %select_n3A = arith.select %gt3A_1059, %mul3A_1060, %broadcast_in_dim3A_1061 : vector<16xi1>, vector<16xf32>
      %max3A_1062 = arith.constant 0.000000e+00 : f32
      %max3A_1063 = vector.broadcast %max3A_1062 : f32 to vector<16xf32>
      %max3A_1064 = arith.maximumf %add3A_1022, %max3A_1063 : vector<16xf32>
      %bitcast_convert_type3A_1065 = tpu.bitcast %max3A_1064 : vector<16xf32> -> vector<16xi32>
      %shift_right_arithmetic3A_1066 = arith.constant 1 : i32
      %shift_right_arithmetic3A_1067 = vector.broadcast %shift_right_arithmetic3A_1066 : i32 to vector<16xi32>
      %shift_right_arithmetic3A_1068 = arith.shrsi %bitcast_convert_type3A_1065, %shift_right_arithmetic3A_1067 : vector<16xi32>
      %sub3A_1069 = arith.constant 1597463007 : i32
      %sub3A_1070 = vector.broadcast %sub3A_1069 : i32 to vector<16xi32>
      %sub3A_1071 = arith.subi %sub3A_1070, %shift_right_arithmetic3A_1068 : vector<16xi32>
      %bitcast_convert_type3A_1072 = tpu.bitcast %sub3A_1071 : vector<16xi32> -> vector<16xf32>
      %mul3A_1073 = arith.constant 5.000000e-01 : f32
      %mul3A_1074 = vector.broadcast %mul3A_1073 : f32 to vector<16xf32>
      %mul3A_1075 = arith.mulf %mul3A_1074, %max3A_1064 : vector<16xf32>
      %mul3A_1076 = arith.mulf %mul3A_1075, %bitcast_convert_type3A_1072 : vector<16xf32>
      %mul3A_1077 = arith.mulf %mul3A_1076, %bitcast_convert_type3A_1072 : vector<16xf32>
      %sub3A_1078 = arith.constant 1.500000e+00 : f32
      %sub3A_1079 = vector.broadcast %sub3A_1078 : f32 to vector<16xf32>
      %sub3A_1080 = arith.subf %sub3A_1079, %mul3A_1077 : vector<16xf32>
      %mul3A_1081 = arith.mulf %bitcast_convert_type3A_1072, %sub3A_1080 : vector<16xf32>
      %mul3A_1082 = arith.constant 5.000000e-01 : f32
      %mul3A_1083 = vector.broadcast %mul3A_1082 : f32 to vector<16xf32>
      %mul3A_1084 = arith.mulf %mul3A_1083, %max3A_1064 : vector<16xf32>
      %mul3A_1085 = arith.mulf %mul3A_1084, %mul3A_1081 : vector<16xf32>
      %mul3A_1086 = arith.mulf %mul3A_1085, %mul3A_1081 : vector<16xf32>
      %sub3A_1087 = arith.constant 1.500000e+00 : f32
      %sub3A_1088 = vector.broadcast %sub3A_1087 : f32 to vector<16xf32>
      %sub3A_1089 = arith.subf %sub3A_1088, %mul3A_1086 : vector<16xf32>
      %mul3A_1090 = arith.mulf %mul3A_1081, %sub3A_1089 : vector<16xf32>
      %mul3A_1091 = arith.constant 5.000000e-01 : f32
      %mul3A_1092 = vector.broadcast %mul3A_1091 : f32 to vector<16xf32>
      %mul3A_1093 = arith.mulf %mul3A_1092, %max3A_1064 : vector<16xf32>
      %mul3A_1094 = arith.mulf %mul3A_1093, %mul3A_1090 : vector<16xf32>
      %mul3A_1095 = arith.mulf %mul3A_1094, %mul3A_1090 : vector<16xf32>
      %sub3A_1096 = arith.constant 1.500000e+00 : f32
      %sub3A_1097 = vector.broadcast %sub3A_1096 : f32 to vector<16xf32>
      %sub3A_1098 = arith.subf %sub3A_1097, %mul3A_1095 : vector<16xf32>
      %mul3A_1099 = arith.mulf %mul3A_1090, %sub3A_1098 : vector<16xf32>
      %gt3A_1100 = arith.constant 0.000000e+00 : f32
      %gt3A_1101 = vector.broadcast %gt3A_1100 : f32 to vector<16xf32>
      %gt3A_1102 = arith.cmpf ogt, %max3A_1064, %gt3A_1101 : vector<16xf32>
      %mul3A_1103 = arith.mulf %max3A_1064, %mul3A_1099 : vector<16xf32>
      %jit3A_1104 = arith.constant 0.000000e+00 : f32
      %broadcast_in_dim3A_1105 = vector.broadcast %jit3A_1104 : f32 to vector<16xf32>
      %select_n3A_1106 = arith.select %gt3A_1102, %mul3A_1103, %broadcast_in_dim3A_1105 : vector<16xi1>, vector<16xf32>
      %sub3A_1107 = arith.subf %select_n3A, %select_n3A_1106 : vector<16xf32>
      %add3A_1108 = arith.constant 1.000000e+00 : f32
      %add3A_1109 = vector.broadcast %add3A_1108 : f32 to vector<16xf32>
      %add3A_1110 = arith.addf %sub3A_1107, %add3A_1109 : vector<16xf32>
      %max3A_1111 = arith.constant 0.000000e+00 : f32
      %max3A_1112 = vector.broadcast %max3A_1111 : f32 to vector<16xf32>
      %max3A_1113 = arith.maximumf %add3A_1110, %max3A_1112 : vector<16xf32>
      %sub3A_1114 = arith.constant 1.000000e+00 : f32
      %sub3A_1115 = vector.broadcast %sub3A_1114 : f32 to vector<16xf32>
      %sub3A_1116 = arith.subf %scan3A_1006#4, %sub3A_1115 : vector<16xf32>
      %max3A_1117 = arith.constant 0.000000e+00 : f32
      %max3A_1118 = vector.broadcast %max3A_1117 : f32 to vector<16xf32>
      %max3A_1119 = arith.maximumf %sub3A_1116, %max3A_1118 : vector<16xf32>
      %mul3A_1120 = arith.constant 2.500000e-01 : f32
      %mul3A_1121 = vector.broadcast %mul3A_1120 : f32 to vector<16xf32>
      %mul3A_1122 = arith.mulf %mul3A_1121, %max3A_1119 : vector<16xf32>
      %add3A_1123 = arith.addf %max3A_1113, %mul3A_1122 : vector<16xf32>
      %sub3A_1124 = arith.constant 1.000000e+00 : f32
      %sub3A_1125 = vector.broadcast %sub3A_1124 : f32 to vector<16xf32>
      %sub3A_1126 = arith.subf %scan3A_1006#5, %sub3A_1125 : vector<16xf32>
      %max3A_1127 = arith.constant 0.000000e+00 : f32
      %max3A_1128 = vector.broadcast %max3A_1127 : f32 to vector<16xf32>
      %max3A_1129 = arith.maximumf %sub3A_1126, %max3A_1128 : vector<16xf32>
      %mul3A_1130 = arith.constant 2.500000e-01 : f32
      %mul3A_1131 = vector.broadcast %mul3A_1130 : f32 to vector<16xf32>
      %mul3A_1132 = arith.mulf %mul3A_1131, %max3A_1129 : vector<16xf32>
      %add3A_1133 = arith.addf %add3A_1123, %mul3A_1132 : vector<16xf32>
      %mul3A_1134 = arith.mulf %scan3A_1006#1, %scan3A_1006#1 : vector<16xf32>
      %div3A = arith.divf %mul3A_1134, %scan3A_1006#6 : vector<16xf32>
      %sub3A_1135 = arith.constant 9.99999974E-5 : f32
      %sub3A_1136 = vector.broadcast %sub3A_1135 : f32 to vector<16xf32>
      %sub3A_1137 = arith.subf %div3A, %sub3A_1136 : vector<16xf32>
      %max3A_1138 = arith.constant 0.000000e+00 : f32
      %max3A_1139 = vector.broadcast %max3A_1138 : f32 to vector<16xf32>
      %max3A_1140 = arith.maximumf %sub3A_1137, %max3A_1139 : vector<16xf32>
      %mul3A_1141 = arith.constant 2.500000e-01 : f32
      %mul3A_1142 = vector.broadcast %mul3A_1141 : f32 to vector<16xf32>
      %mul3A_1143 = arith.mulf %mul3A_1142, %max3A_1140 : vector<16xf32>
      %add3A_1144 = arith.addf %add3A_1133, %mul3A_1143 : vector<16xf32>
      %mul3A_1145 = arith.constant 16 : i32
      %mul3A_1146 = arith.muli %scan3A_999, %mul3A_1145 : i32
      %add3A_1147 = arith.constant 256 : i32
      %add3A_1148 = arith.addi %add3A_1147, %mul3A_1146 : i32
      %swap3A = arith.index_cast %add3A_1148 : i32 to index
      %swap3A_1149 = tpu.vector_load %arg24[%swap3A] {strides = array<i32>} : memref<512xf32, #tpu.memory_space<vmem>>, vector<16xf32>,
      tpu.vector_store %arg24[%swap3A], %add3A_1144 {strides = array<i32>} : memref<512xf32, #tpu.memory_space<vmem>>, vector<16xf32>,
      %swap3A_1150 = arith.index_cast %add3A_1148 : i32 to index
      %swap3A_1151 = tpu.vector_load %arg25[%swap3A_1150] {strides = array<i32>} : memref<512xf32, #tpu.memory_space<vmem>>, vector<16xf32>,
      tpu.vector_store %arg25[%swap3A_1150], %select_n3A {strides = array<i32>} : memref<512xf32, #tpu.memory_space<vmem>>, vector<16xf32>,
      %swap3A_1152 = arith.index_cast %add3A_1148 : i32 to index
      %swap3A_1153 = tpu.vector_load %arg26[%swap3A_1152] {strides = array<i32>} : memref<512xf32, #tpu.memory_space<vmem>>, vector<16xf32>,
      tpu.vector_store %arg26[%swap3A_1152], %select_n3A_1106 {strides = array<i32>} : memref<512xf32, #tpu.memory_space<vmem>>, vector<16xf32>,
      %scan3A_1154 = arith.constant 0 : i32
      scf.yield %scan3A_1154 : i32
    }
    %scan3A_912 = arith.constant 8 : i32
    %dma_wait3A_913 = arith.constant 3 : i32
    %dma_wait3A_914 = arith.constant 1 : i32
    %dma_wait3A_915 = arith.constant 0 : i32
    %dma_wait3A_916 = arith.constant 0 : i32
    %dma_wait3A_917 = tpu.memref_slice %arg18[%dma_wait3A_914, %dma_wait3A_915, %dma_wait3A_916] : memref<2x128x64xf32, #tpu.memory_space<vmem>> -> memref<1x128x64xf32, #tpu.memory_space<vmem>>
    %dma_wait3A_918 = tpu.memref_squeeze %dma_wait3A_917 : memref<1x128x64xf32, #tpu.memory_space<vmem>> -> memref<128x64xf32, #tpu.memory_space<vmem>>
    %dma_wait3A_919 = arith.constant 0 : i32
    %dma_wait3A_920 = tpu.memref_slice %arg13[%dma_wait3A_913, %dma_wait3A_919] : memref<4x128xi32, #tpu.memory_space<vmem>> -> memref<1x128xi32, #tpu.memory_space<vmem>>
    %dma_wait3A_921 = tpu.memref_squeeze %dma_wait3A_920 : memref<1x128xi32, #tpu.memory_space<vmem>> -> memref<128xi32, #tpu.memory_space<vmem>>
    %dma_wait3A_922 = arith.constant 0 : i32
    %dma_wait3A_923 = arith.constant 0 : i32
    %dma_wait3A_924 = tpu.memref_slice %arg7[%dma_wait3A_922, %dma_wait3A_923] : memref<1000000x64xf32, #tpu.memory_space<hbm>> -> memref<1000000x64xf32, #tpu.memory_space<hbm>>
    tpu.wait_indirect_dma semaphore(%arg29 : memref<!tpu.dma_semaphore, #tpu.memory_space<semaphore_mem>>) src(%dma_wait3A_924 : memref<1000000x64xf32, #tpu.memory_space<hbm>>) dst(%dma_wait3A_918 : memref<128x64xf32, #tpu.memory_space<vmem>>)
    %dma_wait3A_925 = arith.constant 3 : i32
    %dma_wait3A_926 = arith.constant 1 : i32
    %dma_wait3A_927 = arith.constant 0 : i32
    %dma_wait3A_928 = arith.constant 0 : i32
    %dma_wait3A_929 = tpu.memref_slice %arg19[%dma_wait3A_926, %dma_wait3A_927, %dma_wait3A_928] : memref<2x128x64xf32, #tpu.memory_space<vmem>> -> memref<1x128x64xf32, #tpu.memory_space<vmem>>
    %dma_wait3A_930 = tpu.memref_squeeze %dma_wait3A_929 : memref<1x128x64xf32, #tpu.memory_space<vmem>> -> memref<128x64xf32, #tpu.memory_space<vmem>>
    %dma_wait3A_931 = arith.constant 0 : i32
    %dma_wait3A_932 = tpu.memref_slice %arg14[%dma_wait3A_925, %dma_wait3A_931] : memref<4x128xi32, #tpu.memory_space<vmem>> -> memref<1x128xi32, #tpu.memory_space<vmem>>
    %dma_wait3A_933 = tpu.memref_squeeze %dma_wait3A_932 : memref<1x128xi32, #tpu.memory_space<vmem>> -> memref<128xi32, #tpu.memory_space<vmem>>
    %dma_wait3A_934 = arith.constant 0 : i32
    %dma_wait3A_935 = arith.constant 0 : i32
    %dma_wait3A_936 = tpu.memref_slice %arg7[%dma_wait3A_934, %dma_wait3A_935] : memref<1000000x64xf32, #tpu.memory_space<hbm>> -> memref<1000000x64xf32, #tpu.memory_space<hbm>>
    tpu.wait_indirect_dma semaphore(%arg29 : memref<!tpu.dma_semaphore, #tpu.memory_space<semaphore_mem>>) src(%dma_wait3A_936 : memref<1000000x64xf32, #tpu.memory_space<hbm>>) dst(%dma_wait3A_930 : memref<128x64xf32, #tpu.memory_space<vmem>>)
    %dma_wait3A_937 = arith.constant 3 : i32
    %dma_wait3A_938 = arith.constant 1 : i32
    %dma_wait3A_939 = arith.constant 0 : i32
    %dma_wait3A_940 = arith.constant 0 : i32
    %dma_wait3A_941 = tpu.memref_slice %arg20[%dma_wait3A_938, %dma_wait3A_939, %dma_wait3A_940] : memref<2x128x64xf32, #tpu.memory_space<vmem>> -> memref<1x128x64xf32, #tpu.memory_space<vmem>>
    %dma_wait3A_942 = tpu.memref_squeeze %dma_wait3A_941 : memref<1x128x64xf32, #tpu.memory_space<vmem>> -> memref<128x64xf32, #tpu.memory_space<vmem>>
    %dma_wait3A_943 = arith.constant 0 : i32
    %dma_wait3A_944 = tpu.memref_slice %arg15[%dma_wait3A_937, %dma_wait3A_943] : memref<4x128xi32, #tpu.memory_space<vmem>> -> memref<1x128xi32, #tpu.memory_space<vmem>>
    %dma_wait3A_945 = tpu.memref_squeeze %dma_wait3A_944 : memref<1x128xi32, #tpu.memory_space<vmem>> -> memref<128xi32, #tpu.memory_space<vmem>>
    %dma_wait3A_946 = arith.constant 0 : i32
    %dma_wait3A_947 = arith.constant 0 : i32
    %dma_wait3A_948 = tpu.memref_slice %arg7[%dma_wait3A_946, %dma_wait3A_947] : memref<1000000x64xf32, #tpu.memory_space<hbm>> -> memref<1000000x64xf32, #tpu.memory_space<hbm>>
    tpu.wait_indirect_dma semaphore(%arg29 : memref<!tpu.dma_semaphore, #tpu.memory_space<semaphore_mem>>) src(%dma_wait3A_948 : memref<1000000x64xf32, #tpu.memory_space<hbm>>) dst(%dma_wait3A_942 : memref<128x64xf32, #tpu.memory_space<vmem>>)
    %dma_wait3A_949 = arith.constant 3 : i32
    %dma_wait3A_950 = arith.constant 1 : i32
    %dma_wait3A_951 = arith.constant 0 : i32
    %dma_wait3A_952 = arith.constant 0 : i32
    %dma_wait3A_953 = tpu.memref_slice %arg21[%dma_wait3A_950, %dma_wait3A_951, %dma_wait3A_952] : memref<2x128x64xf32, #tpu.memory_space<vmem>> -> memref<1x128x64xf32, #tpu.memory_space<vmem>>
    %dma_wait3A_954 = tpu.memref_squeeze %dma_wait3A_953 : memref<1x128x64xf32, #tpu.memory_space<vmem>> -> memref<128x64xf32, #tpu.memory_space<vmem>>
    %dma_wait3A_955 = arith.constant 0 : i32
    %dma_wait3A_956 = tpu.memref_slice %arg16[%dma_wait3A_949, %dma_wait3A_955] : memref<4x128xi32, #tpu.memory_space<vmem>> -> memref<1x128xi32, #tpu.memory_space<vmem>>
    %dma_wait3A_957 = tpu.memref_squeeze %dma_wait3A_956 : memref<1x128xi32, #tpu.memory_space<vmem>> -> memref<128xi32, #tpu.memory_space<vmem>>
    %dma_wait3A_958 = arith.constant 0 : i32
    %dma_wait3A_959 = arith.constant 0 : i32
    %dma_wait3A_960 = tpu.memref_slice %arg7[%dma_wait3A_958, %dma_wait3A_959] : memref<1000000x64xf32, #tpu.memory_space<hbm>> -> memref<1000000x64xf32, #tpu.memory_space<hbm>>
    tpu.wait_indirect_dma semaphore(%arg29 : memref<!tpu.dma_semaphore, #tpu.memory_space<semaphore_mem>>) src(%dma_wait3A_960 : memref<1000000x64xf32, #tpu.memory_space<hbm>>) dst(%dma_wait3A_954 : memref<128x64xf32, #tpu.memory_space<vmem>>)
    %dma_wait3A_961 = arith.constant 3 : i32
    %dma_wait3A_962 = arith.constant 1 : i32
    %dma_wait3A_963 = arith.constant 0 : i32
    %dma_wait3A_964 = arith.constant 0 : i32
    %dma_wait3A_965 = tpu.memref_slice %arg22[%dma_wait3A_962, %dma_wait3A_963, %dma_wait3A_964] : memref<2x128x64xf32, #tpu.memory_space<vmem>> -> memref<1x128x64xf32, #tpu.memory_space<vmem>>
    %dma_wait3A_966 = tpu.memref_squeeze %dma_wait3A_965 : memref<1x128x64xf32, #tpu.memory_space<vmem>> -> memref<128x64xf32, #tpu.memory_space<vmem>>
    %dma_wait3A_967 = arith.constant 0 : i32
    %dma_wait3A_968 = tpu.memref_slice %arg17[%dma_wait3A_961, %dma_wait3A_967] : memref<4x128xi32, #tpu.memory_space<vmem>> -> memref<1x128xi32, #tpu.memory_space<vmem>>
    %dma_wait3A_969 = tpu.memref_squeeze %dma_wait3A_968 : memref<1x128xi32, #tpu.memory_space<vmem>> -> memref<128xi32, #tpu.memory_space<vmem>>
    %dma_wait3A_970 = arith.constant 0 : i32
    %dma_wait3A_971 = arith.constant 0 : i32
    %dma_wait3A_972 = tpu.memref_slice %arg9[%dma_wait3A_970, %dma_wait3A_971] : memref<1000x64xf32, #tpu.memory_space<hbm>> -> memref<1000x64xf32, #tpu.memory_space<hbm>>
    tpu.wait_indirect_dma semaphore(%arg29 : memref<!tpu.dma_semaphore, #tpu.memory_space<semaphore_mem>>) src(%dma_wait3A_972 : memref<1000x64xf32, #tpu.memory_space<hbm>>) dst(%dma_wait3A_966 : memref<128x64xf32, #tpu.memory_space<vmem>>)
    %dma_wait3A_973 = arith.constant 3 : i32
    %dma_wait3A_974 = arith.constant 1 : i32
    %dma_wait3A_975 = arith.constant 0 : i32
    %dma_wait3A_976 = arith.constant 0 : i32
    %dma_wait3A_977 = tpu.memref_slice %arg23[%dma_wait3A_974, %dma_wait3A_975, %dma_wait3A_976] : memref<2x128x64xf32, #tpu.memory_space<vmem>> -> memref<1x128x64xf32, #tpu.memory_space<vmem>>
    %dma_wait3A_978 = tpu.memref_squeeze %dma_wait3A_977 : memref<1x128x64xf32, #tpu.memory_space<vmem>> -> memref<128x64xf32, #tpu.memory_space<vmem>>
    %dma_wait3A_979 = arith.constant 0 : i32
    %dma_wait3A_980 = tpu.memref_slice %arg17[%dma_wait3A_973, %dma_wait3A_979] : memref<4x128xi32, #tpu.memory_space<vmem>> -> memref<1x128xi32, #tpu.memory_space<vmem>>
    %dma_wait3A_981 = tpu.memref_squeeze %dma_wait3A_980 : memref<1x128xi32, #tpu.memory_space<vmem>> -> memref<128xi32, #tpu.memory_space<vmem>>
    %dma_wait3A_982 = arith.constant 0 : i32
    %dma_wait3A_983 = arith.constant 0 : i32
    %dma_wait3A_984 = tpu.memref_slice %arg8[%dma_wait3A_982, %dma_wait3A_983] : memref<1000x64xf32, #tpu.memory_space<hbm>> -> memref<1000x64xf32, #tpu.memory_space<hbm>>
    tpu.wait_indirect_dma semaphore(%arg29 : memref<!tpu.dma_semaphore, #tpu.memory_space<semaphore_mem>>) src(%dma_wait3A_984 : memref<1000x64xf32, #tpu.memory_space<hbm>>) dst(%dma_wait3A_978 : memref<128x64xf32, #tpu.memory_space<vmem>>)
    %iota3A_985 = tpu.iota {dimensions = array<i32: 0>} : vector<16xi32>
    %scan3A_986 = arith.constant 1 : i32
    %scan3A_987 = arith.constant 1 : i32
    %scan3A_988 = arith.constant 1 : i32
    %scan3A_989 = arith.constant 1 : i32
    %scan3A_990 = arith.constant 1 : i32
    %scan3A_991 = arith.constant 1 : i32
    %scan3A_992 = arith.constant 0 : i32
    %scan3A_993 = arith.constant 0 : i32
    %scan3A_994 = arith.constant 8 : i32
    %scan3A_995 = arith.addi %scan3A_993, %scan3A_994 : i32
    %scan3A_996 = arith.constant 1 : i32
    %scan3A_997 = scf.for %scan3A_999 = %scan3A_993 to %scan3A_995 step %scan3A_996 iter_args(%scan3A_1000 = %scan3A_992) -> (i32)  : i32 {
      %broadcast_in_dim3A = arith.constant 0.000000e+00 : f32
      %broadcast_in_dim3A_1001 = vector.broadcast %broadcast_in_dim3A : f32 to vector<16xf32>
      %scan3A_1002 = arith.constant 0 : i32
      %scan3A_1003 = arith.constant 16 : i32
      %scan3A_1004 = arith.addi %scan3A_1002, %scan3A_1003 : i32
      %scan3A_1005 = arith.constant 1 : i32
      %scan3A_1006:9 = scf.for %scan3A_1155 = %scan3A_1002 to %scan3A_1004 step %scan3A_1005 iter_args(%scan3A_1156 = %broadcast_in_dim3A_1001, %scan3A_1157 = %broadcast_in_dim3A_1001, %scan3A_1158 = %broadcast_in_dim3A_1001, %scan3A_1159 = %broadcast_in_dim3A_1001, %scan3A_1160 = %broadcast_in_dim3A_1001, %scan3A_1161 = %broadcast_in_dim3A_1001, %scan3A_1162 = %broadcast_in_dim3A_1001, %scan3A_1163 = %broadcast_in_dim3A_1001, %scan3A_1164 = %broadcast_in_dim3A_1001) -> (vector<16xf32>, vector<16xf32>, vector<16xf32>, vector<16xf32>, vector<16xf32>, vector<16xf32>, vector<16xf32>, vector<16xf32>, vector<16xf32>)  : i32 {
        %mul3A_1165 = arith.constant 16 : i32
        %mul3A_1166 = arith.muli %scan3A_999, %mul3A_1165 : i32
        %add3A_1167 = arith.addi %mul3A_1166, %scan3A_1155 : i32
        %get3A = arith.constant 0 : i32
        %get3A_1168 = arith.constant 0 : i32
        %get3A_1169 = tpu.memref_slice %arg18[%scan3A_986, %get3A, %get3A_1168] : memref<2x128x64xf32, #tpu.memory_space<vmem>> -> memref<1x128x64xf32, #tpu.memory_space<vmem>>
        %get3A_1170 = tpu.memref_squeeze %get3A_1169 : memref<1x128x64xf32, #tpu.memory_space<vmem>> -> memref<128x64xf32, #tpu.memory_space<vmem>>
        %get3A_1171 = arith.index_cast %add3A_1167 : i32 to index
        %get3A_1172 = arith.constant 0 : index
        %get3A_1173 = tpu.vector_load %get3A_1170[%get3A_1171, %get3A_1172] {strides = array<i32>} : memref<128x64xf32, #tpu.memory_space<vmem>>, vector<16xf32>,
        %get3A_1174 = arith.constant 0 : i32
        %get3A_1175 = arith.constant 0 : i32
        %get3A_1176 = tpu.memref_slice %arg19[%scan3A_987, %get3A_1174, %get3A_1175] : memref<2x128x64xf32, #tpu.memory_space<vmem>> -> memref<1x128x64xf32, #tpu.memory_space<vmem>>
        %get3A_1177 = tpu.memref_squeeze %get3A_1176 : memref<1x128x64xf32, #tpu.memory_space<vmem>> -> memref<128x64xf32, #tpu.memory_space<vmem>>
        %get3A_1178 = arith.index_cast %add3A_1167 : i32 to index
        %get3A_1179 = arith.constant 0 : index
        %get3A_1180 = tpu.vector_load %get3A_1177[%get3A_1178, %get3A_1179] {strides = array<i32>} : memref<128x64xf32, #tpu.memory_space<vmem>>, vector<16xf32>,
        %get3A_1181 = arith.constant 0 : i32
        %get3A_1182 = arith.constant 0 : i32
        %get3A_1183 = tpu.memref_slice %arg20[%scan3A_988, %get3A_1181, %get3A_1182] : memref<2x128x64xf32, #tpu.memory_space<vmem>> -> memref<1x128x64xf32, #tpu.memory_space<vmem>>
        %get3A_1184 = tpu.memref_squeeze %get3A_1183 : memref<1x128x64xf32, #tpu.memory_space<vmem>> -> memref<128x64xf32, #tpu.memory_space<vmem>>
        %get3A_1185 = arith.index_cast %add3A_1167 : i32 to index
        %get3A_1186 = arith.constant 0 : index
        %get3A_1187 = tpu.vector_load %get3A_1184[%get3A_1185, %get3A_1186] {strides = array<i32>} : memref<128x64xf32, #tpu.memory_space<vmem>>, vector<16xf32>,
        %get3A_1188 = arith.constant 0 : i32
        %get3A_1189 = arith.constant 0 : i32
        %get3A_1190 = tpu.memref_slice %arg21[%scan3A_989, %get3A_1188, %get3A_1189] : memref<2x128x64xf32, #tpu.memory_space<vmem>> -> memref<1x128x64xf32, #tpu.memory_space<vmem>>
        %get3A_1191 = tpu.memref_squeeze %get3A_1190 : memref<1x128x64xf32, #tpu.memory_space<vmem>> -> memref<128x64xf32, #tpu.memory_space<vmem>>
        %get3A_1192 = arith.index_cast %add3A_1167 : i32 to index
        %get3A_1193 = arith.constant 0 : index
        %get3A_1194 = tpu.vector_load %get3A_1191[%get3A_1192, %get3A_1193] {strides = array<i32>} : memref<128x64xf32, #tpu.memory_space<vmem>>, vector<16xf32>,
        %get3A_1195 = arith.constant 0 : i32
        %get3A_1196 = arith.constant 0 : i32
        %get3A_1197 = tpu.memref_slice %arg22[%scan3A_990, %get3A_1195, %get3A_1196] : memref<2x128x64xf32, #tpu.memory_space<vmem>> -> memref<1x128x64xf32, #tpu.memory_space<vmem>>
        %get3A_1198 = tpu.memref_squeeze %get3A_1197 : memref<1x128x64xf32, #tpu.memory_space<vmem>> -> memref<128x64xf32, #tpu.memory_space<vmem>>
        %get3A_1199 = arith.index_cast %add3A_1167 : i32 to index
        %get3A_1200 = arith.constant 0 : index
        %get3A_1201 = tpu.vector_load %get3A_1198[%get3A_1199, %get3A_1200] {strides = array<i32>} : memref<128x64xf32, #tpu.memory_space<vmem>>, vector<16xf32>,
        %get3A_1202 = arith.constant 0 : i32
        %get3A_1203 = arith.constant 0 : i32
        %get3A_1204 = tpu.memref_slice %arg23[%scan3A_991, %get3A_1202, %get3A_1203] : memref<2x128x64xf32, #tpu.memory_space<vmem>> -> memref<1x128x64xf32, #tpu.memory_space<vmem>>
        %get3A_1205 = tpu.memref_squeeze %get3A_1204 : memref<1x128x64xf32, #tpu.memory_space<vmem>> -> memref<128x64xf32, #tpu.memory_space<vmem>>
        %get3A_1206 = arith.index_cast %add3A_1167 : i32 to index
        %get3A_1207 = arith.constant 0 : index
        %get3A_1208 = tpu.vector_load %get3A_1205[%get3A_1206, %get3A_1207] {strides = array<i32>} : memref<128x64xf32, #tpu.memory_space<vmem>>, vector<16xf32>,
        %sub3A_1209 = arith.subf %get3A_1173, %get3A_1180 : vector<16xf32>
        %add3A_1210 = arith.addf %sub3A_1209, %get3A_1208 : vector<16xf32>
        %sub3A_1211 = arith.subf %get3A_1187, %get3A_1194 : vector<16xf32>
        %add3A_1212 = arith.addf %sub3A_1211, %get3A_1208 : vector<16xf32>
        %mul3A_1213 = arith.mulf %sub3A_1209, %get3A_1201 : vector<16xf32>
        %add3A_1214 = arith.addf %broadcast_in_dim3A_1001, %mul3A_1213 : vector<16xf32>
        %mul3A_1215 = arith.mulf %get3A_1201, %get3A_1208 : vector<16xf32>
        %add3A_1216 = arith.addf %broadcast_in_dim3A_1001, %mul3A_1215 : vector<16xf32>
        %mul3A_1217 = arith.mulf %add3A_1210, %add3A_1210 : vector<16xf32>
        %add3A_1218 = arith.addf %broadcast_in_dim3A_1001, %mul3A_1217 : vector<16xf32>
        %mul3A_1219 = arith.mulf %get3A_1201, %get3A_1201 : vector<16xf32>
        %add3A_1220 = arith.addf %broadcast_in_dim3A_1001, %mul3A_1219 : vector<16xf32>
        %mul3A_1221 = arith.mulf %get3A_1173, %get3A_1173 : vector<16xf32>
        %add3A_1222 = arith.addf %broadcast_in_dim3A_1001, %mul3A_1221 : vector<16xf32>
        %mul3A_1223 = arith.mulf %get3A_1180, %get3A_1180 : vector<16xf32>
        %add3A_1224 = arith.addf %broadcast_in_dim3A_1001, %mul3A_1223 : vector<16xf32>
        %mul3A_1225 = arith.mulf %get3A_1208, %get3A_1208 : vector<16xf32>
        %add3A_1226 = arith.addf %broadcast_in_dim3A_1001, %mul3A_1225 : vector<16xf32>
        %mul3A_1227 = arith.mulf %sub3A_1211, %get3A_1201 : vector<16xf32>
        %add3A_1228 = arith.addf %broadcast_in_dim3A_1001, %mul3A_1227 : vector<16xf32>
        %mul3A_1229 = arith.mulf %add3A_1212, %add3A_1212 : vector<16xf32>
        %add3A_1230 = arith.addf %broadcast_in_dim3A_1001, %mul3A_1229 : vector<16xf32>
        %get3A_1231 = arith.constant 0 : i32
        %get3A_1232 = arith.constant 0 : i32
        %get3A_1233 = tpu.memref_slice %arg18[%scan3A_986, %get3A_1231, %get3A_1232] : memref<2x128x64xf32, #tpu.memory_space<vmem>> -> memref<1x128x64xf32, #tpu.memory_space<vmem>>
        %get3A_1234 = tpu.memref_squeeze %get3A_1233 : memref<1x128x64xf32, #tpu.memory_space<vmem>> -> memref<128x64xf32, #tpu.memory_space<vmem>>
        %get3A_1235 = arith.index_cast %add3A_1167 : i32 to index
        %get3A_1236 = arith.constant 16 : index
        %get3A_1237 = tpu.vector_load %get3A_1234[%get3A_1235, %get3A_1236] {strides = array<i32>} : memref<128x64xf32, #tpu.memory_space<vmem>>, vector<16xf32>,
        %get3A_1238 = arith.constant 0 : i32
        %get3A_1239 = arith.constant 0 : i32
        %get3A_1240 = tpu.memref_slice %arg19[%scan3A_987, %get3A_1238, %get3A_1239] : memref<2x128x64xf32, #tpu.memory_space<vmem>> -> memref<1x128x64xf32, #tpu.memory_space<vmem>>
        %get3A_1241 = tpu.memref_squeeze %get3A_1240 : memref<1x128x64xf32, #tpu.memory_space<vmem>> -> memref<128x64xf32, #tpu.memory_space<vmem>>
        %get3A_1242 = arith.index_cast %add3A_1167 : i32 to index
        %get3A_1243 = arith.constant 16 : index
        %get3A_1244 = tpu.vector_load %get3A_1241[%get3A_1242, %get3A_1243] {strides = array<i32>} : memref<128x64xf32, #tpu.memory_space<vmem>>, vector<16xf32>,
        %get3A_1245 = arith.constant 0 : i32
        %get3A_1246 = arith.constant 0 : i32
        %get3A_1247 = tpu.memref_slice %arg20[%scan3A_988, %get3A_1245, %get3A_1246] : memref<2x128x64xf32, #tpu.memory_space<vmem>> -> memref<1x128x64xf32, #tpu.memory_space<vmem>>
        %get3A_1248 = tpu.memref_squeeze %get3A_1247 : memref<1x128x64xf32, #tpu.memory_space<vmem>> -> memref<128x64xf32, #tpu.memory_space<vmem>>
        %get3A_1249 = arith.index_cast %add3A_1167 : i32 to index
        %get3A_1250 = arith.constant 16 : index
        %get3A_1251 = tpu.vector_load %get3A_1248[%get3A_1249, %get3A_1250] {strides = array<i32>} : memref<128x64xf32, #tpu.memory_space<vmem>>, vector<16xf32>,
        %get3A_1252 = arith.constant 0 : i32
        %get3A_1253 = arith.constant 0 : i32
        %get3A_1254 = tpu.memref_slice %arg21[%scan3A_989, %get3A_1252, %get3A_1253] : memref<2x128x64xf32, #tpu.memory_space<vmem>> -> memref<1x128x64xf32, #tpu.memory_space<vmem>>
        %get3A_1255 = tpu.memref_squeeze %get3A_1254 : memref<1x128x64xf32, #tpu.memory_space<vmem>> -> memref<128x64xf32, #tpu.memory_space<vmem>>
        %get3A_1256 = arith.index_cast %add3A_1167 : i32 to index
        %get3A_1257 = arith.constant 16 : index
        %get3A_1258 = tpu.vector_load %get3A_1255[%get3A_1256, %get3A_1257] {strides = array<i32>} : memref<128x64xf32, #tpu.memory_space<vmem>>, vector<16xf32>,
        %get3A_1259 = arith.constant 0 : i32
        %get3A_1260 = arith.constant 0 : i32
        %get3A_1261 = tpu.memref_slice %arg22[%scan3A_990, %get3A_1259, %get3A_1260] : memref<2x128x64xf32, #tpu.memory_space<vmem>> -> memref<1x128x64xf32, #tpu.memory_space<vmem>>
        %get3A_1262 = tpu.memref_squeeze %get3A_1261 : memref<1x128x64xf32, #tpu.memory_space<vmem>> -> memref<128x64xf32, #tpu.memory_space<vmem>>
        %get3A_1263 = arith.index_cast %add3A_1167 : i32 to index
        %get3A_1264 = arith.constant 16 : index
        %get3A_1265 = tpu.vector_load %get3A_1262[%get3A_1263, %get3A_1264] {strides = array<i32>} : memref<128x64xf32, #tpu.memory_space<vmem>>, vector<16xf32>,
        %get3A_1266 = arith.constant 0 : i32
        %get3A_1267 = arith.constant 0 : i32
        %get3A_1268 = tpu.memref_slice %arg23[%scan3A_991, %get3A_1266, %get3A_1267] : memref<2x128x64xf32, #tpu.memory_space<vmem>> -> memref<1x128x64xf32, #tpu.memory_space<vmem>>
        %get3A_1269 = tpu.memref_squeeze %get3A_1268 : memref<1x128x64xf32, #tpu.memory_space<vmem>> -> memref<128x64xf32, #tpu.memory_space<vmem>>
        %get3A_1270 = arith.index_cast %add3A_1167 : i32 to index
        %get3A_1271 = arith.constant 16 : index
        %get3A_1272 = tpu.vector_load %get3A_1269[%get3A_1270, %get3A_1271] {strides = array<i32>} : memref<128x64xf32, #tpu.memory_space<vmem>>, vector<16xf32>,
        %sub3A_1273 = arith.subf %get3A_1237, %get3A_1244 : vector<16xf32>
        %add3A_1274 = arith.addf %sub3A_1273, %get3A_1272 : vector<16xf32>
        %sub3A_1275 = arith.subf %get3A_1251, %get3A_1258 : vector<16xf32>
        %add3A_1276 = arith.addf %sub3A_1275, %get3A_1272 : vector<16xf32>
        %mul3A_1277 = arith.mulf %sub3A_1273, %get3A_1265 : vector<16xf32>
        %add3A_1278 = arith.addf %add3A_1214, %mul3A_1277 : vector<16xf32>
        %mul3A_1279 = arith.mulf %get3A_1265, %get3A_1272 : vector<16xf32>
        %add3A_1280 = arith.addf %add3A_1216, %mul3A_1279 : vector<16xf32>
        %mul3A_1281 = arith.mulf %add3A_1274, %add3A_1274 : vector<16xf32>
        %add3A_1282 = arith.addf %add3A_1218, %mul3A_1281 : vector<16xf32>
        %mul3A_1283 = arith.mulf %get3A_1265, %get3A_1265 : vector<16xf32>
        %add3A_1284 = arith.addf %add3A_1220, %mul3A_1283 : vector<16xf32>
        %mul3A_1285 = arith.mulf %get3A_1237, %get3A_1237 : vector<16xf32>
        %add3A_1286 = arith.addf %add3A_1222, %mul3A_1285 : vector<16xf32>
        %mul3A_1287 = arith.mulf %get3A_1244, %get3A_1244 : vector<16xf32>
        %add3A_1288 = arith.addf %add3A_1224, %mul3A_1287 : vector<16xf32>
        %mul3A_1289 = arith.mulf %get3A_1272, %get3A_1272 : vector<16xf32>
        %add3A_1290 = arith.addf %add3A_1226, %mul3A_1289 : vector<16xf32>
        %mul3A_1291 = arith.mulf %sub3A_1275, %get3A_1265 : vector<16xf32>
        %add3A_1292 = arith.addf %add3A_1228, %mul3A_1291 : vector<16xf32>
        %mul3A_1293 = arith.mulf %add3A_1276, %add3A_1276 : vector<16xf32>
        %add3A_1294 = arith.addf %add3A_1230, %mul3A_1293 : vector<16xf32>
        %get3A_1295 = arith.constant 0 : i32
        %get3A_1296 = arith.constant 0 : i32
        %get3A_1297 = tpu.memref_slice %arg18[%scan3A_986, %get3A_1295, %get3A_1296] : memref<2x128x64xf32, #tpu.memory_space<vmem>> -> memref<1x128x64xf32, #tpu.memory_space<vmem>>
        %get3A_1298 = tpu.memref_squeeze %get3A_1297 : memref<1x128x64xf32, #tpu.memory_space<vmem>> -> memref<128x64xf32, #tpu.memory_space<vmem>>
        %get3A_1299 = arith.index_cast %add3A_1167 : i32 to index
        %get3A_1300 = arith.constant 32 : index
        %get3A_1301 = tpu.vector_load %get3A_1298[%get3A_1299, %get3A_1300] {strides = array<i32>} : memref<128x64xf32, #tpu.memory_space<vmem>>, vector<16xf32>,
        %get3A_1302 = arith.constant 0 : i32
        %get3A_1303 = arith.constant 0 : i32
        %get3A_1304 = tpu.memref_slice %arg19[%scan3A_987, %get3A_1302, %get3A_1303] : memref<2x128x64xf32, #tpu.memory_space<vmem>> -> memref<1x128x64xf32, #tpu.memory_space<vmem>>
        %get3A_1305 = tpu.memref_squeeze %get3A_1304 : memref<1x128x64xf32, #tpu.memory_space<vmem>> -> memref<128x64xf32, #tpu.memory_space<vmem>>
        %get3A_1306 = arith.index_cast %add3A_1167 : i32 to index
        %get3A_1307 = arith.constant 32 : index
        %get3A_1308 = tpu.vector_load %get3A_1305[%get3A_1306, %get3A_1307] {strides = array<i32>} : memref<128x64xf32, #tpu.memory_space<vmem>>, vector<16xf32>,
        %get3A_1309 = arith.constant 0 : i32
        %get3A_1310 = arith.constant 0 : i32
        %get3A_1311 = tpu.memref_slice %arg20[%scan3A_988, %get3A_1309, %get3A_1310] : memref<2x128x64xf32, #tpu.memory_space<vmem>> -> memref<1x128x64xf32, #tpu.memory_space<vmem>>
        %get3A_1312 = tpu.memref_squeeze %get3A_1311 : memref<1x128x64xf32, #tpu.memory_space<vmem>> -> memref<128x64xf32, #tpu.memory_space<vmem>>
        %get3A_1313 = arith.index_cast %add3A_1167 : i32 to index
        %get3A_1314 = arith.constant 32 : index
        %get3A_1315 = tpu.vector_load %get3A_1312[%get3A_1313, %get3A_1314] {strides = array<i32>} : memref<128x64xf32, #tpu.memory_space<vmem>>, vector<16xf32>,
        %get3A_1316 = arith.constant 0 : i32
        %get3A_1317 = arith.constant 0 : i32
        %get3A_1318 = tpu.memref_slice %arg21[%scan3A_989, %get3A_1316, %get3A_1317] : memref<2x128x64xf32, #tpu.memory_space<vmem>> -> memref<1x128x64xf32, #tpu.memory_space<vmem>>
        %get3A_1319 = tpu.memref_squeeze %get3A_1318 : memref<1x128x64xf32, #tpu.memory_space<vmem>> -> memref<128x64xf32, #tpu.memory_space<vmem>>
        %get3A_1320 = arith.index_cast %add3A_1167 : i32 to index
        %get3A_1321 = arith.constant 32 : index
        %get3A_1322 = tpu.vector_load %get3A_1319[%get3A_1320, %get3A_1321] {strides = array<i32>} : memref<128x64xf32, #tpu.memory_space<vmem>>, vector<16xf32>,
        %get3A_1323 = arith.constant 0 : i32
        %get3A_1324 = arith.constant 0 : i32
        %get3A_1325 = tpu.memref_slice %arg22[%scan3A_990, %get3A_1323, %get3A_1324] : memref<2x128x64xf32, #tpu.memory_space<vmem>> -> memref<1x128x64xf32, #tpu.memory_space<vmem>>
        %get3A_1326 = tpu.memref_squeeze %get3A_1325 : memref<1x128x64xf32, #tpu.memory_space<vmem>> -> memref<128x64xf32, #tpu.memory_space<vmem>>
        %get3A_1327 = arith.index_cast %add3A_1167 : i32 to index
        %get3A_1328 = arith.constant 32 : index
        %get3A_1329 = tpu.vector_load %get3A_1326[%get3A_1327, %get3A_1328] {strides = array<i32>} : memref<128x64xf32, #tpu.memory_space<vmem>>, vector<16xf32>,
        %get3A_1330 = arith.constant 0 : i32
        %get3A_1331 = arith.constant 0 : i32
        %get3A_1332 = tpu.memref_slice %arg23[%scan3A_991, %get3A_1330, %get3A_1331] : memref<2x128x64xf32, #tpu.memory_space<vmem>> -> memref<1x128x64xf32, #tpu.memory_space<vmem>>
        %get3A_1333 = tpu.memref_squeeze %get3A_1332 : memref<1x128x64xf32, #tpu.memory_space<vmem>> -> memref<128x64xf32, #tpu.memory_space<vmem>>
        %get3A_1334 = arith.index_cast %add3A_1167 : i32 to index
        %get3A_1335 = arith.constant 32 : index
        %get3A_1336 = tpu.vector_load %get3A_1333[%get3A_1334, %get3A_1335] {strides = array<i32>} : memref<128x64xf32, #tpu.memory_space<vmem>>, vector<16xf32>,
        %sub3A_1337 = arith.subf %get3A_1301, %get3A_1308 : vector<16xf32>
        %add3A_1338 = arith.addf %sub3A_1337, %get3A_1336 : vector<16xf32>
        %sub3A_1339 = arith.subf %get3A_1315, %get3A_1322 : vector<16xf32>
        %add3A_1340 = arith.addf %sub3A_1339, %get3A_1336 : vector<16xf32>
        %mul3A_1341 = arith.mulf %sub3A_1337, %get3A_1329 : vector<16xf32>
        %add3A_1342 = arith.addf %add3A_1278, %mul3A_1341 : vector<16xf32>
        %mul3A_1343 = arith.mulf %get3A_1329, %get3A_1336 : vector<16xf32>
        %add3A_1344 = arith.addf %add3A_1280, %mul3A_1343 : vector<16xf32>
        %mul3A_1345 = arith.mulf %add3A_1338, %add3A_1338 : vector<16xf32>
        %add3A_1346 = arith.addf %add3A_1282, %mul3A_1345 : vector<16xf32>
        %mul3A_1347 = arith.mulf %get3A_1329, %get3A_1329 : vector<16xf32>
        %add3A_1348 = arith.addf %add3A_1284, %mul3A_1347 : vector<16xf32>
        %mul3A_1349 = arith.mulf %get3A_1301, %get3A_1301 : vector<16xf32>
        %add3A_1350 = arith.addf %add3A_1286, %mul3A_1349 : vector<16xf32>
        %mul3A_1351 = arith.mulf %get3A_1308, %get3A_1308 : vector<16xf32>
        %add3A_1352 = arith.addf %add3A_1288, %mul3A_1351 : vector<16xf32>
        %mul3A_1353 = arith.mulf %get3A_1336, %get3A_1336 : vector<16xf32>
        %add3A_1354 = arith.addf %add3A_1290, %mul3A_1353 : vector<16xf32>
        %mul3A_1355 = arith.mulf %sub3A_1339, %get3A_1329 : vector<16xf32>
        %add3A_1356 = arith.addf %add3A_1292, %mul3A_1355 : vector<16xf32>
        %mul3A_1357 = arith.mulf %add3A_1340, %add3A_1340 : vector<16xf32>
        %add3A_1358 = arith.addf %add3A_1294, %mul3A_1357 : vector<16xf32>
        %get3A_1359 = arith.constant 0 : i32
        %get3A_1360 = arith.constant 0 : i32
        %get3A_1361 = tpu.memref_slice %arg18[%scan3A_986, %get3A_1359, %get3A_1360] : memref<2x128x64xf32, #tpu.memory_space<vmem>> -> memref<1x128x64xf32, #tpu.memory_space<vmem>>
        %get3A_1362 = tpu.memref_squeeze %get3A_1361 : memref<1x128x64xf32, #tpu.memory_space<vmem>> -> memref<128x64xf32, #tpu.memory_space<vmem>>
        %get3A_1363 = arith.index_cast %add3A_1167 : i32 to index
        %get3A_1364 = arith.constant 48 : index
        %get3A_1365 = tpu.vector_load %get3A_1362[%get3A_1363, %get3A_1364] {strides = array<i32>} : memref<128x64xf32, #tpu.memory_space<vmem>>, vector<16xf32>,
        %get3A_1366 = arith.constant 0 : i32
        %get3A_1367 = arith.constant 0 : i32
        %get3A_1368 = tpu.memref_slice %arg19[%scan3A_987, %get3A_1366, %get3A_1367] : memref<2x128x64xf32, #tpu.memory_space<vmem>> -> memref<1x128x64xf32, #tpu.memory_space<vmem>>
        %get3A_1369 = tpu.memref_squeeze %get3A_1368 : memref<1x128x64xf32, #tpu.memory_space<vmem>> -> memref<128x64xf32, #tpu.memory_space<vmem>>
        %get3A_1370 = arith.index_cast %add3A_1167 : i32 to index
        %get3A_1371 = arith.constant 48 : index
        %get3A_1372 = tpu.vector_load %get3A_1369[%get3A_1370, %get3A_1371] {strides = array<i32>} : memref<128x64xf32, #tpu.memory_space<vmem>>, vector<16xf32>,
        %get3A_1373 = arith.constant 0 : i32
        %get3A_1374 = arith.constant 0 : i32
        %get3A_1375 = tpu.memref_slice %arg20[%scan3A_988, %get3A_1373, %get3A_1374] : memref<2x128x64xf32, #tpu.memory_space<vmem>> -> memref<1x128x64xf32, #tpu.memory_space<vmem>>
        %get3A_1376 = tpu.memref_squeeze %get3A_1375 : memref<1x128x64xf32, #tpu.memory_space<vmem>> -> memref<128x64xf32, #tpu.memory_space<vmem>>
        %get3A_1377 = arith.index_cast %add3A_1167 : i32 to index
        %get3A_1378 = arith.constant 48 : index
        %get3A_1379 = tpu.vector_load %get3A_1376[%get3A_1377, %get3A_1378] {strides = array<i32>} : memref<128x64xf32, #tpu.memory_space<vmem>>, vector<16xf32>,
        %get3A_1380 = arith.constant 0 : i32
        %get3A_1381 = arith.constant 0 : i32
        %get3A_1382 = tpu.memref_slice %arg21[%scan3A_989, %get3A_1380, %get3A_1381] : memref<2x128x64xf32, #tpu.memory_space<vmem>> -> memref<1x128x64xf32, #tpu.memory_space<vmem>>
        %get3A_1383 = tpu.memref_squeeze %get3A_1382 : memref<1x128x64xf32, #tpu.memory_space<vmem>> -> memref<128x64xf32, #tpu.memory_space<vmem>>
        %get3A_1384 = arith.index_cast %add3A_1167 : i32 to index
        %get3A_1385 = arith.constant 48 : index
        %get3A_1386 = tpu.vector_load %get3A_1383[%get3A_1384, %get3A_1385] {strides = array<i32>} : memref<128x64xf32, #tpu.memory_space<vmem>>, vector<16xf32>,
        %get3A_1387 = arith.constant 0 : i32
        %get3A_1388 = arith.constant 0 : i32
        %get3A_1389 = tpu.memref_slice %arg22[%scan3A_990, %get3A_1387, %get3A_1388] : memref<2x128x64xf32, #tpu.memory_space<vmem>> -> memref<1x128x64xf32, #tpu.memory_space<vmem>>
        %get3A_1390 = tpu.memref_squeeze %get3A_1389 : memref<1x128x64xf32, #tpu.memory_space<vmem>> -> memref<128x64xf32, #tpu.memory_space<vmem>>
        %get3A_1391 = arith.index_cast %add3A_1167 : i32 to index
        %get3A_1392 = arith.constant 48 : index
        %get3A_1393 = tpu.vector_load %get3A_1390[%get3A_1391, %get3A_1392] {strides = array<i32>} : memref<128x64xf32, #tpu.memory_space<vmem>>, vector<16xf32>,
        %get3A_1394 = arith.constant 0 : i32
        %get3A_1395 = arith.constant 0 : i32
        %get3A_1396 = tpu.memref_slice %arg23[%scan3A_991, %get3A_1394, %get3A_1395] : memref<2x128x64xf32, #tpu.memory_space<vmem>> -> memref<1x128x64xf32, #tpu.memory_space<vmem>>
        %get3A_1397 = tpu.memref_squeeze %get3A_1396 : memref<1x128x64xf32, #tpu.memory_space<vmem>> -> memref<128x64xf32, #tpu.memory_space<vmem>>
        %get3A_1398 = arith.index_cast %add3A_1167 : i32 to index
        %get3A_1399 = arith.constant 48 : index
        %get3A_1400 = tpu.vector_load %get3A_1397[%get3A_1398, %get3A_1399] {strides = array<i32>} : memref<128x64xf32, #tpu.memory_space<vmem>>, vector<16xf32>,
        %sub3A_1401 = arith.subf %get3A_1365, %get3A_1372 : vector<16xf32>
        %add3A_1402 = arith.addf %sub3A_1401, %get3A_1400 : vector<16xf32>
        %sub3A_1403 = arith.subf %get3A_1379, %get3A_1386 : vector<16xf32>
        %add3A_1404 = arith.addf %sub3A_1403, %get3A_1400 : vector<16xf32>
        %mul3A_1405 = arith.mulf %sub3A_1401, %get3A_1393 : vector<16xf32>
        %add3A_1406 = arith.addf %add3A_1342, %mul3A_1405 : vector<16xf32>
        %mul3A_1407 = arith.mulf %get3A_1393, %get3A_1400 : vector<16xf32>
        %add3A_1408 = arith.addf %add3A_1344, %mul3A_1407 : vector<16xf32>
        %mul3A_1409 = arith.mulf %add3A_1402, %add3A_1402 : vector<16xf32>
        %add3A_1410 = arith.addf %add3A_1346, %mul3A_1409 : vector<16xf32>
        %mul3A_1411 = arith.mulf %get3A_1393, %get3A_1393 : vector<16xf32>
        %add3A_1412 = arith.addf %add3A_1348, %mul3A_1411 : vector<16xf32>
        %mul3A_1413 = arith.mulf %get3A_1365, %get3A_1365 : vector<16xf32>
        %add3A_1414 = arith.addf %add3A_1350, %mul3A_1413 : vector<16xf32>
        %mul3A_1415 = arith.mulf %get3A_1372, %get3A_1372 : vector<16xf32>
        %add3A_1416 = arith.addf %add3A_1352, %mul3A_1415 : vector<16xf32>
        %mul3A_1417 = arith.mulf %get3A_1400, %get3A_1400 : vector<16xf32>
        %add3A_1418 = arith.addf %add3A_1354, %mul3A_1417 : vector<16xf32>
        %mul3A_1419 = arith.mulf %sub3A_1403, %get3A_1393 : vector<16xf32>
        %add3A_1420 = arith.addf %add3A_1356, %mul3A_1419 : vector<16xf32>
        %mul3A_1421 = arith.mulf %add3A_1404, %add3A_1404 : vector<16xf32>
        %add3A_1422 = arith.addf %add3A_1358, %mul3A_1421 : vector<16xf32>
        %eq3A = vector.broadcast %scan3A_1155 : i32 to vector<16xi32>
        %eq3A_1423 = arith.cmpi eq, %iota3A_985, %eq3A : vector<16xi32>
        %broadcast_in_dim3A_1424 = arith.constant true
        %broadcast_in_dim3A_1425 = vector.broadcast %broadcast_in_dim3A_1424 : i1 to vector<16xi1>
        %masked_cumsum3A = tpu.scan <sum>, %add3A_1406 masked %broadcast_in_dim3A_1425 : vector<16xf32>, vector<16xi1> -> vector<16xf32>
        %slice3A = vector.extract_strided_slice %masked_cumsum3A {offsets = [15], sizes = [1], strides = [1]} : vector<16xf32> to vector<1xf32>
        %squeeze3A = vector.extract %slice3A[0] : f32 from vector<1xf32>
        %broadcast_in_dim3A_1426 = vector.broadcast %squeeze3A : f32 to vector<16xf32>
        %select_n3A_1427 = arith.select %eq3A_1423, %broadcast_in_dim3A_1426, %scan3A_1156 : vector<16xi1>, vector<16xf32>
        %broadcast_in_dim3A_1428 = arith.constant true
        %broadcast_in_dim3A_1429 = vector.broadcast %broadcast_in_dim3A_1428 : i1 to vector<16xi1>
        %masked_cumsum3A_1430 = tpu.scan <sum>, %add3A_1408 masked %broadcast_in_dim3A_1429 : vector<16xf32>, vector<16xi1> -> vector<16xf32>
        %slice3A_1431 = vector.extract_strided_slice %masked_cumsum3A_1430 {offsets = [15], sizes = [1], strides = [1]} : vector<16xf32> to vector<1xf32>
        %squeeze3A_1432 = vector.extract %slice3A_1431[0] : f32 from vector<1xf32>
        %broadcast_in_dim3A_1433 = vector.broadcast %squeeze3A_1432 : f32 to vector<16xf32>
        %select_n3A_1434 = arith.select %eq3A_1423, %broadcast_in_dim3A_1433, %scan3A_1157 : vector<16xi1>, vector<16xf32>
        %broadcast_in_dim3A_1435 = arith.constant true
        %broadcast_in_dim3A_1436 = vector.broadcast %broadcast_in_dim3A_1435 : i1 to vector<16xi1>
        %masked_cumsum3A_1437 = tpu.scan <sum>, %add3A_1410 masked %broadcast_in_dim3A_1436 : vector<16xf32>, vector<16xi1> -> vector<16xf32>
        %slice3A_1438 = vector.extract_strided_slice %masked_cumsum3A_1437 {offsets = [15], sizes = [1], strides = [1]} : vector<16xf32> to vector<1xf32>
        %squeeze3A_1439 = vector.extract %slice3A_1438[0] : f32 from vector<1xf32>
        %broadcast_in_dim3A_1440 = vector.broadcast %squeeze3A_1439 : f32 to vector<16xf32>
        %select_n3A_1441 = arith.select %eq3A_1423, %broadcast_in_dim3A_1440, %scan3A_1158 : vector<16xi1>, vector<16xf32>
        %broadcast_in_dim3A_1442 = arith.constant true
        %broadcast_in_dim3A_1443 = vector.broadcast %broadcast_in_dim3A_1442 : i1 to vector<16xi1>
        %masked_cumsum3A_1444 = tpu.scan <sum>, %add3A_1412 masked %broadcast_in_dim3A_1443 : vector<16xf32>, vector<16xi1> -> vector<16xf32>
        %slice3A_1445 = vector.extract_strided_slice %masked_cumsum3A_1444 {offsets = [15], sizes = [1], strides = [1]} : vector<16xf32> to vector<1xf32>
        %squeeze3A_1446 = vector.extract %slice3A_1445[0] : f32 from vector<1xf32>
        %broadcast_in_dim3A_1447 = vector.broadcast %squeeze3A_1446 : f32 to vector<16xf32>
        %select_n3A_1448 = arith.select %eq3A_1423, %broadcast_in_dim3A_1447, %scan3A_1159 : vector<16xi1>, vector<16xf32>
        %broadcast_in_dim3A_1449 = arith.constant true
        %broadcast_in_dim3A_1450 = vector.broadcast %broadcast_in_dim3A_1449 : i1 to vector<16xi1>
        %masked_cumsum3A_1451 = tpu.scan <sum>, %add3A_1414 masked %broadcast_in_dim3A_1450 : vector<16xf32>, vector<16xi1> -> vector<16xf32>
        %slice3A_1452 = vector.extract_strided_slice %masked_cumsum3A_1451 {offsets = [15], sizes = [1], strides = [1]} : vector<16xf32> to vector<1xf32>
        %squeeze3A_1453 = vector.extract %slice3A_1452[0] : f32 from vector<1xf32>
        %broadcast_in_dim3A_1454 = vector.broadcast %squeeze3A_1453 : f32 to vector<16xf32>
        %select_n3A_1455 = arith.select %eq3A_1423, %broadcast_in_dim3A_1454, %scan3A_1160 : vector<16xi1>, vector<16xf32>
        %broadcast_in_dim3A_1456 = arith.constant true
        %broadcast_in_dim3A_1457 = vector.broadcast %broadcast_in_dim3A_1456 : i1 to vector<16xi1>
        %masked_cumsum3A_1458 = tpu.scan <sum>, %add3A_1416 masked %broadcast_in_dim3A_1457 : vector<16xf32>, vector<16xi1> -> vector<16xf32>
        %slice3A_1459 = vector.extract_strided_slice %masked_cumsum3A_1458 {offsets = [15], sizes = [1], strides = [1]} : vector<16xf32> to vector<1xf32>
        %squeeze3A_1460 = vector.extract %slice3A_1459[0] : f32 from vector<1xf32>
        %broadcast_in_dim3A_1461 = vector.broadcast %squeeze3A_1460 : f32 to vector<16xf32>
        %select_n3A_1462 = arith.select %eq3A_1423, %broadcast_in_dim3A_1461, %scan3A_1161 : vector<16xi1>, vector<16xf32>
        %broadcast_in_dim3A_1463 = arith.constant true
        %broadcast_in_dim3A_1464 = vector.broadcast %broadcast_in_dim3A_1463 : i1 to vector<16xi1>
        %masked_cumsum3A_1465 = tpu.scan <sum>, %add3A_1418 masked %broadcast_in_dim3A_1464 : vector<16xf32>, vector<16xi1> -> vector<16xf32>
        %slice3A_1466 = vector.extract_strided_slice %masked_cumsum3A_1465 {offsets = [15], sizes = [1], strides = [1]} : vector<16xf32> to vector<1xf32>
        %squeeze3A_1467 = vector.extract %slice3A_1466[0] : f32 from vector<1xf32>
        %broadcast_in_dim3A_1468 = vector.broadcast %squeeze3A_1467 : f32 to vector<16xf32>
        %select_n3A_1469 = arith.select %eq3A_1423, %broadcast_in_dim3A_1468, %scan3A_1162 : vector<16xi1>, vector<16xf32>
        %broadcast_in_dim3A_1470 = arith.constant true
        %broadcast_in_dim3A_1471 = vector.broadcast %broadcast_in_dim3A_1470 : i1 to vector<16xi1>
        %masked_cumsum3A_1472 = tpu.scan <sum>, %add3A_1420 masked %broadcast_in_dim3A_1471 : vector<16xf32>, vector<16xi1> -> vector<16xf32>
        %slice3A_1473 = vector.extract_strided_slice %masked_cumsum3A_1472 {offsets = [15], sizes = [1], strides = [1]} : vector<16xf32> to vector<1xf32>
        %squeeze3A_1474 = vector.extract %slice3A_1473[0] : f32 from vector<1xf32>
        %broadcast_in_dim3A_1475 = vector.broadcast %squeeze3A_1474 : f32 to vector<16xf32>
        %select_n3A_1476 = arith.select %eq3A_1423, %broadcast_in_dim3A_1475, %scan3A_1163 : vector<16xi1>, vector<16xf32>
        %broadcast_in_dim3A_1477 = arith.constant true
        %broadcast_in_dim3A_1478 = vector.broadcast %broadcast_in_dim3A_1477 : i1 to vector<16xi1>
        %masked_cumsum3A_1479 = tpu.scan <sum>, %add3A_1422 masked %broadcast_in_dim3A_1478 : vector<16xf32>, vector<16xi1> -> vector<16xf32>
        %slice3A_1480 = vector.extract_strided_slice %masked_cumsum3A_1479 {offsets = [15], sizes = [1], strides = [1]} : vector<16xf32> to vector<1xf32>
        %squeeze3A_1481 = vector.extract %slice3A_1480[0] : f32 from vector<1xf32>
        %broadcast_in_dim3A_1482 = vector.broadcast %squeeze3A_1481 : f32 to vector<16xf32>
        %select_n3A_1483 = arith.select %eq3A_1423, %broadcast_in_dim3A_1482, %scan3A_1164 : vector<16xi1>, vector<16xf32>
        scf.yield %select_n3A_1427, %select_n3A_1434, %select_n3A_1441, %select_n3A_1448, %select_n3A_1455, %select_n3A_1462, %select_n3A_1469, %select_n3A_1476, %select_n3A_1483 : vector<16xf32>, vector<16xf32>, vector<16xf32>, vector<16xf32>, vector<16xf32>, vector<16xf32>, vector<16xf32>, vector<16xf32>, vector<16xf32>
      }
      %scan3A_1007 = arith.constant 16 : i32
      %mul3A_1008 = arith.mulf %scan3A_1006#0, %scan3A_1006#3 : vector<16xf32>
      %add3A_1009 = arith.addf %scan3A_1006#0, %scan3A_1006#1 : vector<16xf32>
      %mul3A_1010 = arith.constant 2.000000e+00 : f32
      %mul3A_1011 = vector.broadcast %mul3A_1010 : f32 to vector<16xf32>
      %mul3A_1012 = arith.mulf %mul3A_1011, %add3A_1009 : vector<16xf32>
      %sub3A = arith.subf %mul3A_1008, %mul3A_1012 : vector<16xf32>
      %mul3A_1013 = arith.mulf %scan3A_1006#0, %sub3A : vector<16xf32>
      %add3A_1014 = arith.addf %scan3A_1006#2, %mul3A_1013 : vector<16xf32>
      %mul3A_1015 = arith.mulf %scan3A_1006#7, %scan3A_1006#3 : vector<16xf32>
      %add3A_1016 = arith.addf %scan3A_1006#7, %scan3A_1006#1 : vector<16xf32>
      %mul3A_1017 = arith.constant 2.000000e+00 : f32
      %mul3A_1018 = vector.broadcast %mul3A_1017 : f32 to vector<16xf32>
      %mul3A_1019 = arith.mulf %mul3A_1018, %add3A_1016 : vector<16xf32>
      %sub3A_1020 = arith.subf %mul3A_1015, %mul3A_1019 : vector<16xf32>
      %mul3A_1021 = arith.mulf %scan3A_1006#7, %sub3A_1020 : vector<16xf32>
      %add3A_1022 = arith.addf %scan3A_1006#8, %mul3A_1021 : vector<16xf32>
      %max3A = arith.constant 0.000000e+00 : f32
      %max3A_1023 = vector.broadcast %max3A : f32 to vector<16xf32>
      %max3A_1024 = arith.maximumf %add3A_1014, %max3A_1023 : vector<16xf32>
      %bitcast_convert_type3A = tpu.bitcast %max3A_1024 : vector<16xf32> -> vector<16xi32>
      %shift_right_arithmetic3A = arith.constant 1 : i32
      %shift_right_arithmetic3A_1025 = vector.broadcast %shift_right_arithmetic3A : i32 to vector<16xi32>
      %shift_right_arithmetic3A_1026 = arith.shrsi %bitcast_convert_type3A, %shift_right_arithmetic3A_1025 : vector<16xi32>
      %sub3A_1027 = arith.constant 1597463007 : i32
      %sub3A_1028 = vector.broadcast %sub3A_1027 : i32 to vector<16xi32>
      %sub3A_1029 = arith.subi %sub3A_1028, %shift_right_arithmetic3A_1026 : vector<16xi32>
      %bitcast_convert_type3A_1030 = tpu.bitcast %sub3A_1029 : vector<16xi32> -> vector<16xf32>
      %mul3A_1031 = arith.constant 5.000000e-01 : f32
      %mul3A_1032 = vector.broadcast %mul3A_1031 : f32 to vector<16xf32>
      %mul3A_1033 = arith.mulf %mul3A_1032, %max3A_1024 : vector<16xf32>
      %mul3A_1034 = arith.mulf %mul3A_1033, %bitcast_convert_type3A_1030 : vector<16xf32>
      %mul3A_1035 = arith.mulf %mul3A_1034, %bitcast_convert_type3A_1030 : vector<16xf32>
      %sub3A_1036 = arith.constant 1.500000e+00 : f32
      %sub3A_1037 = vector.broadcast %sub3A_1036 : f32 to vector<16xf32>
      %sub3A_1038 = arith.subf %sub3A_1037, %mul3A_1035 : vector<16xf32>
      %mul3A_1039 = arith.mulf %bitcast_convert_type3A_1030, %sub3A_1038 : vector<16xf32>
      %mul3A_1040 = arith.constant 5.000000e-01 : f32
      %mul3A_1041 = vector.broadcast %mul3A_1040 : f32 to vector<16xf32>
      %mul3A_1042 = arith.mulf %mul3A_1041, %max3A_1024 : vector<16xf32>
      %mul3A_1043 = arith.mulf %mul3A_1042, %mul3A_1039 : vector<16xf32>
      %mul3A_1044 = arith.mulf %mul3A_1043, %mul3A_1039 : vector<16xf32>
      %sub3A_1045 = arith.constant 1.500000e+00 : f32
      %sub3A_1046 = vector.broadcast %sub3A_1045 : f32 to vector<16xf32>
      %sub3A_1047 = arith.subf %sub3A_1046, %mul3A_1044 : vector<16xf32>
      %mul3A_1048 = arith.mulf %mul3A_1039, %sub3A_1047 : vector<16xf32>
      %mul3A_1049 = arith.constant 5.000000e-01 : f32
      %mul3A_1050 = vector.broadcast %mul3A_1049 : f32 to vector<16xf32>
      %mul3A_1051 = arith.mulf %mul3A_1050, %max3A_1024 : vector<16xf32>
      %mul3A_1052 = arith.mulf %mul3A_1051, %mul3A_1048 : vector<16xf32>
      %mul3A_1053 = arith.mulf %mul3A_1052, %mul3A_1048 : vector<16xf32>
      %sub3A_1054 = arith.constant 1.500000e+00 : f32
      %sub3A_1055 = vector.broadcast %sub3A_1054 : f32 to vector<16xf32>
      %sub3A_1056 = arith.subf %sub3A_1055, %mul3A_1053 : vector<16xf32>
      %mul3A_1057 = arith.mulf %mul3A_1048, %sub3A_1056 : vector<16xf32>
      %gt3A = arith.constant 0.000000e+00 : f32
      %gt3A_1058 = vector.broadcast %gt3A : f32 to vector<16xf32>
      %gt3A_1059 = arith.cmpf ogt, %max3A_1024, %gt3A_1058 : vector<16xf32>
      %mul3A_1060 = arith.mulf %max3A_1024, %mul3A_1057 : vector<16xf32>
      %jit3A = arith.constant 0.000000e+00 : f32
      %broadcast_in_dim3A_1061 = vector.broadcast %jit3A : f32 to vector<16xf32>
      %select_n3A = arith.select %gt3A_1059, %mul3A_1060, %broadcast_in_dim3A_1061 : vector<16xi1>, vector<16xf32>
      %max3A_1062 = arith.constant 0.000000e+00 : f32
      %max3A_1063 = vector.broadcast %max3A_1062 : f32 to vector<16xf32>
      %max3A_1064 = arith.maximumf %add3A_1022, %max3A_1063 : vector<16xf32>
      %bitcast_convert_type3A_1065 = tpu.bitcast %max3A_1064 : vector<16xf32> -> vector<16xi32>
      %shift_right_arithmetic3A_1066 = arith.constant 1 : i32
      %shift_right_arithmetic3A_1067 = vector.broadcast %shift_right_arithmetic3A_1066 : i32 to vector<16xi32>
      %shift_right_arithmetic3A_1068 = arith.shrsi %bitcast_convert_type3A_1065, %shift_right_arithmetic3A_1067 : vector<16xi32>
      %sub3A_1069 = arith.constant 1597463007 : i32
      %sub3A_1070 = vector.broadcast %sub3A_1069 : i32 to vector<16xi32>
      %sub3A_1071 = arith.subi %sub3A_1070, %shift_right_arithmetic3A_1068 : vector<16xi32>
      %bitcast_convert_type3A_1072 = tpu.bitcast %sub3A_1071 : vector<16xi32> -> vector<16xf32>
      %mul3A_1073 = arith.constant 5.000000e-01 : f32
      %mul3A_1074 = vector.broadcast %mul3A_1073 : f32 to vector<16xf32>
      %mul3A_1075 = arith.mulf %mul3A_1074, %max3A_1064 : vector<16xf32>
      %mul3A_1076 = arith.mulf %mul3A_1075, %bitcast_convert_type3A_1072 : vector<16xf32>
      %mul3A_1077 = arith.mulf %mul3A_1076, %bitcast_convert_type3A_1072 : vector<16xf32>
      %sub3A_1078 = arith.constant 1.500000e+00 : f32
      %sub3A_1079 = vector.broadcast %sub3A_1078 : f32 to vector<16xf32>
      %sub3A_1080 = arith.subf %sub3A_1079, %mul3A_1077 : vector<16xf32>
      %mul3A_1081 = arith.mulf %bitcast_convert_type3A_1072, %sub3A_1080 : vector<16xf32>
      %mul3A_1082 = arith.constant 5.000000e-01 : f32
      %mul3A_1083 = vector.broadcast %mul3A_1082 : f32 to vector<16xf32>
      %mul3A_1084 = arith.mulf %mul3A_1083, %max3A_1064 : vector<16xf32>
      %mul3A_1085 = arith.mulf %mul3A_1084, %mul3A_1081 : vector<16xf32>
      %mul3A_1086 = arith.mulf %mul3A_1085, %mul3A_1081 : vector<16xf32>
      %sub3A_1087 = arith.constant 1.500000e+00 : f32
      %sub3A_1088 = vector.broadcast %sub3A_1087 : f32 to vector<16xf32>
      %sub3A_1089 = arith.subf %sub3A_1088, %mul3A_1086 : vector<16xf32>
      %mul3A_1090 = arith.mulf %mul3A_1081, %sub3A_1089 : vector<16xf32>
      %mul3A_1091 = arith.constant 5.000000e-01 : f32
      %mul3A_1092 = vector.broadcast %mul3A_1091 : f32 to vector<16xf32>
      %mul3A_1093 = arith.mulf %mul3A_1092, %max3A_1064 : vector<16xf32>
      %mul3A_1094 = arith.mulf %mul3A_1093, %mul3A_1090 : vector<16xf32>
      %mul3A_1095 = arith.mulf %mul3A_1094, %mul3A_1090 : vector<16xf32>
      %sub3A_1096 = arith.constant 1.500000e+00 : f32
      %sub3A_1097 = vector.broadcast %sub3A_1096 : f32 to vector<16xf32>
      %sub3A_1098 = arith.subf %sub3A_1097, %mul3A_1095 : vector<16xf32>
      %mul3A_1099 = arith.mulf %mul3A_1090, %sub3A_1098 : vector<16xf32>
      %gt3A_1100 = arith.constant 0.000000e+00 : f32
      %gt3A_1101 = vector.broadcast %gt3A_1100 : f32 to vector<16xf32>
      %gt3A_1102 = arith.cmpf ogt, %max3A_1064, %gt3A_1101 : vector<16xf32>
      %mul3A_1103 = arith.mulf %max3A_1064, %mul3A_1099 : vector<16xf32>
      %jit3A_1104 = arith.constant 0.000000e+00 : f32
      %broadcast_in_dim3A_1105 = vector.broadcast %jit3A_1104 : f32 to vector<16xf32>
      %select_n3A_1106 = arith.select %gt3A_1102, %mul3A_1103, %broadcast_in_dim3A_1105 : vector<16xi1>, vector<16xf32>
      %sub3A_1107 = arith.subf %select_n3A, %select_n3A_1106 : vector<16xf32>
      %add3A_1108 = arith.constant 1.000000e+00 : f32
      %add3A_1109 = vector.broadcast %add3A_1108 : f32 to vector<16xf32>
      %add3A_1110 = arith.addf %sub3A_1107, %add3A_1109 : vector<16xf32>
      %max3A_1111 = arith.constant 0.000000e+00 : f32
      %max3A_1112 = vector.broadcast %max3A_1111 : f32 to vector<16xf32>
      %max3A_1113 = arith.maximumf %add3A_1110, %max3A_1112 : vector<16xf32>
      %sub3A_1114 = arith.constant 1.000000e+00 : f32
      %sub3A_1115 = vector.broadcast %sub3A_1114 : f32 to vector<16xf32>
      %sub3A_1116 = arith.subf %scan3A_1006#4, %sub3A_1115 : vector<16xf32>
      %max3A_1117 = arith.constant 0.000000e+00 : f32
      %max3A_1118 = vector.broadcast %max3A_1117 : f32 to vector<16xf32>
      %max3A_1119 = arith.maximumf %sub3A_1116, %max3A_1118 : vector<16xf32>
      %mul3A_1120 = arith.constant 2.500000e-01 : f32
      %mul3A_1121 = vector.broadcast %mul3A_1120 : f32 to vector<16xf32>
      %mul3A_1122 = arith.mulf %mul3A_1121, %max3A_1119 : vector<16xf32>
      %add3A_1123 = arith.addf %max3A_1113, %mul3A_1122 : vector<16xf32>
      %sub3A_1124 = arith.constant 1.000000e+00 : f32
      %sub3A_1125 = vector.broadcast %sub3A_1124 : f32 to vector<16xf32>
      %sub3A_1126 = arith.subf %scan3A_1006#5, %sub3A_1125 : vector<16xf32>
      %max3A_1127 = arith.constant 0.000000e+00 : f32
      %max3A_1128 = vector.broadcast %max3A_1127 : f32 to vector<16xf32>
      %max3A_1129 = arith.maximumf %sub3A_1126, %max3A_1128 : vector<16xf32>
      %mul3A_1130 = arith.constant 2.500000e-01 : f32
      %mul3A_1131 = vector.broadcast %mul3A_1130 : f32 to vector<16xf32>
      %mul3A_1132 = arith.mulf %mul3A_1131, %max3A_1129 : vector<16xf32>
      %add3A_1133 = arith.addf %add3A_1123, %mul3A_1132 : vector<16xf32>
      %mul3A_1134 = arith.mulf %scan3A_1006#1, %scan3A_1006#1 : vector<16xf32>
      %div3A = arith.divf %mul3A_1134, %scan3A_1006#6 : vector<16xf32>
      %sub3A_1135 = arith.constant 9.99999974E-5 : f32
      %sub3A_1136 = vector.broadcast %sub3A_1135 : f32 to vector<16xf32>
      %sub3A_1137 = arith.subf %div3A, %sub3A_1136 : vector<16xf32>
      %max3A_1138 = arith.constant 0.000000e+00 : f32
      %max3A_1139 = vector.broadcast %max3A_1138 : f32 to vector<16xf32>
      %max3A_1140 = arith.maximumf %sub3A_1137, %max3A_1139 : vector<16xf32>
      %mul3A_1141 = arith.constant 2.500000e-01 : f32
      %mul3A_1142 = vector.broadcast %mul3A_1141 : f32 to vector<16xf32>
      %mul3A_1143 = arith.mulf %mul3A_1142, %max3A_1140 : vector<16xf32>
      %add3A_1144 = arith.addf %add3A_1133, %mul3A_1143 : vector<16xf32>
      %mul3A_1145 = arith.constant 16 : i32
      %mul3A_1146 = arith.muli %scan3A_999, %mul3A_1145 : i32
      %add3A_1147 = arith.constant 384 : i32
      %add3A_1148 = arith.addi %add3A_1147, %mul3A_1146 : i32
      %swap3A = arith.index_cast %add3A_1148 : i32 to index
      %swap3A_1149 = tpu.vector_load %arg24[%swap3A] {strides = array<i32>} : memref<512xf32, #tpu.memory_space<vmem>>, vector<16xf32>,
      tpu.vector_store %arg24[%swap3A], %add3A_1144 {strides = array<i32>} : memref<512xf32, #tpu.memory_space<vmem>>, vector<16xf32>,
      %swap3A_1150 = arith.index_cast %add3A_1148 : i32 to index
      %swap3A_1151 = tpu.vector_load %arg25[%swap3A_1150] {strides = array<i32>} : memref<512xf32, #tpu.memory_space<vmem>>, vector<16xf32>,
      tpu.vector_store %arg25[%swap3A_1150], %select_n3A {strides = array<i32>} : memref<512xf32, #tpu.memory_space<vmem>>, vector<16xf32>,
      %swap3A_1152 = arith.index_cast %add3A_1148 : i32 to index
      %swap3A_1153 = tpu.vector_load %arg26[%swap3A_1152] {strides = array<i32>} : memref<512xf32, #tpu.memory_space<vmem>>, vector<16xf32>,
      tpu.vector_store %arg26[%swap3A_1152], %select_n3A_1106 {strides = array<i32>} : memref<512xf32, #tpu.memory_space<vmem>>, vector<16xf32>,
      %scan3A_1154 = arith.constant 0 : i32
      scf.yield %scan3A_1154 : i32
    }
    %scan3A_998 = arith.constant 8 : i32
    "tpu.region"() ({
      %run_scoped3A = tpu.sem_alloc : memref<!tpu.dma_semaphore, #tpu.memory_space<semaphore_mem>>
      %dma_start3A_999 = tpu.memref_slice %arg10[%mul3A_2] : memref<16384xf32, #tpu.memory_space<hbm>> -> memref<512xf32, #tpu.memory_space<hbm>>
      %dma_start3A_1000 = tpu.memref_slice %arg10[%mul3A_2] : memref<16384xf32, #tpu.memory_space<hbm>> -> memref<512xf32, #tpu.memory_space<hbm>>
      tpu.enqueue_dma source(%arg24 : memref<512xf32, #tpu.memory_space<vmem>>) target(%dma_start3A_1000 : memref<512xf32, #tpu.memory_space<hbm>>) target_semaphore(%run_scoped3A : memref<!tpu.dma_semaphore, #tpu.memory_space<semaphore_mem>>)
      %dma_wait3A_1001 = tpu.memref_slice %arg10[%mul3A_2] : memref<16384xf32, #tpu.memory_space<hbm>> -> memref<512xf32, #tpu.memory_space<hbm>>
      %dma_wait3A_1002 = tpu.memref_slice %arg10[%mul3A_2] : memref<16384xf32, #tpu.memory_space<hbm>> -> memref<512xf32, #tpu.memory_space<hbm>>
      tpu.wait_dma2 semaphore(%run_scoped3A : memref<!tpu.dma_semaphore, #tpu.memory_space<semaphore_mem>>) src(%arg24 : memref<512xf32, #tpu.memory_space<vmem>>) dst(%dma_wait3A_1002 : memref<512xf32, #tpu.memory_space<hbm>>)
      tpu.yield
    }) : () -> ()
    "tpu.region"() ({
      %run_scoped3A = tpu.sem_alloc : memref<!tpu.dma_semaphore, #tpu.memory_space<semaphore_mem>>
      %dma_start3A_999 = tpu.memref_slice %arg11[%mul3A_2] : memref<16384xf32, #tpu.memory_space<hbm>> -> memref<512xf32, #tpu.memory_space<hbm>>
      %dma_start3A_1000 = tpu.memref_slice %arg11[%mul3A_2] : memref<16384xf32, #tpu.memory_space<hbm>> -> memref<512xf32, #tpu.memory_space<hbm>>
      tpu.enqueue_dma source(%arg25 : memref<512xf32, #tpu.memory_space<vmem>>) target(%dma_start3A_1000 : memref<512xf32, #tpu.memory_space<hbm>>) target_semaphore(%run_scoped3A : memref<!tpu.dma_semaphore, #tpu.memory_space<semaphore_mem>>)
      %dma_wait3A_1001 = tpu.memref_slice %arg11[%mul3A_2] : memref<16384xf32, #tpu.memory_space<hbm>> -> memref<512xf32, #tpu.memory_space<hbm>>
      %dma_wait3A_1002 = tpu.memref_slice %arg11[%mul3A_2] : memref<16384xf32, #tpu.memory_space<hbm>> -> memref<512xf32, #tpu.memory_space<hbm>>
      tpu.wait_dma2 semaphore(%run_scoped3A : memref<!tpu.dma_semaphore, #tpu.memory_space<semaphore_mem>>) src(%arg25 : memref<512xf32, #tpu.memory_space<vmem>>) dst(%dma_wait3A_1002 : memref<512xf32, #tpu.memory_space<hbm>>)
      tpu.yield
    }) : () -> ()
    "tpu.region"() ({
      %run_scoped3A = tpu.sem_alloc : memref<!tpu.dma_semaphore, #tpu.memory_space<semaphore_mem>>
      %dma_start3A_999 = tpu.memref_slice %arg12[%mul3A_2] : memref<16384xf32, #tpu.memory_space<hbm>> -> memref<512xf32, #tpu.memory_space<hbm>>
      %dma_start3A_1000 = tpu.memref_slice %arg12[%mul3A_2] : memref<16384xf32, #tpu.memory_space<hbm>> -> memref<512xf32, #tpu.memory_space<hbm>>
      tpu.enqueue_dma source(%arg26 : memref<512xf32, #tpu.memory_space<vmem>>) target(%dma_start3A_1000 : memref<512xf32, #tpu.memory_space<hbm>>) target_semaphore(%run_scoped3A : memref<!tpu.dma_semaphore, #tpu.memory_space<semaphore_mem>>)
      %dma_wait3A_1001 = tpu.memref_slice %arg12[%mul3A_2] : memref<16384xf32, #tpu.memory_space<hbm>> -> memref<512xf32, #tpu.memory_space<hbm>>
      %dma_wait3A_1002 = tpu.memref_slice %arg12[%mul3A_2] : memref<16384xf32, #tpu.memory_space<hbm>> -> memref<512xf32, #tpu.memory_space<hbm>>
      tpu.wait_dma2 semaphore(%run_scoped3A : memref<!tpu.dma_semaphore, #tpu.memory_space<semaphore_mem>>) src(%arg26 : memref<512xf32, #tpu.memory_space<vmem>>) dst(%dma_wait3A_1002 : memref<512xf32, #tpu.memory_space<hbm>>)
      tpu.yield
    }) : () -> ()
    return
  }
}

</mosaic_0001>

<sc_bundles>
// kernel: kernel.3.cloned.1.call-start
scs
__scs_entry_jumppad:
0x0: {  	(pc) =	sbr.rel $0x88, $3  }
0x1: {  	(tag) =	ssettag $0x0;
	lr =	simm.s32 $0x1  }
0x2: {  	[smem:$0x3F9C] =	sst lr;
	_ =	strace $0xD0000000  }
0x3: {  	_ = 	snop  }
0x4: {  	_ = 	snop  }
0x5: {  	_ = 	snop  }
0x6: {  	_ = 	snop  }
0x7: {  	_ = 	snop  }
__scs_overlays_trampoline_lowered:
0x8: {  	[smem:$0x3FAB] =	sst s0  }
0x9: {  	[smem:$0x3FAC] =	sst s1  }
0xa: {  	[smem:$0x3FAD] =	sst s2  }
0xb: {  	[smem:$0x3FAE] =	sst s3  }
0xc: {  	[smem:$0x3FAF] =	sst s4  }
0xd: {  	[smem:$0x3FB0] =	sst s5  }
0xe: {  	[smem:$0x3FB1] =	sst s6  }
0xf: {  	[smem:$0x3FB2] =	sst s7  }
0x10: {  	[smem:$0x3FB3] =	sst s8  }
0x11: {  	[smem:$0x3FB4] =	sst s9;
	s0 =	simm.s32 @!p0 $0x0  }
0x12: {  	s1 =	sld [smem:$0x3F9A];
	s0 =	simm.s32 @p0 $0x1  }
0x13: {  	[smem:$0x3FB5] =	sst s0;
	s0 =	simm.s32 @!p1 $0x0  }
0x14: {  	s2 =	sld [smem:$0x3F99];
	s0 =	simm.s32 @p1 $0x1  }
0x15: {  	[smem:$0x3FB6] =	sst s0;
	s0 =	simm.s32 @!p2 $0x0  }
0x16: {  	s3 =	sld [smem:$0x3FDB];
	s0 =	simm.s32 @p2 $0x1  }
0x17: {  	s4 =	simm.s32 $0x1BF5;
	[smem:$0x3FB8] =	sst s0  }
0x18: {  	s0 =	sld [smem:$0x3F9B];
	_ =	swait.ge [sflag:s4], $0x0  }
0x19: {  	s7 =	sld [smem:$0x3F9C]  }
0x1a: {  	s8 =	sadd.s32 $0xFFFFE003, lr  }
0x1b: {  	s9 =	sadd.s32 $0xFFFFFEF7, lr;
	s5 =	simm.s32 $0xFFFFFFFF;
	p2 =	slt.u32 s8, $0xFFFFF086  }
0x1c: {  	p1 =	slt.u32 s9, $0xF7A;
	s5 =	simm.s32 @!p2 $0x0  }
0x1d: {  	s5 =	simm.s32 @p1 $0x1;
	p0 =	seq.s32 s7, s2  }
0x1e: {  	s7 =	smul.u32 @!p0 $0xF7A, s2;
	p2 =	seq.s32 @!p0 s5, $0x0  }
0x1f: {  	s9 =	smul.u32 $0xF7A, s1;
	s8 =	simm.s32 @!p0 $0x1BF5;
	p2 =	por !p2, p0  }
0x20: {  	[sflag:s8] =	ssyncset.s32 @!p0 $0xFFFFF086;
	s6 =	sadd.s32 @!p0 s3, s7;
	s7 =	simm.s32 @!p0 $0x108  }
0x21: {  	s3 =	sadd.s32 s3, s9;
	s6 =	sadd.s32 @!p0 $0x88, s6;
	s7 =	simm.s32 @p2 $0x1082  }
0x22: {  	[simem:s7], [sflag:s8] =	dma.local @!p0 [hbm:s6], $0xF7A  }
0x23: {  	s9 =	sor.u32 $0xD0000000, s2;
	s6 =	simm.s32 $0x108;
	_ =	swait.ge @!p0 [sflag:s8], $0x0  }
0x24: {  	s3 =	sadd.s32 $0x88, s3;
	s6 =	simm.s32 @!p1 $0x1082;
	[sflag:s4] =	ssyncset.s32 $0xFFFFF086  }
0x25: {  	[simem:s6], [sflag:s4] =	dma.local [hbm:s3], $0xF7A  }
0x26: {  	[smem:$0x3F9C] =	sst s1;
	(tag) =	ssettag s2;
	_ =	strace s9  }
0x27: {  	s1 =	sld [smem:$0x3FAC]  }
0x28: {  	s2 =	sld [smem:$0x3FAD]  }
0x29: {  	s4 =	sld [smem:$0x3FAF]  }
0x2a: {  	p0 =	seq.s32 s5, $0x0;
	s5 =	sld [smem:$0x3FB0]  }
0x2b: {  	s6 =	sld [smem:$0x3FB1]  }
0x2c: {  	s7 =	sld [smem:$0x3FB2]  }
0x2d: {  	s3 =	simm.s32 $0x108;
	s8 =	sld [smem:$0x3FB3]  }
0x2e: {  	s3 =	simm.s32 @!p0 $0x1082;
	s9 =	sld [smem:$0x3FB4]  }
0x2f: {  	lr =	sadd.s32 s0, s3;
	s0 =	sld [smem:$0x3FAB]  }
0x30: {  	s3 =	sld [smem:$0x3FAE]  }
0x31: {  	[smem:$0x3FB7] =	sst s10  }
0x32: {  	s10 =	sld [smem:$0x3FB5];
	_ =	sdelay $0x3  }
0x33: {  	p0 =	seq.s32 s10, $0x1;
	s10 =	sld [smem:$0x3FB7];
	_ =	sdelay $0x3  }
0x34: {  	[smem:$0x3FB7] =	sst s10  }
0x35: {  	s10 =	sld [smem:$0x3FB6];
	_ =	sdelay $0x3  }
0x36: {  	p1 =	seq.s32 s10, $0x1;
	s10 =	sld [smem:$0x3FB7];
	_ =	sdelay $0x3  }
0x37: {  	[smem:$0x3FB7] =	sst s10  }
0x38: {  	s10 =	sld [smem:$0x3FB8]  }
0x39: {  	_ = 	snop;
	(pc) =	sbr.ind lr, $3  }
0x3a: {  	_ = 	snop  }
0x3b: {  	_ = 	snop  }
0x3c: {  	p2 =	seq.s32 s10, $0x1;
	s10 =	sld [smem:$0x3FB7]  }
0x3d: {  	_ =	shalt  }
0x3e: {  	_ =	shalt  }
0x3f: {  	_ =	shalt  }
0x40: {  	_ =	shalt  }
0x41: {  	_ =	shalt  }
0x42: {  	_ =	shalt  }
0x43: {  	_ =	shalt  }
0x44: {  	_ =	shalt  }
0x45: {  	_ =	shalt  }
0x46: {  	_ =	shalt  }
0x47: {  	_ =	shalt  }
0x48: {  	_ =	shalt  }
0x49: {  	_ =	shalt  }
0x4a: {  	_ =	shalt  }
0x4b: {  	_ =	shalt  }
0x4c: {  	_ =	shalt  }
0x4d: {  	_ =	shalt  }
0x4e: {  	_ =	shalt  }
0x4f: {  	_ =	shalt  }
0x50: {  	_ =	shalt  }
0x51: {  	_ =	shalt  }
0x52: {  	_ =	shalt  }
0x53: {  	_ =	shalt  }
0x54: {  	_ =	shalt  }
0x55: {  	_ =	shalt  }
0x56: {  	_ =	shalt  }
0x57: {  	_ =	shalt  }
0x58: {  	_ =	shalt  }
0x59: {  	_ =	shalt  }
0x5a: {  	_ =	shalt  }
0x5b: {  	_ =	shalt  }
0x5c: {  	_ =	shalt  }
0x5d: {  	_ =	shalt  }
0x5e: {  	_ =	shalt  }
0x5f: {  	_ =	shalt  }
0x60: {  	_ =	shalt  }
0x61: {  	_ =	shalt  }
0x62: {  	_ =	shalt  }
0x63: {  	_ =	shalt  }
0x64: {  	_ =	shalt  }
0x65: {  	_ =	shalt  }
0x66: {  	_ =	shalt  }
0x67: {  	_ =	shalt  }
0x68: {  	_ =	shalt  }
0x69: {  	_ =	shalt  }
0x6a: {  	_ =	shalt  }
0x6b: {  	_ =	shalt  }
0x6c: {  	_ =	shalt  }
0x6d: {  	_ =	shalt  }
0x6e: {  	_ =	shalt  }
0x6f: {  	_ =	shalt  }
0x70: {  	_ =	shalt  }
0x71: {  	_ =	shalt  }
0x72: {  	_ =	shalt  }
0x73: {  	_ =	shalt  }
0x74: {  	_ =	shalt  }
0x75: {  	_ =	shalt  }
0x76: {  	_ =	shalt  }
0x77: {  	_ =	shalt  }
0x78: {  	_ =	shalt  }
0x79: {  	_ =	shalt  }
0x7a: {  	_ =	shalt  }
0x7b: {  	_ =	shalt  }
0x7c: {  	_ =	shalt  }
0x7d: {  	_ =	shalt  }
0x7e: {  	_ =	shalt  }
0x7f: {  	_ =	shalt  }
0x80: {  	_ =	shalt  }
0x81: {  	_ =	shalt  }
0x82: {  	_ =	shalt  }
0x83: {  	_ =	shalt  }
0x84: {  	_ =	shalt  }
0x85: {  	_ =	shalt  }
0x86: {  	_ =	shalt  }
0x87: {  	_ =	shalt  }
.Lfunc_end0:
.L_simem_size_0:
called_computation_lowered:
.L_overlay_start_0:
0x88: {  	s2 =	sld [smem:$0x3FD9]  }
0x89: {  	s3 =	sld [smem:$0x3FFE];
	_ =	sdelay $0x1  }
0x8a: {  	s1 =	srdreg.scid  }
0x8b: {  	s0 =	sand.u32 $0x1, s1  }
0x8c: {  	s14 =	sshll.u32 s0, $0xA;
	s2 =	sadd.s32 s3, s2  }
0x8d: {  	s2 =	sadd.s32 s2, s14  }
0x8e: {  	[smem:$0x3FC3] =	sst s2  }
0x8f: {  	_ = 	snop  }
0x90: {  	s2 =	sld [smem:$0x3FD0];
	_ =	sdelay $0x2  }
0x91: {  	s15 =	simm.s32 $0xA;
	s4 =	simm.s32 $0x10  }
0x92: {  	[smem:s4], [sflag:s15] =	dma.local [hbm:s2], $0x1  }
0x93: {  	_ =	swait.eq [sflag:s15], $0x1  }
0x94: {  	s16 =	sld [smem:$0x10];
	[sflag:s15] =	ssyncset.done $0x0  }
0x95: {  	s17 =	sld [smem:$0x11];
	[sflag:s15] =	ssyncadd.s32 $0xFFFFFFFF  }
0x96: {  	s18 =	sld [smem:$0x12];
	(tm) =	ssettm $0x1  }
0x97: {  	s5 =	sld [smem:$0x3FFB];
	_ =	sdelay $0x3  }
0x98: {  	_ =	strace s5  }
0x99: {  	s5 =	sld [smem:$0x3FFC];
	_ =	sdelay $0x3  }
0x9a: {  	_ =	strace s5  }
0x9b: {  	s5 =	sld [smem:$0x3FFD];
	_ =	sdelay $0x3  }
0x9c: {  	_ =	strace s5  }
0x9d: {  	_ =	strace $0x8FFFFFFF  }
0x9e: {  	s19 =	sld [smem:$0x3FDB];
	_ =	sdelay $0x1  }
0x9f: {  	s6 =	simm.s32 $_scs_section_size  }
0xa0: {  	s7 =	simm.s32 $_size__tile_overlayer_lowered;
	s8 =	simm.s32 $_tile_overlayer_lowered  }
0xa1: {  	s22 =	simm.s32 $0x1BFF;
	s21 =	sshll.u32 s8, $0x1;
	s5 =	sadd.s32 s6, s19  }
0xa2: {  	s9 =	simm.s32 $0x0;
	s20 =	sshll.u32 s7, $0x1;
	s7 =	sadd.s32 s21, s5  }
0xa3: {  	[timem:s9], [sflag:s22] =	dma.local [hbm:s7], s20  }
0xa4: {  	_ =	swait.ge [sflag:s22], s20  }
0xa5: {  	s6 =	ssub.s32 $0x0, s20;
	[sflag:s22] =	ssyncset.done $0x0  }
0xa6: {  	[sflag:s22] =	ssyncadd.s32 s6;
	_ =	sdelay $0x1  }
0xa7: {  	s23 =	simm.s32 $0x1B8B  }
0xa8: {  	_ =	swait.ge [sflag:s23], $0x1  }
0xa9: {  	[sflag:s23] =	ssyncset.done $0x0  }
0xaa: {  	s25 =	simm.s32 $0x1B8E;
	s24 =	sld [smem:$0x3FFE];
	[sflag:s23] =	ssyncadd.s32 $0xFFFFFFFF  }
0xab: {  	s26 =	simm.s32 $execute0_lowered;
	[smem:$0x3FD2] =	sst s25  }
0xac: {  	s7 =	sshll.u32 s26, $0x1;
	_ =	strace $0x80000046;
	[dreg:$0x1] =	wrdreg $0xFFFFFFFF  }
0xad: {  	s28 =	simm.s32 $_size_execute0_lowered;
	s5 =	sadd.s32 s5, s7;
	[dreg:$0x0] =	wrdreg $0x0  }
0xae: {  	s7 =	sshll.u32 s28, $0x1;
	[dreg:$0x2] =	wrdreg s5  }
0xaf: {  	[dreg:$0x3] =	wrdreg s7  }
0xb0: {  	[dreg:$0x4] =	wrdreg $0xC0  }
0xb1: {  	_ =	task [dreg:s9], $0x5FFFF  }
0xb2: {  	[dreg:$0x1] =	wrdreg $0xFFFFFFFF  }
0xb3: {  	[dreg:$0x0] =	wrdreg $0x60  }
0xb4: {  	[dreg:$0x2] =	wrdreg s24  }
0xb5: {  	[dreg:$0x3] =	wrdreg s16  }
0xb6: {  	[dreg:$0x4] =	wrdreg s17  }
0xb7: {  	[dreg:$0x5] =	wrdreg s18  }
0xb8: {  	[dreg:$0x6] =	wrdreg $0x9  }
0xb9: {  	_ =	task.clear_ibuf [dreg:s9], $0x7FFFF;
	_ =	strace $0x90000046  }
0xba: {  	s29 =	simm.s32 $0x9;
	_ =	strace $0x80000048  }
0xbb: {  	_ =	swait.ge [sflag:s29], $0x1  }
0xbc: {  	[sflag:s29] =	ssyncadd.s32 $0xFFFFFFFF  }
0xbd: {  	_ =	strace $0x90000048  }
0xbe: {  	_ =	sfence  }
0xbf: {  	s30 =	sld [smem:$0x0];
	_ =	sdelay $0x2  }
0xc0: {  	s31 =	sshll.u32 s1, $0xD;
	s1 =	sshrl.u32 s1, $0x2  }
0xc1: {  	s3 =	sand.u32 $0x4000, s31;
	s1 =	sadd.s32 s1, s30  }
0xc2: {  	s0 =	sor.u32 s3, s0;
	s1 =	sshll.u32 s1, $0x11  }
0xc3: {  	s0 =	sor.u32 s1, s0  }
0xc4: {  	s0 =	sadd.s32 $0x8F2B, s0  }
0xc5: {  	[sflag:s0] =	ssyncadd.remote.s32 $0x1  }
0xc6: {  	_ =	sfence.sel $0xFFFF  }
0xc7: {  	[dreg:$0x0] =	wrdreg $0xFFFFFFFF;
	(pc) =	sbr.abs _section_cstart, $3  }
0xc8: {  	[dreg:$0x1] =	wrdreg $0xFFFFFFFF  }
0xc9: {  	_ =	task.clear_ibuf [dreg:s9], $0x2FFFF;
	_ =	strace $0x9FFFFFFF  }
0xca: {  	(tm) =	ssettm $0x7FFFFFFF  }
0xcb: {  	_ =	shalt  }
tec
execute0_lowered:
.L_overlay_start_1:
0x0: {  	(tag) =	ssettag $0x1  }
0x1: {  	s1 =	rddreg [dreg:$0x0];
	s5 =	srdreg.scid  }
0x2: {  	s2 =	rddreg [dreg:$0x1];
	s8 =	stileid.u32;
	s5 =	sand.u32 $0x1, s5  }
0x3: {  	s8 =	sshll.u32 s8, $0x7;
	s7 =	ssub.s32 $0x2, s5;
	s5 =	sshll.u32 s5, $0x6  }
0x4: {  	s0 =	simm.s32 $0x0;
	s3 =	sadd.s32 $0x2000, s1;
	s5 =	sor.u32 s5, s8  }
0x5: {  	[smem:$0x7FF] =	sst s0;
	s4 =	sadd.s32 $0x1800, s1;
	s20 =	sadd.s32 s3, s5  }
0x6: {  	s6 =	sadd.s32 $0x3000, s1;
	s21 =	sadd.s32 s4, s5;
	[dreg:$0x5] =	wrdreg s20  }
0x7: {  	s9 =	sadd.s32 $0x2800, s1;
	s22 =	sadd.s32 s6, s5;
	[dreg:$0x6] =	wrdreg s21  }
0x8: {  	s11 =	sadd.s32 s9, s5;
	[dreg:$0x7] =	wrdreg s22  }
0x9: {  	s31 =	simm.s32 $0x800;
	s23 =	sor.u32 $0x10, s5;
	[dreg:$0x8] =	wrdreg s11  }
0xa: {  	s28 =	sadd.s32 $0x5800, s1;
	s24 =	sadd.s32 s3, s23;
	s22 =	rddreg [dreg:$0x2]  }
0xb: {  	s10 =	sshrl.u32 s7, $0x1;
	s25 =	sadd.s32 s4, s23;
	[dreg:$0x9] =	wrdreg s24  }
0xc: {  	s8 =	sadd.s32 $0x1000, s1;
	s26 =	sadd.s32 s6, s23;
	[dreg:$0xa] =	wrdreg s25  }
0xd: {  	s7 =	ssub.s32 s7, s10;
	s12 =	sadd.s32 s9, s23;
	[dreg:$0xb] =	wrdreg s26  }
0xe: {  	s13 =	sor.u32 $0x20, s5;
	s10 =	sadd.s32 s8, s23;
	[dreg:$0xc] =	wrdreg s12  }
0xf: {  	s29 =	sadd.s32 $0x3800, s1;
	s14 =	sadd.s32 s3, s13;
	[dreg:$0xd] =	wrdreg s10  }
0x10: {  	s18 =	sor.u32 $0x30, s5;
	s15 =	sadd.s32 s4, s13;
	[dreg:$0xe] =	wrdreg s14  }
0x11: {  	s16 =	sadd.s32 s6, s13;
	s17 =	sadd.s32 s9, s13;
	[dreg:$0xf] =	wrdreg s15  }
0x12: {  	s11 =	sadd.s32 s8, s13;
	s3 =	sadd.s32 s3, s18;
	[dreg:$0x10] =	wrdreg s16  }
0x13: {  	s19 =	sadd.s32 s4, s18;
	s20 =	sadd.s32 s6, s18;
	[dreg:$0x11] =	wrdreg s17  }
0x14: {  	s21 =	sadd.s32 s9, s18;
	s23 =	sadd.s32 s2, s5;
	[dreg:$0x12] =	wrdreg s11  }
0x15: {  	s30 =	smax.u32 s7, $0x1;
	s2 =	simm.s32 $0x880;
	[dreg:$0x13] =	wrdreg s3  }
0x16: {  	s7 =	simm.s32 $0x980;
	s9 =	simm.s32 $0x16A00;
	[dreg:$0x14] =	wrdreg s19  }
0x17: {  	s4 =	simm.s32 $0x2;
	s6 =	simm.s32 $0x4;
	[dreg:$0x15] =	wrdreg s20  }
0x18: {  	[dreg:$0x16] =	wrdreg s21;
	s24 =	sadd.s32 s8, s18;
	s25 =	sadd.s32 s8, s5  }
0x19: {  	s26 =	rddreg [dreg:$0x3];
	s20 =	simm.s32 $0x80;
	s3 =	simm.s32 $0x900  }
0x1a: {  	s8 =	simm.s32 $0x1;
	s15 =	simm.s32 $0x3;
	[dreg:$0x17] =	wrdreg s24  }
0x1b: {  	s16 =	simm.s32 $0x0;
	[dreg:$0x18] =	wrdreg s25;
	s24 =	sadd.s32 s22, s5  }
0x1c: {  	v0 =	vlaneseq.u32;
	s25 =	sadd.s32 s26, s5;
	s26 =	sadd.s32 $0xF45C00, s1;
	_ =	strace $0x80000047  }
.LBB2_1:
0x1d: {  	s1 =	rddreg [dreg:$0x5]  }
0x1e: {  	[tilespmem:s0], [sflag:$0x1] =	stream.linear.gather [hbm4b:s1+s0], $0x80, $0x38;
	[tilespmem:$0x19000] =	vst v63  }
0x1f: {  	s18 =	rddreg [dreg:$0x6];
	s5 =	simm.s32 $0x200  }
0x20: {  	[tilespmem:s5], [sflag:$0x1] =	stream.linear.gather [hbm4b:s18+s0], $0x80, $0x38;
	[tilespmem:$0x19000] =	vst v63  }
0x21: {  	s19 =	rddreg [dreg:$0x7];
	s10 =	simm.s32 $0x400  }
0x22: {  	[tilespmem:s10], [sflag:$0x1] =	stream.linear.gather [hbm4b:s19+s0], $0x80, $0x38;
	[tilespmem:$0x19000] =	vst v63  }
0x23: {  	s21 =	rddreg [dreg:$0x8];
	s11 =	simm.s32 $0x600  }
0x24: {  	[tilespmem:s11], [sflag:$0x1] =	stream.linear.gather [hbm4b:s21+s0], $0x80, $0x38;
	[tilespmem:$0x19000] =	vst v63  }
0x25: {  	s22 =	rddreg [dreg:$0x18]  }
0x26: {  	[tilespmem:s31], [sflag:$0x1] =	stream.linear.gather [hbm4b:s22+s0], $0x80, $0x38;
	[tilespmem:$0x19000] =	vst v63  }
0x27: {  	s12 =	rddreg [dreg:$0x9]  }
0x28: {  	[tilespmem:s20], [sflag:$0x1] =	stream.linear.gather [hbm4b:s12+s0], $0x80, $0x38;
	[tilespmem:$0x19000] =	vst v63  }
0x29: {  	s13 =	rddreg [dreg:$0xa];
	s12 =	simm.s32 $0x280  }
0x2a: {  	[tilespmem:s12], [sflag:$0x1] =	stream.linear.gather [hbm4b:s13+s0], $0x80, $0x38;
	[tilespmem:$0x19000] =	vst v63  }
0x2b: {  	s14 =	rddreg [dreg:$0xb];
	s13 =	simm.s32 $0x480  }
0x2c: {  	[tilespmem:s13], [sflag:$0x1] =	stream.linear.gather [hbm4b:s14+s0], $0x80, $0x38;
	[tilespmem:$0x19000] =	vst v63  }
0x2d: {  	s17 =	rddreg [dreg:$0xc];
	s14 =	simm.s32 $0x680  }
0x2e: {  	[tilespmem:s14], [sflag:$0x1] =	stream.linear.gather [hbm4b:s17+s0], $0x80, $0x38;
	[tilespmem:$0x19000] =	vst v63  }
0x2f: {  	s18 =	rddreg [dreg:$0xd]  }
0x30: {  	[tilespmem:s2], [sflag:$0x1] =	stream.linear.gather [hbm4b:s18+s0], $0x80, $0x38;
	[tilespmem:$0x19000] =	vst v63  }
0x31: {  	s19 =	rddreg [dreg:$0xe];
	s17 =	simm.s32 $0x100  }
0x32: {  	[tilespmem:s17], [sflag:$0x1] =	stream.linear.gather [hbm4b:s19+s0], $0x80, $0x38;
	[tilespmem:$0x19000] =	vst v63  }
0x33: {  	s21 =	rddreg [dreg:$0xf];
	s22 =	simm.s32 $0x300  }
0x34: {  	[tilespmem:s22], [sflag:$0x1] =	stream.linear.gather [hbm4b:s21+s0], $0x80, $0x38;
	[tilespmem:$0x19000] =	vst v63  }
0x35: {  	s18 =	rddreg [dreg:$0x10];
	s19 =	simm.s32 $0x500  }
0x36: {  	[tilespmem:s19], [sflag:$0x1] =	stream.linear.gather [hbm4b:s18+s0], $0x80, $0x38;
	[tilespmem:$0x19000] =	vst v63  }
0x37: {  	s21 =	rddreg [dreg:$0x11];
	s22 =	simm.s32 $0x700  }
0x38: {  	[tilespmem:s22], [sflag:$0x1] =	stream.linear.gather [hbm4b:s21+s0], $0x80, $0x38;
	[tilespmem:$0x19000] =	vst v63  }
0x39: {  	s17 =	rddreg [dreg:$0x12]  }
0x3a: {  	[tilespmem:s3], [sflag:$0x1] =	stream.linear.gather [hbm4b:s17+s0], $0x80, $0x38;
	[tilespmem:$0x19000] =	vst v63  }
0x3b: {  	s18 =	rddreg [dreg:$0x13];
	s19 =	simm.s32 $0x180  }
0x3c: {  	[tilespmem:s19], [sflag:$0x1] =	stream.linear.gather [hbm4b:s18+s0], $0x80, $0x38;
	[tilespmem:$0x19000] =	vst v63  }
0x3d: {  	s21 =	rddreg [dreg:$0x14];
	s22 =	simm.s32 $0x380  }
0x3e: {  	[tilespmem:s22], [sflag:$0x1] =	stream.linear.gather [hbm4b:s21+s0], $0x80, $0x38;
	[tilespmem:$0x19000] =	vst v63  }
0x3f: {  	s18 =	rddreg [dreg:$0x15];
	s19 =	simm.s32 $0x580  }
0x40: {  	[tilespmem:s19], [sflag:$0x1] =	stream.linear.gather [hbm4b:s18+s0], $0x80, $0x38;
	[tilespmem:$0x19000] =	vst v63  }
0x41: {  	s21 =	rddreg [dreg:$0x16];
	s22 =	simm.s32 $0x780  }
0x42: {  	[tilespmem:s22], [sflag:$0x1] =	stream.linear.gather [hbm4b:s21+s0], $0x80, $0x38;
	[tilespmem:$0x19000] =	vst v63  }
0x43: {  	s18 =	rddreg [dreg:$0x17]  }
0x44: {  	[tilespmem:s7], [sflag:$0x1] =	stream.linear.gather [hbm4b:s18+s0], $0x80, $0x38;
	[tilespmem:$0x19000] =	vst v63  }
0x45: {  	_ =	swait.ge [sflag:s8], $0x80  }
0x46: {  	[sflag:s8] =	ssyncset.done $0x0  }
0x47: {  	[sflag:s8] =	ssyncadd.s32 $0xFFFFFF80  }
0x48: {  	_ =	swait.ge [sflag:s8], $0x80  }
0x49: {  	[sflag:s8] =	ssyncset.done $0x0  }
0x4a: {  	[sflag:s8] =	ssyncadd.s32 $0xFFFFFF80  }
0x4b: {  	_ =	swait.ge [sflag:s8], $0x80  }
0x4c: {  	[sflag:s8] =	ssyncset.done $0x0  }
0x4d: {  	[sflag:s8] =	ssyncadd.s32 $0xFFFFFF80  }
0x4e: {  	_ =	swait.ge [sflag:s8], $0x80  }
0x4f: {  	[sflag:s8] =	ssyncset.done $0x0  }
0x50: {  	[sflag:s8] =	ssyncadd.s32 $0xFFFFFF80  }
0x51: {  	_ =	swait.ge [sflag:s8], $0x80  }
0x52: {  	[sflag:s8] =	ssyncset.done $0x0  }
0x53: {  	[sflag:s8] =	ssyncadd.s32 $0xFFFFFF80  }
0x54: {  	_ =	swait.ge [sflag:s8], $0x80  }
0x55: {  	[sflag:s8] =	ssyncset.done $0x0  }
0x56: {  	[sflag:s8] =	ssyncadd.s32 $0xFFFFFF80  }
0x57: {  	_ =	swait.ge [sflag:s8], $0x80  }
0x58: {  	[sflag:s8] =	ssyncset.done $0x0  }
0x59: {  	[sflag:s8] =	ssyncadd.s32 $0xFFFFFF80  }
0x5a: {  	_ =	swait.ge [sflag:s8], $0x80  }
0x5b: {  	[sflag:s8] =	ssyncset.done $0x0  }
0x5c: {  	[sflag:s8] =	ssyncadd.s32 $0xFFFFFF80  }
0x5d: {  	_ =	swait.ge [sflag:s8], $0x80  }
0x5e: {  	[sflag:s8] =	ssyncset.done $0x0  }
0x5f: {  	[sflag:s8] =	ssyncadd.s32 $0xFFFFFF80  }
0x60: {  	_ =	swait.ge [sflag:s8], $0x80  }
0x61: {  	[sflag:s8] =	ssyncset.done $0x0  }
0x62: {  	[sflag:s8] =	ssyncadd.s32 $0xFFFFFF80  }
0x63: {  	_ =	swait.ge [sflag:s8], $0x80  }
0x64: {  	[sflag:s8] =	ssyncset.done $0x0  }
0x65: {  	[sflag:s8] =	ssyncadd.s32 $0xFFFFFF80  }
0x66: {  	_ =	swait.ge [sflag:s8], $0x80  }
0x67: {  	[sflag:s8] =	ssyncset.done $0x0  }
0x68: {  	[sflag:s8] =	ssyncadd.s32 $0xFFFFFF80  }
0x69: {  	_ =	swait.ge [sflag:s8], $0x80  }
0x6a: {  	[sflag:s8] =	ssyncset.done $0x0  }
0x6b: {  	[sflag:s8] =	ssyncadd.s32 $0xFFFFFF80  }
0x6c: {  	_ =	swait.ge [sflag:s8], $0x80  }
0x6d: {  	[sflag:s8] =	ssyncset.done $0x0  }
0x6e: {  	[sflag:s8] =	ssyncadd.s32 $0xFFFFFF80  }
0x6f: {  	_ =	swait.ge [sflag:s8], $0x80  }
0x70: {  	[sflag:s8] =	ssyncset.done $0x0  }
0x71: {  	[sflag:s8] =	ssyncadd.s32 $0xFFFFFF80  }
0x72: {  	_ =	swait.ge [sflag:s8], $0x80  }
0x73: {  	[sflag:s8] =	ssyncset.done $0x0  }
0x74: {  	[sflag:s8] =	ssyncadd.s32 $0xFFFFFF80  }
0x75: {  	_ =	swait.ge [sflag:s8], $0x80  }
0x76: {  	[sflag:s8] =	ssyncset.done $0x0  }
0x77: {  	[sflag:s8] =	ssyncadd.s32 $0xFFFFFF80  }
0x78: {  	_ =	swait.ge [sflag:s8], $0x80  }
0x79: {  	[sflag:s8] =	ssyncset.done $0x0  }
0x7a: {  	[sflag:s8] =	ssyncadd.s32 $0xFFFFFF80  }
0x7b: {  	_ =	swait.ge [sflag:s8], $0x80  }
0x7c: {  	[sflag:s8] =	ssyncset.done $0x0  }
0x7d: {  	[sflag:s8] =	ssyncadd.s32 $0xFFFFFF80  }
0x7e: {  	_ =	swait.ge [sflag:s8], $0x80  }
0x7f: {  	[sflag:s8] =	ssyncset.done $0x0  }
0x80: {  	s19 =	simm.s32 $0xA00;
	[sflag:s8] =	ssyncadd.s32 $0xFFFFFF80  }
0x81: {  	[tilespmem:s19], [sflag:$0x2] =	stream.indirect.gather [hbm4b:s26+s20], $0x40, s0, s20, $0xb8;
	[tilespmem:$0x19000] =	vst v63  }
0x82: {  	s21 =	simm.s32 $0x4A00  }
0x83: {  	[tilespmem:s21], [sflag:$0x2] =	stream.indirect.gather [hbm4b:s26+s20], $0x40, s5, s20, $0xb8;
	[tilespmem:$0x19000] =	vst v63  }
0x84: {  	s22 =	simm.s32 $0x8A00  }
0x85: {  	[tilespmem:s22], [sflag:$0x2] =	stream.indirect.gather [hbm4b:s26+s20], $0x40, s10, s20, $0xb8;
	[tilespmem:$0x19000] =	vst v63  }
0x86: {  	s5 =	simm.s32 $0xCA00  }
0x87: {  	[tilespmem:s5], [sflag:$0x2] =	stream.indirect.gather [hbm4b:s26+s20], $0x40, s11, s20, $0xb8;
	[tilespmem:$0x19000] =	vst v63  }
0x88: {  	s10 =	simm.s32 $0x10A00  }
0x89: {  	[tilespmem:s10], [sflag:$0x2] =	stream.indirect.gather [hbm4b:s29+s20], $0x40, s31, s20, $0xb8;
	[tilespmem:$0x19000] =	vst v63  }
0x8a: {  	s11 =	simm.s32 $0x14A00  }
0x8b: {  	[tilespmem:s11], [sflag:$0x2] =	stream.indirect.gather [hbm4b:s28+s20], $0x40, s31, s20, $0xb8;
	[tilespmem:$0x19000] =	vst v63  }
0x8c: {  	s17 =	simm.s32 $0x2A00  }
0x8d: {  	[tilespmem:s17], [sflag:$0x3] =	stream.indirect.gather [hbm4b:s26+s20], $0x40, s20, s20, $0xb8;
	[tilespmem:$0x19000] =	vst v63  }
0x8e: {  	s18 =	simm.s32 $0x6A00  }
0x8f: {  	[tilespmem:s18], [sflag:$0x3] =	stream.indirect.gather [hbm4b:s26+s20], $0x40, s12, s20, $0xb8;
	[tilespmem:$0x19000] =	vst v63  }
0x90: {  	s19 =	simm.s32 $0xAA00  }
0x91: {  	[tilespmem:s19], [sflag:$0x3] =	stream.indirect.gather [hbm4b:s26+s20], $0x40, s13, s20, $0xb8;
	[tilespmem:$0x19000] =	vst v63  }
0x92: {  	s21 =	simm.s32 $0xEA00  }
0x93: {  	[tilespmem:s21], [sflag:$0x3] =	stream.indirect.gather [hbm4b:s26+s20], $0x40, s14, s20, $0xb8;
	[tilespmem:$0x19000] =	vst v63  }
0x94: {  	s22 =	simm.s32 $0x12A00  }
0x95: {  	[tilespmem:s22], [sflag:$0x3] =	stream.indirect.gather [hbm4b:s29+s20], $0x40, s2, s20, $0xb8;
	[tilespmem:$0x19000] =	vst v63  }
0x96: {  	_ = 	snop  }
0x97: {  	[tilespmem:s9], [sflag:$0x3] =	stream.indirect.gather [hbm4b:s28+s20], $0x40, s2, s20, $0xb8;
	[tilespmem:$0x19000] =	vst v63  }
0x98: {  	_ =	swait.ge [sflag:s4], $0x2000  }
0x99: {  	[sflag:s4] =	ssyncset.done $0x0  }
0x9a: {  	[sflag:s4] =	ssyncadd.s32 $0xFFFFE000  }
0x9b: {  	_ =	swait.ge [sflag:s4], $0x2000  }
0x9c: {  	[sflag:s4] =	ssyncset.done $0x0  }
0x9d: {  	[sflag:s4] =	ssyncadd.s32 $0xFFFFE000  }
0x9e: {  	_ =	swait.ge [sflag:s4], $0x2000  }
0x9f: {  	[sflag:s4] =	ssyncset.done $0x0  }
0xa0: {  	[sflag:s4] =	ssyncadd.s32 $0xFFFFE000  }
0xa1: {  	_ =	swait.ge [sflag:s4], $0x2000  }
0xa2: {  	[sflag:s4] =	ssyncset.done $0x0  }
0xa3: {  	[sflag:s4] =	ssyncadd.s32 $0xFFFFE000  }
0xa4: {  	_ =	swait.ge [sflag:s4], $0x2000  }
0xa5: {  	[sflag:s4] =	ssyncset.done $0x0  }
0xa6: {  	s1 =	simm.s32 $0x8A30;
	[sflag:s4] =	ssyncadd.s32 $0xFFFFE000  }
0xa7: {  	s10 =	simm.s32 $0xA20;
	s11 =	simm.s32 $0x14A30;
	_ =	swait.ge [sflag:s4], $0x2000  }
0xa8: {  	s17 =	simm.s32 $0x4A30;
	s18 =	simm.s32 $0xCA30;
	[sflag:s4] =	ssyncset.done $0x0  }
0xa9: {  	s12 =	simm.s32 $0x0;
	s19 =	simm.s32 $0x10A30;
	[sflag:s4] =	ssyncadd.s32 $0xFFFFE000  }
.LBB2_2:
0xaa: {  	v3 =	vmov s17  }
0xab: {  	v4 =	vmov s19  }
0xac: {  	v5 =	vmov s18  }
0xad: {  	v6 =	vmov s10  }
0xae: {  	s5 =	simm.s32 $0x0  }
0xaf: {  	v1 =	vld.idx.msk [tilespmem:v3+s5+$0x0 ss:$0x1], $0xffff  }
0xb0: {  	v2 =	vld.idx.msk [tilespmem:v4+s5+$0x0 ss:$0x1], $0xffff  }
0xb1: {  	v9 =	vld.idx.msk [tilespmem:v5+s5+$0xFFFFFFE0 ss:$0x1], $0xffff  }
0xb2: {  	v7 =	vmov s11;
	v10 =	vld.idx.msk [tilespmem:v6+s5+$0x10 ss:$0x1], $0xffff  }
0xb3: {  	v8 =	vmov s1;
	v11 =	vld.idx.msk [tilespmem:v5+s5+$0x0 ss:$0x1], $0xffff  }
0xb4: {  	v12 =	vld.idx.msk [tilespmem:v3+s5+$0xFFFFFFE0 ss:$0x1], $0xffff  }
0xb5: {  	v13 =	vld.idx.msk [tilespmem:v5+s5+$0xFFFFFFF0 ss:$0x1], $0xffff  }
0xb6: {  	v14 =	vld.idx.msk [tilespmem:v3+s5+$0xFFFFFFD0 ss:$0x1], $0xffff  }
0xb7: {  	v15 =	vld.idx.msk [tilespmem:v7+s5+$0x0 ss:$0x1], $0xffff  }
0xb8: {  	v16 =	vld.idx.msk [tilespmem:v8+s5+$0x0 ss:$0x1], $0xffff  }
0xb9: {  	v17 =	vld.idx.msk [tilespmem:v4+s5+$0xFFFFFFE0 ss:$0x1], $0xffff  }
0xba: {  	v19 =	vld.idx.msk [tilespmem:v6+s5+$0x0 ss:$0x1], $0xffff  }
0xbb: {  	v20 =	vld.idx.msk [tilespmem:v4+s5+$0xFFFFFFF0 ss:$0x1], $0xffff  }
0xbc: {  	v21 =	vld.idx.msk [tilespmem:v7+s5+$0xFFFFFFE0 ss:$0x1], $0xffff  }
0xbd: {  	v24 =	vld.idx.msk [tilespmem:v8+s5+$0xFFFFFFE0 ss:$0x1], $0xffff  }
0xbe: {  	v25 =	vld.idx.msk [tilespmem:v4+s5+$0xFFFFFFD0 ss:$0x1], $0xffff  }
0xbf: {  	v31 =	vld.idx.msk [tilespmem:v8+s5+$0xFFFFFFF0 ss:$0x1], $0xffff  }
0xc0: {  	v33 =	vld.idx.msk [tilespmem:v7+s5+$0xFFFFFFF0 ss:$0x1], $0xffff  }
0xc1: {  	v37 =	vld.idx.msk [tilespmem:v6+s5+$0xFFFFFFE0 ss:$0x1], $0xffff  }
0xc2: {  	s22 =	simm.s32 $0x40;
	v38 =	vld.idx.msk [tilespmem:v6+s5+$0xFFFFFFF0 ss:$0x1], $0xffff;
	v26 =	vmul.f32 v1, v1  }
0xc3: {  	v48 =	vld.idx.msk [tilespmem:v5+s22+$0xFFFFFFD0 ss:$0x1], $0xffff;
	v23 =	vsub.f32 v10, v1;
	v29 =	vmul.f32 v12, v12;
	v30 =	vmul.f32 v14, v14  }
0xc4: {  	v52 =	vld.idx.msk [tilespmem:v8+s22+$0xFFFFFFD0 ss:$0x1], $0xffff;
	v1 =	vimm.f32 $0.0e+00;
	v32 =	vmul.f32 v15, v2;
	v35 =	vmul.f32 v17, v17  }
0xc5: {  	v18 =	vld.idx.msk [tilespmem:v3+s5+$0xFFFFFFF0 ss:$0x1], $0xffff;
	v11 =	vsub.f32 v16, v11;
	v36 =	vmul.f32 v20, v20;
	v10 =	vmul.f32 v10, v10  }
0xc6: {  	v40 =	vmul.f32 v19, v19;
	v13 =	vsub.f32 v31, v13;
	v31 =	vmul.f32 v25, v25  }
0xc7: {  	v28 =	vld.idx.msk [tilespmem:v7+s5+$0xFFFFFFD0 ss:$0x1], $0xffff;
	v41 =	vmul.f32 v33, v33;
	v14 =	vsub.f32 v37, v14;
	v9 =	vsub.f32 v24, v9  }
0xc8: {  	v60 =	vld.idx.msk [tilespmem:v6+s22+$0xFFFFFFE0 ss:$0x1], $0xffff;
	v24 =	vmul.f32 v37, v37;
	v12 =	vsub.f32 v38, v12;
	v55 =	vmul.f32 v21, v21  }
0xc9: {  	v63 =	vsub.f32 v52, v48;
	v27 =	vmul.f32 v2, v23;
	v23 =	vadd.f32 v15, v23  }
0xca: {  	v22 =	vld.idx.msk [tilespmem:v5+s5+$0xFFFFFFD0 ss:$0x1], $0xffff;
	v16 =	vadd.f32 v29, v30;
	v29 =	vmul.f32 v2, v2;
	v30 =	vmul.f32 v18, v18  }
0xcb: {  	v34 =	vld.idx.msk [tilespmem:v8+s5+$0xFFFFFFD0 ss:$0x1], $0xffff;
	v18 =	vsub.f32 v19, v18;
	v2 =	vmul.f32 v2, v11;
	v11 =	vadd.f32 v15, v11  }
0xcc: {  	v19 =	vmul.f32 v28, v25;
	v53 =	vadd.f32 v21, v9;
	v16 =	vadd.f32 v30, v16  }
0xcd: {  	v45 =	vld.idx.msk [tilespmem:v5+s22+$0xFFFFFFE0 ss:$0x1], $0xffff;
	v31 =	vadd.f32 v35, v31;
	v9 =	vmul.f32 v17, v9;
	v35 =	vmul.f32 v60, v60  }
0xce: {  	v43 =	vld.idx.msk [tilespmem:v6+s22+$0x10 ss:$0x1], $0xffff;
	v39 =	vmul.f32 v20, v18;
	v30 =	vmul.f32 v21, v17;
	v16 =	vadd.f32 v26, v16  }
0xcf: {  	v57 =	vld.idx.msk [tilespmem:v3+s22+$0xFFFFFFD0 ss:$0x1], $0xffff;
	v18 =	vadd.f32 v33, v18;
	v19 =	vadd.f32 $0.0e+00, v19;
	v11 =	vmul.f32 v11, v11  }
0xd0: {  	v26 =	vmul.f32 v33, v20;
	v20 =	vmul.f32 v20, v13;
	(xrf2) =	vadd.scan.msk.f32 $0xffff, v16;
	v16 =	vsub.f32 v34, v22  }
0xd1: {  	v58 =	vld.idx.msk [tilespmem:v6+s22+$0x0 ss:$0x1], $0xffff;
	v13 =	vadd.f32 v33, v13;
	v22 =	vadd.f32 v28, v14;
	v14 =	vmul.f32 v25, v14  }
0xd2: {  	v49 =	vld.idx.msk [tilespmem:v7+s22+$0xFFFFFFE0 ss:$0x1], $0xffff;
	v54 =	vmul.f32 v25, v16;
	v42 =	vadd.f32 v28, v16;
	v16 =	vadd.f32 v21, v12  }
0xd3: {  	v59 =	vld.idx.msk [tilespmem:v8+s22+$0xFFFFFFE0 ss:$0x1], $0xffff;
	v25 =	vmul.f32 v28, v28;
	v14 =	vadd.f32 $0.0e+00, v14;
	v12 =	vmul.f32 v17, v12  }
0xd4: {  	v21 =	vld.idx.msk [tilespmem:v3+s22+$0x0 ss:$0x1], $0xffff;
	v22 =	vmul.f32 v22, v22;
	v37 =	vadd.f32 $0.0e+00, v54;
	v16 =	vmul.f32 v16, v16  }
0xd5: {  	s13 =	simm.s32 $0x0;
	v50 =	vld.idx.msk [tilespmem:v4+s22+$0xFFFFFFD0 ss:$0x1], $0xffff;
	v18 =	vmul.f32 v18, v18;
	v25 =	vadd.f32 v55, v25;
	v12 =	vadd.f32 v12, v14  }
0xd6: {  	v28 =	vld.idx.msk [tilespmem:v4+s22+$0x0 ss:$0x1], $0xffff;
	v17 =	vmov s13;
	v16 =	vadd.f32 v16, v22;
	v9 =	vadd.f32 v9, v37  }
0xd7: {  	v14 =	vmul.f32 v15, v15;
	v15 =	vld.idx.msk [tilespmem:v3+s22+$0xFFFFFFE0 ss:$0x1], $0xffff;
	v25 =	vadd.f32 v41, v25;
	v12 =	vadd.f32 v39, v12  }
0xd8: {  	vm0 =	veq.s32 v17, v0;
	v22 =	vld.idx.msk [tilespmem:v5+s22+$0x0 ss:$0x1], $0xffff;
	v16 =	vadd.f32 v18, v16;
	v9 =	vadd.f32 v20, v9  }
0xd9: {  	v18 =	vmul.f32 v23, v23;
	v41 =	vadd.f32 v14, v25;
	v20 =	vsub.f32 v43, v21;
	v25 =	vld.idx.msk [tilespmem:v4+s22+$0xFFFFFFE0 ss:$0x1], $0xffff  }
0xda: {  	v44 =	vmul.f32 v21, v21;
	v12 =	vadd.f32 v27, v12;
	v21 =	vadd.f32 v36, v31;
	v27 =	vld.idx.msk [tilespmem:v3+s22+$0xFFFFFFF0 ss:$0x1], $0xffff;
	v17, _, _ =	vpop (xrf2)  }
0xdb: {  	v39 =	vsub.f32 v60, v57;
	v14 =	vadd.f32 v18, v16;
	v16 =	vld.idx.msk [tilespmem:v7+s22+$0x0 ss:$0x1], $0xffff;
	v17 =	vbroadcast v17, $0xF  }
0xdc: {  	v31 =	vmul.f32 v15, v15;
	v9 =	vadd.f32 v2, v9;
	v18 =	vld.idx.msk [tilespmem:v8+s22+$0x0 ss:$0x1], $0xffff;
	v21 =	vadd.f32 v29, v21  }
0xdd: {  	v29 =	vmul.f32 v57, v57;
	(xrf2) =	vadd.scan.msk.f32 $0xffff, v14;
	v2 =	vsel vm0, v17, v1;
	v17 =	vmul.f32 v38, v38  }
0xde: {  	v46 =	vld.idx.msk [tilespmem:v4+s22+$0xFFFFFFF0 ss:$0x1], $0xffff;
	v13 =	vmul.f32 v13, v13;
	v54 =	vsub.f32 v59, v45;
	v52 =	vmul.f32 v50, v39  }
0xdf: {  	v14 =	vmul.f32 v28, v20;
	v29 =	vadd.f32 v31, v29;
	(xrf2) =	vadd.scan.msk.f32 $0xffff, v12;
	v47 =	vadd.f32 v17, v24  }
0xe0: {  	v31 =	vmul.f32 v27, v27;
	(xrf2) =	vadd.scan.msk.f32 $0xffff, v9;
	v23 =	vadd.f32 v16, v20;
	v17 =	vadd.f32 v30, v19  }
0xe1: {  	v56 =	vld.idx.msk [tilespmem:v5+s22+$0xFFFFFFF0 ss:$0x1], $0xffff;
	v19 =	vsub.f32 v18, v22;
	v20 =	vmul.f32 v42, v42;
	v22 =	vmul.f32 v53, v53  }
0xe2: {  	v37 =	vld.idx.msk [tilespmem:v7+s22+$0xFFFFFFD0 ss:$0x1], $0xffff;
	v51 =	vsub.f32 v58, v27;
	v38 =	vadd.f32 v49, v54;
	v9 =	vmul.f32 v25, v25  }
0xe3: {  	v27 =	vld.idx.msk [tilespmem:v8+s22+$0xFFFFFFF0 ss:$0x1], $0xffff;
	v12 =	vmul.f32 v16, v28;
	v18 =	vmul.f32 v28, v28;
	v22 =	vadd.f32 v22, v20  }
0xe4: {  	v24 =	vmul.f32 v46, v46;
	v33 =	vmul.f32 v46, v51;
	v29 =	vadd.f32 v31, v29  }
0xe5: {  	v30 =	vadd.f32 v26, v17;
	v28 =	vmul.f32 v28, v19;
	v20 =	vadd.f32 v16, v19;
	v26 =	vld.idx.msk [tilespmem:v7+s22+$0xFFFFFFF0 ss:$0x1], $0xffff  }
0xe6: {  	v17 =	vmul.f32 v43, v43;
	v19 =	vmul.f32 v58, v58;
	v61 =	vadd.f32 v40, v47  }
0xe7: {  	v47 =	vmul.f32 v49, v49;
	v40 =	vadd.f32 v37, v63;
	v13 =	vadd.f32 v13, v22;
	v22, _, _ =	vpop (xrf2);
	(xrf2) =	vadd.scan.msk.f32 $0xffff, v41  }
0xe8: {  	v34 =	vsub.f32 v27, v56;
	v36 =	vadd.f32 v32, v30;
	v30 =	vld.idx.msk [tilespmem:v6+s22+$0xFFFFFFF0 ss:$0x1], $0xffff;
	v32 =	vmul.f32 v37, v50  }
0xe9: {  	v43 =	vadd.f32 v10, v61;
	v10 =	vadd.f32 v44, v29;
	v29 =	vmul.f32 v49, v25;
	v62, _, _ =	vpop (xrf2)  }
0xea: {  	v45 =	vmul.f32 v46, v34;
	v53 =	vadd.f32 v11, v13;
	v27 =	vmul.f32 v26, v46;
	v31, _, _ =	vpop (xrf2);
	(xrf2) =	vadd.scan.msk.f32 $0xffff, v21  }
0xeb: {  	v44 =	vmul.f32 v26, v26;
	v46 =	vadd.f32 v26, v51;
	v51 =	vmul.f32 v25, v54  }
0xec: {  	v41 =	vadd.f32 v37, v39;
	v22 =	vbroadcast v22, $0xF;
	v13 =	vbroadcast v62, $0xF  }
0xed: {  	v48 =	vsub.f32 v30, v15;
	v15 =	vmul.f32 v50, v63;
	v21 =	vimm.f32 $0.0e+00;
	(xrf2) =	vadd.scan.msk.f32 $0xffff, v10  }
0xee: {  	v11 =	vsel vm0, v22, v1;
	v22 =	vmul.f32 v50, v50;
	v31 =	vbroadcast v31, $0xF  }
0xef: {  	v10 =	vimm.f32 $0.0e+00;
	v13 =	vsel vm0, v13, v1;
	vm0 =	vmmov vm0  }
0xf0: {  	v50 =	vadd.f32 $0.0e+00, v15;
	v49 =	vadd.f32 v49, v48;
	v15 =	vimm.f32 $0.0e+00;
	(xrf2) =	vadd.scan.msk.f32 $0xffff, v53  }
0xf1: {  	s21 =	simm.s32 $0x1;
	s5 =	simm.s32 $0x200;
	v42 =	vadd.f32 v9, v22;
	v22 =	vimm.f32 $0.0e+00;
	v9 =	vimm.f32 $0.0e+00;
	v39, _, _ =	vpop (xrf2)  }
.LBB2_3:
0xf2: {  	s13 =	smov.u32 s5  }
0xf3: {  	s22 =	sshra.s32 s5, $0x2;
	v52 =	vadd.f32 $0.0e+00, v52;
	v25 =	vmul.f32 v25, v48;
	v53 =	vmov s21;
	s21 =	sadd.s32 $0x1, s21;
	(xrf2) =	vadd.scan.msk.f32 $0xffff, v43;
	s13 =	sadd.s32 $0x100, s5  }
0xf4: {  	p0 =	sne.s32 s5, $0xF00;
	v37 =	vmul.f32 v37, v37;
	v50 =	vadd.f32 v51, v50;
	vm1 =	veq.s32 v53, v0;
	v43 =	vld.idx.msk [tilespmem:v3+s22+$0x0 ss:$0x1], $0xffff;
	v48, _, _ =	vpop (xrf2)  }
0xf5: {  	v53 =	vmul.f32 v41, v41;
	v49 =	vmul.f32 v49, v49;
	v25 =	vadd.f32 v25, v52;
	v51 =	vld.idx.msk [tilespmem:v4+s22+$0x0 ss:$0x1], $0xffff  }
0xf6: {  	v37 =	vadd.f32 v47, v37;
	v47 =	vbroadcast v39, $0xF;
	v45 =	vadd.f32 v45, v50;
	v41 =	vld.idx.msk [tilespmem:v5+s22+$0xFFFFFFE0 ss:$0x1], $0xffff;
	(xrf2) =	vadd.scan.msk.f32 $0xffff, v36  }
0xf7: {  	v46 =	vmul.f32 v46, v46;
	v52 =	vmul.f32 v16, v16;
	v49 =	vadd.f32 v49, v53;
	v36 =	vld.idx.msk [tilespmem:v6+s22+$0x10 ss:$0x1], $0xffff;
	v39, _, _ =	vpop (xrf2)  }
0xf8: {  	v48 =	vbroadcast v48, $0xF;
	v37 =	vadd.f32 v44, v37;
	v50 =	vld.idx.msk [tilespmem:v5+s22+$0x0 ss:$0x1], $0xffff;
	v44 =	vbroadcast v39, $0xF  }
0xf9: {  	v23 =	vmul.f32 v23, v23;
	v25 =	vadd.f32 v33, v25;
	v33 =	vadd.f32 v46, v49;
	v39 =	vld.idx.msk [tilespmem:v3+s22+$0xFFFFFFE0 ss:$0x1], $0xffff  }
0xfa: {  	v28 =	vadd.f32 v28, v45;
	v1 =	vsel vm0, v48, v1;
	v49 =	vadd.f32 v52, v37;
	v46 =	vld.idx.msk [tilespmem:v5+s22+$0xFFFFFFF0 ss:$0x1], $0xffff;
	v16, _, _ =	vpop (xrf2)  }
0xfb: {  	v48 =	vmul.f32 v43, v43;
	v23 =	vadd.f32 v23, v33;
	v45 =	vld.idx.msk [tilespmem:v3+s22+$0xFFFFFFD0 ss:$0x1], $0xffff;
	v33 =	vbroadcast v16, $0xF  }
0xfc: {  	v10 =	vsel vm0, v47, v10;
	v37 =	vadd.f32 v14, v25;
	v2 =	vsel vm1, v44, v2;
	v16 =	vld.idx.msk [tilespmem:v7+s22+$0x0 ss:$0x1], $0xffff  }
0xfd: {  	v32 =	vadd.f32 $0.0e+00, v32;
	v43 =	vsub.f32 v36, v43;
	v44 =	vld.idx.msk [tilespmem:v8+s22+$0x0 ss:$0x1], $0xffff;
	(xrf2) =	vadd.scan.msk.f32 $0xffff, v23;
	v15 =	vsel vm0, v33, v15;
	v14, _, _ =	vpop (xrf2)  }
0xfe: {  	v47 =	vadd.f32 v24, v42;
	v23 =	vmul.f32 v30, v30;
	v25 =	vld.idx.msk [tilespmem:v4+s22+$0xFFFFFFE0 ss:$0x1], $0xffff;
	v30 =	vbroadcast v14, $0xF  }
0xff: {  	v26 =	vadd.f32 v26, v34;
	v22 =	vsel vm0, v31, v22;
	v14 =	vmul.f32 v51, v43;
	v33 =	vld.idx.msk [tilespmem:v3+s22+$0xFFFFFFF0 ss:$0x1], $0xffff  }
0x100: {  	v42 =	vadd.f32 v18, v47;
	v31 =	vmul.f32 v39, v39;
	v34 =	vld.idx.msk [tilespmem:v6+s22+$0x0 ss:$0x1], $0xffff;
	(xrf2) =	vadd.scan.msk.f32 $0xffff, v37;
	v24, _, _ =	vpop (xrf2)  }
0x101: {  	v35 =	vadd.f32 v23, v35;
	v18 =	vmul.f32 v45, v45;
	v9 =	vsel vm0, v30, v9;
	v47 =	vld.idx.msk [tilespmem:v4+s22+$0xFFFFFFF0 ss:$0x1], $0xffff  }
0x102: {  	v29 =	vadd.f32 v29, v32;
	v23 =	vadd.f32 v16, v43;
	v43 =	vmul.f32 v16, v51;
	v53 =	vld.idx.msk [tilespmem:v7+s22+$0xFFFFFFE0 ss:$0x1], $0xffff  }
0x103: {  	v32 =	vmul.f32 v40, v40;
	v37 =	vmul.f32 v38, v38;
	v30 =	vsub.f32 v44, v50;
	v52 =	vld.idx.msk [tilespmem:v5+s22+$0xFFFFFFD0 ss:$0x1], $0xffff  }
0x104: {  	v27 =	vadd.f32 v27, v29;
	v31 =	vadd.f32 v31, v18;
	v18 =	vmul.f32 v51, v51;
	v38 =	vld.idx.msk [tilespmem:v8+s22+$0xFFFFFFE0 ss:$0x1], $0xffff  }
0x105: {  	v40 =	vbroadcast v24, $0xF;
	v32 =	vadd.f32 v37, v32;
	v29 =	vmul.f32 v33, v33;
	v50 =	vld.idx.msk [tilespmem:v4+s22+$0xFFFFFFD0 ss:$0x1], $0xffff;
	(xrf2) =	vadd.scan.msk.f32 $0xffff, v28  }
0x106: {  	v54 =	vmul.f32 v25, v25;
	v55 =	vsub.f32 v34, v33;
	v33 =	vmul.f32 v26, v26;
	v37 =	vld.idx.msk [tilespmem:v7+s22+$0xFFFFFFD0 ss:$0x1], $0xffff  }
0x107: {  	v21 =	vsel vm0, v40, v21;
	v28 =	vmul.f32 v51, v30;
	v24 =	vmul.f32 v47, v47;
	v44 =	vld.idx.msk [tilespmem:v8+s22+$0xFFFFFFF0 ss:$0x1], $0xffff;
	v51, _, _ =	vpop (xrf2)  }
0x108: {  	v56 =	vmul.f32 v36, v36;
	v40 =	vadd.f32 v16, v30;
	v32 =	vadd.f32 v33, v32;
	v26 =	vld.idx.msk [tilespmem:v7+s22+$0xFFFFFFF0 ss:$0x1], $0xffff  }
0x109: {  	v59 =	vmul.f32 v20, v20;
	v36 =	vadd.f32 v12, v27;
	v33 =	vmul.f32 v47, v55;
	v57 =	vld.idx.msk [tilespmem:v8+s22+$0xFFFFFFD0 ss:$0x1], $0xffff  }
0x10a: {  	v35 =	vadd.f32 v19, v35;
	v19 =	vmul.f32 v34, v34;
	v27 =	vbroadcast v51, $0xF;
	v58 =	vld.idx.msk [tilespmem:v6+s22+$0xFFFFFFE0 ss:$0x1], $0xffff;
	v34, _, _ =	vpop (xrf2);
	(xrf2) =	vadd.scan.msk.f32 $0xffff, v49  }
0x10b: {  	v12 =	vmovc v43;
	v29 =	vadd.f32 v29, v31;
	v49 =	vadd.f32 v59, v32;
	v30 =	vld.idx.msk [tilespmem:v6+s22+$0xFFFFFFF0 ss:$0x1], $0xffff;
	v31 =	vbroadcast v34, $0xF  }
0x10c: {  	v43 =	vadd.f32 v17, v35;
	v20 =	vmovc v40;
	v11 =	vsel vm1, v27, v11;
	v32 =	vmul.f32 v37, v50  }
0x10d: {  	v40 =	vadd.f32 v48, v29;
	v34 =	vsub.f32 v44, v46;
	v13 =	vsel vm1, v31, v13;
	(xrf2) =	vadd.scan.msk.f32 $0xffff, v42  }
0x10e: {  	v17 =	vmovc v56;
	vm0 =	vmmov vm1;
	v29 =	vmul.f32 v53, v25;
	v27 =	vmul.f32 v26, v47  }
0x10f: {  	v42 =	vmul.f32 v50, v50;
	v44 =	vmul.f32 v26, v26;
	v31, _, _ =	vpop (xrf2)  }
0x110: {  	v51 =	vsub.f32 v38, v41;
	v46 =	vsub.f32 v58, v45;
	v35 =	vmul.f32 v58, v58;
	(xrf2) =	vadd.scan.msk.f32 $0xffff, v40  }
.Ltmp0:
0x111: {  	v40 =	vsub.f32 v57, v52;
	v48 =	vsub.f32 v30, v39;
	v31 =	vbroadcast v31, $0xF;
	(pc) =	sbr.rel @p0 .LBB2_3-.Ltmp0, $4  }
0x112: {  	v38 =	vadd.f32 v53, v51;
	v45 =	vmul.f32 v47, v34;
	v41 =	vadd.f32 v37, v46  }
0x113: {  	v42 =	vadd.f32 v54, v42;
	v47 =	vmul.f32 v53, v53;
	v56 =	vmul.f32 v50, v40;
	(xrf2) =	vadd.scan.msk.f32 $0xffff, v49  }
0x114: {  	v52 =	vmul.f32 v50, v46;
	v46 =	vadd.f32 v26, v55;
	v40 =	vadd.f32 v37, v40;
	v39, _, _ =	vpop (xrf2)  }
0x115: {  	s5 =	smov.u32 s13;
	v51 =	vmul.f32 v25, v51;
	v49 =	vadd.f32 v53, v48;
	v50 =	vadd.f32 $0.0e+00, v56  }
0x116: {  	v3 =	vmul.f32 v25, v48  }
0x117: {  	v4 =	vmul.f32 v37, v37;
	v6 =	vmul.f32 v41, v41  }
0x118: {  	v5 =	vadd.f32 $0.0e+00, v52;
	v55 =	vmul.f32 v46, v46;
	v7 =	vmul.f32 v49, v49  }
0x119: {  	v57 =	vmul.f32 v16, v16;
	v59 =	vadd.f32 v26, v34;
	v63 =	vadd.f32 $0.0e+00, v32  }
0x11a: {  	v60 =	vmul.f32 v40, v40;
	v24 =	vadd.f32 v24, v42;
	v54 =	vadd.f32 v7, v6  }
0x11b: {  	v61 =	vmul.f32 v38, v38;
	v8 =	vadd.f32 v51, v50;
	v3 =	vadd.f32 v3, v5  }
0x11c: {  	v58 =	vmul.f32 v23, v23;
	v4 =	vadd.f32 v47, v4;
	v5 =	vadd.f32 v55, v54  }
0x11d: {  	v62 =	vmul.f32 v30, v30;
	v16 =	vadd.f32 v61, v60;
	v3 =	vadd.f32 v33, v3  }
0x11e: {  	(xrf2) =	vadd.scan.msk.f32 $0xffff, v43;
	v56 =	vadd.f32 v45, v8;
	v5 =	vadd.f32 v58, v5  }
0x11f: {  	(xrf2) =	vadd.scan.msk.f32 $0xffff, v36;
	v8 =	vmul.f32 v59, v59;
	v6 =	vadd.f32 v62, v35;
	v3 =	vadd.f32 v14, v3  }
0x120: {  	v4 =	vadd.f32 v44, v4;
	v7 =	vadd.f32 v28, v56;
	(xrf2) =	vadd.scan.msk.f32 $0xffff, v5  }
0x121: {  	v8 =	vadd.f32 v8, v16;
	(xrf2) =	vadd.scan.msk.f32 $0xffff, v3;
	v3 =	vadd.f32 v29, v63  }
0x122: {  	v25 =	vmul.f32 v20, v20;
	v6 =	vadd.f32 v19, v6;
	v4 =	vadd.f32 v57, v4  }
0x123: {  	v5 =	vadd.f32 v18, v24;
	(xrf2) =	vadd.scan.msk.f32 $0xffff, v7;
	v3 =	vadd.f32 v27, v3  }
0x124: {  	v26 =	vadd.f32 v25, v8;
	(xrf2) =	vadd.scan.msk.f32 $0xffff, v4  }
0x125: {  	v6 =	vadd.f32 v17, v6;
	(xrf2) =	vadd.scan.msk.f32 $0xffff, v5;
	v3 =	vadd.f32 v12, v3  }
0x126: {  	v27, _, _ =	vpop (xrf2);
	(xrf2) =	vadd.scan.msk.f32 $0xffff, v26  }
0x127: {  	v28, _, _ =	vpop (xrf2);
	(xrf2) =	vadd.scan.msk.f32 $0xffff, v6  }
0x128: {  	v29, _, _ =	vpop (xrf2);
	(xrf2) =	vadd.scan.msk.f32 $0xffff, v3  }
0x129: {  	v3, _, _ =	vpop (xrf2)  }
0x12a: {  	v30, _, _ =	vpop (xrf2)  }
0x12b: {  	v32, _, _ =	vpop (xrf2)  }
0x12c: {  	v33, _, _ =	vpop (xrf2)  }
0x12d: {  	v34, _, _ =	vpop (xrf2)  }
0x12e: {  	v35, _, _ =	vpop (xrf2)  }
0x12f: {  	v36, _, _ =	vpop (xrf2)  }
0x130: {  	v37, _, _ =	vpop (xrf2)  }
0x131: {  	v38 =	vmov s21;
	v40, _, _ =	vpop (xrf2)  }
0x132: {  	v22 =	vsel vm0, v31, v22;
	vm1 =	veq.s32 v38, v0;
	v7 =	vbroadcast v30, $0xF;
	v41, _, _ =	vpop (xrf2)  }
0x133: {  	vm2 =	vmmov vm1;
	v12 =	vbroadcast v33, $0xF;
	v19 =	vbroadcast v41, $0xF  }
0x134: {  	v5 =	vbroadcast v27, $0xF;
	v7 =	vsel vm0, v7, v21;
	v14 =	vbroadcast v34, $0xF  }
0x135: {  	v12 =	vsel vm1, v12, v13;
	v42 =	vbroadcast v36, $0xF;
	v7 =	vsel vm2, v19, v7  }
0x136: {  	v1 =	vsel vm0, v5, v1;
	v43 =	vsel vm2, v14, v22;
	v44 =	vadd.f32 v7, v12  }
0x137: {  	v1 =	vsel vm2, v42, v1;
	v45 =	vadd.f32 v43, v7  }
0x138: {  	v46 =	vmul.f32 v1, v12;
	v14 =	vadd.f32 v44, v44  }
0x139: {  	v1 =	vmul.f32 v43, v1;
	v13 =	vadd.f32 v45, v45  }
0x13a: {  	v14 =	vsub.f32 v46, v14  }
0x13b: {  	v6 =	vbroadcast v29, $0xF;
	v8 =	vbroadcast v32, $0xF;
	v1 =	vsub.f32 v1, v13  }
0x13c: {  	v47 =	vbroadcast v37, $0xF;
	v12 =	vmul.f32 v14, v12  }
0x13d: {  	v6 =	vsel vm0, v6, v15;
	v8 =	vsel vm1, v8, v11;
	v1 =	vmul.f32 v1, v43  }
0x13e: {  	v48 =	vsel vm2, v47, v6;
	v49 =	vadd.f32 v12, v8  }
0x13f: {  	v1 =	vadd.f32 v1, v48  }
0x140: {  	v50 =	vmax.f32 v49, $0.0e+00  }
0x141: {  	v1 =	vmax.f32 v1, $0.0e+00;
	v6 =	vshra.s32 v50, $0x1  }
0x142: {  	v51 =	vmul.f32 $5.000000000e-01, v50;
	v52 =	vshra.s32 v1, $0x1;
	v53 =	vmul.f32 $5.000000000e-01, v1  }
0x143: {  	v6 =	vsub.s32 $0x5F3759DF, v6;
	v11 =	vsub.s32 $0x5F3759DF, v52  }
0x144: {  	v54 =	vmul.f32 v6, v51;
	v55 =	vmul.f32 v11, v53;
	_ =	sdelay $0x1  }
0x145: {  	v13 =	vmul.f32 v6, v54;
	v14 =	vmul.f32 v11, v55;
	_ =	sdelay $0x1  }
0x146: {  	v13 =	vsub.f32 $1.500000000e+00, v13;
	v14 =	vsub.f32 $1.500000000e+00, v14;
	_ =	sdelay $0x1  }
0x147: {  	v6 =	vmul.f32 v6, v13;
	v11 =	vmul.f32 v11, v14;
	_ =	sdelay $0x1  }
0x148: {  	v13 =	vmul.f32 v6, v51;
	v14 =	vmul.f32 v11, v53;
	_ =	sdelay $0x1  }
0x149: {  	v13 =	vmul.f32 v13, v6;
	v14 =	vmul.f32 v14, v11;
	_ =	sdelay $0x1  }
0x14a: {  	v13 =	vsub.f32 $1.500000000e+00, v13;
	v14 =	vsub.f32 $1.500000000e+00, v14;
	_ =	sdelay $0x1  }
0x14b: {  	v6 =	vmul.f32 v13, v6;
	v11 =	vmul.f32 v14, v11  }
0x14c: {  	v56 =	vbroadcast v39, $0xF;
	v57 =	vbroadcast v35, $0xF  }
0x14d: {  	v8 =	vmul.f32 v6, v51;
	v12 =	vmul.f32 v11, v53  }
0x14e: {  	v10 =	vsel vm0, v56, v10  }
0x14f: {  	v10 =	vsel vm2, v57, v10;
	v8 =	vmul.f32 v8, v6;
	v12 =	vmul.f32 v12, v11  }
0x150: {  	(erf) = vrcp.f32 v10  }
0x151: {  	v8 =	vsub.f32 $1.500000000e+00, v8;
	v12 =	vsub.f32 $1.500000000e+00, v12  }
0x152: {  	v4 =	vbroadcast v28, $0xF  }
0x153: {  	v6 =	vmul.f32 v8, v6;
	v58 =	vmul.f32 v12, v11  }
0x154: {  	v3 =	vbroadcast v3, $0xF;
	v59 =	vbroadcast v40, $0xF  }
0x155: {  	v2 =	vsel vm1, v4, v2;
	v6 =	vmul.f32 v6, v50;
	v8 =	vmul.f32 v58, v1  }
0x156: {  	vm3 =	vgt.f32 v50, $0.0e+00;
	vm4 =	vgt.f32 v1, $0.0e+00;
	v1 =	vsel vm0, v3, v9  }
0x157: {  	v1 =	vsel vm2, v59, v1;
	v3 =	vnsel vm3, $0x0, v6;
	v60 =	vnsel vm4, $0x0, v8  }
0x158: {  	v7 =	vmul.f32 v7, v7;
	v1 =	vadd.f32 $-1.000000000e+00, v1;
	v6 =	vsub.f32 v3, v60  }
0x159: {  	v2 =	vadd.f32 $-1.000000000e+00, v2;
	v62 =	vpop (erf)  }
0x15a: {  	v1 =	vmax.f32 v1, $0.0e+00;
	v61 =	vadd.f32 $1.000000000e+00, v6;
	v6 =	vmul.f32 v62, v7  }
0x15b: {  	v1 =	vmul.f32 $2.500000000e-01, v1  }
0x15c: {  	v2 =	vmax.f32 v2, $0.0e+00;
	v4 =	vmax.f32 v61, $0.0e+00;
	v6 =	vadd.f32 $-9.999999740e-05, v6  }
0x15d: {  	s5 =	sshll.u32 s12, $0x4;
	s12 =	sadd.s32 $0x1, s12;
	v2 =	vmul.f32 $2.500000000e-01, v2;
	v1 =	vadd.f32 v4, v1  }
0x15e: {  	p0 =	sne.s32 s12, $0x8;
	v63 =	vmax.f32 v6, $0.0e+00  }
.Ltmp1:
0x15f: {  	v1 =	vadd.f32 v1, v2;
	v2 =	vmul.f32 $2.500000000e-01, v63;
	(pc) =	sbr.rel @p0 .LBB2_2-.Ltmp1, $4  }
0x160: {  	_ = 	snop  }
0x161: {  	[tilespmem:s5+$0x18C00] =	vst v3;
	v1 =	vadd.f32 v1, v2  }
0x162: {  	s10 =	sadd.s32 $0x400, s10;
	s17 =	sadd.s32 $0x400, s17;
	s1 =	sadd.s32 $0x400, s1;
	[tilespmem:s5+$0x18E00] =	vst v60  }
0x163: {  	s18 =	sadd.s32 $0x400, s18;
	s19 =	sadd.s32 $0x400, s19;
	s11 =	sadd.s32 $0x400, s11;
	[tilespmem:s5+$0x18A00] =	vst v1  }
0x164: {  	s1 =	simm.s32 $0x100;
	s5 =	simm.s32 $0xA00  }
0x165: {  	[tilespmem:s5], [sflag:$0x2] =	stream.indirect.gather [hbm4b:s26+s20], $0x40, s1, s20, $0xb8;
	[tilespmem:$0x19000] =	vst v63  }
0x166: {  	s12 =	simm.s32 $0x300;
	s13 =	simm.s32 $0x4A00  }
0x167: {  	[tilespmem:s13], [sflag:$0x2] =	stream.indirect.gather [hbm4b:s26+s20], $0x40, s12, s20, $0xb8;
	[tilespmem:$0x19000] =	vst v63  }
0x168: {  	s14 =	simm.s32 $0x500;
	s17 =	simm.s32 $0x8A00  }
0x169: {  	[tilespmem:s17], [sflag:$0x2] =	stream.indirect.gather [hbm4b:s26+s20], $0x40, s14, s20, $0xb8;
	[tilespmem:$0x19000] =	vst v63  }
0x16a: {  	s18 =	simm.s32 $0x700;
	s19 =	simm.s32 $0xCA00  }
0x16b: {  	[tilespmem:s19], [sflag:$0x2] =	stream.indirect.gather [hbm4b:s26+s20], $0x40, s18, s20, $0xb8;
	[tilespmem:$0x19000] =	vst v63  }
0x16c: {  	s21 =	simm.s32 $0x10A00  }
0x16d: {  	[tilespmem:s21], [sflag:$0x2] =	stream.indirect.gather [hbm4b:s29+s20], $0x40, s3, s20, $0xb8;
	[tilespmem:$0x19000] =	vst v63  }
0x16e: {  	s22 =	simm.s32 $0x14A00  }
0x16f: {  	[tilespmem:s22], [sflag:$0x2] =	stream.indirect.gather [hbm4b:s28+s20], $0x40, s3, s20, $0xb8;
	[tilespmem:$0x19000] =	vst v63  }
0x170: {  	_ =	swait.ge [sflag:s15], $0x2000  }
0x171: {  	[sflag:s15] =	ssyncset.done $0x0  }
0x172: {  	[sflag:s15] =	ssyncadd.s32 $0xFFFFE000  }
0x173: {  	_ =	swait.ge [sflag:s15], $0x2000  }
0x174: {  	[sflag:s15] =	ssyncset.done $0x0  }
0x175: {  	[sflag:s15] =	ssyncadd.s32 $0xFFFFE000  }
0x176: {  	_ =	swait.ge [sflag:s15], $0x2000  }
0x177: {  	[sflag:s15] =	ssyncset.done $0x0  }
0x178: {  	[sflag:s15] =	ssyncadd.s32 $0xFFFFE000  }
0x179: {  	_ =	swait.ge [sflag:s15], $0x2000  }
0x17a: {  	[sflag:s15] =	ssyncset.done $0x0  }
0x17b: {  	[sflag:s15] =	ssyncadd.s32 $0xFFFFE000  }
0x17c: {  	_ =	swait.ge [sflag:s15], $0x2000  }
0x17d: {  	[sflag:s15] =	ssyncset.done $0x0  }
0x17e: {  	s10 =	simm.s32 $0x0;
	s11 =	simm.s32 $0x12A00;
	[sflag:s15] =	ssyncadd.s32 $0xFFFFE000  }
0x17f: {  	s1 =	simm.s32 $0x6A00;
	s12 =	simm.s32 $0x16A00;
	_ =	swait.ge [sflag:s15], $0x2000  }
0x180: {  	s17 =	simm.s32 $0x2A00;
	s18 =	simm.s32 $0xAA00;
	[sflag:s15] =	ssyncset.done $0x0  }
0x181: {  	s19 =	simm.s32 $0xEA00;
	s21 =	simm.s32 $0x0;
	[sflag:s15] =	ssyncadd.s32 $0xFFFFE000  }
.LBB2_6:
0x182: {  	v3 =	vmov s1  }
0x183: {  	v4 =	vmov s11  }
0x184: {  	v5 =	vmov s19  }
0x185: {  	v6 =	vmov s17  }
0x186: {  	s5 =	simm.s32 $0x0  }
0x187: {  	v1 =	vld.idx.msk [tilespmem:v3+s5+$0x30 ss:$0x1], $0xffff  }
0x188: {  	v2 =	vld.idx.msk [tilespmem:v4+s5+$0x30 ss:$0x1], $0xffff  }
0x189: {  	v9 =	vld.idx.msk [tilespmem:v5+s5+$0x10 ss:$0x1], $0xffff  }
0x18a: {  	v7 =	vmov s12;
	v10 =	vld.idx.msk [tilespmem:v6+s5+$0x30 ss:$0x1], $0xffff  }
0x18b: {  	v8 =	vmov s18;
	v11 =	vld.idx.msk [tilespmem:v5+s5+$0x30 ss:$0x1], $0xffff  }
0x18c: {  	v12 =	vld.idx.msk [tilespmem:v3+s5+$0x10 ss:$0x1], $0xffff  }
0x18d: {  	v13 =	vld.idx.msk [tilespmem:v5+s5+$0x20 ss:$0x1], $0xffff  }
0x18e: {  	v14 =	vld.idx.msk [tilespmem:v3+s5+$0x0 ss:$0x1], $0xffff  }
0x18f: {  	v15 =	vld.idx.msk [tilespmem:v7+s5+$0x30 ss:$0x1], $0xffff  }
0x190: {  	v16 =	vld.idx.msk [tilespmem:v8+s5+$0x30 ss:$0x1], $0xffff  }
0x191: {  	v17 =	vld.idx.msk [tilespmem:v4+s5+$0x10 ss:$0x1], $0xffff  }
0x192: {  	v19 =	vld.idx.msk [tilespmem:v6+s5+$0x20 ss:$0x1], $0xffff  }
0x193: {  	v20 =	vld.idx.msk [tilespmem:v4+s5+$0x20 ss:$0x1], $0xffff  }
0x194: {  	v21 =	vld.idx.msk [tilespmem:v7+s5+$0x10 ss:$0x1], $0xffff  }
0x195: {  	v24 =	vld.idx.msk [tilespmem:v8+s5+$0x10 ss:$0x1], $0xffff  }
0x196: {  	v25 =	vld.idx.msk [tilespmem:v4+s5+$0x0 ss:$0x1], $0xffff  }
0x197: {  	v31 =	vld.idx.msk [tilespmem:v8+s5+$0x20 ss:$0x1], $0xffff  }
0x198: {  	v33 =	vld.idx.msk [tilespmem:v7+s5+$0x20 ss:$0x1], $0xffff  }
0x199: {  	v37 =	vld.idx.msk [tilespmem:v6+s5+$0x0 ss:$0x1], $0xffff  }
0x19a: {  	s22 =	simm.s32 $0x40;
	v38 =	vld.idx.msk [tilespmem:v6+s5+$0x10 ss:$0x1], $0xffff;
	v26 =	vmul.f32 v1, v1  }
0x19b: {  	v48 =	vld.idx.msk [tilespmem:v5+s22+$0x0 ss:$0x1], $0xffff;
	v23 =	vsub.f32 v10, v1;
	v29 =	vmul.f32 v12, v12;
	v30 =	vmul.f32 v14, v14  }
0x19c: {  	v52 =	vld.idx.msk [tilespmem:v8+s22+$0x0 ss:$0x1], $0xffff;
	v1 =	vimm.f32 $0.0e+00;
	v32 =	vmul.f32 v15, v2;
	v35 =	vmul.f32 v17, v17  }
0x19d: {  	v18 =	vld.idx.msk [tilespmem:v3+s5+$0x20 ss:$0x1], $0xffff;
	v11 =	vsub.f32 v16, v11;
	v36 =	vmul.f32 v20, v20;
	v10 =	vmul.f32 v10, v10  }
0x19e: {  	v40 =	vmul.f32 v19, v19;
	v13 =	vsub.f32 v31, v13;
	v31 =	vmul.f32 v25, v25  }
0x19f: {  	v28 =	vld.idx.msk [tilespmem:v7+s5+$0x0 ss:$0x1], $0xffff;
	v41 =	vmul.f32 v33, v33;
	v14 =	vsub.f32 v37, v14;
	v9 =	vsub.f32 v24, v9  }
0x1a0: {  	v60 =	vld.idx.msk [tilespmem:v6+s22+$0x0 ss:$0x1], $0xffff;
	v24 =	vmul.f32 v37, v37;
	v12 =	vsub.f32 v38, v12;
	v55 =	vmul.f32 v21, v21  }
0x1a1: {  	v63 =	vsub.f32 v52, v48;
	v27 =	vmul.f32 v2, v23;
	v23 =	vadd.f32 v15, v23  }
0x1a2: {  	v22 =	vld.idx.msk [tilespmem:v5+s5+$0x0 ss:$0x1], $0xffff;
	v16 =	vadd.f32 v29, v30;
	v29 =	vmul.f32 v2, v2;
	v30 =	vmul.f32 v18, v18  }
0x1a3: {  	v34 =	vld.idx.msk [tilespmem:v8+s5+$0x0 ss:$0x1], $0xffff;
	v18 =	vsub.f32 v19, v18;
	v2 =	vmul.f32 v2, v11;
	v11 =	vadd.f32 v15, v11  }
0x1a4: {  	v19 =	vmul.f32 v28, v25;
	v53 =	vadd.f32 v21, v9;
	v16 =	vadd.f32 v30, v16  }
0x1a5: {  	v45 =	vld.idx.msk [tilespmem:v5+s22+$0x10 ss:$0x1], $0xffff;
	v31 =	vadd.f32 v35, v31;
	v9 =	vmul.f32 v17, v9;
	v35 =	vmul.f32 v60, v60  }
0x1a6: {  	v43 =	vld.idx.msk [tilespmem:v6+s22+$0x30 ss:$0x1], $0xffff;
	v39 =	vmul.f32 v20, v18;
	v30 =	vmul.f32 v21, v17;
	v16 =	vadd.f32 v26, v16  }
0x1a7: {  	v57 =	vld.idx.msk [tilespmem:v3+s22+$0x0 ss:$0x1], $0xffff;
	v18 =	vadd.f32 v33, v18;
	v19 =	vadd.f32 $0.0e+00, v19;
	v11 =	vmul.f32 v11, v11  }
0x1a8: {  	v26 =	vmul.f32 v33, v20;
	v20 =	vmul.f32 v20, v13;
	(xrf2) =	vadd.scan.msk.f32 $0xffff, v16;
	v16 =	vsub.f32 v34, v22  }
0x1a9: {  	v58 =	vld.idx.msk [tilespmem:v6+s22+$0x20 ss:$0x1], $0xffff;
	v13 =	vadd.f32 v33, v13;
	v22 =	vadd.f32 v28, v14;
	v14 =	vmul.f32 v25, v14  }
0x1aa: {  	v49 =	vld.idx.msk [tilespmem:v7+s22+$0x10 ss:$0x1], $0xffff;
	v54 =	vmul.f32 v25, v16;
	v42 =	vadd.f32 v28, v16;
	v16 =	vadd.f32 v21, v12  }
0x1ab: {  	v59 =	vld.idx.msk [tilespmem:v8+s22+$0x10 ss:$0x1], $0xffff;
	v25 =	vmul.f32 v28, v28;
	v14 =	vadd.f32 $0.0e+00, v14;
	v12 =	vmul.f32 v17, v12  }
0x1ac: {  	v21 =	vld.idx.msk [tilespmem:v3+s22+$0x30 ss:$0x1], $0xffff;
	v22 =	vmul.f32 v22, v22;
	v37 =	vadd.f32 $0.0e+00, v54;
	v16 =	vmul.f32 v16, v16  }
0x1ad: {  	v50 =	vld.idx.msk [tilespmem:v4+s22+$0x0 ss:$0x1], $0xffff;
	v18 =	vmul.f32 v18, v18;
	v25 =	vadd.f32 v55, v25;
	v12 =	vadd.f32 v12, v14  }
0x1ae: {  	v28 =	vld.idx.msk [tilespmem:v4+s22+$0x30 ss:$0x1], $0xffff;
	v17 =	vmov s10;
	v16 =	vadd.f32 v16, v22;
	v9 =	vadd.f32 v9, v37  }
0x1af: {  	v14 =	vmul.f32 v15, v15;
	v15 =	vld.idx.msk [tilespmem:v3+s22+$0x10 ss:$0x1], $0xffff;
	v25 =	vadd.f32 v41, v25;
	v12 =	vadd.f32 v39, v12  }
0x1b0: {  	vm0 =	veq.s32 v17, v0;
	v22 =	vld.idx.msk [tilespmem:v5+s22+$0x30 ss:$0x1], $0xffff;
	v16 =	vadd.f32 v18, v16;
	v9 =	vadd.f32 v20, v9  }
0x1b1: {  	v18 =	vmul.f32 v23, v23;
	v41 =	vadd.f32 v14, v25;
	v20 =	vsub.f32 v43, v21;
	v25 =	vld.idx.msk [tilespmem:v4+s22+$0x10 ss:$0x1], $0xffff  }
0x1b2: {  	v44 =	vmul.f32 v21, v21;
	v12 =	vadd.f32 v27, v12;
	v21 =	vadd.f32 v36, v31;
	v27 =	vld.idx.msk [tilespmem:v3+s22+$0x20 ss:$0x1], $0xffff;
	v17, _, _ =	vpop (xrf2)  }
0x1b3: {  	v39 =	vsub.f32 v60, v57;
	v14 =	vadd.f32 v18, v16;
	v16 =	vld.idx.msk [tilespmem:v7+s22+$0x30 ss:$0x1], $0xffff;
	v17 =	vbroadcast v17, $0xF  }
0x1b4: {  	v31 =	vmul.f32 v15, v15;
	v9 =	vadd.f32 v2, v9;
	v18 =	vld.idx.msk [tilespmem:v8+s22+$0x30 ss:$0x1], $0xffff;
	v21 =	vadd.f32 v29, v21  }
0x1b5: {  	v29 =	vmul.f32 v57, v57;
	(xrf2) =	vadd.scan.msk.f32 $0xffff, v14;
	v2 =	vsel vm0, v17, v1;
	v17 =	vmul.f32 v38, v38  }
0x1b6: {  	v46 =	vld.idx.msk [tilespmem:v4+s22+$0x20 ss:$0x1], $0xffff;
	v13 =	vmul.f32 v13, v13;
	v54 =	vsub.f32 v59, v45;
	v52 =	vmul.f32 v50, v39  }
0x1b7: {  	v14 =	vmul.f32 v28, v20;
	v29 =	vadd.f32 v31, v29;
	(xrf2) =	vadd.scan.msk.f32 $0xffff, v12;
	v47 =	vadd.f32 v17, v24  }
0x1b8: {  	v31 =	vmul.f32 v27, v27;
	(xrf2) =	vadd.scan.msk.f32 $0xffff, v9;
	v23 =	vadd.f32 v16, v20;
	v17 =	vadd.f32 v30, v19  }
0x1b9: {  	v56 =	vld.idx.msk [tilespmem:v5+s22+$0x20 ss:$0x1], $0xffff;
	v19 =	vsub.f32 v18, v22;
	v20 =	vmul.f32 v42, v42;
	v22 =	vmul.f32 v53, v53  }
0x1ba: {  	v37 =	vld.idx.msk [tilespmem:v7+s22+$0x0 ss:$0x1], $0xffff;
	v51 =	vsub.f32 v58, v27;
	v38 =	vadd.f32 v49, v54;
	v9 =	vmul.f32 v25, v25  }
0x1bb: {  	v27 =	vld.idx.msk [tilespmem:v8+s22+$0x20 ss:$0x1], $0xffff;
	v12 =	vmul.f32 v16, v28;
	v18 =	vmul.f32 v28, v28;
	v22 =	vadd.f32 v22, v20  }
0x1bc: {  	v24 =	vmul.f32 v46, v46;
	v33 =	vmul.f32 v46, v51;
	v29 =	vadd.f32 v31, v29  }
0x1bd: {  	v30 =	vadd.f32 v26, v17;
	v28 =	vmul.f32 v28, v19;
	v20 =	vadd.f32 v16, v19;
	v26 =	vld.idx.msk [tilespmem:v7+s22+$0x20 ss:$0x1], $0xffff  }
0x1be: {  	v17 =	vmul.f32 v43, v43;
	v19 =	vmul.f32 v58, v58;
	v61 =	vadd.f32 v40, v47  }
0x1bf: {  	v47 =	vmul.f32 v49, v49;
	v40 =	vadd.f32 v37, v63;
	v13 =	vadd.f32 v13, v22;
	v22, _, _ =	vpop (xrf2);
	(xrf2) =	vadd.scan.msk.f32 $0xffff, v41  }
0x1c0: {  	v34 =	vsub.f32 v27, v56;
	v36 =	vadd.f32 v32, v30;
	v30 =	vld.idx.msk [tilespmem:v6+s22+$0x10 ss:$0x1], $0xffff;
	v32 =	vmul.f32 v37, v50  }
0x1c1: {  	v43 =	vadd.f32 v10, v61;
	v10 =	vadd.f32 v44, v29;
	v29 =	vmul.f32 v49, v25;
	v62, _, _ =	vpop (xrf2)  }
0x1c2: {  	v45 =	vmul.f32 v46, v34;
	v53 =	vadd.f32 v11, v13;
	v27 =	vmul.f32 v26, v46;
	v31, _, _ =	vpop (xrf2);
	(xrf2) =	vadd.scan.msk.f32 $0xffff, v21  }
0x1c3: {  	v44 =	vmul.f32 v26, v26;
	v46 =	vadd.f32 v26, v51;
	v51 =	vmul.f32 v25, v54  }
0x1c4: {  	v41 =	vadd.f32 v37, v39;
	v22 =	vbroadcast v22, $0xF;
	v13 =	vbroadcast v62, $0xF  }
0x1c5: {  	v48 =	vsub.f32 v30, v15;
	v15 =	vmul.f32 v50, v63;
	v21 =	vimm.f32 $0.0e+00;
	(xrf2) =	vadd.scan.msk.f32 $0xffff, v10  }
0x1c6: {  	v11 =	vsel vm0, v22, v1;
	v22 =	vmul.f32 v50, v50;
	v31 =	vbroadcast v31, $0xF  }
0x1c7: {  	v10 =	vimm.f32 $0.0e+00;
	v13 =	vsel vm0, v13, v1;
	vm0 =	vmmov vm0  }
0x1c8: {  	v50 =	vadd.f32 $0.0e+00, v15;
	v49 =	vadd.f32 v49, v48;
	v15 =	vimm.f32 $0.0e+00;
	(xrf2) =	vadd.scan.msk.f32 $0xffff, v53  }
0x1c9: {  	s13 =	simm.s32 $0x1;
	s22 =	simm.s32 $0x200;
	v42 =	vadd.f32 v9, v22;
	v22 =	vimm.f32 $0.0e+00;
	v9 =	vimm.f32 $0.0e+00;
	v39, _, _ =	vpop (xrf2)  }
.LBB2_7:
0x1ca: {  	s14 =	smov.u32 s22  }
0x1cb: {  	s5 =	sshra.s32 s22, $0x2;
	v52 =	vadd.f32 $0.0e+00, v52;
	v25 =	vmul.f32 v25, v48;
	v53 =	vmov s13;
	s13 =	sadd.s32 $0x1, s13;
	(xrf2) =	vadd.scan.msk.f32 $0xffff, v43;
	s14 =	sadd.s32 $0x100, s22  }
0x1cc: {  	p0 =	sne.s32 s22, $0xF00;
	v37 =	vmul.f32 v37, v37;
	v50 =	vadd.f32 v51, v50;
	vm1 =	veq.s32 v53, v0;
	v43 =	vld.idx.msk [tilespmem:v3+s5+$0x30 ss:$0x1], $0xffff;
	v48, _, _ =	vpop (xrf2)  }
0x1cd: {  	v53 =	vmul.f32 v41, v41;
	v49 =	vmul.f32 v49, v49;
	v25 =	vadd.f32 v25, v52;
	v51 =	vld.idx.msk [tilespmem:v4+s5+$0x30 ss:$0x1], $0xffff  }
0x1ce: {  	v37 =	vadd.f32 v47, v37;
	v47 =	vbroadcast v39, $0xF;
	v45 =	vadd.f32 v45, v50;
	v41 =	vld.idx.msk [tilespmem:v5+s5+$0x10 ss:$0x1], $0xffff;
	(xrf2) =	vadd.scan.msk.f32 $0xffff, v36  }
0x1cf: {  	v46 =	vmul.f32 v46, v46;
	v52 =	vmul.f32 v16, v16;
	v49 =	vadd.f32 v49, v53;
	v36 =	vld.idx.msk [tilespmem:v6+s5+$0x30 ss:$0x1], $0xffff;
	v39, _, _ =	vpop (xrf2)  }
0x1d0: {  	v48 =	vbroadcast v48, $0xF;
	v37 =	vadd.f32 v44, v37;
	v50 =	vld.idx.msk [tilespmem:v5+s5+$0x30 ss:$0x1], $0xffff;
	v44 =	vbroadcast v39, $0xF  }
0x1d1: {  	v23 =	vmul.f32 v23, v23;
	v25 =	vadd.f32 v33, v25;
	v33 =	vadd.f32 v46, v49;
	v39 =	vld.idx.msk [tilespmem:v3+s5+$0x10 ss:$0x1], $0xffff  }
0x1d2: {  	v28 =	vadd.f32 v28, v45;
	v1 =	vsel vm0, v48, v1;
	v49 =	vadd.f32 v52, v37;
	v46 =	vld.idx.msk [tilespmem:v5+s5+$0x20 ss:$0x1], $0xffff;
	v16, _, _ =	vpop (xrf2)  }
0x1d3: {  	v48 =	vmul.f32 v43, v43;
	v23 =	vadd.f32 v23, v33;
	v45 =	vld.idx.msk [tilespmem:v3+s5+$0x0 ss:$0x1], $0xffff;
	v33 =	vbroadcast v16, $0xF  }
0x1d4: {  	v10 =	vsel vm0, v47, v10;
	v37 =	vadd.f32 v14, v25;
	v2 =	vsel vm1, v44, v2;
	v16 =	vld.idx.msk [tilespmem:v7+s5+$0x30 ss:$0x1], $0xffff  }
0x1d5: {  	v32 =	vadd.f32 $0.0e+00, v32;
	v43 =	vsub.f32 v36, v43;
	v44 =	vld.idx.msk [tilespmem:v8+s5+$0x30 ss:$0x1], $0xffff;
	(xrf2) =	vadd.scan.msk.f32 $0xffff, v23;
	v15 =	vsel vm0, v33, v15;
	v14, _, _ =	vpop (xrf2)  }
0x1d6: {  	v47 =	vadd.f32 v24, v42;
	v23 =	vmul.f32 v30, v30;
	v25 =	vld.idx.msk [tilespmem:v4+s5+$0x10 ss:$0x1], $0xffff;
	v30 =	vbroadcast v14, $0xF  }
0x1d7: {  	v26 =	vadd.f32 v26, v34;
	v22 =	vsel vm0, v31, v22;
	v14 =	vmul.f32 v51, v43;
	v33 =	vld.idx.msk [tilespmem:v3+s5+$0x20 ss:$0x1], $0xffff  }
0x1d8: {  	v42 =	vadd.f32 v18, v47;
	v31 =	vmul.f32 v39, v39;
	v34 =	vld.idx.msk [tilespmem:v6+s5+$0x20 ss:$0x1], $0xffff;
	(xrf2) =	vadd.scan.msk.f32 $0xffff, v37;
	v24, _, _ =	vpop (xrf2)  }
0x1d9: {  	v35 =	vadd.f32 v23, v35;
	v18 =	vmul.f32 v45, v45;
	v9 =	vsel vm0, v30, v9;
	v47 =	vld.idx.msk [tilespmem:v4+s5+$0x20 ss:$0x1], $0xffff  }
0x1da: {  	v29 =	vadd.f32 v29, v32;
	v23 =	vadd.f32 v16, v43;
	v43 =	vmul.f32 v16, v51;
	v53 =	vld.idx.msk [tilespmem:v7+s5+$0x10 ss:$0x1], $0xffff  }
0x1db: {  	v32 =	vmul.f32 v40, v40;
	v37 =	vmul.f32 v38, v38;
	v30 =	vsub.f32 v44, v50;
	v52 =	vld.idx.msk [tilespmem:v5+s5+$0x0 ss:$0x1], $0xffff  }
0x1dc: {  	v27 =	vadd.f32 v27, v29;
	v31 =	vadd.f32 v31, v18;
	v18 =	vmul.f32 v51, v51;
	v38 =	vld.idx.msk [tilespmem:v8+s5+$0x10 ss:$0x1], $0xffff  }
0x1dd: {  	v40 =	vbroadcast v24, $0xF;
	v32 =	vadd.f32 v37, v32;
	v29 =	vmul.f32 v33, v33;
	v50 =	vld.idx.msk [tilespmem:v4+s5+$0x0 ss:$0x1], $0xffff;
	(xrf2) =	vadd.scan.msk.f32 $0xffff, v28  }
0x1de: {  	v54 =	vmul.f32 v25, v25;
	v55 =	vsub.f32 v34, v33;
	v33 =	vmul.f32 v26, v26;
	v37 =	vld.idx.msk [tilespmem:v7+s5+$0x0 ss:$0x1], $0xffff  }
0x1df: {  	v21 =	vsel vm0, v40, v21;
	v28 =	vmul.f32 v51, v30;
	v24 =	vmul.f32 v47, v47;
	v44 =	vld.idx.msk [tilespmem:v8+s5+$0x20 ss:$0x1], $0xffff;
	v51, _, _ =	vpop (xrf2)  }
0x1e0: {  	v56 =	vmul.f32 v36, v36;
	v40 =	vadd.f32 v16, v30;
	v32 =	vadd.f32 v33, v32;
	v26 =	vld.idx.msk [tilespmem:v7+s5+$0x20 ss:$0x1], $0xffff  }
0x1e1: {  	v59 =	vmul.f32 v20, v20;
	v36 =	vadd.f32 v12, v27;
	v33 =	vmul.f32 v47, v55;
	v57 =	vld.idx.msk [tilespmem:v8+s5+$0x0 ss:$0x1], $0xffff  }
0x1e2: {  	v35 =	vadd.f32 v19, v35;
	v19 =	vmul.f32 v34, v34;
	v27 =	vbroadcast v51, $0xF;
	v58 =	vld.idx.msk [tilespmem:v6+s5+$0x0 ss:$0x1], $0xffff;
	v34, _, _ =	vpop (xrf2);
	(xrf2) =	vadd.scan.msk.f32 $0xffff, v49  }
0x1e3: {  	v12 =	vmovc v43;
	v29 =	vadd.f32 v29, v31;
	v49 =	vadd.f32 v59, v32;
	v30 =	vld.idx.msk [tilespmem:v6+s5+$0x10 ss:$0x1], $0xffff;
	v31 =	vbroadcast v34, $0xF  }
0x1e4: {  	v43 =	vadd.f32 v17, v35;
	v20 =	vmovc v40;
	v11 =	vsel vm1, v27, v11;
	v32 =	vmul.f32 v37, v50  }
0x1e5: {  	v40 =	vadd.f32 v48, v29;
	v34 =	vsub.f32 v44, v46;
	v13 =	vsel vm1, v31, v13;
	(xrf2) =	vadd.scan.msk.f32 $0xffff, v42  }
0x1e6: {  	v17 =	vmovc v56;
	vm0 =	vmmov vm1;
	v29 =	vmul.f32 v53, v25;
	v27 =	vmul.f32 v26, v47  }
0x1e7: {  	v42 =	vmul.f32 v50, v50;
	v44 =	vmul.f32 v26, v26;
	v31, _, _ =	vpop (xrf2)  }
0x1e8: {  	v51 =	vsub.f32 v38, v41;
	v46 =	vsub.f32 v58, v45;
	v35 =	vmul.f32 v58, v58;
	(xrf2) =	vadd.scan.msk.f32 $0xffff, v40  }
.Ltmp2:
0x1e9: {  	v40 =	vsub.f32 v57, v52;
	v48 =	vsub.f32 v30, v39;
	v31 =	vbroadcast v31, $0xF;
	(pc) =	sbr.rel @p0 .LBB2_7-.Ltmp2, $4  }
0x1ea: {  	v38 =	vadd.f32 v53, v51;
	v45 =	vmul.f32 v47, v34;
	v41 =	vadd.f32 v37, v46  }
0x1eb: {  	v42 =	vadd.f32 v54, v42;
	v47 =	vmul.f32 v53, v53;
	v56 =	vmul.f32 v50, v40;
	(xrf2) =	vadd.scan.msk.f32 $0xffff, v49  }
0x1ec: {  	v52 =	vmul.f32 v50, v46;
	v46 =	vadd.f32 v26, v55;
	v40 =	vadd.f32 v37, v40;
	v39, _, _ =	vpop (xrf2)  }
0x1ed: {  	s22 =	smov.u32 s14;
	v51 =	vmul.f32 v25, v51;
	v49 =	vadd.f32 v53, v48;
	v50 =	vadd.f32 $0.0e+00, v56  }
0x1ee: {  	v3 =	vmul.f32 v25, v48  }
0x1ef: {  	v4 =	vmul.f32 v37, v37;
	v6 =	vmul.f32 v41, v41  }
0x1f0: {  	v5 =	vadd.f32 $0.0e+00, v52;
	v55 =	vmul.f32 v46, v46;
	v7 =	vmul.f32 v49, v49  }
0x1f1: {  	v57 =	vmul.f32 v16, v16;
	v59 =	vadd.f32 v26, v34;
	v63 =	vadd.f32 $0.0e+00, v32  }
0x1f2: {  	v60 =	vmul.f32 v40, v40;
	v24 =	vadd.f32 v24, v42;
	v54 =	vadd.f32 v7, v6  }
0x1f3: {  	v61 =	vmul.f32 v38, v38;
	v8 =	vadd.f32 v51, v50;
	v3 =	vadd.f32 v3, v5  }
0x1f4: {  	v58 =	vmul.f32 v23, v23;
	v4 =	vadd.f32 v47, v4;
	v5 =	vadd.f32 v55, v54  }
0x1f5: {  	v62 =	vmul.f32 v30, v30;
	v16 =	vadd.f32 v61, v60;
	v3 =	vadd.f32 v33, v3  }
0x1f6: {  	(xrf2) =	vadd.scan.msk.f32 $0xffff, v43;
	v56 =	vadd.f32 v45, v8;
	v5 =	vadd.f32 v58, v5  }
0x1f7: {  	(xrf2) =	vadd.scan.msk.f32 $0xffff, v36;
	v8 =	vmul.f32 v59, v59;
	v6 =	vadd.f32 v62, v35;
	v3 =	vadd.f32 v14, v3  }
0x1f8: {  	v4 =	vadd.f32 v44, v4;
	v7 =	vadd.f32 v28, v56;
	(xrf2) =	vadd.scan.msk.f32 $0xffff, v5  }
0x1f9: {  	v8 =	vadd.f32 v8, v16;
	(xrf2) =	vadd.scan.msk.f32 $0xffff, v3;
	v3 =	vadd.f32 v29, v63  }
0x1fa: {  	v25 =	vmul.f32 v20, v20;
	v6 =	vadd.f32 v19, v6;
	v4 =	vadd.f32 v57, v4  }
0x1fb: {  	v5 =	vadd.f32 v18, v24;
	(xrf2) =	vadd.scan.msk.f32 $0xffff, v7;
	v3 =	vadd.f32 v27, v3  }
0x1fc: {  	v26 =	vadd.f32 v25, v8;
	(xrf2) =	vadd.scan.msk.f32 $0xffff, v4  }
0x1fd: {  	v6 =	vadd.f32 v17, v6;
	(xrf2) =	vadd.scan.msk.f32 $0xffff, v5;
	v3 =	vadd.f32 v12, v3  }
0x1fe: {  	v27, _, _ =	vpop (xrf2);
	(xrf2) =	vadd.scan.msk.f32 $0xffff, v26  }
0x1ff: {  	v28, _, _ =	vpop (xrf2);
	(xrf2) =	vadd.scan.msk.f32 $0xffff, v6  }
0x200: {  	v29, _, _ =	vpop (xrf2);
	(xrf2) =	vadd.scan.msk.f32 $0xffff, v3  }
0x201: {  	v3, _, _ =	vpop (xrf2)  }
0x202: {  	v30, _, _ =	vpop (xrf2)  }
0x203: {  	v32, _, _ =	vpop (xrf2)  }
0x204: {  	v33, _, _ =	vpop (xrf2)  }
0x205: {  	v34, _, _ =	vpop (xrf2)  }
0x206: {  	v35, _, _ =	vpop (xrf2)  }
0x207: {  	v36, _, _ =	vpop (xrf2)  }
0x208: {  	v37, _, _ =	vpop (xrf2)  }
0x209: {  	v38 =	vmov s13;
	v40, _, _ =	vpop (xrf2)  }
0x20a: {  	v22 =	vsel vm0, v31, v22;
	vm1 =	veq.s32 v38, v0;
	v7 =	vbroadcast v30, $0xF;
	v41, _, _ =	vpop (xrf2)  }
0x20b: {  	vm2 =	vmmov vm1;
	v12 =	vbroadcast v33, $0xF;
	v19 =	vbroadcast v41, $0xF  }
0x20c: {  	v5 =	vbroadcast v27, $0xF;
	v7 =	vsel vm0, v7, v21;
	v14 =	vbroadcast v34, $0xF  }
0x20d: {  	v12 =	vsel vm1, v12, v13;
	v42 =	vbroadcast v36, $0xF;
	v7 =	vsel vm2, v19, v7  }
0x20e: {  	v1 =	vsel vm0, v5, v1;
	v43 =	vsel vm2, v14, v22;
	v44 =	vadd.f32 v7, v12  }
0x20f: {  	v1 =	vsel vm2, v42, v1;
	v45 =	vadd.f32 v43, v7  }
0x210: {  	v46 =	vmul.f32 v1, v12;
	v14 =	vadd.f32 v44, v44  }
0x211: {  	v1 =	vmul.f32 v43, v1;
	v13 =	vadd.f32 v45, v45  }
0x212: {  	v14 =	vsub.f32 v46, v14  }
0x213: {  	v6 =	vbroadcast v29, $0xF;
	v8 =	vbroadcast v32, $0xF;
	v1 =	vsub.f32 v1, v13  }
0x214: {  	v47 =	vbroadcast v37, $0xF;
	v12 =	vmul.f32 v14, v12  }
0x215: {  	v6 =	vsel vm0, v6, v15;
	v8 =	vsel vm1, v8, v11;
	v1 =	vmul.f32 v1, v43  }
0x216: {  	v48 =	vsel vm2, v47, v6;
	v49 =	vadd.f32 v12, v8  }
0x217: {  	v1 =	vadd.f32 v1, v48  }
0x218: {  	v50 =	vmax.f32 v49, $0.0e+00  }
0x219: {  	v1 =	vmax.f32 v1, $0.0e+00;
	v6 =	vshra.s32 v50, $0x1  }
0x21a: {  	v51 =	vmul.f32 $5.000000000e-01, v50;
	v52 =	vshra.s32 v1, $0x1;
	v53 =	vmul.f32 $5.000000000e-01, v1  }
0x21b: {  	v6 =	vsub.s32 $0x5F3759DF, v6;
	v11 =	vsub.s32 $0x5F3759DF, v52  }
0x21c: {  	v54 =	vmul.f32 v6, v51;
	v55 =	vmul.f32 v11, v53;
	_ =	sdelay $0x1  }
0x21d: {  	v13 =	vmul.f32 v6, v54;
	v14 =	vmul.f32 v11, v55;
	_ =	sdelay $0x1  }
0x21e: {  	v13 =	vsub.f32 $1.500000000e+00, v13;
	v14 =	vsub.f32 $1.500000000e+00, v14;
	_ =	sdelay $0x1  }
0x21f: {  	v6 =	vmul.f32 v6, v13;
	v11 =	vmul.f32 v11, v14;
	_ =	sdelay $0x1  }
0x220: {  	v13 =	vmul.f32 v6, v51;
	v14 =	vmul.f32 v11, v53;
	_ =	sdelay $0x1  }
0x221: {  	v13 =	vmul.f32 v13, v6;
	v14 =	vmul.f32 v14, v11;
	_ =	sdelay $0x1  }
0x222: {  	v13 =	vsub.f32 $1.500000000e+00, v13;
	v14 =	vsub.f32 $1.500000000e+00, v14;
	_ =	sdelay $0x1  }
0x223: {  	v6 =	vmul.f32 v13, v6;
	v11 =	vmul.f32 v14, v11  }
0x224: {  	v56 =	vbroadcast v39, $0xF;
	v57 =	vbroadcast v35, $0xF  }
0x225: {  	v8 =	vmul.f32 v6, v51;
	v12 =	vmul.f32 v11, v53  }
0x226: {  	v10 =	vsel vm0, v56, v10  }
0x227: {  	v10 =	vsel vm2, v57, v10;
	v8 =	vmul.f32 v8, v6;
	v12 =	vmul.f32 v12, v11  }
0x228: {  	(erf) = vrcp.f32 v10  }
0x229: {  	v8 =	vsub.f32 $1.500000000e+00, v8;
	v12 =	vsub.f32 $1.500000000e+00, v12  }
0x22a: {  	v4 =	vbroadcast v28, $0xF  }
0x22b: {  	v6 =	vmul.f32 v8, v6;
	v58 =	vmul.f32 v12, v11  }
0x22c: {  	v3 =	vbroadcast v3, $0xF;
	v59 =	vbroadcast v40, $0xF  }
0x22d: {  	v2 =	vsel vm1, v4, v2;
	v6 =	vmul.f32 v6, v50;
	v8 =	vmul.f32 v58, v1  }
0x22e: {  	vm3 =	vgt.f32 v50, $0.0e+00;
	vm4 =	vgt.f32 v1, $0.0e+00;
	v1 =	vsel vm0, v3, v9  }
0x22f: {  	v1 =	vsel vm2, v59, v1;
	v3 =	vnsel vm3, $0x0, v6;
	v60 =	vnsel vm4, $0x0, v8  }
0x230: {  	v7 =	vmul.f32 v7, v7;
	v1 =	vadd.f32 $-1.000000000e+00, v1;
	v6 =	vsub.f32 v3, v60  }
0x231: {  	v2 =	vadd.f32 $-1.000000000e+00, v2;
	v62 =	vpop (erf)  }
0x232: {  	v1 =	vmax.f32 v1, $0.0e+00;
	v61 =	vadd.f32 $1.000000000e+00, v6;
	v6 =	vmul.f32 v62, v7  }
0x233: {  	v1 =	vmul.f32 $2.500000000e-01, v1  }
0x234: {  	v2 =	vmax.f32 v2, $0.0e+00;
	v4 =	vmax.f32 v61, $0.0e+00;
	v6 =	vadd.f32 $-9.999999740e-05, v6  }
0x235: {  	s5 =	sshll.u32 s21, $0x4;
	s21 =	sadd.s32 $0x1, s21;
	v2 =	vmul.f32 $2.500000000e-01, v2;
	v1 =	vadd.f32 v4, v1  }
0x236: {  	p0 =	sne.s32 s21, $0x8;
	v63 =	vmax.f32 v6, $0.0e+00  }
.Ltmp3:
0x237: {  	v1 =	vadd.f32 v1, v2;
	v2 =	vmul.f32 $2.500000000e-01, v63;
	(pc) =	sbr.rel @p0 .LBB2_6-.Ltmp3, $4  }
0x238: {  	_ = 	snop  }
0x239: {  	[tilespmem:s5+$0x18C80] =	vst v3;
	v1 =	vadd.f32 v1, v2  }
0x23a: {  	s17 =	sadd.s32 $0x400, s17;
	s1 =	sadd.s32 $0x400, s1;
	s18 =	sadd.s32 $0x400, s18;
	[tilespmem:s5+$0x18E80] =	vst v60  }
0x23b: {  	s19 =	sadd.s32 $0x400, s19;
	s11 =	sadd.s32 $0x400, s11;
	s12 =	sadd.s32 $0x400, s12;
	[tilespmem:s5+$0x18A80] =	vst v1  }
0x23c: {  	s1 =	simm.s32 $0x180;
	s5 =	simm.s32 $0x2A00  }
0x23d: {  	[tilespmem:s5], [sflag:$0x3] =	stream.indirect.gather [hbm4b:s26+s20], $0x40, s1, s20, $0xb8;
	[tilespmem:$0x19000] =	vst v63  }
0x23e: {  	s13 =	simm.s32 $0x380;
	s14 =	simm.s32 $0x6A00  }
0x23f: {  	[tilespmem:s14], [sflag:$0x3] =	stream.indirect.gather [hbm4b:s26+s20], $0x40, s13, s20, $0xb8;
	[tilespmem:$0x19000] =	vst v63  }
0x240: {  	s17 =	simm.s32 $0x580;
	s18 =	simm.s32 $0xAA00  }
0x241: {  	[tilespmem:s18], [sflag:$0x3] =	stream.indirect.gather [hbm4b:s26+s20], $0x40, s17, s20, $0xb8;
	[tilespmem:$0x19000] =	vst v63  }
0x242: {  	s19 =	simm.s32 $0x780;
	s21 =	simm.s32 $0xEA00  }
0x243: {  	[tilespmem:s21], [sflag:$0x3] =	stream.indirect.gather [hbm4b:s26+s20], $0x40, s19, s20, $0xb8;
	[tilespmem:$0x19000] =	vst v63  }
0x244: {  	s22 =	simm.s32 $0x12A00  }
0x245: {  	[tilespmem:s22], [sflag:$0x3] =	stream.indirect.gather [hbm4b:s29+s20], $0x40, s7, s20, $0xb8;
	[tilespmem:$0x19000] =	vst v63  }
0x246: {  	_ = 	snop  }
0x247: {  	[tilespmem:s9], [sflag:$0x3] =	stream.indirect.gather [hbm4b:s28+s20], $0x40, s7, s20, $0xb8;
	[tilespmem:$0x19000] =	vst v63  }
0x248: {  	_ =	swait.ge [sflag:s4], $0x2000  }
0x249: {  	[sflag:s4] =	ssyncset.done $0x0  }
0x24a: {  	[sflag:s4] =	ssyncadd.s32 $0xFFFFE000  }
0x24b: {  	_ =	swait.ge [sflag:s4], $0x2000  }
0x24c: {  	[sflag:s4] =	ssyncset.done $0x0  }
0x24d: {  	[sflag:s4] =	ssyncadd.s32 $0xFFFFE000  }
0x24e: {  	_ =	swait.ge [sflag:s4], $0x2000  }
0x24f: {  	[sflag:s4] =	ssyncset.done $0x0  }
0x250: {  	[sflag:s4] =	ssyncadd.s32 $0xFFFFE000  }
0x251: {  	_ =	swait.ge [sflag:s4], $0x2000  }
0x252: {  	[sflag:s4] =	ssyncset.done $0x0  }
0x253: {  	[sflag:s4] =	ssyncadd.s32 $0xFFFFE000  }
0x254: {  	_ =	swait.ge [sflag:s4], $0x2000  }
0x255: {  	[sflag:s4] =	ssyncset.done $0x0  }
0x256: {  	s10 =	simm.s32 $0x0;
	s11 =	simm.s32 $0x10A30;
	[sflag:s4] =	ssyncadd.s32 $0xFFFFE000  }
0x257: {  	s12 =	simm.s32 $0x14A30;
	s1 =	simm.s32 $0x4A30;
	_ =	swait.ge [sflag:s4], $0x2000  }
0x258: {  	s17 =	simm.s32 $0xA20;
	s18 =	simm.s32 $0x8A30;
	[sflag:s4] =	ssyncset.done $0x0  }
0x259: {  	s19 =	simm.s32 $0xCA30;
	s21 =	simm.s32 $0x0;
	[sflag:s4] =	ssyncadd.s32 $0xFFFFE000  }
.LBB2_10:
0x25a: {  	v3 =	vmov s1  }
0x25b: {  	v4 =	vmov s11  }
0x25c: {  	v5 =	vmov s19  }
0x25d: {  	v6 =	vmov s17  }
0x25e: {  	s5 =	simm.s32 $0x0  }
0x25f: {  	v1 =	vld.idx.msk [tilespmem:v3+s5+$0x0 ss:$0x1], $0xffff  }
0x260: {  	v2 =	vld.idx.msk [tilespmem:v4+s5+$0x0 ss:$0x1], $0xffff  }
0x261: {  	v9 =	vld.idx.msk [tilespmem:v5+s5+$0xFFFFFFE0 ss:$0x1], $0xffff  }
0x262: {  	v7 =	vmov s12;
	v10 =	vld.idx.msk [tilespmem:v6+s5+$0x10 ss:$0x1], $0xffff  }
0x263: {  	v8 =	vmov s18;
	v11 =	vld.idx.msk [tilespmem:v5+s5+$0x0 ss:$0x1], $0xffff  }
0x264: {  	v12 =	vld.idx.msk [tilespmem:v3+s5+$0xFFFFFFE0 ss:$0x1], $0xffff  }
0x265: {  	v13 =	vld.idx.msk [tilespmem:v5+s5+$0xFFFFFFF0 ss:$0x1], $0xffff  }
0x266: {  	v14 =	vld.idx.msk [tilespmem:v3+s5+$0xFFFFFFD0 ss:$0x1], $0xffff  }
0x267: {  	v15 =	vld.idx.msk [tilespmem:v7+s5+$0x0 ss:$0x1], $0xffff  }
0x268: {  	v16 =	vld.idx.msk [tilespmem:v8+s5+$0x0 ss:$0x1], $0xffff  }
0x269: {  	v17 =	vld.idx.msk [tilespmem:v4+s5+$0xFFFFFFE0 ss:$0x1], $0xffff  }
0x26a: {  	v19 =	vld.idx.msk [tilespmem:v6+s5+$0x0 ss:$0x1], $0xffff  }
0x26b: {  	v20 =	vld.idx.msk [tilespmem:v4+s5+$0xFFFFFFF0 ss:$0x1], $0xffff  }
0x26c: {  	v21 =	vld.idx.msk [tilespmem:v7+s5+$0xFFFFFFE0 ss:$0x1], $0xffff  }
0x26d: {  	v24 =	vld.idx.msk [tilespmem:v8+s5+$0xFFFFFFE0 ss:$0x1], $0xffff  }
0x26e: {  	v25 =	vld.idx.msk [tilespmem:v4+s5+$0xFFFFFFD0 ss:$0x1], $0xffff  }
0x26f: {  	v31 =	vld.idx.msk [tilespmem:v8+s5+$0xFFFFFFF0 ss:$0x1], $0xffff  }
0x270: {  	v33 =	vld.idx.msk [tilespmem:v7+s5+$0xFFFFFFF0 ss:$0x1], $0xffff  }
0x271: {  	v37 =	vld.idx.msk [tilespmem:v6+s5+$0xFFFFFFE0 ss:$0x1], $0xffff  }
0x272: {  	s22 =	simm.s32 $0x40;
	v38 =	vld.idx.msk [tilespmem:v6+s5+$0xFFFFFFF0 ss:$0x1], $0xffff;
	v26 =	vmul.f32 v1, v1  }
0x273: {  	v48 =	vld.idx.msk [tilespmem:v5+s22+$0xFFFFFFD0 ss:$0x1], $0xffff;
	v23 =	vsub.f32 v10, v1;
	v29 =	vmul.f32 v12, v12;
	v30 =	vmul.f32 v14, v14  }
0x274: {  	v52 =	vld.idx.msk [tilespmem:v8+s22+$0xFFFFFFD0 ss:$0x1], $0xffff;
	v1 =	vimm.f32 $0.0e+00;
	v32 =	vmul.f32 v15, v2;
	v35 =	vmul.f32 v17, v17  }
0x275: {  	v18 =	vld.idx.msk [tilespmem:v3+s5+$0xFFFFFFF0 ss:$0x1], $0xffff;
	v11 =	vsub.f32 v16, v11;
	v36 =	vmul.f32 v20, v20;
	v10 =	vmul.f32 v10, v10  }
0x276: {  	v40 =	vmul.f32 v19, v19;
	v13 =	vsub.f32 v31, v13;
	v31 =	vmul.f32 v25, v25  }
0x277: {  	v28 =	vld.idx.msk [tilespmem:v7+s5+$0xFFFFFFD0 ss:$0x1], $0xffff;
	v41 =	vmul.f32 v33, v33;
	v14 =	vsub.f32 v37, v14;
	v9 =	vsub.f32 v24, v9  }
0x278: {  	v60 =	vld.idx.msk [tilespmem:v6+s22+$0xFFFFFFE0 ss:$0x1], $0xffff;
	v24 =	vmul.f32 v37, v37;
	v12 =	vsub.f32 v38, v12;
	v55 =	vmul.f32 v21, v21  }
0x279: {  	v63 =	vsub.f32 v52, v48;
	v27 =	vmul.f32 v2, v23;
	v23 =	vadd.f32 v15, v23  }
0x27a: {  	v22 =	vld.idx.msk [tilespmem:v5+s5+$0xFFFFFFD0 ss:$0x1], $0xffff;
	v16 =	vadd.f32 v29, v30;
	v29 =	vmul.f32 v2, v2;
	v30 =	vmul.f32 v18, v18  }
0x27b: {  	v34 =	vld.idx.msk [tilespmem:v8+s5+$0xFFFFFFD0 ss:$0x1], $0xffff;
	v18 =	vsub.f32 v19, v18;
	v2 =	vmul.f32 v2, v11;
	v11 =	vadd.f32 v15, v11  }
0x27c: {  	v19 =	vmul.f32 v28, v25;
	v53 =	vadd.f32 v21, v9;
	v16 =	vadd.f32 v30, v16  }
0x27d: {  	v45 =	vld.idx.msk [tilespmem:v5+s22+$0xFFFFFFE0 ss:$0x1], $0xffff;
	v31 =	vadd.f32 v35, v31;
	v9 =	vmul.f32 v17, v9;
	v35 =	vmul.f32 v60, v60  }
0x27e: {  	v43 =	vld.idx.msk [tilespmem:v6+s22+$0x10 ss:$0x1], $0xffff;
	v39 =	vmul.f32 v20, v18;
	v30 =	vmul.f32 v21, v17;
	v16 =	vadd.f32 v26, v16  }
0x27f: {  	v57 =	vld.idx.msk [tilespmem:v3+s22+$0xFFFFFFD0 ss:$0x1], $0xffff;
	v18 =	vadd.f32 v33, v18;
	v19 =	vadd.f32 $0.0e+00, v19;
	v11 =	vmul.f32 v11, v11  }
0x280: {  	v26 =	vmul.f32 v33, v20;
	v20 =	vmul.f32 v20, v13;
	(xrf2) =	vadd.scan.msk.f32 $0xffff, v16;
	v16 =	vsub.f32 v34, v22  }
0x281: {  	v58 =	vld.idx.msk [tilespmem:v6+s22+$0x0 ss:$0x1], $0xffff;
	v13 =	vadd.f32 v33, v13;
	v22 =	vadd.f32 v28, v14;
	v14 =	vmul.f32 v25, v14  }
0x282: {  	v49 =	vld.idx.msk [tilespmem:v7+s22+$0xFFFFFFE0 ss:$0x1], $0xffff;
	v54 =	vmul.f32 v25, v16;
	v42 =	vadd.f32 v28, v16;
	v16 =	vadd.f32 v21, v12  }
0x283: {  	v59 =	vld.idx.msk [tilespmem:v8+s22+$0xFFFFFFE0 ss:$0x1], $0xffff;
	v25 =	vmul.f32 v28, v28;
	v14 =	vadd.f32 $0.0e+00, v14;
	v12 =	vmul.f32 v17, v12  }
0x284: {  	v21 =	vld.idx.msk [tilespmem:v3+s22+$0x0 ss:$0x1], $0xffff;
	v22 =	vmul.f32 v22, v22;
	v37 =	vadd.f32 $0.0e+00, v54;
	v16 =	vmul.f32 v16, v16  }
0x285: {  	v50 =	vld.idx.msk [tilespmem:v4+s22+$0xFFFFFFD0 ss:$0x1], $0xffff;
	v18 =	vmul.f32 v18, v18;
	v25 =	vadd.f32 v55, v25;
	v12 =	vadd.f32 v12, v14  }
0x286: {  	v28 =	vld.idx.msk [tilespmem:v4+s22+$0x0 ss:$0x1], $0xffff;
	v17 =	vmov s10;
	v16 =	vadd.f32 v16, v22;
	v9 =	vadd.f32 v9, v37  }
0x287: {  	v14 =	vmul.f32 v15, v15;
	v15 =	vld.idx.msk [tilespmem:v3+s22+$0xFFFFFFE0 ss:$0x1], $0xffff;
	v25 =	vadd.f32 v41, v25;
	v12 =	vadd.f32 v39, v12  }
0x288: {  	vm0 =	veq.s32 v17, v0;
	v22 =	vld.idx.msk [tilespmem:v5+s22+$0x0 ss:$0x1], $0xffff;
	v16 =	vadd.f32 v18, v16;
	v9 =	vadd.f32 v20, v9  }
0x289: {  	v18 =	vmul.f32 v23, v23;
	v41 =	vadd.f32 v14, v25;
	v20 =	vsub.f32 v43, v21;
	v25 =	vld.idx.msk [tilespmem:v4+s22+$0xFFFFFFE0 ss:$0x1], $0xffff  }
0x28a: {  	v44 =	vmul.f32 v21, v21;
	v12 =	vadd.f32 v27, v12;
	v21 =	vadd.f32 v36, v31;
	v27 =	vld.idx.msk [tilespmem:v3+s22+$0xFFFFFFF0 ss:$0x1], $0xffff;
	v17, _, _ =	vpop (xrf2)  }
0x28b: {  	v39 =	vsub.f32 v60, v57;
	v14 =	vadd.f32 v18, v16;
	v16 =	vld.idx.msk [tilespmem:v7+s22+$0x0 ss:$0x1], $0xffff;
	v17 =	vbroadcast v17, $0xF  }
0x28c: {  	v31 =	vmul.f32 v15, v15;
	v9 =	vadd.f32 v2, v9;
	v18 =	vld.idx.msk [tilespmem:v8+s22+$0x0 ss:$0x1], $0xffff;
	v21 =	vadd.f32 v29, v21  }
0x28d: {  	v29 =	vmul.f32 v57, v57;
	(xrf2) =	vadd.scan.msk.f32 $0xffff, v14;
	v2 =	vsel vm0, v17, v1;
	v17 =	vmul.f32 v38, v38  }
0x28e: {  	v46 =	vld.idx.msk [tilespmem:v4+s22+$0xFFFFFFF0 ss:$0x1], $0xffff;
	v13 =	vmul.f32 v13, v13;
	v54 =	vsub.f32 v59, v45;
	v52 =	vmul.f32 v50, v39  }
0x28f: {  	v14 =	vmul.f32 v28, v20;
	v29 =	vadd.f32 v31, v29;
	(xrf2) =	vadd.scan.msk.f32 $0xffff, v12;
	v47 =	vadd.f32 v17, v24  }
0x290: {  	v31 =	vmul.f32 v27, v27;
	(xrf2) =	vadd.scan.msk.f32 $0xffff, v9;
	v23 =	vadd.f32 v16, v20;
	v17 =	vadd.f32 v30, v19  }
0x291: {  	v56 =	vld.idx.msk [tilespmem:v5+s22+$0xFFFFFFF0 ss:$0x1], $0xffff;
	v19 =	vsub.f32 v18, v22;
	v20 =	vmul.f32 v42, v42;
	v22 =	vmul.f32 v53, v53  }
0x292: {  	v37 =	vld.idx.msk [tilespmem:v7+s22+$0xFFFFFFD0 ss:$0x1], $0xffff;
	v51 =	vsub.f32 v58, v27;
	v38 =	vadd.f32 v49, v54;
	v9 =	vmul.f32 v25, v25  }
0x293: {  	v27 =	vld.idx.msk [tilespmem:v8+s22+$0xFFFFFFF0 ss:$0x1], $0xffff;
	v12 =	vmul.f32 v16, v28;
	v18 =	vmul.f32 v28, v28;
	v22 =	vadd.f32 v22, v20  }
0x294: {  	v24 =	vmul.f32 v46, v46;
	v33 =	vmul.f32 v46, v51;
	v29 =	vadd.f32 v31, v29  }
0x295: {  	v30 =	vadd.f32 v26, v17;
	v28 =	vmul.f32 v28, v19;
	v20 =	vadd.f32 v16, v19;
	v26 =	vld.idx.msk [tilespmem:v7+s22+$0xFFFFFFF0 ss:$0x1], $0xffff  }
0x296: {  	v17 =	vmul.f32 v43, v43;
	v19 =	vmul.f32 v58, v58;
	v61 =	vadd.f32 v40, v47  }
0x297: {  	v47 =	vmul.f32 v49, v49;
	v40 =	vadd.f32 v37, v63;
	v13 =	vadd.f32 v13, v22;
	v22, _, _ =	vpop (xrf2);
	(xrf2) =	vadd.scan.msk.f32 $0xffff, v41  }
0x298: {  	v34 =	vsub.f32 v27, v56;
	v36 =	vadd.f32 v32, v30;
	v30 =	vld.idx.msk [tilespmem:v6+s22+$0xFFFFFFF0 ss:$0x1], $0xffff;
	v32 =	vmul.f32 v37, v50  }
0x299: {  	v43 =	vadd.f32 v10, v61;
	v10 =	vadd.f32 v44, v29;
	v29 =	vmul.f32 v49, v25;
	v62, _, _ =	vpop (xrf2)  }
0x29a: {  	v45 =	vmul.f32 v46, v34;
	v53 =	vadd.f32 v11, v13;
	v27 =	vmul.f32 v26, v46;
	v31, _, _ =	vpop (xrf2);
	(xrf2) =	vadd.scan.msk.f32 $0xffff, v21  }
0x29b: {  	v44 =	vmul.f32 v26, v26;
	v46 =	vadd.f32 v26, v51;
	v51 =	vmul.f32 v25, v54  }
0x29c: {  	v41 =	vadd.f32 v37, v39;
	v22 =	vbroadcast v22, $0xF;
	v13 =	vbroadcast v62, $0xF  }
0x29d: {  	v48 =	vsub.f32 v30, v15;
	v15 =	vmul.f32 v50, v63;
	v21 =	vimm.f32 $0.0e+00;
	(xrf2) =	vadd.scan.msk.f32 $0xffff, v10  }
0x29e: {  	v11 =	vsel vm0, v22, v1;
	v22 =	vmul.f32 v50, v50;
	v31 =	vbroadcast v31, $0xF  }
0x29f: {  	v10 =	vimm.f32 $0.0e+00;
	v13 =	vsel vm0, v13, v1;
	vm0 =	vmmov vm0  }
0x2a0: {  	v50 =	vadd.f32 $0.0e+00, v15;
	v49 =	vadd.f32 v49, v48;
	v15 =	vimm.f32 $0.0e+00;
	(xrf2) =	vadd.scan.msk.f32 $0xffff, v53  }
0x2a1: {  	s14 =	simm.s32 $0x200;
	s13 =	simm.s32 $0x1;
	v42 =	vadd.f32 v9, v22;
	v22 =	vimm.f32 $0.0e+00;
	v9 =	vimm.f32 $0.0e+00;
	v39, _, _ =	vpop (xrf2)  }
.LBB2_11:
0x2a2: {  	s22 =	smov.u32 s14  }
0x2a3: {  	s5 =	sshra.s32 s14, $0x2;
	v52 =	vadd.f32 $0.0e+00, v52;
	v25 =	vmul.f32 v25, v48;
	v53 =	vmov s13;
	s13 =	sadd.s32 $0x1, s13;
	(xrf2) =	vadd.scan.msk.f32 $0xffff, v43;
	s22 =	sadd.s32 $0x100, s14  }
0x2a4: {  	p0 =	sne.s32 s14, $0xF00;
	v37 =	vmul.f32 v37, v37;
	v50 =	vadd.f32 v51, v50;
	vm1 =	veq.s32 v53, v0;
	v43 =	vld.idx.msk [tilespmem:v3+s5+$0x0 ss:$0x1], $0xffff;
	v48, _, _ =	vpop (xrf2)  }
0x2a5: {  	v53 =	vmul.f32 v41, v41;
	v49 =	vmul.f32 v49, v49;
	v25 =	vadd.f32 v25, v52;
	v51 =	vld.idx.msk [tilespmem:v4+s5+$0x0 ss:$0x1], $0xffff  }
0x2a6: {  	v37 =	vadd.f32 v47, v37;
	v47 =	vbroadcast v39, $0xF;
	v45 =	vadd.f32 v45, v50;
	v41 =	vld.idx.msk [tilespmem:v5+s5+$0xFFFFFFE0 ss:$0x1], $0xffff;
	(xrf2) =	vadd.scan.msk.f32 $0xffff, v36  }
0x2a7: {  	v46 =	vmul.f32 v46, v46;
	v52 =	vmul.f32 v16, v16;
	v49 =	vadd.f32 v49, v53;
	v36 =	vld.idx.msk [tilespmem:v6+s5+$0x10 ss:$0x1], $0xffff;
	v39, _, _ =	vpop (xrf2)  }
0x2a8: {  	v48 =	vbroadcast v48, $0xF;
	v37 =	vadd.f32 v44, v37;
	v50 =	vld.idx.msk [tilespmem:v5+s5+$0x0 ss:$0x1], $0xffff;
	v44 =	vbroadcast v39, $0xF  }
0x2a9: {  	v23 =	vmul.f32 v23, v23;
	v25 =	vadd.f32 v33, v25;
	v33 =	vadd.f32 v46, v49;
	v39 =	vld.idx.msk [tilespmem:v3+s5+$0xFFFFFFE0 ss:$0x1], $0xffff  }
0x2aa: {  	v28 =	vadd.f32 v28, v45;
	v1 =	vsel vm0, v48, v1;
	v49 =	vadd.f32 v52, v37;
	v46 =	vld.idx.msk [tilespmem:v5+s5+$0xFFFFFFF0 ss:$0x1], $0xffff;
	v16, _, _ =	vpop (xrf2)  }
0x2ab: {  	v48 =	vmul.f32 v43, v43;
	v23 =	vadd.f32 v23, v33;
	v45 =	vld.idx.msk [tilespmem:v3+s5+$0xFFFFFFD0 ss:$0x1], $0xffff;
	v33 =	vbroadcast v16, $0xF  }
0x2ac: {  	v10 =	vsel vm0, v47, v10;
	v37 =	vadd.f32 v14, v25;
	v2 =	vsel vm1, v44, v2;
	v16 =	vld.idx.msk [tilespmem:v7+s5+$0x0 ss:$0x1], $0xffff  }
0x2ad: {  	v32 =	vadd.f32 $0.0e+00, v32;
	v43 =	vsub.f32 v36, v43;
	v44 =	vld.idx.msk [tilespmem:v8+s5+$0x0 ss:$0x1], $0xffff;
	(xrf2) =	vadd.scan.msk.f32 $0xffff, v23;
	v15 =	vsel vm0, v33, v15;
	v14, _, _ =	vpop (xrf2)  }
0x2ae: {  	v47 =	vadd.f32 v24, v42;
	v23 =	vmul.f32 v30, v30;
	v25 =	vld.idx.msk [tilespmem:v4+s5+$0xFFFFFFE0 ss:$0x1], $0xffff;
	v30 =	vbroadcast v14, $0xF  }
0x2af: {  	v26 =	vadd.f32 v26, v34;
	v22 =	vsel vm0, v31, v22;
	v14 =	vmul.f32 v51, v43;
	v33 =	vld.idx.msk [tilespmem:v3+s5+$0xFFFFFFF0 ss:$0x1], $0xffff  }
0x2b0: {  	v42 =	vadd.f32 v18, v47;
	v31 =	vmul.f32 v39, v39;
	v34 =	vld.idx.msk [tilespmem:v6+s5+$0x0 ss:$0x1], $0xffff;
	(xrf2) =	vadd.scan.msk.f32 $0xffff, v37;
	v24, _, _ =	vpop (xrf2)  }
0x2b1: {  	v35 =	vadd.f32 v23, v35;
	v18 =	vmul.f32 v45, v45;
	v9 =	vsel vm0, v30, v9;
	v47 =	vld.idx.msk [tilespmem:v4+s5+$0xFFFFFFF0 ss:$0x1], $0xffff  }
0x2b2: {  	v29 =	vadd.f32 v29, v32;
	v23 =	vadd.f32 v16, v43;
	v43 =	vmul.f32 v16, v51;
	v53 =	vld.idx.msk [tilespmem:v7+s5+$0xFFFFFFE0 ss:$0x1], $0xffff  }
0x2b3: {  	v32 =	vmul.f32 v40, v40;
	v37 =	vmul.f32 v38, v38;
	v30 =	vsub.f32 v44, v50;
	v52 =	vld.idx.msk [tilespmem:v5+s5+$0xFFFFFFD0 ss:$0x1], $0xffff  }
0x2b4: {  	v27 =	vadd.f32 v27, v29;
	v31 =	vadd.f32 v31, v18;
	v18 =	vmul.f32 v51, v51;
	v38 =	vld.idx.msk [tilespmem:v8+s5+$0xFFFFFFE0 ss:$0x1], $0xffff  }
0x2b5: {  	v40 =	vbroadcast v24, $0xF;
	v32 =	vadd.f32 v37, v32;
	v29 =	vmul.f32 v33, v33;
	v50 =	vld.idx.msk [tilespmem:v4+s5+$0xFFFFFFD0 ss:$0x1], $0xffff;
	(xrf2) =	vadd.scan.msk.f32 $0xffff, v28  }
0x2b6: {  	v54 =	vmul.f32 v25, v25;
	v55 =	vsub.f32 v34, v33;
	v33 =	vmul.f32 v26, v26;
	v37 =	vld.idx.msk [tilespmem:v7+s5+$0xFFFFFFD0 ss:$0x1], $0xffff  }
0x2b7: {  	v21 =	vsel vm0, v40, v21;
	v28 =	vmul.f32 v51, v30;
	v24 =	vmul.f32 v47, v47;
	v44 =	vld.idx.msk [tilespmem:v8+s5+$0xFFFFFFF0 ss:$0x1], $0xffff;
	v51, _, _ =	vpop (xrf2)  }
0x2b8: {  	v56 =	vmul.f32 v36, v36;
	v40 =	vadd.f32 v16, v30;
	v32 =	vadd.f32 v33, v32;
	v26 =	vld.idx.msk [tilespmem:v7+s5+$0xFFFFFFF0 ss:$0x1], $0xffff  }
0x2b9: {  	v59 =	vmul.f32 v20, v20;
	v36 =	vadd.f32 v12, v27;
	v33 =	vmul.f32 v47, v55;
	v57 =	vld.idx.msk [tilespmem:v8+s5+$0xFFFFFFD0 ss:$0x1], $0xffff  }
0x2ba: {  	v35 =	vadd.f32 v19, v35;
	v19 =	vmul.f32 v34, v34;
	v27 =	vbroadcast v51, $0xF;
	v58 =	vld.idx.msk [tilespmem:v6+s5+$0xFFFFFFE0 ss:$0x1], $0xffff;
	v34, _, _ =	vpop (xrf2);
	(xrf2) =	vadd.scan.msk.f32 $0xffff, v49  }
0x2bb: {  	v12 =	vmovc v43;
	v29 =	vadd.f32 v29, v31;
	v49 =	vadd.f32 v59, v32;
	v30 =	vld.idx.msk [tilespmem:v6+s5+$0xFFFFFFF0 ss:$0x1], $0xffff;
	v31 =	vbroadcast v34, $0xF  }
0x2bc: {  	v43 =	vadd.f32 v17, v35;
	v20 =	vmovc v40;
	v11 =	vsel vm1, v27, v11;
	v32 =	vmul.f32 v37, v50  }
0x2bd: {  	v40 =	vadd.f32 v48, v29;
	v34 =	vsub.f32 v44, v46;
	v13 =	vsel vm1, v31, v13;
	(xrf2) =	vadd.scan.msk.f32 $0xffff, v42  }
0x2be: {  	v17 =	vmovc v56;
	vm0 =	vmmov vm1;
	v29 =	vmul.f32 v53, v25;
	v27 =	vmul.f32 v26, v47  }
0x2bf: {  	v42 =	vmul.f32 v50, v50;
	v44 =	vmul.f32 v26, v26;
	v31, _, _ =	vpop (xrf2)  }
0x2c0: {  	v51 =	vsub.f32 v38, v41;
	v46 =	vsub.f32 v58, v45;
	v35 =	vmul.f32 v58, v58;
	(xrf2) =	vadd.scan.msk.f32 $0xffff, v40  }
.Ltmp4:
0x2c1: {  	v40 =	vsub.f32 v57, v52;
	v48 =	vsub.f32 v30, v39;
	v31 =	vbroadcast v31, $0xF;
	(pc) =	sbr.rel @p0 .LBB2_11-.Ltmp4, $4  }
0x2c2: {  	v38 =	vadd.f32 v53, v51;
	v45 =	vmul.f32 v47, v34;
	v41 =	vadd.f32 v37, v46  }
0x2c3: {  	v42 =	vadd.f32 v54, v42;
	v47 =	vmul.f32 v53, v53;
	v56 =	vmul.f32 v50, v40;
	(xrf2) =	vadd.scan.msk.f32 $0xffff, v49  }
0x2c4: {  	v52 =	vmul.f32 v50, v46;
	v46 =	vadd.f32 v26, v55;
	v40 =	vadd.f32 v37, v40;
	v39, _, _ =	vpop (xrf2)  }
0x2c5: {  	s14 =	smov.u32 s22;
	v51 =	vmul.f32 v25, v51;
	v49 =	vadd.f32 v53, v48;
	v50 =	vadd.f32 $0.0e+00, v56  }
0x2c6: {  	v3 =	vmul.f32 v25, v48  }
0x2c7: {  	v4 =	vmul.f32 v37, v37;
	v6 =	vmul.f32 v41, v41  }
0x2c8: {  	v5 =	vadd.f32 $0.0e+00, v52;
	v55 =	vmul.f32 v46, v46;
	v7 =	vmul.f32 v49, v49  }
0x2c9: {  	v57 =	vmul.f32 v16, v16;
	v59 =	vadd.f32 v26, v34;
	v63 =	vadd.f32 $0.0e+00, v32  }
0x2ca: {  	v60 =	vmul.f32 v40, v40;
	v24 =	vadd.f32 v24, v42;
	v54 =	vadd.f32 v7, v6  }
0x2cb: {  	v61 =	vmul.f32 v38, v38;
	v8 =	vadd.f32 v51, v50;
	v3 =	vadd.f32 v3, v5  }
0x2cc: {  	v58 =	vmul.f32 v23, v23;
	v4 =	vadd.f32 v47, v4;
	v5 =	vadd.f32 v55, v54  }
0x2cd: {  	v62 =	vmul.f32 v30, v30;
	v16 =	vadd.f32 v61, v60;
	v3 =	vadd.f32 v33, v3  }
0x2ce: {  	(xrf2) =	vadd.scan.msk.f32 $0xffff, v43;
	v56 =	vadd.f32 v45, v8;
	v5 =	vadd.f32 v58, v5  }
0x2cf: {  	(xrf2) =	vadd.scan.msk.f32 $0xffff, v36;
	v8 =	vmul.f32 v59, v59;
	v6 =	vadd.f32 v62, v35;
	v3 =	vadd.f32 v14, v3  }
0x2d0: {  	v4 =	vadd.f32 v44, v4;
	v7 =	vadd.f32 v28, v56;
	(xrf2) =	vadd.scan.msk.f32 $0xffff, v5  }
0x2d1: {  	v8 =	vadd.f32 v8, v16;
	(xrf2) =	vadd.scan.msk.f32 $0xffff, v3;
	v3 =	vadd.f32 v29, v63  }
0x2d2: {  	v25 =	vmul.f32 v20, v20;
	v6 =	vadd.f32 v19, v6;
	v4 =	vadd.f32 v57, v4  }
0x2d3: {  	v5 =	vadd.f32 v18, v24;
	(xrf2) =	vadd.scan.msk.f32 $0xffff, v7;
	v3 =	vadd.f32 v27, v3  }
0x2d4: {  	v26 =	vadd.f32 v25, v8;
	(xrf2) =	vadd.scan.msk.f32 $0xffff, v4  }
0x2d5: {  	v6 =	vadd.f32 v17, v6;
	(xrf2) =	vadd.scan.msk.f32 $0xffff, v5;
	v3 =	vadd.f32 v12, v3  }
0x2d6: {  	v27, _, _ =	vpop (xrf2);
	(xrf2) =	vadd.scan.msk.f32 $0xffff, v26  }
0x2d7: {  	v28, _, _ =	vpop (xrf2);
	(xrf2) =	vadd.scan.msk.f32 $0xffff, v6  }
0x2d8: {  	v29, _, _ =	vpop (xrf2);
	(xrf2) =	vadd.scan.msk.f32 $0xffff, v3  }
0x2d9: {  	v3, _, _ =	vpop (xrf2)  }
0x2da: {  	v30, _, _ =	vpop (xrf2)  }
0x2db: {  	v32, _, _ =	vpop (xrf2)  }
0x2dc: {  	v33, _, _ =	vpop (xrf2)  }
0x2dd: {  	v34, _, _ =	vpop (xrf2)  }
0x2de: {  	v35, _, _ =	vpop (xrf2)  }
0x2df: {  	v36, _, _ =	vpop (xrf2)  }
0x2e0: {  	v37, _, _ =	vpop (xrf2)  }
0x2e1: {  	v38 =	vmov s13;
	v40, _, _ =	vpop (xrf2)  }
0x2e2: {  	v22 =	vsel vm0, v31, v22;
	vm1 =	veq.s32 v38, v0;
	v7 =	vbroadcast v30, $0xF;
	v41, _, _ =	vpop (xrf2)  }
0x2e3: {  	vm2 =	vmmov vm1;
	v12 =	vbroadcast v33, $0xF;
	v19 =	vbroadcast v41, $0xF  }
0x2e4: {  	v5 =	vbroadcast v27, $0xF;
	v7 =	vsel vm0, v7, v21;
	v14 =	vbroadcast v34, $0xF  }
0x2e5: {  	v12 =	vsel vm1, v12, v13;
	v42 =	vbroadcast v36, $0xF;
	v7 =	vsel vm2, v19, v7  }
0x2e6: {  	v1 =	vsel vm0, v5, v1;
	v43 =	vsel vm2, v14, v22;
	v44 =	vadd.f32 v7, v12  }
0x2e7: {  	v1 =	vsel vm2, v42, v1;
	v45 =	vadd.f32 v43, v7  }
0x2e8: {  	v46 =	vmul.f32 v1, v12;
	v14 =	vadd.f32 v44, v44  }
0x2e9: {  	v1 =	vmul.f32 v43, v1;
	v13 =	vadd.f32 v45, v45  }
0x2ea: {  	v14 =	vsub.f32 v46, v14  }
0x2eb: {  	v6 =	vbroadcast v29, $0xF;
	v8 =	vbroadcast v32, $0xF;
	v1 =	vsub.f32 v1, v13  }
0x2ec: {  	v47 =	vbroadcast v37, $0xF;
	v12 =	vmul.f32 v14, v12  }
0x2ed: {  	v6 =	vsel vm0, v6, v15;
	v8 =	vsel vm1, v8, v11;
	v1 =	vmul.f32 v1, v43  }
0x2ee: {  	v48 =	vsel vm2, v47, v6;
	v49 =	vadd.f32 v12, v8  }
0x2ef: {  	v1 =	vadd.f32 v1, v48  }
0x2f0: {  	v50 =	vmax.f32 v49, $0.0e+00  }
0x2f1: {  	v1 =	vmax.f32 v1, $0.0e+00;
	v6 =	vshra.s32 v50, $0x1  }
0x2f2: {  	v51 =	vmul.f32 $5.000000000e-01, v50;
	v52 =	vshra.s32 v1, $0x1;
	v53 =	vmul.f32 $5.000000000e-01, v1  }
0x2f3: {  	v6 =	vsub.s32 $0x5F3759DF, v6;
	v11 =	vsub.s32 $0x5F3759DF, v52  }
0x2f4: {  	v54 =	vmul.f32 v6, v51;
	v55 =	vmul.f32 v11, v53;
	_ =	sdelay $0x1  }
0x2f5: {  	v13 =	vmul.f32 v6, v54;
	v14 =	vmul.f32 v11, v55;
	_ =	sdelay $0x1  }
0x2f6: {  	v13 =	vsub.f32 $1.500000000e+00, v13;
	v14 =	vsub.f32 $1.500000000e+00, v14;
	_ =	sdelay $0x1  }
0x2f7: {  	v6 =	vmul.f32 v6, v13;
	v11 =	vmul.f32 v11, v14;
	_ =	sdelay $0x1  }
0x2f8: {  	v13 =	vmul.f32 v6, v51;
	v14 =	vmul.f32 v11, v53;
	_ =	sdelay $0x1  }
0x2f9: {  	v13 =	vmul.f32 v13, v6;
	v14 =	vmul.f32 v14, v11;
	_ =	sdelay $0x1  }
0x2fa: {  	v13 =	vsub.f32 $1.500000000e+00, v13;
	v14 =	vsub.f32 $1.500000000e+00, v14;
	_ =	sdelay $0x1  }
0x2fb: {  	v6 =	vmul.f32 v13, v6;
	v11 =	vmul.f32 v14, v11  }
0x2fc: {  	v56 =	vbroadcast v39, $0xF;
	v57 =	vbroadcast v35, $0xF  }
0x2fd: {  	v8 =	vmul.f32 v6, v51;
	v12 =	vmul.f32 v11, v53  }
0x2fe: {  	v10 =	vsel vm0, v56, v10  }
0x2ff: {  	v10 =	vsel vm2, v57, v10;
	v8 =	vmul.f32 v8, v6;
	v12 =	vmul.f32 v12, v11  }
0x300: {  	(erf) = vrcp.f32 v10  }
0x301: {  	v8 =	vsub.f32 $1.500000000e+00, v8;
	v12 =	vsub.f32 $1.500000000e+00, v12  }
0x302: {  	v4 =	vbroadcast v28, $0xF  }
0x303: {  	v6 =	vmul.f32 v8, v6;
	v58 =	vmul.f32 v12, v11  }
0x304: {  	v3 =	vbroadcast v3, $0xF;
	v59 =	vbroadcast v40, $0xF  }
0x305: {  	v2 =	vsel vm1, v4, v2;
	v6 =	vmul.f32 v6, v50;
	v8 =	vmul.f32 v58, v1  }
0x306: {  	vm3 =	vgt.f32 v50, $0.0e+00;
	vm4 =	vgt.f32 v1, $0.0e+00;
	v1 =	vsel vm0, v3, v9  }
0x307: {  	v1 =	vsel vm2, v59, v1;
	v3 =	vnsel vm3, $0x0, v6;
	v60 =	vnsel vm4, $0x0, v8  }
0x308: {  	v7 =	vmul.f32 v7, v7;
	v1 =	vadd.f32 $-1.000000000e+00, v1;
	v6 =	vsub.f32 v3, v60  }
0x309: {  	v2 =	vadd.f32 $-1.000000000e+00, v2;
	v62 =	vpop (erf)  }
0x30a: {  	v1 =	vmax.f32 v1, $0.0e+00;
	v61 =	vadd.f32 $1.000000000e+00, v6;
	v6 =	vmul.f32 v62, v7  }
0x30b: {  	v1 =	vmul.f32 $2.500000000e-01, v1  }
0x30c: {  	v2 =	vmax.f32 v2, $0.0e+00;
	v4 =	vmax.f32 v61, $0.0e+00;
	v6 =	vadd.f32 $-9.999999740e-05, v6  }
0x30d: {  	s5 =	sshll.u32 s21, $0x4;
	s21 =	sadd.s32 $0x1, s21;
	v2 =	vmul.f32 $2.500000000e-01, v2;
	v1 =	vadd.f32 v4, v1  }
0x30e: {  	p0 =	sne.s32 s21, $0x8;
	v63 =	vmax.f32 v6, $0.0e+00  }
.Ltmp5:
0x30f: {  	v1 =	vadd.f32 v1, v2;
	v2 =	vmul.f32 $2.500000000e-01, v63;
	(pc) =	sbr.rel @p0 .LBB2_10-.Ltmp5, $4  }
0x310: {  	_ = 	snop  }
0x311: {  	[tilespmem:s5+$0x18D00] =	vst v3;
	v1 =	vadd.f32 v1, v2  }
0x312: {  	s17 =	sadd.s32 $0x400, s17;
	s1 =	sadd.s32 $0x400, s1;
	s18 =	sadd.s32 $0x400, s18;
	[tilespmem:s5+$0x18F00] =	vst v60  }
0x313: {  	s19 =	sadd.s32 $0x400, s19;
	s11 =	sadd.s32 $0x400, s11;
	s12 =	sadd.s32 $0x400, s12;
	[tilespmem:s5+$0x18B00] =	vst v1  }
0x314: {  	_ =	swait.ge [sflag:s15], $0x2000  }
0x315: {  	[sflag:s15] =	ssyncset.done $0x0  }
0x316: {  	[sflag:s15] =	ssyncadd.s32 $0xFFFFE000  }
0x317: {  	_ =	swait.ge [sflag:s15], $0x2000  }
0x318: {  	[sflag:s15] =	ssyncset.done $0x0  }
0x319: {  	[sflag:s15] =	ssyncadd.s32 $0xFFFFE000  }
0x31a: {  	_ =	swait.ge [sflag:s15], $0x2000  }
0x31b: {  	[sflag:s15] =	ssyncset.done $0x0  }
0x31c: {  	[sflag:s15] =	ssyncadd.s32 $0xFFFFE000  }
0x31d: {  	_ =	swait.ge [sflag:s15], $0x2000  }
0x31e: {  	[sflag:s15] =	ssyncset.done $0x0  }
0x31f: {  	[sflag:s15] =	ssyncadd.s32 $0xFFFFE000  }
0x320: {  	_ =	swait.ge [sflag:s15], $0x2000  }
0x321: {  	[sflag:s15] =	ssyncset.done $0x0  }
0x322: {  	s10 =	simm.s32 $0x0;
	s17 =	simm.s32 $0x2A00;
	[sflag:s15] =	ssyncadd.s32 $0xFFFFE000  }
0x323: {  	s1 =	simm.s32 $0x6A00;
	s18 =	simm.s32 $0xAA00;
	_ =	swait.ge [sflag:s15], $0x2000  }
0x324: {  	s19 =	simm.s32 $0xEA00;
	s11 =	simm.s32 $0x12A00;
	[sflag:s15] =	ssyncset.done $0x0  }
0x325: {  	s12 =	simm.s32 $0x16A00;
	s21 =	simm.s32 $0x0;
	[sflag:s15] =	ssyncadd.s32 $0xFFFFE000  }
.LBB2_14:
0x326: {  	v3 =	vmov s1  }
0x327: {  	v4 =	vmov s11  }
0x328: {  	v5 =	vmov s19  }
0x329: {  	v6 =	vmov s17  }
0x32a: {  	s5 =	simm.s32 $0x0  }
0x32b: {  	v1 =	vld.idx.msk [tilespmem:v3+s5+$0x30 ss:$0x1], $0xffff  }
0x32c: {  	v2 =	vld.idx.msk [tilespmem:v4+s5+$0x30 ss:$0x1], $0xffff  }
0x32d: {  	v9 =	vld.idx.msk [tilespmem:v5+s5+$0x10 ss:$0x1], $0xffff  }
0x32e: {  	v7 =	vmov s12;
	v10 =	vld.idx.msk [tilespmem:v6+s5+$0x30 ss:$0x1], $0xffff  }
0x32f: {  	v8 =	vmov s18;
	v11 =	vld.idx.msk [tilespmem:v5+s5+$0x30 ss:$0x1], $0xffff  }
0x330: {  	v12 =	vld.idx.msk [tilespmem:v3+s5+$0x10 ss:$0x1], $0xffff  }
0x331: {  	v13 =	vld.idx.msk [tilespmem:v5+s5+$0x20 ss:$0x1], $0xffff  }
0x332: {  	v14 =	vld.idx.msk [tilespmem:v3+s5+$0x0 ss:$0x1], $0xffff  }
0x333: {  	v15 =	vld.idx.msk [tilespmem:v7+s5+$0x30 ss:$0x1], $0xffff  }
0x334: {  	v16 =	vld.idx.msk [tilespmem:v8+s5+$0x30 ss:$0x1], $0xffff  }
0x335: {  	v17 =	vld.idx.msk [tilespmem:v4+s5+$0x10 ss:$0x1], $0xffff  }
0x336: {  	v19 =	vld.idx.msk [tilespmem:v6+s5+$0x20 ss:$0x1], $0xffff  }
0x337: {  	v20 =	vld.idx.msk [tilespmem:v4+s5+$0x20 ss:$0x1], $0xffff  }
0x338: {  	v21 =	vld.idx.msk [tilespmem:v7+s5+$0x10 ss:$0x1], $0xffff  }
0x339: {  	v24 =	vld.idx.msk [tilespmem:v8+s5+$0x10 ss:$0x1], $0xffff  }
0x33a: {  	v25 =	vld.idx.msk [tilespmem:v4+s5+$0x0 ss:$0x1], $0xffff  }
0x33b: {  	v31 =	vld.idx.msk [tilespmem:v8+s5+$0x20 ss:$0x1], $0xffff  }
0x33c: {  	v33 =	vld.idx.msk [tilespmem:v7+s5+$0x20 ss:$0x1], $0xffff  }
0x33d: {  	v37 =	vld.idx.msk [tilespmem:v6+s5+$0x0 ss:$0x1], $0xffff  }
0x33e: {  	s22 =	simm.s32 $0x40;
	v38 =	vld.idx.msk [tilespmem:v6+s5+$0x10 ss:$0x1], $0xffff;
	v26 =	vmul.f32 v1, v1  }
0x33f: {  	v48 =	vld.idx.msk [tilespmem:v5+s22+$0x0 ss:$0x1], $0xffff;
	v23 =	vsub.f32 v10, v1;
	v29 =	vmul.f32 v12, v12;
	v30 =	vmul.f32 v14, v14  }
0x340: {  	v52 =	vld.idx.msk [tilespmem:v8+s22+$0x0 ss:$0x1], $0xffff;
	v1 =	vimm.f32 $0.0e+00;
	v32 =	vmul.f32 v15, v2;
	v35 =	vmul.f32 v17, v17  }
0x341: {  	v18 =	vld.idx.msk [tilespmem:v3+s5+$0x20 ss:$0x1], $0xffff;
	v11 =	vsub.f32 v16, v11;
	v36 =	vmul.f32 v20, v20;
	v10 =	vmul.f32 v10, v10  }
0x342: {  	v40 =	vmul.f32 v19, v19;
	v13 =	vsub.f32 v31, v13;
	v31 =	vmul.f32 v25, v25  }
0x343: {  	v28 =	vld.idx.msk [tilespmem:v7+s5+$0x0 ss:$0x1], $0xffff;
	v41 =	vmul.f32 v33, v33;
	v14 =	vsub.f32 v37, v14;
	v9 =	vsub.f32 v24, v9  }
0x344: {  	v60 =	vld.idx.msk [tilespmem:v6+s22+$0x0 ss:$0x1], $0xffff;
	v24 =	vmul.f32 v37, v37;
	v12 =	vsub.f32 v38, v12;
	v55 =	vmul.f32 v21, v21  }
0x345: {  	v63 =	vsub.f32 v52, v48;
	v27 =	vmul.f32 v2, v23;
	v23 =	vadd.f32 v15, v23  }
0x346: {  	v22 =	vld.idx.msk [tilespmem:v5+s5+$0x0 ss:$0x1], $0xffff;
	v16 =	vadd.f32 v29, v30;
	v29 =	vmul.f32 v2, v2;
	v30 =	vmul.f32 v18, v18  }
0x347: {  	v34 =	vld.idx.msk [tilespmem:v8+s5+$0x0 ss:$0x1], $0xffff;
	v18 =	vsub.f32 v19, v18;
	v2 =	vmul.f32 v2, v11;
	v11 =	vadd.f32 v15, v11  }
0x348: {  	v19 =	vmul.f32 v28, v25;
	v53 =	vadd.f32 v21, v9;
	v16 =	vadd.f32 v30, v16  }
0x349: {  	v45 =	vld.idx.msk [tilespmem:v5+s22+$0x10 ss:$0x1], $0xffff;
	v31 =	vadd.f32 v35, v31;
	v9 =	vmul.f32 v17, v9;
	v35 =	vmul.f32 v60, v60  }
0x34a: {  	v43 =	vld.idx.msk [tilespmem:v6+s22+$0x30 ss:$0x1], $0xffff;
	v39 =	vmul.f32 v20, v18;
	v30 =	vmul.f32 v21, v17;
	v16 =	vadd.f32 v26, v16  }
0x34b: {  	v57 =	vld.idx.msk [tilespmem:v3+s22+$0x0 ss:$0x1], $0xffff;
	v18 =	vadd.f32 v33, v18;
	v19 =	vadd.f32 $0.0e+00, v19;
	v11 =	vmul.f32 v11, v11  }
0x34c: {  	v26 =	vmul.f32 v33, v20;
	v20 =	vmul.f32 v20, v13;
	(xrf2) =	vadd.scan.msk.f32 $0xffff, v16;
	v16 =	vsub.f32 v34, v22  }
0x34d: {  	v58 =	vld.idx.msk [tilespmem:v6+s22+$0x20 ss:$0x1], $0xffff;
	v13 =	vadd.f32 v33, v13;
	v22 =	vadd.f32 v28, v14;
	v14 =	vmul.f32 v25, v14  }
0x34e: {  	v49 =	vld.idx.msk [tilespmem:v7+s22+$0x10 ss:$0x1], $0xffff;
	v54 =	vmul.f32 v25, v16;
	v42 =	vadd.f32 v28, v16;
	v16 =	vadd.f32 v21, v12  }
0x34f: {  	v59 =	vld.idx.msk [tilespmem:v8+s22+$0x10 ss:$0x1], $0xffff;
	v25 =	vmul.f32 v28, v28;
	v14 =	vadd.f32 $0.0e+00, v14;
	v12 =	vmul.f32 v17, v12  }
0x350: {  	v21 =	vld.idx.msk [tilespmem:v3+s22+$0x30 ss:$0x1], $0xffff;
	v22 =	vmul.f32 v22, v22;
	v37 =	vadd.f32 $0.0e+00, v54;
	v16 =	vmul.f32 v16, v16  }
0x351: {  	v50 =	vld.idx.msk [tilespmem:v4+s22+$0x0 ss:$0x1], $0xffff;
	v18 =	vmul.f32 v18, v18;
	v25 =	vadd.f32 v55, v25;
	v12 =	vadd.f32 v12, v14  }
0x352: {  	v28 =	vld.idx.msk [tilespmem:v4+s22+$0x30 ss:$0x1], $0xffff;
	v17 =	vmov s10;
	v16 =	vadd.f32 v16, v22;
	v9 =	vadd.f32 v9, v37  }
0x353: {  	v14 =	vmul.f32 v15, v15;
	v15 =	vld.idx.msk [tilespmem:v3+s22+$0x10 ss:$0x1], $0xffff;
	v25 =	vadd.f32 v41, v25;
	v12 =	vadd.f32 v39, v12  }
0x354: {  	vm0 =	veq.s32 v17, v0;
	v22 =	vld.idx.msk [tilespmem:v5+s22+$0x30 ss:$0x1], $0xffff;
	v16 =	vadd.f32 v18, v16;
	v9 =	vadd.f32 v20, v9  }
0x355: {  	v18 =	vmul.f32 v23, v23;
	v41 =	vadd.f32 v14, v25;
	v20 =	vsub.f32 v43, v21;
	v25 =	vld.idx.msk [tilespmem:v4+s22+$0x10 ss:$0x1], $0xffff  }
0x356: {  	v44 =	vmul.f32 v21, v21;
	v12 =	vadd.f32 v27, v12;
	v21 =	vadd.f32 v36, v31;
	v27 =	vld.idx.msk [tilespmem:v3+s22+$0x20 ss:$0x1], $0xffff;
	v17, _, _ =	vpop (xrf2)  }
0x357: {  	v39 =	vsub.f32 v60, v57;
	v14 =	vadd.f32 v18, v16;
	v16 =	vld.idx.msk [tilespmem:v7+s22+$0x30 ss:$0x1], $0xffff;
	v17 =	vbroadcast v17, $0xF  }
0x358: {  	v31 =	vmul.f32 v15, v15;
	v9 =	vadd.f32 v2, v9;
	v18 =	vld.idx.msk [tilespmem:v8+s22+$0x30 ss:$0x1], $0xffff;
	v21 =	vadd.f32 v29, v21  }
0x359: {  	v29 =	vmul.f32 v57, v57;
	(xrf2) =	vadd.scan.msk.f32 $0xffff, v14;
	v2 =	vsel vm0, v17, v1;
	v17 =	vmul.f32 v38, v38  }
0x35a: {  	v46 =	vld.idx.msk [tilespmem:v4+s22+$0x20 ss:$0x1], $0xffff;
	v13 =	vmul.f32 v13, v13;
	v54 =	vsub.f32 v59, v45;
	v52 =	vmul.f32 v50, v39  }
0x35b: {  	v14 =	vmul.f32 v28, v20;
	v29 =	vadd.f32 v31, v29;
	(xrf2) =	vadd.scan.msk.f32 $0xffff, v12;
	v47 =	vadd.f32 v17, v24  }
0x35c: {  	v31 =	vmul.f32 v27, v27;
	(xrf2) =	vadd.scan.msk.f32 $0xffff, v9;
	v23 =	vadd.f32 v16, v20;
	v17 =	vadd.f32 v30, v19  }
0x35d: {  	v56 =	vld.idx.msk [tilespmem:v5+s22+$0x20 ss:$0x1], $0xffff;
	v19 =	vsub.f32 v18, v22;
	v20 =	vmul.f32 v42, v42;
	v22 =	vmul.f32 v53, v53  }
0x35e: {  	v37 =	vld.idx.msk [tilespmem:v7+s22+$0x0 ss:$0x1], $0xffff;
	v51 =	vsub.f32 v58, v27;
	v38 =	vadd.f32 v49, v54;
	v9 =	vmul.f32 v25, v25  }
0x35f: {  	v27 =	vld.idx.msk [tilespmem:v8+s22+$0x20 ss:$0x1], $0xffff;
	v12 =	vmul.f32 v16, v28;
	v18 =	vmul.f32 v28, v28;
	v22 =	vadd.f32 v22, v20  }
0x360: {  	v24 =	vmul.f32 v46, v46;
	v33 =	vmul.f32 v46, v51;
	v29 =	vadd.f32 v31, v29  }
0x361: {  	v30 =	vadd.f32 v26, v17;
	v28 =	vmul.f32 v28, v19;
	v20 =	vadd.f32 v16, v19;
	v26 =	vld.idx.msk [tilespmem:v7+s22+$0x20 ss:$0x1], $0xffff  }
0x362: {  	v17 =	vmul.f32 v43, v43;
	v19 =	vmul.f32 v58, v58;
	v61 =	vadd.f32 v40, v47  }
0x363: {  	v47 =	vmul.f32 v49, v49;
	v40 =	vadd.f32 v37, v63;
	v13 =	vadd.f32 v13, v22;
	v22, _, _ =	vpop (xrf2);
	(xrf2) =	vadd.scan.msk.f32 $0xffff, v41  }
0x364: {  	v34 =	vsub.f32 v27, v56;
	v36 =	vadd.f32 v32, v30;
	v30 =	vld.idx.msk [tilespmem:v6+s22+$0x10 ss:$0x1], $0xffff;
	v32 =	vmul.f32 v37, v50  }
0x365: {  	v43 =	vadd.f32 v10, v61;
	v10 =	vadd.f32 v44, v29;
	v29 =	vmul.f32 v49, v25;
	v62, _, _ =	vpop (xrf2)  }
0x366: {  	v45 =	vmul.f32 v46, v34;
	v53 =	vadd.f32 v11, v13;
	v27 =	vmul.f32 v26, v46;
	v31, _, _ =	vpop (xrf2);
	(xrf2) =	vadd.scan.msk.f32 $0xffff, v21  }
0x367: {  	v44 =	vmul.f32 v26, v26;
	v46 =	vadd.f32 v26, v51;
	v51 =	vmul.f32 v25, v54  }
0x368: {  	v41 =	vadd.f32 v37, v39;
	v22 =	vbroadcast v22, $0xF;
	v13 =	vbroadcast v62, $0xF  }
0x369: {  	v48 =	vsub.f32 v30, v15;
	v15 =	vmul.f32 v50, v63;
	v21 =	vimm.f32 $0.0e+00;
	(xrf2) =	vadd.scan.msk.f32 $0xffff, v10  }
0x36a: {  	v11 =	vsel vm0, v22, v1;
	v22 =	vmul.f32 v50, v50;
	v31 =	vbroadcast v31, $0xF  }
0x36b: {  	v10 =	vimm.f32 $0.0e+00;
	v13 =	vsel vm0, v13, v1;
	vm0 =	vmmov vm0  }
0x36c: {  	v50 =	vadd.f32 $0.0e+00, v15;
	v49 =	vadd.f32 v49, v48;
	v15 =	vimm.f32 $0.0e+00;
	(xrf2) =	vadd.scan.msk.f32 $0xffff, v53  }
0x36d: {  	s14 =	simm.s32 $0x200;
	s13 =	simm.s32 $0x1;
	v42 =	vadd.f32 v9, v22;
	v22 =	vimm.f32 $0.0e+00;
	v9 =	vimm.f32 $0.0e+00;
	v39, _, _ =	vpop (xrf2)  }
.LBB2_15:
0x36e: {  	s22 =	smov.u32 s14  }
0x36f: {  	s5 =	sshra.s32 s14, $0x2;
	v52 =	vadd.f32 $0.0e+00, v52;
	v25 =	vmul.f32 v25, v48;
	v53 =	vmov s13;
	s13 =	sadd.s32 $0x1, s13;
	(xrf2) =	vadd.scan.msk.f32 $0xffff, v43;
	s22 =	sadd.s32 $0x100, s14  }
0x370: {  	p0 =	sne.s32 s14, $0xF00;
	v37 =	vmul.f32 v37, v37;
	v50 =	vadd.f32 v51, v50;
	vm1 =	veq.s32 v53, v0;
	v43 =	vld.idx.msk [tilespmem:v3+s5+$0x30 ss:$0x1], $0xffff;
	v48, _, _ =	vpop (xrf2)  }
0x371: {  	v53 =	vmul.f32 v41, v41;
	v49 =	vmul.f32 v49, v49;
	v25 =	vadd.f32 v25, v52;
	v51 =	vld.idx.msk [tilespmem:v4+s5+$0x30 ss:$0x1], $0xffff  }
0x372: {  	v37 =	vadd.f32 v47, v37;
	v47 =	vbroadcast v39, $0xF;
	v45 =	vadd.f32 v45, v50;
	v41 =	vld.idx.msk [tilespmem:v5+s5+$0x10 ss:$0x1], $0xffff;
	(xrf2) =	vadd.scan.msk.f32 $0xffff, v36  }
0x373: {  	v46 =	vmul.f32 v46, v46;
	v52 =	vmul.f32 v16, v16;
	v49 =	vadd.f32 v49, v53;
	v36 =	vld.idx.msk [tilespmem:v6+s5+$0x30 ss:$0x1], $0xffff;
	v39, _, _ =	vpop (xrf2)  }
0x374: {  	v48 =	vbroadcast v48, $0xF;
	v37 =	vadd.f32 v44, v37;
	v50 =	vld.idx.msk [tilespmem:v5+s5+$0x30 ss:$0x1], $0xffff;
	v44 =	vbroadcast v39, $0xF  }
0x375: {  	v23 =	vmul.f32 v23, v23;
	v25 =	vadd.f32 v33, v25;
	v33 =	vadd.f32 v46, v49;
	v39 =	vld.idx.msk [tilespmem:v3+s5+$0x10 ss:$0x1], $0xffff  }
0x376: {  	v28 =	vadd.f32 v28, v45;
	v1 =	vsel vm0, v48, v1;
	v49 =	vadd.f32 v52, v37;
	v46 =	vld.idx.msk [tilespmem:v5+s5+$0x20 ss:$0x1], $0xffff;
	v16, _, _ =	vpop (xrf2)  }
0x377: {  	v48 =	vmul.f32 v43, v43;
	v23 =	vadd.f32 v23, v33;
	v45 =	vld.idx.msk [tilespmem:v3+s5+$0x0 ss:$0x1], $0xffff;
	v33 =	vbroadcast v16, $0xF  }
0x378: {  	v10 =	vsel vm0, v47, v10;
	v37 =	vadd.f32 v14, v25;
	v2 =	vsel vm1, v44, v2;
	v16 =	vld.idx.msk [tilespmem:v7+s5+$0x30 ss:$0x1], $0xffff  }
0x379: {  	v32 =	vadd.f32 $0.0e+00, v32;
	v43 =	vsub.f32 v36, v43;
	v44 =	vld.idx.msk [tilespmem:v8+s5+$0x30 ss:$0x1], $0xffff;
	(xrf2) =	vadd.scan.msk.f32 $0xffff, v23;
	v15 =	vsel vm0, v33, v15;
	v14, _, _ =	vpop (xrf2)  }
0x37a: {  	v47 =	vadd.f32 v24, v42;
	v23 =	vmul.f32 v30, v30;
	v25 =	vld.idx.msk [tilespmem:v4+s5+$0x10 ss:$0x1], $0xffff;
	v30 =	vbroadcast v14, $0xF  }
0x37b: {  	v26 =	vadd.f32 v26, v34;
	v22 =	vsel vm0, v31, v22;
	v14 =	vmul.f32 v51, v43;
	v33 =	vld.idx.msk [tilespmem:v3+s5+$0x20 ss:$0x1], $0xffff  }
0x37c: {  	v42 =	vadd.f32 v18, v47;
	v31 =	vmul.f32 v39, v39;
	v34 =	vld.idx.msk [tilespmem:v6+s5+$0x20 ss:$0x1], $0xffff;
	(xrf2) =	vadd.scan.msk.f32 $0xffff, v37;
	v24, _, _ =	vpop (xrf2)  }
0x37d: {  	v35 =	vadd.f32 v23, v35;
	v18 =	vmul.f32 v45, v45;
	v9 =	vsel vm0, v30, v9;
	v47 =	vld.idx.msk [tilespmem:v4+s5+$0x20 ss:$0x1], $0xffff  }
0x37e: {  	v29 =	vadd.f32 v29, v32;
	v23 =	vadd.f32 v16, v43;
	v43 =	vmul.f32 v16, v51;
	v53 =	vld.idx.msk [tilespmem:v7+s5+$0x10 ss:$0x1], $0xffff  }
0x37f: {  	v32 =	vmul.f32 v40, v40;
	v37 =	vmul.f32 v38, v38;
	v30 =	vsub.f32 v44, v50;
	v52 =	vld.idx.msk [tilespmem:v5+s5+$0x0 ss:$0x1], $0xffff  }
0x380: {  	v27 =	vadd.f32 v27, v29;
	v31 =	vadd.f32 v31, v18;
	v18 =	vmul.f32 v51, v51;
	v38 =	vld.idx.msk [tilespmem:v8+s5+$0x10 ss:$0x1], $0xffff  }
0x381: {  	v40 =	vbroadcast v24, $0xF;
	v32 =	vadd.f32 v37, v32;
	v29 =	vmul.f32 v33, v33;
	v50 =	vld.idx.msk [tilespmem:v4+s5+$0x0 ss:$0x1], $0xffff;
	(xrf2) =	vadd.scan.msk.f32 $0xffff, v28  }
0x382: {  	v54 =	vmul.f32 v25, v25;
	v55 =	vsub.f32 v34, v33;
	v33 =	vmul.f32 v26, v26;
	v37 =	vld.idx.msk [tilespmem:v7+s5+$0x0 ss:$0x1], $0xffff  }
0x383: {  	v21 =	vsel vm0, v40, v21;
	v28 =	vmul.f32 v51, v30;
	v24 =	vmul.f32 v47, v47;
	v44 =	vld.idx.msk [tilespmem:v8+s5+$0x20 ss:$0x1], $0xffff;
	v51, _, _ =	vpop (xrf2)  }
0x384: {  	v56 =	vmul.f32 v36, v36;
	v40 =	vadd.f32 v16, v30;
	v32 =	vadd.f32 v33, v32;
	v26 =	vld.idx.msk [tilespmem:v7+s5+$0x20 ss:$0x1], $0xffff  }
0x385: {  	v59 =	vmul.f32 v20, v20;
	v36 =	vadd.f32 v12, v27;
	v33 =	vmul.f32 v47, v55;
	v57 =	vld.idx.msk [tilespmem:v8+s5+$0x0 ss:$0x1], $0xffff  }
0x386: {  	v35 =	vadd.f32 v19, v35;
	v19 =	vmul.f32 v34, v34;
	v27 =	vbroadcast v51, $0xF;
	v58 =	vld.idx.msk [tilespmem:v6+s5+$0x0 ss:$0x1], $0xffff;
	v34, _, _ =	vpop (xrf2);
	(xrf2) =	vadd.scan.msk.f32 $0xffff, v49  }
0x387: {  	v12 =	vmovc v43;
	v29 =	vadd.f32 v29, v31;
	v49 =	vadd.f32 v59, v32;
	v30 =	vld.idx.msk [tilespmem:v6+s5+$0x10 ss:$0x1], $0xffff;
	v31 =	vbroadcast v34, $0xF  }
0x388: {  	v43 =	vadd.f32 v17, v35;
	v20 =	vmovc v40;
	v11 =	vsel vm1, v27, v11;
	v32 =	vmul.f32 v37, v50  }
0x389: {  	v40 =	vadd.f32 v48, v29;
	v34 =	vsub.f32 v44, v46;
	v13 =	vsel vm1, v31, v13;
	(xrf2) =	vadd.scan.msk.f32 $0xffff, v42  }
0x38a: {  	v17 =	vmovc v56;
	vm0 =	vmmov vm1;
	v29 =	vmul.f32 v53, v25;
	v27 =	vmul.f32 v26, v47  }
0x38b: {  	v42 =	vmul.f32 v50, v50;
	v44 =	vmul.f32 v26, v26;
	v31, _, _ =	vpop (xrf2)  }
0x38c: {  	v51 =	vsub.f32 v38, v41;
	v46 =	vsub.f32 v58, v45;
	v35 =	vmul.f32 v58, v58;
	(xrf2) =	vadd.scan.msk.f32 $0xffff, v40  }
.Ltmp6:
0x38d: {  	v40 =	vsub.f32 v57, v52;
	v48 =	vsub.f32 v30, v39;
	v31 =	vbroadcast v31, $0xF;
	(pc) =	sbr.rel @p0 .LBB2_15-.Ltmp6, $4  }
0x38e: {  	v38 =	vadd.f32 v53, v51;
	v45 =	vmul.f32 v47, v34;
	v41 =	vadd.f32 v37, v46  }
0x38f: {  	v42 =	vadd.f32 v54, v42;
	v47 =	vmul.f32 v53, v53;
	v56 =	vmul.f32 v50, v40;
	(xrf2) =	vadd.scan.msk.f32 $0xffff, v49  }
0x390: {  	v52 =	vmul.f32 v50, v46;
	v46 =	vadd.f32 v26, v55;
	v40 =	vadd.f32 v37, v40;
	v39, _, _ =	vpop (xrf2)  }
0x391: {  	s14 =	smov.u32 s22;
	v51 =	vmul.f32 v25, v51;
	v49 =	vadd.f32 v53, v48;
	v50 =	vadd.f32 $0.0e+00, v56  }
0x392: {  	v3 =	vmul.f32 v25, v48  }
0x393: {  	v4 =	vmul.f32 v37, v37;
	v6 =	vmul.f32 v41, v41  }
0x394: {  	v5 =	vadd.f32 $0.0e+00, v52;
	v55 =	vmul.f32 v46, v46;
	v7 =	vmul.f32 v49, v49  }
0x395: {  	v57 =	vmul.f32 v16, v16;
	v59 =	vadd.f32 v26, v34;
	v63 =	vadd.f32 $0.0e+00, v32  }
0x396: {  	v60 =	vmul.f32 v40, v40;
	v24 =	vadd.f32 v24, v42;
	v54 =	vadd.f32 v7, v6  }
0x397: {  	v61 =	vmul.f32 v38, v38;
	v8 =	vadd.f32 v51, v50;
	v3 =	vadd.f32 v3, v5  }
0x398: {  	v58 =	vmul.f32 v23, v23;
	v4 =	vadd.f32 v47, v4;
	v5 =	vadd.f32 v55, v54  }
0x399: {  	v62 =	vmul.f32 v30, v30;
	v16 =	vadd.f32 v61, v60;
	v3 =	vadd.f32 v33, v3  }
0x39a: {  	(xrf2) =	vadd.scan.msk.f32 $0xffff, v43;
	v56 =	vadd.f32 v45, v8;
	v5 =	vadd.f32 v58, v5  }
0x39b: {  	(xrf2) =	vadd.scan.msk.f32 $0xffff, v36;
	v8 =	vmul.f32 v59, v59;
	v6 =	vadd.f32 v62, v35;
	v3 =	vadd.f32 v14, v3  }
0x39c: {  	v4 =	vadd.f32 v44, v4;
	v7 =	vadd.f32 v28, v56;
	(xrf2) =	vadd.scan.msk.f32 $0xffff, v5  }
0x39d: {  	v8 =	vadd.f32 v8, v16;
	(xrf2) =	vadd.scan.msk.f32 $0xffff, v3;
	v3 =	vadd.f32 v29, v63  }
0x39e: {  	v25 =	vmul.f32 v20, v20;
	v6 =	vadd.f32 v19, v6;
	v4 =	vadd.f32 v57, v4  }
0x39f: {  	v5 =	vadd.f32 v18, v24;
	(xrf2) =	vadd.scan.msk.f32 $0xffff, v7;
	v3 =	vadd.f32 v27, v3  }
0x3a0: {  	v26 =	vadd.f32 v25, v8;
	(xrf2) =	vadd.scan.msk.f32 $0xffff, v4  }
0x3a1: {  	v6 =	vadd.f32 v17, v6;
	(xrf2) =	vadd.scan.msk.f32 $0xffff, v5;
	v3 =	vadd.f32 v12, v3  }
0x3a2: {  	v27, _, _ =	vpop (xrf2);
	(xrf2) =	vadd.scan.msk.f32 $0xffff, v26  }
0x3a3: {  	v28, _, _ =	vpop (xrf2);
	(xrf2) =	vadd.scan.msk.f32 $0xffff, v6  }
0x3a4: {  	v29, _, _ =	vpop (xrf2);
	(xrf2) =	vadd.scan.msk.f32 $0xffff, v3  }
0x3a5: {  	v3, _, _ =	vpop (xrf2)  }
0x3a6: {  	v30, _, _ =	vpop (xrf2)  }
0x3a7: {  	v32, _, _ =	vpop (xrf2)  }
0x3a8: {  	v33, _, _ =	vpop (xrf2)  }
0x3a9: {  	v34, _, _ =	vpop (xrf2)  }
0x3aa: {  	v35, _, _ =	vpop (xrf2)  }
0x3ab: {  	v36, _, _ =	vpop (xrf2)  }
0x3ac: {  	v37, _, _ =	vpop (xrf2)  }
0x3ad: {  	v38 =	vmov s13;
	v40, _, _ =	vpop (xrf2)  }
0x3ae: {  	v22 =	vsel vm0, v31, v22;
	vm1 =	veq.s32 v38, v0;
	v7 =	vbroadcast v30, $0xF;
	v41, _, _ =	vpop (xrf2)  }
0x3af: {  	vm2 =	vmmov vm1;
	v12 =	vbroadcast v33, $0xF;
	v19 =	vbroadcast v41, $0xF  }
0x3b0: {  	v5 =	vbroadcast v27, $0xF;
	v7 =	vsel vm0, v7, v21;
	v14 =	vbroadcast v34, $0xF  }
0x3b1: {  	v12 =	vsel vm1, v12, v13;
	v42 =	vbroadcast v36, $0xF;
	v7 =	vsel vm2, v19, v7  }
0x3b2: {  	v1 =	vsel vm0, v5, v1;
	v43 =	vsel vm2, v14, v22;
	v44 =	vadd.f32 v7, v12  }
0x3b3: {  	v1 =	vsel vm2, v42, v1;
	v45 =	vadd.f32 v43, v7  }
0x3b4: {  	v46 =	vmul.f32 v1, v12;
	v14 =	vadd.f32 v44, v44  }
0x3b5: {  	v1 =	vmul.f32 v43, v1;
	v13 =	vadd.f32 v45, v45  }
0x3b6: {  	v14 =	vsub.f32 v46, v14  }
0x3b7: {  	v6 =	vbroadcast v29, $0xF;
	v8 =	vbroadcast v32, $0xF;
	v1 =	vsub.f32 v1, v13  }
0x3b8: {  	v47 =	vbroadcast v37, $0xF;
	v12 =	vmul.f32 v14, v12  }
0x3b9: {  	v6 =	vsel vm0, v6, v15;
	v8 =	vsel vm1, v8, v11;
	v1 =	vmul.f32 v1, v43  }
0x3ba: {  	v48 =	vsel vm2, v47, v6;
	v49 =	vadd.f32 v12, v8  }
0x3bb: {  	v1 =	vadd.f32 v1, v48  }
0x3bc: {  	v50 =	vmax.f32 v49, $0.0e+00  }
0x3bd: {  	v1 =	vmax.f32 v1, $0.0e+00;
	v6 =	vshra.s32 v50, $0x1  }
0x3be: {  	v51 =	vmul.f32 $5.000000000e-01, v50;
	v52 =	vshra.s32 v1, $0x1;
	v53 =	vmul.f32 $5.000000000e-01, v1  }
0x3bf: {  	v6 =	vsub.s32 $0x5F3759DF, v6;
	v11 =	vsub.s32 $0x5F3759DF, v52  }
0x3c0: {  	v54 =	vmul.f32 v6, v51;
	v55 =	vmul.f32 v11, v53;
	_ =	sdelay $0x1  }
0x3c1: {  	v13 =	vmul.f32 v6, v54;
	v14 =	vmul.f32 v11, v55;
	_ =	sdelay $0x1  }
0x3c2: {  	v13 =	vsub.f32 $1.500000000e+00, v13;
	v14 =	vsub.f32 $1.500000000e+00, v14;
	_ =	sdelay $0x1  }
0x3c3: {  	v6 =	vmul.f32 v6, v13;
	v11 =	vmul.f32 v11, v14;
	_ =	sdelay $0x1  }
0x3c4: {  	v13 =	vmul.f32 v6, v51;
	v14 =	vmul.f32 v11, v53;
	_ =	sdelay $0x1  }
0x3c5: {  	v13 =	vmul.f32 v13, v6;
	v14 =	vmul.f32 v14, v11;
	_ =	sdelay $0x1  }
0x3c6: {  	v13 =	vsub.f32 $1.500000000e+00, v13;
	v14 =	vsub.f32 $1.500000000e+00, v14;
	_ =	sdelay $0x1  }
0x3c7: {  	v6 =	vmul.f32 v13, v6;
	v11 =	vmul.f32 v14, v11  }
0x3c8: {  	v56 =	vbroadcast v39, $0xF;
	v57 =	vbroadcast v35, $0xF  }
0x3c9: {  	v8 =	vmul.f32 v6, v51;
	v12 =	vmul.f32 v11, v53  }
0x3ca: {  	v10 =	vsel vm0, v56, v10  }
0x3cb: {  	v10 =	vsel vm2, v57, v10;
	v8 =	vmul.f32 v8, v6;
	v12 =	vmul.f32 v12, v11  }
0x3cc: {  	(erf) = vrcp.f32 v10  }
0x3cd: {  	v8 =	vsub.f32 $1.500000000e+00, v8;
	v12 =	vsub.f32 $1.500000000e+00, v12  }
0x3ce: {  	v4 =	vbroadcast v28, $0xF  }
0x3cf: {  	v6 =	vmul.f32 v8, v6;
	v58 =	vmul.f32 v12, v11  }
0x3d0: {  	v3 =	vbroadcast v3, $0xF;
	v59 =	vbroadcast v40, $0xF  }
0x3d1: {  	v2 =	vsel vm1, v4, v2;
	v6 =	vmul.f32 v6, v50;
	v8 =	vmul.f32 v58, v1  }
0x3d2: {  	vm3 =	vgt.f32 v50, $0.0e+00;
	vm4 =	vgt.f32 v1, $0.0e+00;
	v1 =	vsel vm0, v3, v9  }
0x3d3: {  	v1 =	vsel vm2, v59, v1;
	v3 =	vnsel vm3, $0x0, v6;
	v60 =	vnsel vm4, $0x0, v8  }
0x3d4: {  	v7 =	vmul.f32 v7, v7;
	v1 =	vadd.f32 $-1.000000000e+00, v1;
	v6 =	vsub.f32 v3, v60  }
0x3d5: {  	v2 =	vadd.f32 $-1.000000000e+00, v2;
	v62 =	vpop (erf)  }
0x3d6: {  	v1 =	vmax.f32 v1, $0.0e+00;
	v61 =	vadd.f32 $1.000000000e+00, v6;
	v6 =	vmul.f32 v62, v7  }
0x3d7: {  	v1 =	vmul.f32 $2.500000000e-01, v1  }
0x3d8: {  	v2 =	vmax.f32 v2, $0.0e+00;
	v4 =	vmax.f32 v61, $0.0e+00;
	v6 =	vadd.f32 $-9.999999740e-05, v6  }
0x3d9: {  	s5 =	sshll.u32 s21, $0x4;
	s21 =	sadd.s32 $0x1, s21;
	v2 =	vmul.f32 $2.500000000e-01, v2;
	v1 =	vadd.f32 v4, v1  }
0x3da: {  	p0 =	sne.s32 s21, $0x8;
	v63 =	vmax.f32 v6, $0.0e+00  }
.Ltmp7:
0x3db: {  	v1 =	vadd.f32 v1, v2;
	v2 =	vmul.f32 $2.500000000e-01, v63;
	(pc) =	sbr.rel @p0 .LBB2_14-.Ltmp7, $4  }
0x3dc: {  	_ = 	snop  }
0x3dd: {  	[tilespmem:s5+$0x18D80] =	vst v3;
	v1 =	vadd.f32 v1, v2  }
0x3de: {  	s17 =	sadd.s32 $0x400, s17;
	s1 =	sadd.s32 $0x400, s1;
	s18 =	sadd.s32 $0x400, s18;
	[tilespmem:s5+$0x18F80] =	vst v60  }
0x3df: {  	s19 =	sadd.s32 $0x400, s19;
	s11 =	sadd.s32 $0x400, s11;
	s12 =	sadd.s32 $0x400, s12;
	[tilespmem:s5+$0x18B80] =	vst v1  }
0x3e0: {  	s1 =	simm.s32 $0x18A00  }
0x3e1: {  	[hbm4b:s23+s0] =	stream.linear.scatter [tilespmem:s1], [sflag:$0x4], $0x200, $0x38;
	[tilespmem:$0x19000] =	vst v63  }
0x3e2: {  	_ =	swait.ge [sflag:s6], $0x200  }
0x3e3: {  	[sflag:s6] =	ssyncset.done $0x0  }
0x3e4: {  	s21 =	simm.s32 $0x18C00;
	[sflag:s6] =	ssyncadd.s32 $0xFFFFFE00  }
0x3e5: {  	[hbm4b:s24+s0] =	stream.linear.scatter [tilespmem:s21], [sflag:$0x4], $0x200, $0x38;
	[tilespmem:$0x19000] =	vst v63  }
0x3e6: {  	s16 =	sadd.s32 $0x1, s16;
	_ =	swait.ge [sflag:s6], $0x200  }
0x3e7: {  	p0 =	sne.s32 s16, s30;
	[sflag:s6] =	ssyncset.done $0x0  }
.Ltmp8:
0x3e8: {  	s22 =	simm.s32 $0x18E00;
	[sflag:s6] =	ssyncadd.s32 $0xFFFFFE00;
	(pc) =	sbr.rel @p0 .LBB2_1-.Ltmp8, $4  }
0x3e9: {  	[hbm4b:s25+s0] =	stream.linear.scatter [tilespmem:s22], [sflag:$0x4], $0x200, $0x38;
	[tilespmem:$0x19000] =	vst v63  }
0x3ea: {  	_ =	swait.ge [sflag:s6], $0x200  }
0x3eb: {  	[sflag:s6] =	ssyncset.done $0x0  }
0x3ec: {  	[sflag:s6] =	ssyncadd.s32 $0xFFFFFE00  }
0x3ed: {  	_ =	sfence.sel $0x180000  }
0x3ee: {  	[bflag:$0x0] =	sbarrier.arrive $0xFFFF  }
0x3ef: {  	_ =	strace $0x90000047  }
0x3f0: {  	s0 =	stileid.u32;
	[bflag:$0x2] =	sbarrier.arrive $0xFFFF  }
0x3f1: {  	p0 =	sne.s32 s0, $0x0;
	s0 =	rddreg [dreg:$0x4]  }
0x3f2: {  	s0 =	sadd.s32 @!p0 $0x100000, s0  }
0x3f3: {  	[sflag:s0] =	ssyncadd.tile.s32 @!p0 $0x1;
	_ =	shalt  }
.Lfunc_end2:
_tile_overlayer_lowered:
.L_overlay_start_2:
0x3f4: {  	(tag) =	ssettag $0x2  }
0x3f5: {  	s0 =	rddreg [dreg:$0x0];
	s2 =	stileid.u32  }
0x3f6: {  	s1 =	rddreg [dreg:$0x1];
	p0 =	sne.s32 s2, $0x0  }
0x3f7: {  	s3 =	rddreg [dreg:$0x2];
	[bflag:$0x3] =	sbarrier.arrive $0xFFFF;
	s2 =	simm.s32 @!p0 $0x1C04  }
0x3f8: {  	[timem:s3], [sflag:s2] =	dma.local @!p0 [hbm:s0], s1  }
0x3f9: {  	s0 =	simm.s32 @!p0 $0x4  }
0x3fa: {  	_ =	swait.ge @!p0 [sflag:s0], s1  }
0x3fb: {  	s1 =	ssub.s32 @!p0 $0x0, s1;
	[sflag:s0] =	ssyncset.done @!p0 $0x0  }
0x3fc: {  	[sflag:s0] =	ssyncadd.s32 @!p0 s1  }
0x3fd: {  	[bflag:$0x3] =	sbarrier.arrive $0xFFFF  }
0x3fe: {  	_ =	shalt  }

</sc_bundles>
